<compile_context>
chip_gen: v7x
topology: tpu7x:2x2x1
jax: 0.10.2.dev20260603
libtpu: 0.0.44.dev20260713+nightly
codegen_flags: <defaults>
</compile_context>

<pallas_src>
import functools

import jax
import jax.numpy as jnp
from jax import lax
from jax.experimental import pallas as pl
from jax.experimental.pallas import tpu as pltpu
from jax.experimental.pallas import tpu_sc as plsc

_N = 10000
_E = 320000
_D = 128
_OUT = 7
_DEPTH = 3

_NC = 2
_NS = 16
_NW = _NC * _NS
_CHUNK = 128
_CPW = 80
_EPAD = _NW * _CPW * _CHUNK
_NPAD = 10240
_RPT = _NPAD // _NS
_DEGW = 16

_GRP = 16

_mesh = plsc.VectorSubcoreMesh(core_axis_name="c", subcore_axis_name="s")


def _deg_body(dst_hbm, z_hbm, o_hbm, out_hbm, dst_v, ones_v, acc):
    cid = lax.axis_index("c")
    sid = lax.axis_index("s")
    wid = sid * _NC + cid

    pltpu.sync_copy(z_hbm, ones_v)

    def _zero(j, c):
        pltpu.sync_copy(ones_v, acc.at[pl.ds(sid * _RPT + j * _CHUNK, _CHUNK)])
        return c

    lax.fori_loop(0, _RPT // _CHUNK, _zero, 0)
    pltpu.sync_copy(o_hbm, ones_v)
    plsc.subcore_barrier()

    def _group(gidx, c):
        base = wid * _CPW + gidx * _GRP
        pltpu.sync_copy(dst_hbm.at[pl.ds(base, _GRP)], dst_v)

        def _one(k, c2):
            pltpu.sync_copy(ones_v, acc.at[dst_v.at[k]], add=True)
            return c2

        lax.fori_loop(0, _GRP, _one, 0)
        return c

    lax.fori_loop(0, _CPW // _GRP, _group, 0)
    plsc.subcore_barrier()

    def _dump(j, c):
        r = sid * _RPT + j * _CHUNK
        pltpu.sync_copy(acc.at[pl.ds(r, _CHUNK)], out_hbm.at[cid, pl.ds(r, _CHUNK)])
        return c

    lax.fori_loop(0, _RPT // _CHUNK, _dump, 0)


_deg_call = functools.partial(
    pl.kernel,
    mesh=_mesh,
    out_type=jax.ShapeDtypeStruct((_NC, _NPAD, _D), jnp.float32),
    scratch_types=[
        pltpu.VMEM((_GRP, _CHUNK), jnp.int32),
        pltpu.VMEM((_CHUNK, _D), jnp.float32),
        pltpu.VMEM_SHARED((_NPAD, _D), jnp.float32),
    ],
)(_deg_body)


def _agg_body(g_hbm, src_hbm, dst_hbm, z_hbm, out_hbm, msg_hbm,
              src_v, dst_v, bufa, bufb, shm, sema, semb):
    cid = lax.axis_index("c")
    sid = lax.axis_index("s")
    wid = sid * _NC + cid

    def _stage(j, c):
        r = sid * _RPT + j * _CHUNK
        pltpu.sync_copy(g_hbm.at[pl.ds(r, _CHUNK)], shm.at[pl.ds(r, _CHUNK)])
        return c

    lax.fori_loop(0, _RPT // _CHUNK, _stage, 0)
    plsc.subcore_barrier()

    def _group1(gidx, c):
        base = wid * _CPW + gidx * _GRP
        pltpu.sync_copy(src_hbm.at[pl.ds(base, _GRP)], src_v)
        pltpu.async_copy(shm.at[src_v.at[0]], bufa, sema)

        def _pair(t, c2):
            k0 = 2 * t
            pltpu.async_copy(shm.at[src_v.at[k0 + 1]], bufb, semb)
            pltpu.make_async_copy(shm.at[src_v.at[k0]], bufa, sema).wait()
            pltpu.sync_copy(bufa, msg_hbm.at[pl.ds((base + k0) * _CHUNK, _CHUNK)])
            kn = jnp.minimum(k0 + 2, _GRP - 1)
            pltpu.async_copy(shm.at[src_v.at[kn]], bufa, sema)
            pltpu.make_async_copy(shm.at[src_v.at[k0 + 1]], bufb, semb).wait()
            pltpu.sync_copy(bufb, msg_hbm.at[pl.ds((base + k0 + 1) * _CHUNK, _CHUNK)])
            return c2

        lax.fori_loop(0, _GRP // 2, _pair, 0)
        pltpu.make_async_copy(shm.at[src_v.at[_GRP - 1]], bufa, sema).wait()
        return c

    lax.fori_loop(0, _CPW // _GRP, _group1, 0)
    plsc.subcore_barrier()

    pltpu.sync_copy(z_hbm, bufa)

    def _zero(j, c):
        pltpu.sync_copy(bufa, shm.at[pl.ds(sid * _RPT + j * _CHUNK, _CHUNK)])
        return c

    lax.fori_loop(0, _RPT // _CHUNK, _zero, 0)
    plsc.subcore_barrier()

    def _group2(gidx, c):
        base = wid * _CPW + gidx * _GRP
        pltpu.sync_copy(dst_hbm.at[pl.ds(base, _GRP)], dst_v)
        pltpu.async_copy(msg_hbm.at[pl.ds(base * _CHUNK, _CHUNK)], bufa, sema)

        def _pair(t, c2):
            k0 = 2 * t
            pltpu.async_copy(
                msg_hbm.at[pl.ds((base + k0 + 1) * _CHUNK, _CHUNK)], bufb, semb)
            pltpu.make_async_copy(
                msg_hbm.at[pl.ds((base + k0) * _CHUNK, _CHUNK)], bufa, sema).wait()
            pltpu.sync_copy(bufa, shm.at[dst_v.at[k0]], add=True)
            kn = jnp.minimum(k0 + 2, _GRP - 1)
            pltpu.async_copy(
                msg_hbm.at[pl.ds((base + kn) * _CHUNK, _CHUNK)], bufa, sema)
            pltpu.make_async_copy(
                msg_hbm.at[pl.ds((base + k0 + 1) * _CHUNK, _CHUNK)], bufb, semb).wait()
            pltpu.sync_copy(bufb, shm.at[dst_v.at[k0 + 1]], add=True)
            return c2

        lax.fori_loop(0, _GRP // 2, _pair, 0)
        pltpu.make_async_copy(
            msg_hbm.at[pl.ds((wid * _CPW + gidx * _GRP + _GRP - 1) * _CHUNK,
                             _CHUNK)], bufa, sema).wait()
        return c

    lax.fori_loop(0, _CPW // _GRP, _group2, 0)
    plsc.subcore_barrier()

    def _dump(j, c):
        r = sid * _RPT + j * _CHUNK
        pltpu.sync_copy(shm.at[pl.ds(r, _CHUNK)], out_hbm.at[cid, pl.ds(r, _CHUNK)])
        return c

    lax.fori_loop(0, _RPT // _CHUNK, _dump, 0)


_agg_call = functools.partial(
    pl.kernel,
    mesh=_mesh,
    out_type=[
        jax.ShapeDtypeStruct((_NC, _NPAD, _D), jnp.float32),
        jax.ShapeDtypeStruct((_EPAD, _D), jnp.float32),
    ],
    scratch_types=[
        pltpu.VMEM((_GRP, _CHUNK), jnp.int32),
        pltpu.VMEM((_GRP, _CHUNK), jnp.int32),
        pltpu.VMEM((_CHUNK, _D), jnp.float32),
        pltpu.VMEM((_CHUNK, _D), jnp.float32),
        pltpu.VMEM_SHARED((_NPAD, _D), jnp.float32),
        pltpu.SemaphoreType.DMA,
        pltpu.SemaphoreType.DMA,
    ],
)(_agg_body)



_BR = 1024
_GRID = _NPAD // _BR

_row_spec = pl.BlockSpec((_BR, _D), lambda i: (i, 0))
_mat_spec = pl.BlockSpec((_D, _D), lambda i: (0, 0))
_vec_spec = pl.BlockSpec((1, _D), lambda i: (0, 0))


def _rs_body(d0_ref, d1_ref, rs_ref):
    d = d0_ref[...] + d1_ref[...]
    rs_ref[...] = lax.rsqrt(jnp.maximum(d, 1.0))


_rs_call = pl.pallas_call(
    _rs_body,
    out_shape=jax.ShapeDtypeStruct((_NPAD // _D, _D), jnp.float32),
)


def _embed_body(x_ref, w_ref, b_ref, rs_ref, h_ref, g_ref):
    h = jnp.dot(x_ref[...], w_ref[...], preferred_element_type=jnp.float32)
    h = h + b_ref[...]
    h_ref[...] = h
    g_ref[...] = h * rs_ref[...]


_embed_call = pl.pallas_call(
    _embed_body,
    grid=(_GRID,),
    in_specs=[_row_spec, _mat_spec, _vec_spec, _row_spec],
    out_specs=[_row_spec, _row_spec],
    out_shape=[
        jax.ShapeDtypeStruct((_NPAD, _D), jnp.float32),
        jax.ShapeDtypeStruct((_NPAD, _D), jnp.float32),
    ],
)


def _layer_math(p0_ref, p1_ref, rs_ref, h_ref, w_ref, b_ref, lg_ref, lb_ref):
    agg = (p0_ref[...] + p1_ref[...]) * rs_ref[...]
    t = jnp.dot(agg, w_ref[...], preferred_element_type=jnp.float32)
    t = jnp.maximum(t + b_ref[...], 0.0)
    u = h_ref[...] + t
    mu = jnp.mean(u, axis=-1, keepdims=True)
    dlt = u - mu
    var = jnp.mean(dlt * dlt, axis=-1, keepdims=True)
    return dlt * lax.rsqrt(var + 1e-5) * lg_ref[...] + lb_ref[...]


def _upd_body(p0_ref, p1_ref, rs_ref, h_ref, w_ref, b_ref, lg_ref, lb_ref,
              hn_ref, gn_ref):
    nh = _layer_math(p0_ref, p1_ref, rs_ref, h_ref, w_ref, b_ref, lg_ref, lb_ref)
    hn_ref[...] = nh
    gn_ref[...] = nh * rs_ref[...]


_upd_call = pl.pallas_call(
    _upd_body,
    grid=(_GRID,),
    in_specs=[_row_spec, _row_spec, _row_spec, _row_spec,
              _mat_spec, _vec_spec, _vec_spec, _vec_spec],
    out_specs=[_row_spec, _row_spec],
    out_shape=[
        jax.ShapeDtypeStruct((_NPAD, _D), jnp.float32),
        jax.ShapeDtypeStruct((_NPAD, _D), jnp.float32),
    ],
)


def _fin_body(p0_ref, p1_ref, rs_ref, h_ref, w_ref, b_ref, lg_ref, lb_ref,
              wo_ref, bo_ref, mk_ref, o_ref):
    nh = _layer_math(p0_ref, p1_ref, rs_ref, h_ref, w_ref, b_ref, lg_ref, lb_ref)
    o = jnp.dot(nh, wo_ref[...], preferred_element_type=jnp.float32) + bo_ref[...]
    o_ref[...] = jnp.where(mk_ref[...] > 0.0, o, 0.0)


_fin_call = pl.pallas_call(
    _fin_body,
    grid=(_GRID,),
    in_specs=[_row_spec, _row_spec, _row_spec, _row_spec,
              _mat_spec, _vec_spec, _vec_spec, _vec_spec,
              _mat_spec, _vec_spec, _row_spec],
    out_specs=pl.BlockSpec((_BR, _D), lambda i: (i, 0)),
    out_shape=jax.ShapeDtypeStruct((_NPAD, _D), jnp.float32),
)


def kernel(x, edge_index, root_mask, W_embed, b_embed, W_layers, b_layers,
           ln_g, ln_b, W_out, b_out):
    src = edge_index[0]
    dst = edge_index[1]
    pad_e = _EPAD - _E
    src_p = jnp.concatenate(
        [src, jnp.zeros((pad_e,), jnp.int32)]).reshape(_EPAD // _CHUNK, _CHUNK)
    dst_p = jnp.concatenate(
        [dst, jnp.full((pad_e,), _N, jnp.int32)]).reshape(_EPAD // _CHUNK, _CHUNK)
    x_p = jnp.concatenate([x, jnp.zeros((_NPAD - _N, _D), jnp.float32)], axis=0)
    zblk = jnp.zeros((_CHUNK, _D), jnp.float32)

    oblk = jnp.ones((_CHUNK, _D), jnp.float32)
    degp = _deg_call(dst_p, zblk, oblk)
    deg0 = degp[0, :, 0].reshape(_NPAD // _D, _D)
    deg1 = degp[1, :, 0].reshape(_NPAD // _D, _D)
    rs = _rs_call(deg0, deg1)
    rs_b = jnp.broadcast_to(rs.reshape(_NPAD, 1), (_NPAD, _D))

    h, g = _embed_call(x_p, W_embed, b_embed.reshape(1, _D), rs_b)

    for i in range(_DEPTH - 1):
        p, _ = _agg_call(g, src_p, dst_p, zblk)
        h, g = _upd_call(p[0], p[1], rs_b, h, W_layers[i],
                         b_layers[i].reshape(1, _D), ln_g[i].reshape(1, _D),
                         ln_b[i].reshape(1, _D))

    p, _ = _agg_call(g, src_p, dst_p, zblk)
    wo = jnp.zeros((_D, _D), jnp.float32).at[:, :_OUT].set(W_out)
    bo = jnp.zeros((1, _D), jnp.float32).at[0, :_OUT].set(b_out)
    mk = jnp.concatenate([root_mask.astype(jnp.float32),
                          jnp.zeros((_NPAD - _N,), jnp.float32)])
    mk_b = jnp.broadcast_to(mk.reshape(_NPAD, 1), (_NPAD, _D))
    out = _fin_call(p[0], p[1], rs_b, h, W_layers[_DEPTH - 1],
                    b_layers[_DEPTH - 1].reshape(1, _D),
                    ln_g[_DEPTH - 1].reshape(1, _D),
                    ln_b[_DEPTH - 1].reshape(1, _D), wo, bo, mk_b)
    return out[:_N, :_OUT]

# --- scband reference (transcript-rebuilt; emitter-appended) ---
"""Pipeline reference for scband-graph-model-51376398795539 (READ-ONLY COPY).

The authoritative reference and input builder live on the scoring server;
editing this copy changes nothing except your own understanding.
"""

import jax, jax.numpy as jnp
import numpy as np

N = 10000
E = 320000
D = 128
OUT = 7
DEPTH = 3


def _layer_norm(h, g, b):
    mu = jnp.mean(h, axis=-1, keepdims=True)
    var = jnp.var(h, axis=-1, keepdims=True)
    return (h - mu) / jnp.sqrt(var + 1e-5) * g + b


def setup_inputs(seed: int = 0):
    key = jax.random.key(seed)
    ks = jax.random.split(key, 12)
    s = 0.05
    return {
        "x": jax.random.normal(ks[0], (N, D), dtype=jnp.float32),
        "edge_index": jax.random.randint(ks[1], (2, E), 0, N, dtype=jnp.int32),
        "root_mask": jnp.ones((N,), dtype=bool),
        "W_embed": jax.random.normal(ks[2], (D, D), dtype=jnp.float32) * s,
        "b_embed": jnp.zeros((D,), dtype=jnp.float32),
        "W_layers": jax.random.normal(ks[3], (DEPTH, D, D), dtype=jnp.float32) * s,
        "b_layers": jnp.zeros((DEPTH, D), dtype=jnp.float32),
        "ln_g": jnp.ones((DEPTH, D), dtype=jnp.float32),
        "ln_b": jnp.zeros((DEPTH, D), dtype=jnp.float32),
        "W_out": jax.random.normal(ks[4], (D, OUT), dtype=jnp.float32) * s,
        "b_out": jnp.zeros((OUT,), dtype=jnp.float32),
    }


def reference(x, edge_index, root_mask, W_embed, b_embed, W_layers, b_layers, ln_g, ln_b, W_out, b_out):
    src = edge_index[0]
    dst = edge_index[1]
    # GCN-style symmetric degree normalization (get_layer assumed to be GCNConv)
    deg = jnp.zeros((N,), dtype=jnp.float32).at[dst].add(1.0)
    deg = jnp.clip(deg, 1.0, None)
    norm = 1.0 / jnp.sqrt(deg[src] * deg[dst])
    # embed_label is nn.Linear for real (Cora) datasets
    h = x @ W_embed + b_embed
    for i in range(DEPTH):
        msg = h[src] * norm[:, None]          # gather over edges
        agg = jnp.zeros((N, D), dtype=jnp.float32).at[dst].add(msg)  # scatter-add
        new_h = agg @ W_layers[i] + b_layers[i]
        new_h = jax.nn.relu(new_h)            # use_activation
        h = h + new_h                          # use_residual
        h = _layer_norm(h, ln_g[i], ln_b[i])  # use_layer_norm
    out = h @ W_out + b_out
    return jnp.where(root_mask[:, None], out, 0.0)

if __name__ == "__main__":
    import jax
    _d = setup_inputs()
    print(jax.jit(kernel)(*tuple(_d.values())))

</pallas_src>

<mosaic_0001>
#map = affine_map<(d0, d1) -> (0, 0)>
#map1 = affine_map<(d0, d1) -> (0, 0, 0)>
module attributes {stable_mosaic.version = 14 : i64} {
  func.func @_deg_body(%arg0: i32, %arg1: i32, %arg2: memref<2560x128xi32, #tpu.memory_space<hbm>>, %arg3: memref<128x128xf32, #tpu.memory_space<hbm>>, %arg4: memref<128x128xf32, #tpu.memory_space<hbm>>, %arg5: memref<2x10240x128xf32, #tpu.memory_space<hbm>>, %arg6: memref<16x128xi32, #tpu.memory_space<vmem>>, %arg7: memref<128x128xf32, #tpu.memory_space<vmem>>, %arg8: memref<10240x128xf32, #tpu.memory_space<vmem_shared>>) attributes {dimension_semantics = [#tpu.dimension_semantics<core_parallel>, #tpu.dimension_semantics<subcore_parallel>], iteration_bounds = array<i64: 2, 16>, scalar_prefetch = 0 : i64, scratch_operands = 3 : i64, tpu.core_type = #tpu.core_type<sc_vector_subcore>, window_params = [{transform_indices = #map}, {transform_indices = #map}, {transform_indices = #map}, {transform_indices = #map1}]} {
    %mul3A = arith.constant 2 : i32
    %mul3A_0 = arith.muli %arg1, %mul3A : i32
    %add3A = arith.addi %mul3A_0, %arg0 : i32
    "tpu.region"() ({
      %run_scoped3A = tpu.sem_alloc : memref<!tpu.dma_semaphore, #tpu.memory_space<semaphore_mem>>
      tpu.enqueue_dma source(%arg3 : memref<128x128xf32, #tpu.memory_space<hbm>>) target(%arg7 : memref<128x128xf32, #tpu.memory_space<vmem>>) target_semaphore(%run_scoped3A : memref<!tpu.dma_semaphore, #tpu.memory_space<semaphore_mem>>)
      tpu.wait_dma2 semaphore(%run_scoped3A : memref<!tpu.dma_semaphore, #tpu.memory_space<semaphore_mem>>) src(%arg3 : memref<128x128xf32, #tpu.memory_space<hbm>>) dst(%arg7 : memref<128x128xf32, #tpu.memory_space<vmem>>)
      tpu.yield
    }) : () -> ()
    %scan3A = arith.constant 0 : i32
    %scan3A_1 = arith.constant 0 : i32
    %scan3A_2 = arith.constant 5 : i32
    %scan3A_3 = arith.addi %scan3A_1, %scan3A_2 : i32
    %scan3A_4 = arith.constant 1 : i32
    scf.for %scan3A_19 = %scan3A_1 to %scan3A_3 step %scan3A_4  : i32 {
      %mul3A_20 = arith.constant 640 : i32
      %mul3A_21 = arith.muli %arg1, %mul3A_20 : i32
      %mul3A_22 = arith.constant 128 : i32
      %mul3A_23 = arith.muli %scan3A_19, %mul3A_22 : i32
      %add3A_24 = arith.addi %mul3A_21, %mul3A_23 : i32
      "tpu.region"() ({
        %run_scoped3A = tpu.sem_alloc : memref<!tpu.dma_semaphore, #tpu.memory_space<semaphore_mem>>
        %dma_start3A = arith.constant 0 : i32
        %dma_start3A_25 = tpu.memref_slice %arg8[%add3A_24, %dma_start3A] : memref<10240x128xf32, #tpu.memory_space<vmem_shared>> -> memref<128x128xf32, #tpu.memory_space<vmem_shared>>
        %dma_start3A_26 = arith.constant 0 : i32
        %dma_start3A_27 = tpu.memref_slice %arg8[%add3A_24, %dma_start3A_26] : memref<10240x128xf32, #tpu.memory_space<vmem_shared>> -> memref<128x128xf32, #tpu.memory_space<vmem_shared>>
        tpu.enqueue_dma source(%arg7 : memref<128x128xf32, #tpu.memory_space<vmem>>) target(%dma_start3A_27 : memref<128x128xf32, #tpu.memory_space<vmem_shared>>) target_semaphore(%run_scoped3A : memref<!tpu.dma_semaphore, #tpu.memory_space<semaphore_mem>>)
        %dma_wait3A = arith.constant 0 : i32
        %dma_wait3A_28 = tpu.memref_slice %arg8[%add3A_24, %dma_wait3A] : memref<10240x128xf32, #tpu.memory_space<vmem_shared>> -> memref<128x128xf32, #tpu.memory_space<vmem_shared>>
        %dma_wait3A_29 = arith.constant 0 : i32
        %dma_wait3A_30 = tpu.memref_slice %arg8[%add3A_24, %dma_wait3A_29] : memref<10240x128xf32, #tpu.memory_space<vmem_shared>> -> memref<128x128xf32, #tpu.memory_space<vmem_shared>>
        tpu.wait_dma2 semaphore(%run_scoped3A : memref<!tpu.dma_semaphore, #tpu.memory_space<semaphore_mem>>) src(%arg7 : memref<128x128xf32, #tpu.memory_space<vmem>>) dst(%dma_wait3A_30 : memref<128x128xf32, #tpu.memory_space<vmem_shared>>)
        tpu.yield
      }) : () -> ()
    }
    %scan3A_5 = arith.constant 5 : i32
    "tpu.region"() ({
      %run_scoped3A = tpu.sem_alloc : memref<!tpu.dma_semaphore, #tpu.memory_space<semaphore_mem>>
      tpu.enqueue_dma source(%arg4 : memref<128x128xf32, #tpu.memory_space<hbm>>) target(%arg7 : memref<128x128xf32, #tpu.memory_space<vmem>>) target_semaphore(%run_scoped3A : memref<!tpu.dma_semaphore, #tpu.memory_space<semaphore_mem>>)
      tpu.wait_dma2 semaphore(%run_scoped3A : memref<!tpu.dma_semaphore, #tpu.memory_space<semaphore_mem>>) src(%arg4 : memref<128x128xf32, #tpu.memory_space<hbm>>) dst(%arg7 : memref<128x128xf32, #tpu.memory_space<vmem>>)
      tpu.yield
    }) : () -> ()
    %barrier3A = arith.constant 0 : index
    tpu.barrier barrier_id(%barrier3A)
    %scan3A_6 = arith.constant 0 : i32
    %scan3A_7 = arith.constant 0 : i32
    %scan3A_8 = arith.constant 5 : i32
    %scan3A_9 = arith.addi %scan3A_7, %scan3A_8 : i32
    %scan3A_10 = arith.constant 1 : i32
    scf.for %scan3A_19 = %scan3A_7 to %scan3A_9 step %scan3A_10  : i32 {
      %mul3A_20 = arith.constant 80 : i32
      %mul3A_21 = arith.muli %add3A, %mul3A_20 : i32
      %mul3A_22 = arith.constant 16 : i32
      %mul3A_23 = arith.muli %scan3A_19, %mul3A_22 : i32
      %add3A_24 = arith.addi %mul3A_21, %mul3A_23 : i32
      "tpu.region"() ({
        %run_scoped3A = tpu.sem_alloc : memref<!tpu.dma_semaphore, #tpu.memory_space<semaphore_mem>>
        %dma_start3A = arith.constant 0 : i32
        %dma_start3A_31 = tpu.memref_slice %arg2[%add3A_24, %dma_start3A] : memref<2560x128xi32, #tpu.memory_space<hbm>> -> memref<16x128xi32, #tpu.memory_space<hbm>>
        %dma_start3A_32 = arith.constant 0 : i32
        %dma_start3A_33 = tpu.memref_slice %arg2[%add3A_24, %dma_start3A_32] : memref<2560x128xi32, #tpu.memory_space<hbm>> -> memref<16x128xi32, #tpu.memory_space<hbm>>
        tpu.enqueue_dma source(%dma_start3A_33 : memref<16x128xi32, #tpu.memory_space<hbm>>) target(%arg6 : memref<16x128xi32, #tpu.memory_space<vmem>>) target_semaphore(%run_scoped3A : memref<!tpu.dma_semaphore, #tpu.memory_space<semaphore_mem>>)
        %dma_wait3A = arith.constant 0 : i32
        %dma_wait3A_34 = tpu.memref_slice %arg2[%add3A_24, %dma_wait3A] : memref<2560x128xi32, #tpu.memory_space<hbm>> -> memref<16x128xi32, #tpu.memory_space<hbm>>
        %dma_wait3A_35 = arith.constant 0 : i32
        %dma_wait3A_36 = tpu.memref_slice %arg2[%add3A_24, %dma_wait3A_35] : memref<2560x128xi32, #tpu.memory_space<hbm>> -> memref<16x128xi32, #tpu.memory_space<hbm>>
        tpu.wait_dma2 semaphore(%run_scoped3A : memref<!tpu.dma_semaphore, #tpu.memory_space<semaphore_mem>>) src(%dma_wait3A_36 : memref<16x128xi32, #tpu.memory_space<hbm>>) dst(%arg6 : memref<16x128xi32, #tpu.memory_space<vmem>>)
        tpu.yield
      }) : () -> ()
      %scan3A_25 = arith.constant 0 : i32
      %scan3A_26 = arith.constant 0 : i32
      %scan3A_27 = arith.constant 16 : i32
      %scan3A_28 = arith.addi %scan3A_26, %scan3A_27 : i32
      %scan3A_29 = arith.constant 1 : i32
      scf.for %scan3A_31 = %scan3A_26 to %scan3A_28 step %scan3A_29  : i32 {
        "tpu.region"() ({
          %run_scoped3A = tpu.sem_alloc : memref<!tpu.dma_semaphore, #tpu.memory_space<semaphore_mem>>
          %dma_start3A = arith.constant 0 : i32
          %dma_start3A_32 = tpu.memref_slice %arg6[%scan3A_31, %dma_start3A] : memref<16x128xi32, #tpu.memory_space<vmem>> -> memref<1x128xi32, #tpu.memory_space<vmem>>
          %dma_start3A_33 = tpu.memref_squeeze %dma_start3A_32 : memref<1x128xi32, #tpu.memory_space<vmem>> -> memref<128xi32, #tpu.memory_space<vmem>>
          %dma_start3A_34 = arith.constant 0 : i32
          %dma_start3A_35 = arith.constant 0 : i32
          %dma_start3A_36 = tpu.memref_slice %arg8[%dma_start3A_34, %dma_start3A_35] : memref<10240x128xf32, #tpu.memory_space<vmem_shared>> -> memref<10240x128xf32, #tpu.memory_space<vmem_shared>>
          tpu.enqueue_indirect_dma source(%arg7 : memref<128x128xf32, #tpu.memory_space<vmem>>) target(%dma_start3A_36 : memref<10240x128xf32, #tpu.memory_space<vmem_shared>>) offsets(%dma_start3A_33 : memref<128xi32, #tpu.memory_space<vmem>>) semaphore(%run_scoped3A : memref<!tpu.dma_semaphore, #tpu.memory_space<semaphore_mem>>) {add = true}
          %dma_wait3A = arith.constant 0 : i32
          %dma_wait3A_37 = tpu.memref_slice %arg6[%scan3A_31, %dma_wait3A] : memref<16x128xi32, #tpu.memory_space<vmem>> -> memref<1x128xi32, #tpu.memory_space<vmem>>
          %dma_wait3A_38 = tpu.memref_squeeze %dma_wait3A_37 : memref<1x128xi32, #tpu.memory_space<vmem>> -> memref<128xi32, #tpu.memory_space<vmem>>
          %dma_wait3A_39 = arith.constant 0 : i32
          %dma_wait3A_40 = arith.constant 0 : i32
          %dma_wait3A_41 = tpu.memref_slice %arg8[%dma_wait3A_39, %dma_wait3A_40] : memref<10240x128xf32, #tpu.memory_space<vmem_shared>> -> memref<10240x128xf32, #tpu.memory_space<vmem_shared>>
          tpu.wait_indirect_dma semaphore(%run_scoped3A : memref<!tpu.dma_semaphore, #tpu.memory_space<semaphore_mem>>) src(%arg7 : memref<128x128xf32, #tpu.memory_space<vmem>>) dst(%dma_wait3A_41 : memref<10240x128xf32, #tpu.memory_space<vmem_shared>>)
          tpu.yield
        }) : () -> ()
      }
      %scan3A_30 = arith.constant 16 : i32
    }
    %scan3A_11 = arith.constant 5 : i32
    %barrier3A_12 = arith.constant 0 : index
    tpu.barrier barrier_id(%barrier3A_12)
    %scan3A_13 = arith.constant 0 : i32
    %scan3A_14 = arith.constant 0 : i32
    %scan3A_15 = arith.constant 5 : i32
    %scan3A_16 = arith.addi %scan3A_14, %scan3A_15 : i32
    %scan3A_17 = arith.constant 1 : i32
    scf.for %scan3A_19 = %scan3A_14 to %scan3A_16 step %scan3A_17  : i32 {
      %mul3A_20 = arith.constant 640 : i32
      %mul3A_21 = arith.muli %arg1, %mul3A_20 : i32
      %mul3A_22 = arith.constant 128 : i32
      %mul3A_23 = arith.muli %scan3A_19, %mul3A_22 : i32
      %add3A_24 = arith.addi %mul3A_21, %mul3A_23 : i32
      "tpu.region"() ({
        %run_scoped3A = tpu.sem_alloc : memref<!tpu.dma_semaphore, #tpu.memory_space<semaphore_mem>>
        %dma_start3A = arith.constant 0 : i32
        %dma_start3A_25 = tpu.memref_slice %arg5[%arg0, %add3A_24, %dma_start3A] : memref<2x10240x128xf32, #tpu.memory_space<hbm>> -> memref<1x128x128xf32, #tpu.memory_space<hbm>>
        %dma_start3A_26 = tpu.memref_squeeze %dma_start3A_25 : memref<1x128x128xf32, #tpu.memory_space<hbm>> -> memref<128x128xf32, #tpu.memory_space<hbm>>
        %dma_start3A_27 = arith.constant 0 : i32
        %dma_start3A_28 = tpu.memref_slice %arg8[%add3A_24, %dma_start3A_27] : memref<10240x128xf32, #tpu.memory_space<vmem_shared>> -> memref<128x128xf32, #tpu.memory_space<vmem_shared>>
        tpu.enqueue_dma source(%dma_start3A_28 : memref<128x128xf32, #tpu.memory_space<vmem_shared>>) target(%dma_start3A_26 : memref<128x128xf32, #tpu.memory_space<hbm>>) target_semaphore(%run_scoped3A : memref<!tpu.dma_semaphore, #tpu.memory_space<semaphore_mem>>)
        %dma_wait3A = arith.constant 0 : i32
        %dma_wait3A_29 = tpu.memref_slice %arg5[%arg0, %add3A_24, %dma_wait3A] : memref<2x10240x128xf32, #tpu.memory_space<hbm>> -> memref<1x128x128xf32, #tpu.memory_space<hbm>>
        %dma_wait3A_30 = tpu.memref_squeeze %dma_wait3A_29 : memref<1x128x128xf32, #tpu.memory_space<hbm>> -> memref<128x128xf32, #tpu.memory_space<hbm>>
        %dma_wait3A_31 = arith.constant 0 : i32
        %dma_wait3A_32 = tpu.memref_slice %arg8[%add3A_24, %dma_wait3A_31] : memref<10240x128xf32, #tpu.memory_space<vmem_shared>> -> memref<128x128xf32, #tpu.memory_space<vmem_shared>>
        tpu.wait_dma2 semaphore(%run_scoped3A : memref<!tpu.dma_semaphore, #tpu.memory_space<semaphore_mem>>) src(%dma_wait3A_32 : memref<128x128xf32, #tpu.memory_space<vmem_shared>>) dst(%dma_wait3A_30 : memref<128x128xf32, #tpu.memory_space<hbm>>)
        tpu.yield
      }) : () -> ()
    }
    %scan3A_18 = arith.constant 5 : i32
    return
  }
}

#map = affine_map<(d0, d1) -> (0, 0)>
#map1 = affine_map<(d0, d1) -> (0, 0, 0)>
module attributes {stable_mosaic.version = 14 : i64} {
  func.func @_agg_body(%arg0: i32, %arg1: i32, %arg2: memref<10240x128xf32, #tpu.memory_space<hbm>>, %arg3: memref<2560x128xi32, #tpu.memory_space<hbm>>, %arg4: memref<2560x128xi32, #tpu.memory_space<hbm>>, %arg5: memref<128x128xf32, #tpu.memory_space<hbm>>, %arg6: memref<2x10240x128xf32, #tpu.memory_space<hbm>>, %arg7: memref<327680x128xf32, #tpu.memory_space<hbm>>, %arg8: memref<16x128xi32, #tpu.memory_space<vmem>>, %arg9: memref<16x128xi32, #tpu.memory_space<vmem>>, %arg10: memref<128x128xf32, #tpu.memory_space<vmem>>, %arg11: memref<128x128xf32, #tpu.memory_space<vmem>>, %arg12: memref<10240x128xf32, #tpu.memory_space<vmem_shared>>, %arg13: memref<!tpu.dma_semaphore, #tpu.memory_space<semaphore_mem>>, %arg14: memref<!tpu.dma_semaphore, #tpu.memory_space<semaphore_mem>>) attributes {dimension_semantics = [#tpu.dimension_semantics<core_parallel>, #tpu.dimension_semantics<subcore_parallel>], iteration_bounds = array<i64: 2, 16>, scalar_prefetch = 0 : i64, scratch_operands = 7 : i64, tpu.core_type = #tpu.core_type<sc_vector_subcore>, window_params = [{transform_indices = #map}, {transform_indices = #map}, {transform_indices = #map}, {transform_indices = #map}, {transform_indices = #map1}, {transform_indices = #map}]} {
    %mul3A = arith.constant 2 : i32
    %mul3A_0 = arith.muli %arg1, %mul3A : i32
    %add3A = arith.addi %mul3A_0, %arg0 : i32
    %scan3A = arith.constant 0 : i32
    %scan3A_1 = arith.constant 0 : i32
    %scan3A_2 = arith.constant 5 : i32
    %scan3A_3 = arith.addi %scan3A_1, %scan3A_2 : i32
    %scan3A_4 = arith.constant 1 : i32
    scf.for %scan3A_33 = %scan3A_1 to %scan3A_3 step %scan3A_4  : i32 {
      %mul3A_34 = arith.constant 640 : i32
      %mul3A_35 = arith.muli %arg1, %mul3A_34 : i32
      %mul3A_36 = arith.constant 128 : i32
      %mul3A_37 = arith.muli %scan3A_33, %mul3A_36 : i32
      %add3A_38 = arith.addi %mul3A_35, %mul3A_37 : i32
      "tpu.region"() ({
        %run_scoped3A = tpu.sem_alloc : memref<!tpu.dma_semaphore, #tpu.memory_space<semaphore_mem>>
        %dma_start3A = arith.constant 0 : i32
        %dma_start3A_39 = tpu.memref_slice %arg12[%add3A_38, %dma_start3A] : memref<10240x128xf32, #tpu.memory_space<vmem_shared>> -> memref<128x128xf32, #tpu.memory_space<vmem_shared>>
        %dma_start3A_40 = arith.constant 0 : i32
        %dma_start3A_41 = tpu.memref_slice %arg2[%add3A_38, %dma_start3A_40] : memref<10240x128xf32, #tpu.memory_space<hbm>> -> memref<128x128xf32, #tpu.memory_space<hbm>>
        tpu.enqueue_dma source(%dma_start3A_41 : memref<128x128xf32, #tpu.memory_space<hbm>>) target(%dma_start3A_39 : memref<128x128xf32, #tpu.memory_space<vmem_shared>>) target_semaphore(%run_scoped3A : memref<!tpu.dma_semaphore, #tpu.memory_space<semaphore_mem>>)
        %dma_wait3A = arith.constant 0 : i32
        %dma_wait3A_42 = tpu.memref_slice %arg12[%add3A_38, %dma_wait3A] : memref<10240x128xf32, #tpu.memory_space<vmem_shared>> -> memref<128x128xf32, #tpu.memory_space<vmem_shared>>
        %dma_wait3A_43 = arith.constant 0 : i32
        %dma_wait3A_44 = tpu.memref_slice %arg2[%add3A_38, %dma_wait3A_43] : memref<10240x128xf32, #tpu.memory_space<hbm>> -> memref<128x128xf32, #tpu.memory_space<hbm>>
        tpu.wait_dma2 semaphore(%run_scoped3A : memref<!tpu.dma_semaphore, #tpu.memory_space<semaphore_mem>>) src(%dma_wait3A_44 : memref<128x128xf32, #tpu.memory_space<hbm>>) dst(%dma_wait3A_42 : memref<128x128xf32, #tpu.memory_space<vmem_shared>>)
        tpu.yield
      }) : () -> ()
    }
    %scan3A_5 = arith.constant 5 : i32
    %barrier3A = arith.constant 0 : index
    tpu.barrier barrier_id(%barrier3A)
    %scan3A_6 = arith.constant 0 : i32
    %scan3A_7 = arith.constant 0 : i32
    %scan3A_8 = arith.constant 5 : i32
    %scan3A_9 = arith.addi %scan3A_7, %scan3A_8 : i32
    %scan3A_10 = arith.constant 1 : i32
    scf.for %scan3A_33 = %scan3A_7 to %scan3A_9 step %scan3A_10  : i32 {
      %mul3A_34 = arith.constant 80 : i32
      %mul3A_35 = arith.muli %add3A, %mul3A_34 : i32
      %mul3A_36 = arith.constant 16 : i32
      %mul3A_37 = arith.muli %scan3A_33, %mul3A_36 : i32
      %add3A_38 = arith.addi %mul3A_35, %mul3A_37 : i32
      "tpu.region"() ({
        %run_scoped3A = tpu.sem_alloc : memref<!tpu.dma_semaphore, #tpu.memory_space<semaphore_mem>>
        %dma_start3A_57 = arith.constant 0 : i32
        %dma_start3A_58 = tpu.memref_slice %arg3[%add3A_38, %dma_start3A_57] : memref<2560x128xi32, #tpu.memory_space<hbm>> -> memref<16x128xi32, #tpu.memory_space<hbm>>
        %dma_start3A_59 = arith.constant 0 : i32
        %dma_start3A_60 = tpu.memref_slice %arg3[%add3A_38, %dma_start3A_59] : memref<2560x128xi32, #tpu.memory_space<hbm>> -> memref<16x128xi32, #tpu.memory_space<hbm>>
        tpu.enqueue_dma source(%dma_start3A_60 : memref<16x128xi32, #tpu.memory_space<hbm>>) target(%arg8 : memref<16x128xi32, #tpu.memory_space<vmem>>) target_semaphore(%run_scoped3A : memref<!tpu.dma_semaphore, #tpu.memory_space<semaphore_mem>>)
        %dma_wait3A_61 = arith.constant 0 : i32
        %dma_wait3A_62 = tpu.memref_slice %arg3[%add3A_38, %dma_wait3A_61] : memref<2560x128xi32, #tpu.memory_space<hbm>> -> memref<16x128xi32, #tpu.memory_space<hbm>>
        %dma_wait3A_63 = arith.constant 0 : i32
        %dma_wait3A_64 = tpu.memref_slice %arg3[%add3A_38, %dma_wait3A_63] : memref<2560x128xi32, #tpu.memory_space<hbm>> -> memref<16x128xi32, #tpu.memory_space<hbm>>
        tpu.wait_dma2 semaphore(%run_scoped3A : memref<!tpu.dma_semaphore, #tpu.memory_space<semaphore_mem>>) src(%dma_wait3A_64 : memref<16x128xi32, #tpu.memory_space<hbm>>) dst(%arg8 : memref<16x128xi32, #tpu.memory_space<vmem>>)
        tpu.yield
      }) : () -> ()
      %dma_start3A = arith.constant 0 : i32
      %dma_start3A_39 = arith.constant 0 : i32
      %dma_start3A_40 = tpu.memref_slice %arg8[%dma_start3A, %dma_start3A_39] : memref<16x128xi32, #tpu.memory_space<vmem>> -> memref<1x128xi32, #tpu.memory_space<vmem>>
      %dma_start3A_41 = tpu.memref_squeeze %dma_start3A_40 : memref<1x128xi32, #tpu.memory_space<vmem>> -> memref<128xi32, #tpu.memory_space<vmem>>
      %dma_start3A_42 = arith.constant 0 : i32
      %dma_start3A_43 = arith.constant 0 : i32
      %dma_start3A_44 = tpu.memref_slice %arg12[%dma_start3A_42, %dma_start3A_43] : memref<10240x128xf32, #tpu.memory_space<vmem_shared>> -> memref<10240x128xf32, #tpu.memory_space<vmem_shared>>
      tpu.enqueue_indirect_dma source(%dma_start3A_44 : memref<10240x128xf32, #tpu.memory_space<vmem_shared>>) target(%arg10 : memref<128x128xf32, #tpu.memory_space<vmem>>) offsets(%dma_start3A_41 : memref<128xi32, #tpu.memory_space<vmem>>) semaphore(%arg13 : memref<!tpu.dma_semaphore, #tpu.memory_space<semaphore_mem>>)
      %scan3A_45 = arith.constant 0 : i32
      %scan3A_46 = arith.constant 0 : i32
      %scan3A_47 = arith.constant 8 : i32
      %scan3A_48 = arith.addi %scan3A_46, %scan3A_47 : i32
      %scan3A_49 = arith.constant 1 : i32
      scf.for %scan3A_57 = %scan3A_46 to %scan3A_48 step %scan3A_49  : i32 {
        %mul3A_58 = arith.constant 2 : i32
        %mul3A_59 = arith.muli %mul3A_58, %scan3A_57 : i32
        %add3A_60 = arith.constant 1 : i32
        %add3A_61 = arith.addi %mul3A_59, %add3A_60 : i32
        %dma_start3A_62 = arith.constant 0 : i32
        %dma_start3A_63 = tpu.memref_slice %arg8[%add3A_61, %dma_start3A_62] : memref<16x128xi32, #tpu.memory_space<vmem>> -> memref<1x128xi32, #tpu.memory_space<vmem>>
        %dma_start3A_64 = tpu.memref_squeeze %dma_start3A_63 : memref<1x128xi32, #tpu.memory_space<vmem>> -> memref<128xi32, #tpu.memory_space<vmem>>
        %dma_start3A_65 = arith.constant 0 : i32
        %dma_start3A_66 = arith.constant 0 : i32
        %dma_start3A_67 = tpu.memref_slice %arg12[%dma_start3A_65, %dma_start3A_66] : memref<10240x128xf32, #tpu.memory_space<vmem_shared>> -> memref<10240x128xf32, #tpu.memory_space<vmem_shared>>
        tpu.enqueue_indirect_dma source(%dma_start3A_67 : memref<10240x128xf32, #tpu.memory_space<vmem_shared>>) target(%arg11 : memref<128x128xf32, #tpu.memory_space<vmem>>) offsets(%dma_start3A_64 : memref<128xi32, #tpu.memory_space<vmem>>) semaphore(%arg14 : memref<!tpu.dma_semaphore, #tpu.memory_space<semaphore_mem>>)
        %dma_wait3A_68 = arith.constant 0 : i32
        %dma_wait3A_69 = tpu.memref_slice %arg8[%mul3A_59, %dma_wait3A_68] : memref<16x128xi32, #tpu.memory_space<vmem>> -> memref<1x128xi32, #tpu.memory_space<vmem>>
        %dma_wait3A_70 = tpu.memref_squeeze %dma_wait3A_69 : memref<1x128xi32, #tpu.memory_space<vmem>> -> memref<128xi32, #tpu.memory_space<vmem>>
        %dma_wait3A_71 = arith.constant 0 : i32
        %dma_wait3A_72 = arith.constant 0 : i32
        %dma_wait3A_73 = tpu.memref_slice %arg12[%dma_wait3A_71, %dma_wait3A_72] : memref<10240x128xf32, #tpu.memory_space<vmem_shared>> -> memref<10240x128xf32, #tpu.memory_space<vmem_shared>>
        tpu.wait_indirect_dma semaphore(%arg13 : memref<!tpu.dma_semaphore, #tpu.memory_space<semaphore_mem>>) src(%dma_wait3A_73 : memref<10240x128xf32, #tpu.memory_space<vmem_shared>>) dst(%arg10 : memref<128x128xf32, #tpu.memory_space<vmem>>)
        %add3A_74 = arith.addi %add3A_38, %mul3A_59 : i32
        %mul3A_75 = arith.constant 128 : i32
        %mul3A_76 = arith.muli %add3A_74, %mul3A_75 : i32
        "tpu.region"() ({
          %run_scoped3A = tpu.sem_alloc : memref<!tpu.dma_semaphore, #tpu.memory_space<semaphore_mem>>
          %dma_start3A_99 = arith.constant 0 : i32
          %dma_start3A_100 = tpu.memref_slice %arg7[%mul3A_76, %dma_start3A_99] : memref<327680x128xf32, #tpu.memory_space<hbm>> -> memref<128x128xf32, #tpu.memory_space<hbm>>
          %dma_start3A_101 = arith.constant 0 : i32
          %dma_start3A_102 = tpu.memref_slice %arg7[%mul3A_76, %dma_start3A_101] : memref<327680x128xf32, #tpu.memory_space<hbm>> -> memref<128x128xf32, #tpu.memory_space<hbm>>
          tpu.enqueue_dma source(%arg10 : memref<128x128xf32, #tpu.memory_space<vmem>>) target(%dma_start3A_102 : memref<128x128xf32, #tpu.memory_space<hbm>>) target_semaphore(%run_scoped3A : memref<!tpu.dma_semaphore, #tpu.memory_space<semaphore_mem>>)
          %dma_wait3A_103 = arith.constant 0 : i32
          %dma_wait3A_104 = tpu.memref_slice %arg7[%mul3A_76, %dma_wait3A_103] : memref<327680x128xf32, #tpu.memory_space<hbm>> -> memref<128x128xf32, #tpu.memory_space<hbm>>
          %dma_wait3A_105 = arith.constant 0 : i32
          %dma_wait3A_106 = tpu.memref_slice %arg7[%mul3A_76, %dma_wait3A_105] : memref<327680x128xf32, #tpu.memory_space<hbm>> -> memref<128x128xf32, #tpu.memory_space<hbm>>
          tpu.wait_dma2 semaphore(%run_scoped3A : memref<!tpu.dma_semaphore, #tpu.memory_space<semaphore_mem>>) src(%arg10 : memref<128x128xf32, #tpu.memory_space<vmem>>) dst(%dma_wait3A_106 : memref<128x128xf32, #tpu.memory_space<hbm>>)
          tpu.yield
        }) : () -> ()
        %add3A_77 = arith.constant 2 : i32
        %add3A_78 = arith.addi %mul3A_59, %add3A_77 : i32
        %min3A = arith.constant 15 : i32
        %min3A_79 = arith.minsi %add3A_78, %min3A : i32
        %dma_start3A_80 = arith.constant 0 : i32
        %dma_start3A_81 = tpu.memref_slice %arg8[%min3A_79, %dma_start3A_80] : memref<16x128xi32, #tpu.memory_space<vmem>> -> memref<1x128xi32, #tpu.memory_space<vmem>>
        %dma_start3A_82 = tpu.memref_squeeze %dma_start3A_81 : memref<1x128xi32, #tpu.memory_space<vmem>> -> memref<128xi32, #tpu.memory_space<vmem>>
        %dma_start3A_83 = arith.constant 0 : i32
        %dma_start3A_84 = arith.constant 0 : i32
        %dma_start3A_85 = tpu.memref_slice %arg12[%dma_start3A_83, %dma_start3A_84] : memref<10240x128xf32, #tpu.memory_space<vmem_shared>> -> memref<10240x128xf32, #tpu.memory_space<vmem_shared>>
        tpu.enqueue_indirect_dma source(%dma_start3A_85 : memref<10240x128xf32, #tpu.memory_space<vmem_shared>>) target(%arg10 : memref<128x128xf32, #tpu.memory_space<vmem>>) offsets(%dma_start3A_82 : memref<128xi32, #tpu.memory_space<vmem>>) semaphore(%arg13 : memref<!tpu.dma_semaphore, #tpu.memory_space<semaphore_mem>>)
        %add3A_86 = arith.constant 1 : i32
        %add3A_87 = arith.addi %mul3A_59, %add3A_86 : i32
        %dma_wait3A_88 = arith.constant 0 : i32
        %dma_wait3A_89 = tpu.memref_slice %arg8[%add3A_87, %dma_wait3A_88] : memref<16x128xi32, #tpu.memory_space<vmem>> -> memref<1x128xi32, #tpu.memory_space<vmem>>
        %dma_wait3A_90 = tpu.memref_squeeze %dma_wait3A_89 : memref<1x128xi32, #tpu.memory_space<vmem>> -> memref<128xi32, #tpu.memory_space<vmem>>
        %dma_wait3A_91 = arith.constant 0 : i32
        %dma_wait3A_92 = arith.constant 0 : i32
        %dma_wait3A_93 = tpu.memref_slice %arg12[%dma_wait3A_91, %dma_wait3A_92] : memref<10240x128xf32, #tpu.memory_space<vmem_shared>> -> memref<10240x128xf32, #tpu.memory_space<vmem_shared>>
        tpu.wait_indirect_dma semaphore(%arg14 : memref<!tpu.dma_semaphore, #tpu.memory_space<semaphore_mem>>) src(%dma_wait3A_93 : memref<10240x128xf32, #tpu.memory_space<vmem_shared>>) dst(%arg11 : memref<128x128xf32, #tpu.memory_space<vmem>>)
        %add3A_94 = arith.addi %add3A_38, %mul3A_59 : i32
        %add3A_95 = arith.constant 1 : i32
        %add3A_96 = arith.addi %add3A_94, %add3A_95 : i32
        %mul3A_97 = arith.constant 128 : i32
        %mul3A_98 = arith.muli %add3A_96, %mul3A_97 : i32
        "tpu.region"() ({
          %run_scoped3A = tpu.sem_alloc : memref<!tpu.dma_semaphore, #tpu.memory_space<semaphore_mem>>
          %dma_start3A_99 = arith.constant 0 : i32
          %dma_start3A_100 = tpu.memref_slice %arg7[%mul3A_98, %dma_start3A_99] : memref<327680x128xf32, #tpu.memory_space<hbm>> -> memref<128x128xf32, #tpu.memory_space<hbm>>
          %dma_start3A_101 = arith.constant 0 : i32
          %dma_start3A_102 = tpu.memref_slice %arg7[%mul3A_98, %dma_start3A_101] : memref<327680x128xf32, #tpu.memory_space<hbm>> -> memref<128x128xf32, #tpu.memory_space<hbm>>
          tpu.enqueue_dma source(%arg11 : memref<128x128xf32, #tpu.memory_space<vmem>>) target(%dma_start3A_102 : memref<128x128xf32, #tpu.memory_space<hbm>>) target_semaphore(%run_scoped3A : memref<!tpu.dma_semaphore, #tpu.memory_space<semaphore_mem>>)
          %dma_wait3A_103 = arith.constant 0 : i32
          %dma_wait3A_104 = tpu.memref_slice %arg7[%mul3A_98, %dma_wait3A_103] : memref<327680x128xf32, #tpu.memory_space<hbm>> -> memref<128x128xf32, #tpu.memory_space<hbm>>
          %dma_wait3A_105 = arith.constant 0 : i32
          %dma_wait3A_106 = tpu.memref_slice %arg7[%mul3A_98, %dma_wait3A_105] : memref<327680x128xf32, #tpu.memory_space<hbm>> -> memref<128x128xf32, #tpu.memory_space<hbm>>
          tpu.wait_dma2 semaphore(%run_scoped3A : memref<!tpu.dma_semaphore, #tpu.memory_space<semaphore_mem>>) src(%arg11 : memref<128x128xf32, #tpu.memory_space<vmem>>) dst(%dma_wait3A_106 : memref<128x128xf32, #tpu.memory_space<hbm>>)
          tpu.yield
        }) : () -> ()
      }
      %scan3A_50 = arith.constant 8 : i32
      %dma_wait3A = arith.constant 15 : i32
      %dma_wait3A_51 = arith.constant 0 : i32
      %dma_wait3A_52 = tpu.memref_slice %arg8[%dma_wait3A, %dma_wait3A_51] : memref<16x128xi32, #tpu.memory_space<vmem>> -> memref<1x128xi32, #tpu.memory_space<vmem>>
      %dma_wait3A_53 = tpu.memref_squeeze %dma_wait3A_52 : memref<1x128xi32, #tpu.memory_space<vmem>> -> memref<128xi32, #tpu.memory_space<vmem>>
      %dma_wait3A_54 = arith.constant 0 : i32
      %dma_wait3A_55 = arith.constant 0 : i32
      %dma_wait3A_56 = tpu.memref_slice %arg12[%dma_wait3A_54, %dma_wait3A_55] : memref<10240x128xf32, #tpu.memory_space<vmem_shared>> -> memref<10240x128xf32, #tpu.memory_space<vmem_shared>>
      tpu.wait_indirect_dma semaphore(%arg13 : memref<!tpu.dma_semaphore, #tpu.memory_space<semaphore_mem>>) src(%dma_wait3A_56 : memref<10240x128xf32, #tpu.memory_space<vmem_shared>>) dst(%arg10 : memref<128x128xf32, #tpu.memory_space<vmem>>)
    }
    %scan3A_11 = arith.constant 5 : i32
    %barrier3A_12 = arith.constant 0 : index
    tpu.barrier barrier_id(%barrier3A_12)
    "tpu.region"() ({
      %run_scoped3A = tpu.sem_alloc : memref<!tpu.dma_semaphore, #tpu.memory_space<semaphore_mem>>
      tpu.enqueue_dma source(%arg5 : memref<128x128xf32, #tpu.memory_space<hbm>>) target(%arg10 : memref<128x128xf32, #tpu.memory_space<vmem>>) target_semaphore(%run_scoped3A : memref<!tpu.dma_semaphore, #tpu.memory_space<semaphore_mem>>)
      tpu.wait_dma2 semaphore(%run_scoped3A : memref<!tpu.dma_semaphore, #tpu.memory_space<semaphore_mem>>) src(%arg5 : memref<128x128xf32, #tpu.memory_space<hbm>>) dst(%arg10 : memref<128x128xf32, #tpu.memory_space<vmem>>)
      tpu.yield
    }) : () -> ()
    %scan3A_13 = arith.constant 0 : i32
    %scan3A_14 = arith.constant 0 : i32
    %scan3A_15 = arith.constant 5 : i32
    %scan3A_16 = arith.addi %scan3A_14, %scan3A_15 : i32
    %scan3A_17 = arith.constant 1 : i32
    scf.for %scan3A_33 = %scan3A_14 to %scan3A_16 step %scan3A_17  : i32 {
      %mul3A_34 = arith.constant 640 : i32
      %mul3A_35 = arith.muli %arg1, %mul3A_34 : i32
      %mul3A_36 = arith.constant 128 : i32
      %mul3A_37 = arith.muli %scan3A_33, %mul3A_36 : i32
      %add3A_38 = arith.addi %mul3A_35, %mul3A_37 : i32
      "tpu.region"() ({
        %run_scoped3A = tpu.sem_alloc : memref<!tpu.dma_semaphore, #tpu.memory_space<semaphore_mem>>
        %dma_start3A = arith.constant 0 : i32
        %dma_start3A_39 = tpu.memref_slice %arg12[%add3A_38, %dma_start3A] : memref<10240x128xf32, #tpu.memory_space<vmem_shared>> -> memref<128x128xf32, #tpu.memory_space<vmem_shared>>
        %dma_start3A_40 = arith.constant 0 : i32
        %dma_start3A_41 = tpu.memref_slice %arg12[%add3A_38, %dma_start3A_40] : memref<10240x128xf32, #tpu.memory_space<vmem_shared>> -> memref<128x128xf32, #tpu.memory_space<vmem_shared>>
        tpu.enqueue_dma source(%arg10 : memref<128x128xf32, #tpu.memory_space<vmem>>) target(%dma_start3A_41 : memref<128x128xf32, #tpu.memory_space<vmem_shared>>) target_semaphore(%run_scoped3A : memref<!tpu.dma_semaphore, #tpu.memory_space<semaphore_mem>>)
        %dma_wait3A = arith.constant 0 : i32
        %dma_wait3A_42 = tpu.memref_slice %arg12[%add3A_38, %dma_wait3A] : memref<10240x128xf32, #tpu.memory_space<vmem_shared>> -> memref<128x128xf32, #tpu.memory_space<vmem_shared>>
        %dma_wait3A_43 = arith.constant 0 : i32
        %dma_wait3A_44 = tpu.memref_slice %arg12[%add3A_38, %dma_wait3A_43] : memref<10240x128xf32, #tpu.memory_space<vmem_shared>> -> memref<128x128xf32, #tpu.memory_space<vmem_shared>>
        tpu.wait_dma2 semaphore(%run_scoped3A : memref<!tpu.dma_semaphore, #tpu.memory_space<semaphore_mem>>) src(%arg10 : memref<128x128xf32, #tpu.memory_space<vmem>>) dst(%dma_wait3A_44 : memref<128x128xf32, #tpu.memory_space<vmem_shared>>)
        tpu.yield
      }) : () -> ()
    }
    %scan3A_18 = arith.constant 5 : i32
    %barrier3A_19 = arith.constant 0 : index
    tpu.barrier barrier_id(%barrier3A_19)
    %scan3A_20 = arith.constant 0 : i32
    %scan3A_21 = arith.constant 0 : i32
    %scan3A_22 = arith.constant 5 : i32
    %scan3A_23 = arith.addi %scan3A_21, %scan3A_22 : i32
    %scan3A_24 = arith.constant 1 : i32
    scf.for %scan3A_33 = %scan3A_21 to %scan3A_23 step %scan3A_24  : i32 {
      %mul3A_34 = arith.constant 80 : i32
      %mul3A_35 = arith.muli %add3A, %mul3A_34 : i32
      %mul3A_36 = arith.constant 16 : i32
      %mul3A_37 = arith.muli %scan3A_33, %mul3A_36 : i32
      %add3A_38 = arith.addi %mul3A_35, %mul3A_37 : i32
      "tpu.region"() ({
        %run_scoped3A = tpu.sem_alloc : memref<!tpu.dma_semaphore, #tpu.memory_space<semaphore_mem>>
        %dma_start3A_63 = arith.constant 0 : i32
        %dma_start3A_64 = tpu.memref_slice %arg4[%add3A_38, %dma_start3A_63] : memref<2560x128xi32, #tpu.memory_space<hbm>> -> memref<16x128xi32, #tpu.memory_space<hbm>>
        %dma_start3A_65 = arith.constant 0 : i32
        %dma_start3A_66 = tpu.memref_slice %arg4[%add3A_38, %dma_start3A_65] : memref<2560x128xi32, #tpu.memory_space<hbm>> -> memref<16x128xi32, #tpu.memory_space<hbm>>
        tpu.enqueue_dma source(%dma_start3A_66 : memref<16x128xi32, #tpu.memory_space<hbm>>) target(%arg9 : memref<16x128xi32, #tpu.memory_space<vmem>>) target_semaphore(%run_scoped3A : memref<!tpu.dma_semaphore, #tpu.memory_space<semaphore_mem>>)
        %dma_wait3A_67 = arith.constant 0 : i32
        %dma_wait3A_68 = tpu.memref_slice %arg4[%add3A_38, %dma_wait3A_67] : memref<2560x128xi32, #tpu.memory_space<hbm>> -> memref<16x128xi32, #tpu.memory_space<hbm>>
        %dma_wait3A_69 = arith.constant 0 : i32
        %dma_wait3A_70 = tpu.memref_slice %arg4[%add3A_38, %dma_wait3A_69] : memref<2560x128xi32, #tpu.memory_space<hbm>> -> memref<16x128xi32, #tpu.memory_space<hbm>>
        tpu.wait_dma2 semaphore(%run_scoped3A : memref<!tpu.dma_semaphore, #tpu.memory_space<semaphore_mem>>) src(%dma_wait3A_70 : memref<16x128xi32, #tpu.memory_space<hbm>>) dst(%arg9 : memref<16x128xi32, #tpu.memory_space<vmem>>)
        tpu.yield
      }) : () -> ()
      %mul3A_39 = arith.constant 128 : i32
      %mul3A_40 = arith.muli %add3A_38, %mul3A_39 : i32
      %dma_start3A = arith.constant 0 : i32
      %dma_start3A_41 = tpu.memref_slice %arg7[%mul3A_40, %dma_start3A] : memref<327680x128xf32, #tpu.memory_space<hbm>> -> memref<128x128xf32, #tpu.memory_space<hbm>>
      %dma_start3A_42 = arith.constant 0 : i32
      %dma_start3A_43 = tpu.memref_slice %arg7[%mul3A_40, %dma_start3A_42] : memref<327680x128xf32, #tpu.memory_space<hbm>> -> memref<128x128xf32, #tpu.memory_space<hbm>>
      tpu.enqueue_dma source(%dma_start3A_43 : memref<128x128xf32, #tpu.memory_space<hbm>>) target(%arg10 : memref<128x128xf32, #tpu.memory_space<vmem>>) target_semaphore(%arg13 : memref<!tpu.dma_semaphore, #tpu.memory_space<semaphore_mem>>)
      %scan3A_44 = arith.constant 0 : i32
      %scan3A_45 = arith.constant 0 : i32
      %scan3A_46 = arith.constant 8 : i32
      %scan3A_47 = arith.addi %scan3A_45, %scan3A_46 : i32
      %scan3A_48 = arith.constant 1 : i32
      scf.for %scan3A_63 = %scan3A_45 to %scan3A_47 step %scan3A_48  : i32 {
        %mul3A_64 = arith.constant 2 : i32
        %mul3A_65 = arith.muli %mul3A_64, %scan3A_63 : i32
        %add3A_66 = arith.addi %add3A_38, %mul3A_65 : i32
        %add3A_67 = arith.constant 1 : i32
        %add3A_68 = arith.addi %add3A_66, %add3A_67 : i32
        %mul3A_69 = arith.constant 128 : i32
        %mul3A_70 = arith.muli %add3A_68, %mul3A_69 : i32
        %dma_start3A_71 = arith.constant 0 : i32
        %dma_start3A_72 = tpu.memref_slice %arg7[%mul3A_70, %dma_start3A_71] : memref<327680x128xf32, #tpu.memory_space<hbm>> -> memref<128x128xf32, #tpu.memory_space<hbm>>
        %dma_start3A_73 = arith.constant 0 : i32
        %dma_start3A_74 = tpu.memref_slice %arg7[%mul3A_70, %dma_start3A_73] : memref<327680x128xf32, #tpu.memory_space<hbm>> -> memref<128x128xf32, #tpu.memory_space<hbm>>
        tpu.enqueue_dma source(%dma_start3A_74 : memref<128x128xf32, #tpu.memory_space<hbm>>) target(%arg11 : memref<128x128xf32, #tpu.memory_space<vmem>>) target_semaphore(%arg14 : memref<!tpu.dma_semaphore, #tpu.memory_space<semaphore_mem>>)
        %add3A_75 = arith.addi %add3A_38, %mul3A_65 : i32
        %mul3A_76 = arith.constant 128 : i32
        %mul3A_77 = arith.muli %add3A_75, %mul3A_76 : i32
        %dma_wait3A_78 = arith.constant 0 : i32
        %dma_wait3A_79 = tpu.memref_slice %arg7[%mul3A_77, %dma_wait3A_78] : memref<327680x128xf32, #tpu.memory_space<hbm>> -> memref<128x128xf32, #tpu.memory_space<hbm>>
        %dma_wait3A_80 = arith.constant 0 : i32
        %dma_wait3A_81 = tpu.memref_slice %arg7[%mul3A_77, %dma_wait3A_80] : memref<327680x128xf32, #tpu.memory_space<hbm>> -> memref<128x128xf32, #tpu.memory_space<hbm>>
        tpu.wait_dma2 semaphore(%arg13 : memref<!tpu.dma_semaphore, #tpu.memory_space<semaphore_mem>>) src(%dma_wait3A_81 : memref<128x128xf32, #tpu.memory_space<hbm>>) dst(%arg10 : memref<128x128xf32, #tpu.memory_space<vmem>>)
        "tpu.region"() ({
          %run_scoped3A = tpu.sem_alloc : memref<!tpu.dma_semaphore, #tpu.memory_space<semaphore_mem>>
          %dma_start3A_103 = arith.constant 0 : i32
          %dma_start3A_104 = tpu.memref_slice %arg9[%mul3A_65, %dma_start3A_103] : memref<16x128xi32, #tpu.memory_space<vmem>> -> memref<1x128xi32, #tpu.memory_space<vmem>>
          %dma_start3A_105 = tpu.memref_squeeze %dma_start3A_104 : memref<1x128xi32, #tpu.memory_space<vmem>> -> memref<128xi32, #tpu.memory_space<vmem>>
          %dma_start3A_106 = arith.constant 0 : i32
          %dma_start3A_107 = arith.constant 0 : i32
          %dma_start3A_108 = tpu.memref_slice %arg12[%dma_start3A_106, %dma_start3A_107] : memref<10240x128xf32, #tpu.memory_space<vmem_shared>> -> memref<10240x128xf32, #tpu.memory_space<vmem_shared>>
          tpu.enqueue_indirect_dma source(%arg10 : memref<128x128xf32, #tpu.memory_space<vmem>>) target(%dma_start3A_108 : memref<10240x128xf32, #tpu.memory_space<vmem_shared>>) offsets(%dma_start3A_105 : memref<128xi32, #tpu.memory_space<vmem>>) semaphore(%run_scoped3A : memref<!tpu.dma_semaphore, #tpu.memory_space<semaphore_mem>>) {add = true}
          %dma_wait3A_109 = arith.constant 0 : i32
          %dma_wait3A_110 = tpu.memref_slice %arg9[%mul3A_65, %dma_wait3A_109] : memref<16x128xi32, #tpu.memory_space<vmem>> -> memref<1x128xi32, #tpu.memory_space<vmem>>
          %dma_wait3A_111 = tpu.memref_squeeze %dma_wait3A_110 : memref<1x128xi32, #tpu.memory_space<vmem>> -> memref<128xi32, #tpu.memory_space<vmem>>
          %dma_wait3A_112 = arith.constant 0 : i32
          %dma_wait3A_113 = arith.constant 0 : i32
          %dma_wait3A_114 = tpu.memref_slice %arg12[%dma_wait3A_112, %dma_wait3A_113] : memref<10240x128xf32, #tpu.memory_space<vmem_shared>> -> memref<10240x128xf32, #tpu.memory_space<vmem_shared>>
          tpu.wait_indirect_dma semaphore(%run_scoped3A : memref<!tpu.dma_semaphore, #tpu.memory_space<semaphore_mem>>) src(%arg10 : memref<128x128xf32, #tpu.memory_space<vmem>>) dst(%dma_wait3A_114 : memref<10240x128xf32, #tpu.memory_space<vmem_shared>>)
          tpu.yield
        }) : () -> ()
        %add3A_82 = arith.constant 2 : i32
        %add3A_83 = arith.addi %mul3A_65, %add3A_82 : i32
        %min3A = arith.constant 15 : i32
        %min3A_84 = arith.minsi %add3A_83, %min3A : i32
        %add3A_85 = arith.addi %add3A_38, %min3A_84 : i32
        %mul3A_86 = arith.constant 128 : i32
        %mul3A_87 = arith.muli %add3A_85, %mul3A_86 : i32
        %dma_start3A_88 = arith.constant 0 : i32
        %dma_start3A_89 = tpu.memref_slice %arg7[%mul3A_87, %dma_start3A_88] : memref<327680x128xf32, #tpu.memory_space<hbm>> -> memref<128x128xf32, #tpu.memory_space<hbm>>
        %dma_start3A_90 = arith.constant 0 : i32
        %dma_start3A_91 = tpu.memref_slice %arg7[%mul3A_87, %dma_start3A_90] : memref<327680x128xf32, #tpu.memory_space<hbm>> -> memref<128x128xf32, #tpu.memory_space<hbm>>
        tpu.enqueue_dma source(%dma_start3A_91 : memref<128x128xf32, #tpu.memory_space<hbm>>) target(%arg10 : memref<128x128xf32, #tpu.memory_space<vmem>>) target_semaphore(%arg13 : memref<!tpu.dma_semaphore, #tpu.memory_space<semaphore_mem>>)
        %add3A_92 = arith.addi %add3A_38, %mul3A_65 : i32
        %add3A_93 = arith.constant 1 : i32
        %add3A_94 = arith.addi %add3A_92, %add3A_93 : i32
        %mul3A_95 = arith.constant 128 : i32
        %mul3A_96 = arith.muli %add3A_94, %mul3A_95 : i32
        %dma_wait3A_97 = arith.constant 0 : i32
        %dma_wait3A_98 = tpu.memref_slice %arg7[%mul3A_96, %dma_wait3A_97] : memref<327680x128xf32, #tpu.memory_space<hbm>> -> memref<128x128xf32, #tpu.memory_space<hbm>>
        %dma_wait3A_99 = arith.constant 0 : i32
        %dma_wait3A_100 = tpu.memref_slice %arg7[%mul3A_96, %dma_wait3A_99] : memref<327680x128xf32, #tpu.memory_space<hbm>> -> memref<128x128xf32, #tpu.memory_space<hbm>>
        tpu.wait_dma2 semaphore(%arg14 : memref<!tpu.dma_semaphore, #tpu.memory_space<semaphore_mem>>) src(%dma_wait3A_100 : memref<128x128xf32, #tpu.memory_space<hbm>>) dst(%arg11 : memref<128x128xf32, #tpu.memory_space<vmem>>)
        %add3A_101 = arith.constant 1 : i32
        %add3A_102 = arith.addi %mul3A_65, %add3A_101 : i32
        "tpu.region"() ({
          %run_scoped3A = tpu.sem_alloc : memref<!tpu.dma_semaphore, #tpu.memory_space<semaphore_mem>>
          %dma_start3A_103 = arith.constant 0 : i32
          %dma_start3A_104 = tpu.memref_slice %arg9[%add3A_102, %dma_start3A_103] : memref<16x128xi32, #tpu.memory_space<vmem>> -> memref<1x128xi32, #tpu.memory_space<vmem>>
          %dma_start3A_105 = tpu.memref_squeeze %dma_start3A_104 : memref<1x128xi32, #tpu.memory_space<vmem>> -> memref<128xi32, #tpu.memory_space<vmem>>
          %dma_start3A_106 = arith.constant 0 : i32
          %dma_start3A_107 = arith.constant 0 : i32
          %dma_start3A_108 = tpu.memref_slice %arg12[%dma_start3A_106, %dma_start3A_107] : memref<10240x128xf32, #tpu.memory_space<vmem_shared>> -> memref<10240x128xf32, #tpu.memory_space<vmem_shared>>
          tpu.enqueue_indirect_dma source(%arg11 : memref<128x128xf32, #tpu.memory_space<vmem>>) target(%dma_start3A_108 : memref<10240x128xf32, #tpu.memory_space<vmem_shared>>) offsets(%dma_start3A_105 : memref<128xi32, #tpu.memory_space<vmem>>) semaphore(%run_scoped3A : memref<!tpu.dma_semaphore, #tpu.memory_space<semaphore_mem>>) {add = true}
          %dma_wait3A_109 = arith.constant 0 : i32
          %dma_wait3A_110 = tpu.memref_slice %arg9[%add3A_102, %dma_wait3A_109] : memref<16x128xi32, #tpu.memory_space<vmem>> -> memref<1x128xi32, #tpu.memory_space<vmem>>
          %dma_wait3A_111 = tpu.memref_squeeze %dma_wait3A_110 : memref<1x128xi32, #tpu.memory_space<vmem>> -> memref<128xi32, #tpu.memory_space<vmem>>
          %dma_wait3A_112 = arith.constant 0 : i32
          %dma_wait3A_113 = arith.constant 0 : i32
          %dma_wait3A_114 = tpu.memref_slice %arg12[%dma_wait3A_112, %dma_wait3A_113] : memref<10240x128xf32, #tpu.memory_space<vmem_shared>> -> memref<10240x128xf32, #tpu.memory_space<vmem_shared>>
          tpu.wait_indirect_dma semaphore(%run_scoped3A : memref<!tpu.dma_semaphore, #tpu.memory_space<semaphore_mem>>) src(%arg11 : memref<128x128xf32, #tpu.memory_space<vmem>>) dst(%dma_wait3A_114 : memref<10240x128xf32, #tpu.memory_space<vmem_shared>>)
          tpu.yield
        }) : () -> ()
      }
      %scan3A_49 = arith.constant 8 : i32
      %mul3A_50 = arith.constant 80 : i32
      %mul3A_51 = arith.muli %add3A, %mul3A_50 : i32
      %mul3A_52 = arith.constant 16 : i32
      %mul3A_53 = arith.muli %scan3A_33, %mul3A_52 : i32
      %add3A_54 = arith.addi %mul3A_51, %mul3A_53 : i32
      %add3A_55 = arith.constant 16 : i32
      %add3A_56 = arith.addi %add3A_54, %add3A_55 : i32
      %sub3A = arith.constant 1 : i32
      %sub3A_57 = arith.subi %add3A_56, %sub3A : i32
      %mul3A_58 = arith.constant 128 : i32
      %mul3A_59 = arith.muli %sub3A_57, %mul3A_58 : i32
      %dma_wait3A = arith.constant 0 : i32
      %dma_wait3A_60 = tpu.memref_slice %arg7[%mul3A_59, %dma_wait3A] : memref<327680x128xf32, #tpu.memory_space<hbm>> -> memref<128x128xf32, #tpu.memory_space<hbm>>
      %dma_wait3A_61 = arith.constant 0 : i32
      %dma_wait3A_62 = tpu.memref_slice %arg7[%mul3A_59, %dma_wait3A_61] : memref<327680x128xf32, #tpu.memory_space<hbm>> -> memref<128x128xf32, #tpu.memory_space<hbm>>
      tpu.wait_dma2 semaphore(%arg13 : memref<!tpu.dma_semaphore, #tpu.memory_space<semaphore_mem>>) src(%dma_wait3A_62 : memref<128x128xf32, #tpu.memory_space<hbm>>) dst(%arg10 : memref<128x128xf32, #tpu.memory_space<vmem>>)
    }
    %scan3A_25 = arith.constant 5 : i32
    %barrier3A_26 = arith.constant 0 : index
    tpu.barrier barrier_id(%barrier3A_26)
    %scan3A_27 = arith.constant 0 : i32
    %scan3A_28 = arith.constant 0 : i32
    %scan3A_29 = arith.constant 5 : i32
    %scan3A_30 = arith.addi %scan3A_28, %scan3A_29 : i32
    %scan3A_31 = arith.constant 1 : i32
    scf.for %scan3A_33 = %scan3A_28 to %scan3A_30 step %scan3A_31  : i32 {
      %mul3A_34 = arith.constant 640 : i32
      %mul3A_35 = arith.muli %arg1, %mul3A_34 : i32
      %mul3A_36 = arith.constant 128 : i32
      %mul3A_37 = arith.muli %scan3A_33, %mul3A_36 : i32
      %add3A_38 = arith.addi %mul3A_35, %mul3A_37 : i32
      "tpu.region"() ({
        %run_scoped3A = tpu.sem_alloc : memref<!tpu.dma_semaphore, #tpu.memory_space<semaphore_mem>>
        %dma_start3A = arith.constant 0 : i32
        %dma_start3A_39 = tpu.memref_slice %arg6[%arg0, %add3A_38, %dma_start3A] : memref<2x10240x128xf32, #tpu.memory_space<hbm>> -> memref<1x128x128xf32, #tpu.memory_space<hbm>>
        %dma_start3A_40 = tpu.memref_squeeze %dma_start3A_39 : memref<1x128x128xf32, #tpu.memory_space<hbm>> -> memref<128x128xf32, #tpu.memory_space<hbm>>
        %dma_start3A_41 = arith.constant 0 : i32
        %dma_start3A_42 = tpu.memref_slice %arg12[%add3A_38, %dma_start3A_41] : memref<10240x128xf32, #tpu.memory_space<vmem_shared>> -> memref<128x128xf32, #tpu.memory_space<vmem_shared>>
        tpu.enqueue_dma source(%dma_start3A_42 : memref<128x128xf32, #tpu.memory_space<vmem_shared>>) target(%dma_start3A_40 : memref<128x128xf32, #tpu.memory_space<hbm>>) target_semaphore(%run_scoped3A : memref<!tpu.dma_semaphore, #tpu.memory_space<semaphore_mem>>)
        %dma_wait3A = arith.constant 0 : i32
        %dma_wait3A_43 = tpu.memref_slice %arg6[%arg0, %add3A_38, %dma_wait3A] : memref<2x10240x128xf32, #tpu.memory_space<hbm>> -> memref<1x128x128xf32, #tpu.memory_space<hbm>>
        %dma_wait3A_44 = tpu.memref_squeeze %dma_wait3A_43 : memref<1x128x128xf32, #tpu.memory_space<hbm>> -> memref<128x128xf32, #tpu.memory_space<hbm>>
        %dma_wait3A_45 = arith.constant 0 : i32
        %dma_wait3A_46 = tpu.memref_slice %arg12[%add3A_38, %dma_wait3A_45] : memref<10240x128xf32, #tpu.memory_space<vmem_shared>> -> memref<128x128xf32, #tpu.memory_space<vmem_shared>>
        tpu.wait_dma2 semaphore(%run_scoped3A : memref<!tpu.dma_semaphore, #tpu.memory_space<semaphore_mem>>) src(%dma_wait3A_46 : memref<128x128xf32, #tpu.memory_space<vmem_shared>>) dst(%dma_wait3A_44 : memref<128x128xf32, #tpu.memory_space<hbm>>)
        tpu.yield
      }) : () -> ()
    }
    %scan3A_32 = arith.constant 5 : i32
    return
  }
}

#map = affine_map<(d0, d1) -> (0, 0)>
#map1 = affine_map<(d0, d1) -> (0, 0, 0)>
module attributes {stable_mosaic.version = 14 : i64} {
  func.func @_agg_body(%arg0: i32, %arg1: i32, %arg2: memref<10240x128xf32, #tpu.memory_space<hbm>>, %arg3: memref<2560x128xi32, #tpu.memory_space<hbm>>, %arg4: memref<2560x128xi32, #tpu.memory_space<hbm>>, %arg5: memref<128x128xf32, #tpu.memory_space<hbm>>, %arg6: memref<2x10240x128xf32, #tpu.memory_space<hbm>>, %arg7: memref<327680x128xf32, #tpu.memory_space<hbm>>, %arg8: memref<16x128xi32, #tpu.memory_space<vmem>>, %arg9: memref<16x128xi32, #tpu.memory_space<vmem>>, %arg10: memref<128x128xf32, #tpu.memory_space<vmem>>, %arg11: memref<128x128xf32, #tpu.memory_space<vmem>>, %arg12: memref<10240x128xf32, #tpu.memory_space<vmem_shared>>, %arg13: memref<!tpu.dma_semaphore, #tpu.memory_space<semaphore_mem>>, %arg14: memref<!tpu.dma_semaphore, #tpu.memory_space<semaphore_mem>>) attributes {dimension_semantics = [#tpu.dimension_semantics<core_parallel>, #tpu.dimension_semantics<subcore_parallel>], iteration_bounds = array<i64: 2, 16>, scalar_prefetch = 0 : i64, scratch_operands = 7 : i64, tpu.core_type = #tpu.core_type<sc_vector_subcore>, window_params = [{transform_indices = #map}, {transform_indices = #map}, {transform_indices = #map}, {transform_indices = #map}, {transform_indices = #map1}, {transform_indices = #map}]} {
    %mul3A = arith.constant 2 : i32
    %mul3A_0 = arith.muli %arg1, %mul3A : i32
    %add3A = arith.addi %mul3A_0, %arg0 : i32
    %scan3A = arith.constant 0 : i32
    %scan3A_1 = arith.constant 0 : i32
    %scan3A_2 = arith.constant 5 : i32
    %scan3A_3 = arith.addi %scan3A_1, %scan3A_2 : i32
    %scan3A_4 = arith.constant 1 : i32
    scf.for %scan3A_33 = %scan3A_1 to %scan3A_3 step %scan3A_4  : i32 {
      %mul3A_34 = arith.constant 640 : i32
      %mul3A_35 = arith.muli %arg1, %mul3A_34 : i32
      %mul3A_36 = arith.constant 128 : i32
      %mul3A_37 = arith.muli %scan3A_33, %mul3A_36 : i32
      %add3A_38 = arith.addi %mul3A_35, %mul3A_37 : i32
      "tpu.region"() ({
        %run_scoped3A = tpu.sem_alloc : memref<!tpu.dma_semaphore, #tpu.memory_space<semaphore_mem>>
        %dma_start3A = arith.constant 0 : i32
        %dma_start3A_39 = tpu.memref_slice %arg12[%add3A_38, %dma_start3A] : memref<10240x128xf32, #tpu.memory_space<vmem_shared>> -> memref<128x128xf32, #tpu.memory_space<vmem_shared>>
        %dma_start3A_40 = arith.constant 0 : i32
        %dma_start3A_41 = tpu.memref_slice %arg2[%add3A_38, %dma_start3A_40] : memref<10240x128xf32, #tpu.memory_space<hbm>> -> memref<128x128xf32, #tpu.memory_space<hbm>>
        tpu.enqueue_dma source(%dma_start3A_41 : memref<128x128xf32, #tpu.memory_space<hbm>>) target(%dma_start3A_39 : memref<128x128xf32, #tpu.memory_space<vmem_shared>>) target_semaphore(%run_scoped3A : memref<!tpu.dma_semaphore, #tpu.memory_space<semaphore_mem>>)
        %dma_wait3A = arith.constant 0 : i32
        %dma_wait3A_42 = tpu.memref_slice %arg12[%add3A_38, %dma_wait3A] : memref<10240x128xf32, #tpu.memory_space<vmem_shared>> -> memref<128x128xf32, #tpu.memory_space<vmem_shared>>
        %dma_wait3A_43 = arith.constant 0 : i32
        %dma_wait3A_44 = tpu.memref_slice %arg2[%add3A_38, %dma_wait3A_43] : memref<10240x128xf32, #tpu.memory_space<hbm>> -> memref<128x128xf32, #tpu.memory_space<hbm>>
        tpu.wait_dma2 semaphore(%run_scoped3A : memref<!tpu.dma_semaphore, #tpu.memory_space<semaphore_mem>>) src(%dma_wait3A_44 : memref<128x128xf32, #tpu.memory_space<hbm>>) dst(%dma_wait3A_42 : memref<128x128xf32, #tpu.memory_space<vmem_shared>>)
        tpu.yield
      }) : () -> ()
    }
    %scan3A_5 = arith.constant 5 : i32
    %barrier3A = arith.constant 0 : index
    tpu.barrier barrier_id(%barrier3A)
    %scan3A_6 = arith.constant 0 : i32
    %scan3A_7 = arith.constant 0 : i32
    %scan3A_8 = arith.constant 5 : i32
    %scan3A_9 = arith.addi %scan3A_7, %scan3A_8 : i32
    %scan3A_10 = arith.constant 1 : i32
    scf.for %scan3A_33 = %scan3A_7 to %scan3A_9 step %scan3A_10  : i32 {
      %mul3A_34 = arith.constant 80 : i32
      %mul3A_35 = arith.muli %add3A, %mul3A_34 : i32
      %mul3A_36 = arith.constant 16 : i32
      %mul3A_37 = arith.muli %scan3A_33, %mul3A_36 : i32
      %add3A_38 = arith.addi %mul3A_35, %mul3A_37 : i32
      "tpu.region"() ({
        %run_scoped3A = tpu.sem_alloc : memref<!tpu.dma_semaphore, #tpu.memory_space<semaphore_mem>>
        %dma_start3A_57 = arith.constant 0 : i32
        %dma_start3A_58 = tpu.memref_slice %arg3[%add3A_38, %dma_start3A_57] : memref<2560x128xi32, #tpu.memory_space<hbm>> -> memref<16x128xi32, #tpu.memory_space<hbm>>
        %dma_start3A_59 = arith.constant 0 : i32
        %dma_start3A_60 = tpu.memref_slice %arg3[%add3A_38, %dma_start3A_59] : memref<2560x128xi32, #tpu.memory_space<hbm>> -> memref<16x128xi32, #tpu.memory_space<hbm>>
        tpu.enqueue_dma source(%dma_start3A_60 : memref<16x128xi32, #tpu.memory_space<hbm>>) target(%arg8 : memref<16x128xi32, #tpu.memory_space<vmem>>) target_semaphore(%run_scoped3A : memref<!tpu.dma_semaphore, #tpu.memory_space<semaphore_mem>>)
        %dma_wait3A_61 = arith.constant 0 : i32
        %dma_wait3A_62 = tpu.memref_slice %arg3[%add3A_38, %dma_wait3A_61] : memref<2560x128xi32, #tpu.memory_space<hbm>> -> memref<16x128xi32, #tpu.memory_space<hbm>>
        %dma_wait3A_63 = arith.constant 0 : i32
        %dma_wait3A_64 = tpu.memref_slice %arg3[%add3A_38, %dma_wait3A_63] : memref<2560x128xi32, #tpu.memory_space<hbm>> -> memref<16x128xi32, #tpu.memory_space<hbm>>
        tpu.wait_dma2 semaphore(%run_scoped3A : memref<!tpu.dma_semaphore, #tpu.memory_space<semaphore_mem>>) src(%dma_wait3A_64 : memref<16x128xi32, #tpu.memory_space<hbm>>) dst(%arg8 : memref<16x128xi32, #tpu.memory_space<vmem>>)
        tpu.yield
      }) : () -> ()
      %dma_start3A = arith.constant 0 : i32
      %dma_start3A_39 = arith.constant 0 : i32
      %dma_start3A_40 = tpu.memref_slice %arg8[%dma_start3A, %dma_start3A_39] : memref<16x128xi32, #tpu.memory_space<vmem>> -> memref<1x128xi32, #tpu.memory_space<vmem>>
      %dma_start3A_41 = tpu.memref_squeeze %dma_start3A_40 : memref<1x128xi32, #tpu.memory_space<vmem>> -> memref<128xi32, #tpu.memory_space<vmem>>
      %dma_start3A_42 = arith.constant 0 : i32
      %dma_start3A_43 = arith.constant 0 : i32
      %dma_start3A_44 = tpu.memref_slice %arg12[%dma_start3A_42, %dma_start3A_43] : memref<10240x128xf32, #tpu.memory_space<vmem_shared>> -> memref<10240x128xf32, #tpu.memory_space<vmem_shared>>
      tpu.enqueue_indirect_dma source(%dma_start3A_44 : memref<10240x128xf32, #tpu.memory_space<vmem_shared>>) target(%arg10 : memref<128x128xf32, #tpu.memory_space<vmem>>) offsets(%dma_start3A_41 : memref<128xi32, #tpu.memory_space<vmem>>) semaphore(%arg13 : memref<!tpu.dma_semaphore, #tpu.memory_space<semaphore_mem>>)
      %scan3A_45 = arith.constant 0 : i32
      %scan3A_46 = arith.constant 0 : i32
      %scan3A_47 = arith.constant 8 : i32
      %scan3A_48 = arith.addi %scan3A_46, %scan3A_47 : i32
      %scan3A_49 = arith.constant 1 : i32
      scf.for %scan3A_57 = %scan3A_46 to %scan3A_48 step %scan3A_49  : i32 {
        %mul3A_58 = arith.constant 2 : i32
        %mul3A_59 = arith.muli %mul3A_58, %scan3A_57 : i32
        %add3A_60 = arith.constant 1 : i32
        %add3A_61 = arith.addi %mul3A_59, %add3A_60 : i32
        %dma_start3A_62 = arith.constant 0 : i32
        %dma_start3A_63 = tpu.memref_slice %arg8[%add3A_61, %dma_start3A_62] : memref<16x128xi32, #tpu.memory_space<vmem>> -> memref<1x128xi32, #tpu.memory_space<vmem>>
        %dma_start3A_64 = tpu.memref_squeeze %dma_start3A_63 : memref<1x128xi32, #tpu.memory_space<vmem>> -> memref<128xi32, #tpu.memory_space<vmem>>
        %dma_start3A_65 = arith.constant 0 : i32
        %dma_start3A_66 = arith.constant 0 : i32
        %dma_start3A_67 = tpu.memref_slice %arg12[%dma_start3A_65, %dma_start3A_66] : memref<10240x128xf32, #tpu.memory_space<vmem_shared>> -> memref<10240x128xf32, #tpu.memory_space<vmem_shared>>
        tpu.enqueue_indirect_dma source(%dma_start3A_67 : memref<10240x128xf32, #tpu.memory_space<vmem_shared>>) target(%arg11 : memref<128x128xf32, #tpu.memory_space<vmem>>) offsets(%dma_start3A_64 : memref<128xi32, #tpu.memory_space<vmem>>) semaphore(%arg14 : memref<!tpu.dma_semaphore, #tpu.memory_space<semaphore_mem>>)
        %dma_wait3A_68 = arith.constant 0 : i32
        %dma_wait3A_69 = tpu.memref_slice %arg8[%mul3A_59, %dma_wait3A_68] : memref<16x128xi32, #tpu.memory_space<vmem>> -> memref<1x128xi32, #tpu.memory_space<vmem>>
        %dma_wait3A_70 = tpu.memref_squeeze %dma_wait3A_69 : memref<1x128xi32, #tpu.memory_space<vmem>> -> memref<128xi32, #tpu.memory_space<vmem>>
        %dma_wait3A_71 = arith.constant 0 : i32
        %dma_wait3A_72 = arith.constant 0 : i32
        %dma_wait3A_73 = tpu.memref_slice %arg12[%dma_wait3A_71, %dma_wait3A_72] : memref<10240x128xf32, #tpu.memory_space<vmem_shared>> -> memref<10240x128xf32, #tpu.memory_space<vmem_shared>>
        tpu.wait_indirect_dma semaphore(%arg13 : memref<!tpu.dma_semaphore, #tpu.memory_space<semaphore_mem>>) src(%dma_wait3A_73 : memref<10240x128xf32, #tpu.memory_space<vmem_shared>>) dst(%arg10 : memref<128x128xf32, #tpu.memory_space<vmem>>)
        %add3A_74 = arith.addi %add3A_38, %mul3A_59 : i32
        %mul3A_75 = arith.constant 128 : i32
        %mul3A_76 = arith.muli %add3A_74, %mul3A_75 : i32
        "tpu.region"() ({
          %run_scoped3A = tpu.sem_alloc : memref<!tpu.dma_semaphore, #tpu.memory_space<semaphore_mem>>
          %dma_start3A_99 = arith.constant 0 : i32
          %dma_start3A_100 = tpu.memref_slice %arg7[%mul3A_76, %dma_start3A_99] : memref<327680x128xf32, #tpu.memory_space<hbm>> -> memref<128x128xf32, #tpu.memory_space<hbm>>
          %dma_start3A_101 = arith.constant 0 : i32
          %dma_start3A_102 = tpu.memref_slice %arg7[%mul3A_76, %dma_start3A_101] : memref<327680x128xf32, #tpu.memory_space<hbm>> -> memref<128x128xf32, #tpu.memory_space<hbm>>
          tpu.enqueue_dma source(%arg10 : memref<128x128xf32, #tpu.memory_space<vmem>>) target(%dma_start3A_102 : memref<128x128xf32, #tpu.memory_space<hbm>>) target_semaphore(%run_scoped3A : memref<!tpu.dma_semaphore, #tpu.memory_space<semaphore_mem>>)
          %dma_wait3A_103 = arith.constant 0 : i32
          %dma_wait3A_104 = tpu.memref_slice %arg7[%mul3A_76, %dma_wait3A_103] : memref<327680x128xf32, #tpu.memory_space<hbm>> -> memref<128x128xf32, #tpu.memory_space<hbm>>
          %dma_wait3A_105 = arith.constant 0 : i32
          %dma_wait3A_106 = tpu.memref_slice %arg7[%mul3A_76, %dma_wait3A_105] : memref<327680x128xf32, #tpu.memory_space<hbm>> -> memref<128x128xf32, #tpu.memory_space<hbm>>
          tpu.wait_dma2 semaphore(%run_scoped3A : memref<!tpu.dma_semaphore, #tpu.memory_space<semaphore_mem>>) src(%arg10 : memref<128x128xf32, #tpu.memory_space<vmem>>) dst(%dma_wait3A_106 : memref<128x128xf32, #tpu.memory_space<hbm>>)
          tpu.yield
        }) : () -> ()
        %add3A_77 = arith.constant 2 : i32
        %add3A_78 = arith.addi %mul3A_59, %add3A_77 : i32
        %min3A = arith.constant 15 : i32
        %min3A_79 = arith.minsi %add3A_78, %min3A : i32
        %dma_start3A_80 = arith.constant 0 : i32
        %dma_start3A_81 = tpu.memref_slice %arg8[%min3A_79, %dma_start3A_80] : memref<16x128xi32, #tpu.memory_space<vmem>> -> memref<1x128xi32, #tpu.memory_space<vmem>>
        %dma_start3A_82 = tpu.memref_squeeze %dma_start3A_81 : memref<1x128xi32, #tpu.memory_space<vmem>> -> memref<128xi32, #tpu.memory_space<vmem>>
        %dma_start3A_83 = arith.constant 0 : i32
        %dma_start3A_84 = arith.constant 0 : i32
        %dma_start3A_85 = tpu.memref_slice %arg12[%dma_start3A_83, %dma_start3A_84] : memref<10240x128xf32, #tpu.memory_space<vmem_shared>> -> memref<10240x128xf32, #tpu.memory_space<vmem_shared>>
        tpu.enqueue_indirect_dma source(%dma_start3A_85 : memref<10240x128xf32, #tpu.memory_space<vmem_shared>>) target(%arg10 : memref<128x128xf32, #tpu.memory_space<vmem>>) offsets(%dma_start3A_82 : memref<128xi32, #tpu.memory_space<vmem>>) semaphore(%arg13 : memref<!tpu.dma_semaphore, #tpu.memory_space<semaphore_mem>>)
        %add3A_86 = arith.constant 1 : i32
        %add3A_87 = arith.addi %mul3A_59, %add3A_86 : i32
        %dma_wait3A_88 = arith.constant 0 : i32
        %dma_wait3A_89 = tpu.memref_slice %arg8[%add3A_87, %dma_wait3A_88] : memref<16x128xi32, #tpu.memory_space<vmem>> -> memref<1x128xi32, #tpu.memory_space<vmem>>
        %dma_wait3A_90 = tpu.memref_squeeze %dma_wait3A_89 : memref<1x128xi32, #tpu.memory_space<vmem>> -> memref<128xi32, #tpu.memory_space<vmem>>
        %dma_wait3A_91 = arith.constant 0 : i32
        %dma_wait3A_92 = arith.constant 0 : i32
        %dma_wait3A_93 = tpu.memref_slice %arg12[%dma_wait3A_91, %dma_wait3A_92] : memref<10240x128xf32, #tpu.memory_space<vmem_shared>> -> memref<10240x128xf32, #tpu.memory_space<vmem_shared>>
        tpu.wait_indirect_dma semaphore(%arg14 : memref<!tpu.dma_semaphore, #tpu.memory_space<semaphore_mem>>) src(%dma_wait3A_93 : memref<10240x128xf32, #tpu.memory_space<vmem_shared>>) dst(%arg11 : memref<128x128xf32, #tpu.memory_space<vmem>>)
        %add3A_94 = arith.addi %add3A_38, %mul3A_59 : i32
        %add3A_95 = arith.constant 1 : i32
        %add3A_96 = arith.addi %add3A_94, %add3A_95 : i32
        %mul3A_97 = arith.constant 128 : i32
        %mul3A_98 = arith.muli %add3A_96, %mul3A_97 : i32
        "tpu.region"() ({
          %run_scoped3A = tpu.sem_alloc : memref<!tpu.dma_semaphore, #tpu.memory_space<semaphore_mem>>
          %dma_start3A_99 = arith.constant 0 : i32
          %dma_start3A_100 = tpu.memref_slice %arg7[%mul3A_98, %dma_start3A_99] : memref<327680x128xf32, #tpu.memory_space<hbm>> -> memref<128x128xf32, #tpu.memory_space<hbm>>
          %dma_start3A_101 = arith.constant 0 : i32
          %dma_start3A_102 = tpu.memref_slice %arg7[%mul3A_98, %dma_start3A_101] : memref<327680x128xf32, #tpu.memory_space<hbm>> -> memref<128x128xf32, #tpu.memory_space<hbm>>
          tpu.enqueue_dma source(%arg11 : memref<128x128xf32, #tpu.memory_space<vmem>>) target(%dma_start3A_102 : memref<128x128xf32, #tpu.memory_space<hbm>>) target_semaphore(%run_scoped3A : memref<!tpu.dma_semaphore, #tpu.memory_space<semaphore_mem>>)
          %dma_wait3A_103 = arith.constant 0 : i32
          %dma_wait3A_104 = tpu.memref_slice %arg7[%mul3A_98, %dma_wait3A_103] : memref<327680x128xf32, #tpu.memory_space<hbm>> -> memref<128x128xf32, #tpu.memory_space<hbm>>
          %dma_wait3A_105 = arith.constant 0 : i32
          %dma_wait3A_106 = tpu.memref_slice %arg7[%mul3A_98, %dma_wait3A_105] : memref<327680x128xf32, #tpu.memory_space<hbm>> -> memref<128x128xf32, #tpu.memory_space<hbm>>
          tpu.wait_dma2 semaphore(%run_scoped3A : memref<!tpu.dma_semaphore, #tpu.memory_space<semaphore_mem>>) src(%arg11 : memref<128x128xf32, #tpu.memory_space<vmem>>) dst(%dma_wait3A_106 : memref<128x128xf32, #tpu.memory_space<hbm>>)
          tpu.yield
        }) : () -> ()
      }
      %scan3A_50 = arith.constant 8 : i32
      %dma_wait3A = arith.constant 15 : i32
      %dma_wait3A_51 = arith.constant 0 : i32
      %dma_wait3A_52 = tpu.memref_slice %arg8[%dma_wait3A, %dma_wait3A_51] : memref<16x128xi32, #tpu.memory_space<vmem>> -> memref<1x128xi32, #tpu.memory_space<vmem>>
      %dma_wait3A_53 = tpu.memref_squeeze %dma_wait3A_52 : memref<1x128xi32, #tpu.memory_space<vmem>> -> memref<128xi32, #tpu.memory_space<vmem>>
      %dma_wait3A_54 = arith.constant 0 : i32
      %dma_wait3A_55 = arith.constant 0 : i32
      %dma_wait3A_56 = tpu.memref_slice %arg12[%dma_wait3A_54, %dma_wait3A_55] : memref<10240x128xf32, #tpu.memory_space<vmem_shared>> -> memref<10240x128xf32, #tpu.memory_space<vmem_shared>>
      tpu.wait_indirect_dma semaphore(%arg13 : memref<!tpu.dma_semaphore, #tpu.memory_space<semaphore_mem>>) src(%dma_wait3A_56 : memref<10240x128xf32, #tpu.memory_space<vmem_shared>>) dst(%arg10 : memref<128x128xf32, #tpu.memory_space<vmem>>)
    }
    %scan3A_11 = arith.constant 5 : i32
    %barrier3A_12 = arith.constant 0 : index
    tpu.barrier barrier_id(%barrier3A_12)
    "tpu.region"() ({
      %run_scoped3A = tpu.sem_alloc : memref<!tpu.dma_semaphore, #tpu.memory_space<semaphore_mem>>
      tpu.enqueue_dma source(%arg5 : memref<128x128xf32, #tpu.memory_space<hbm>>) target(%arg10 : memref<128x128xf32, #tpu.memory_space<vmem>>) target_semaphore(%run_scoped3A : memref<!tpu.dma_semaphore, #tpu.memory_space<semaphore_mem>>)
      tpu.wait_dma2 semaphore(%run_scoped3A : memref<!tpu.dma_semaphore, #tpu.memory_space<semaphore_mem>>) src(%arg5 : memref<128x128xf32, #tpu.memory_space<hbm>>) dst(%arg10 : memref<128x128xf32, #tpu.memory_space<vmem>>)
      tpu.yield
    }) : () -> ()
    %scan3A_13 = arith.constant 0 : i32
    %scan3A_14 = arith.constant 0 : i32
    %scan3A_15 = arith.constant 5 : i32
    %scan3A_16 = arith.addi %scan3A_14, %scan3A_15 : i32
    %scan3A_17 = arith.constant 1 : i32
    scf.for %scan3A_33 = %scan3A_14 to %scan3A_16 step %scan3A_17  : i32 {
      %mul3A_34 = arith.constant 640 : i32
      %mul3A_35 = arith.muli %arg1, %mul3A_34 : i32
      %mul3A_36 = arith.constant 128 : i32
      %mul3A_37 = arith.muli %scan3A_33, %mul3A_36 : i32
      %add3A_38 = arith.addi %mul3A_35, %mul3A_37 : i32
      "tpu.region"() ({
        %run_scoped3A = tpu.sem_alloc : memref<!tpu.dma_semaphore, #tpu.memory_space<semaphore_mem>>
        %dma_start3A = arith.constant 0 : i32
        %dma_start3A_39 = tpu.memref_slice %arg12[%add3A_38, %dma_start3A] : memref<10240x128xf32, #tpu.memory_space<vmem_shared>> -> memref<128x128xf32, #tpu.memory_space<vmem_shared>>
        %dma_start3A_40 = arith.constant 0 : i32
        %dma_start3A_41 = tpu.memref_slice %arg12[%add3A_38, %dma_start3A_40] : memref<10240x128xf32, #tpu.memory_space<vmem_shared>> -> memref<128x128xf32, #tpu.memory_space<vmem_shared>>
        tpu.enqueue_dma source(%arg10 : memref<128x128xf32, #tpu.memory_space<vmem>>) target(%dma_start3A_41 : memref<128x128xf32, #tpu.memory_space<vmem_shared>>) target_semaphore(%run_scoped3A : memref<!tpu.dma_semaphore, #tpu.memory_space<semaphore_mem>>)
        %dma_wait3A = arith.constant 0 : i32
        %dma_wait3A_42 = tpu.memref_slice %arg12[%add3A_38, %dma_wait3A] : memref<10240x128xf32, #tpu.memory_space<vmem_shared>> -> memref<128x128xf32, #tpu.memory_space<vmem_shared>>
        %dma_wait3A_43 = arith.constant 0 : i32
        %dma_wait3A_44 = tpu.memref_slice %arg12[%add3A_38, %dma_wait3A_43] : memref<10240x128xf32, #tpu.memory_space<vmem_shared>> -> memref<128x128xf32, #tpu.memory_space<vmem_shared>>
        tpu.wait_dma2 semaphore(%run_scoped3A : memref<!tpu.dma_semaphore, #tpu.memory_space<semaphore_mem>>) src(%arg10 : memref<128x128xf32, #tpu.memory_space<vmem>>) dst(%dma_wait3A_44 : memref<128x128xf32, #tpu.memory_space<vmem_shared>>)
        tpu.yield
      }) : () -> ()
    }
    %scan3A_18 = arith.constant 5 : i32
    %barrier3A_19 = arith.constant 0 : index
    tpu.barrier barrier_id(%barrier3A_19)
    %scan3A_20 = arith.constant 0 : i32
    %scan3A_21 = arith.constant 0 : i32
    %scan3A_22 = arith.constant 5 : i32
    %scan3A_23 = arith.addi %scan3A_21, %scan3A_22 : i32
    %scan3A_24 = arith.constant 1 : i32
    scf.for %scan3A_33 = %scan3A_21 to %scan3A_23 step %scan3A_24  : i32 {
      %mul3A_34 = arith.constant 80 : i32
      %mul3A_35 = arith.muli %add3A, %mul3A_34 : i32
      %mul3A_36 = arith.constant 16 : i32
      %mul3A_37 = arith.muli %scan3A_33, %mul3A_36 : i32
      %add3A_38 = arith.addi %mul3A_35, %mul3A_37 : i32
      "tpu.region"() ({
        %run_scoped3A = tpu.sem_alloc : memref<!tpu.dma_semaphore, #tpu.memory_space<semaphore_mem>>
        %dma_start3A_63 = arith.constant 0 : i32
        %dma_start3A_64 = tpu.memref_slice %arg4[%add3A_38, %dma_start3A_63] : memref<2560x128xi32, #tpu.memory_space<hbm>> -> memref<16x128xi32, #tpu.memory_space<hbm>>
        %dma_start3A_65 = arith.constant 0 : i32
        %dma_start3A_66 = tpu.memref_slice %arg4[%add3A_38, %dma_start3A_65] : memref<2560x128xi32, #tpu.memory_space<hbm>> -> memref<16x128xi32, #tpu.memory_space<hbm>>
        tpu.enqueue_dma source(%dma_start3A_66 : memref<16x128xi32, #tpu.memory_space<hbm>>) target(%arg9 : memref<16x128xi32, #tpu.memory_space<vmem>>) target_semaphore(%run_scoped3A : memref<!tpu.dma_semaphore, #tpu.memory_space<semaphore_mem>>)
        %dma_wait3A_67 = arith.constant 0 : i32
        %dma_wait3A_68 = tpu.memref_slice %arg4[%add3A_38, %dma_wait3A_67] : memref<2560x128xi32, #tpu.memory_space<hbm>> -> memref<16x128xi32, #tpu.memory_space<hbm>>
        %dma_wait3A_69 = arith.constant 0 : i32
        %dma_wait3A_70 = tpu.memref_slice %arg4[%add3A_38, %dma_wait3A_69] : memref<2560x128xi32, #tpu.memory_space<hbm>> -> memref<16x128xi32, #tpu.memory_space<hbm>>
        tpu.wait_dma2 semaphore(%run_scoped3A : memref<!tpu.dma_semaphore, #tpu.memory_space<semaphore_mem>>) src(%dma_wait3A_70 : memref<16x128xi32, #tpu.memory_space<hbm>>) dst(%arg9 : memref<16x128xi32, #tpu.memory_space<vmem>>)
        tpu.yield
      }) : () -> ()
      %mul3A_39 = arith.constant 128 : i32
      %mul3A_40 = arith.muli %add3A_38, %mul3A_39 : i32
      %dma_start3A = arith.constant 0 : i32
      %dma_start3A_41 = tpu.memref_slice %arg7[%mul3A_40, %dma_start3A] : memref<327680x128xf32, #tpu.memory_space<hbm>> -> memref<128x128xf32, #tpu.memory_space<hbm>>
      %dma_start3A_42 = arith.constant 0 : i32
      %dma_start3A_43 = tpu.memref_slice %arg7[%mul3A_40, %dma_start3A_42] : memref<327680x128xf32, #tpu.memory_space<hbm>> -> memref<128x128xf32, #tpu.memory_space<hbm>>
      tpu.enqueue_dma source(%dma_start3A_43 : memref<128x128xf32, #tpu.memory_space<hbm>>) target(%arg10 : memref<128x128xf32, #tpu.memory_space<vmem>>) target_semaphore(%arg13 : memref<!tpu.dma_semaphore, #tpu.memory_space<semaphore_mem>>)
      %scan3A_44 = arith.constant 0 : i32
      %scan3A_45 = arith.constant 0 : i32
      %scan3A_46 = arith.constant 8 : i32
      %scan3A_47 = arith.addi %scan3A_45, %scan3A_46 : i32
      %scan3A_48 = arith.constant 1 : i32
      scf.for %scan3A_63 = %scan3A_45 to %scan3A_47 step %scan3A_48  : i32 {
        %mul3A_64 = arith.constant 2 : i32
        %mul3A_65 = arith.muli %mul3A_64, %scan3A_63 : i32
        %add3A_66 = arith.addi %add3A_38, %mul3A_65 : i32
        %add3A_67 = arith.constant 1 : i32
        %add3A_68 = arith.addi %add3A_66, %add3A_67 : i32
        %mul3A_69 = arith.constant 128 : i32
        %mul3A_70 = arith.muli %add3A_68, %mul3A_69 : i32
        %dma_start3A_71 = arith.constant 0 : i32
        %dma_start3A_72 = tpu.memref_slice %arg7[%mul3A_70, %dma_start3A_71] : memref<327680x128xf32, #tpu.memory_space<hbm>> -> memref<128x128xf32, #tpu.memory_space<hbm>>
        %dma_start3A_73 = arith.constant 0 : i32
        %dma_start3A_74 = tpu.memref_slice %arg7[%mul3A_70, %dma_start3A_73] : memref<327680x128xf32, #tpu.memory_space<hbm>> -> memref<128x128xf32, #tpu.memory_space<hbm>>
        tpu.enqueue_dma source(%dma_start3A_74 : memref<128x128xf32, #tpu.memory_space<hbm>>) target(%arg11 : memref<128x128xf32, #tpu.memory_space<vmem>>) target_semaphore(%arg14 : memref<!tpu.dma_semaphore, #tpu.memory_space<semaphore_mem>>)
        %add3A_75 = arith.addi %add3A_38, %mul3A_65 : i32
        %mul3A_76 = arith.constant 128 : i32
        %mul3A_77 = arith.muli %add3A_75, %mul3A_76 : i32
        %dma_wait3A_78 = arith.constant 0 : i32
        %dma_wait3A_79 = tpu.memref_slice %arg7[%mul3A_77, %dma_wait3A_78] : memref<327680x128xf32, #tpu.memory_space<hbm>> -> memref<128x128xf32, #tpu.memory_space<hbm>>
        %dma_wait3A_80 = arith.constant 0 : i32
        %dma_wait3A_81 = tpu.memref_slice %arg7[%mul3A_77, %dma_wait3A_80] : memref<327680x128xf32, #tpu.memory_space<hbm>> -> memref<128x128xf32, #tpu.memory_space<hbm>>
        tpu.wait_dma2 semaphore(%arg13 : memref<!tpu.dma_semaphore, #tpu.memory_space<semaphore_mem>>) src(%dma_wait3A_81 : memref<128x128xf32, #tpu.memory_space<hbm>>) dst(%arg10 : memref<128x128xf32, #tpu.memory_space<vmem>>)
        "tpu.region"() ({
          %run_scoped3A = tpu.sem_alloc : memref<!tpu.dma_semaphore, #tpu.memory_space<semaphore_mem>>
          %dma_start3A_103 = arith.constant 0 : i32
          %dma_start3A_104 = tpu.memref_slice %arg9[%mul3A_65, %dma_start3A_103] : memref<16x128xi32, #tpu.memory_space<vmem>> -> memref<1x128xi32, #tpu.memory_space<vmem>>
          %dma_start3A_105 = tpu.memref_squeeze %dma_start3A_104 : memref<1x128xi32, #tpu.memory_space<vmem>> -> memref<128xi32, #tpu.memory_space<vmem>>
          %dma_start3A_106 = arith.constant 0 : i32
          %dma_start3A_107 = arith.constant 0 : i32
          %dma_start3A_108 = tpu.memref_slice %arg12[%dma_start3A_106, %dma_start3A_107] : memref<10240x128xf32, #tpu.memory_space<vmem_shared>> -> memref<10240x128xf32, #tpu.memory_space<vmem_shared>>
          tpu.enqueue_indirect_dma source(%arg10 : memref<128x128xf32, #tpu.memory_space<vmem>>) target(%dma_start3A_108 : memref<10240x128xf32, #tpu.memory_space<vmem_shared>>) offsets(%dma_start3A_105 : memref<128xi32, #tpu.memory_space<vmem>>) semaphore(%run_scoped3A : memref<!tpu.dma_semaphore, #tpu.memory_space<semaphore_mem>>) {add = true}
          %dma_wait3A_109 = arith.constant 0 : i32
          %dma_wait3A_110 = tpu.memref_slice %arg9[%mul3A_65, %dma_wait3A_109] : memref<16x128xi32, #tpu.memory_space<vmem>> -> memref<1x128xi32, #tpu.memory_space<vmem>>
          %dma_wait3A_111 = tpu.memref_squeeze %dma_wait3A_110 : memref<1x128xi32, #tpu.memory_space<vmem>> -> memref<128xi32, #tpu.memory_space<vmem>>
          %dma_wait3A_112 = arith.constant 0 : i32
          %dma_wait3A_113 = arith.constant 0 : i32
          %dma_wait3A_114 = tpu.memref_slice %arg12[%dma_wait3A_112, %dma_wait3A_113] : memref<10240x128xf32, #tpu.memory_space<vmem_shared>> -> memref<10240x128xf32, #tpu.memory_space<vmem_shared>>
          tpu.wait_indirect_dma semaphore(%run_scoped3A : memref<!tpu.dma_semaphore, #tpu.memory_space<semaphore_mem>>) src(%arg10 : memref<128x128xf32, #tpu.memory_space<vmem>>) dst(%dma_wait3A_114 : memref<10240x128xf32, #tpu.memory_space<vmem_shared>>)
          tpu.yield
        }) : () -> ()
        %add3A_82 = arith.constant 2 : i32
        %add3A_83 = arith.addi %mul3A_65, %add3A_82 : i32
        %min3A = arith.constant 15 : i32
        %min3A_84 = arith.minsi %add3A_83, %min3A : i32
        %add3A_85 = arith.addi %add3A_38, %min3A_84 : i32
        %mul3A_86 = arith.constant 128 : i32
        %mul3A_87 = arith.muli %add3A_85, %mul3A_86 : i32
        %dma_start3A_88 = arith.constant 0 : i32
        %dma_start3A_89 = tpu.memref_slice %arg7[%mul3A_87, %dma_start3A_88] : memref<327680x128xf32, #tpu.memory_space<hbm>> -> memref<128x128xf32, #tpu.memory_space<hbm>>
        %dma_start3A_90 = arith.constant 0 : i32
        %dma_start3A_91 = tpu.memref_slice %arg7[%mul3A_87, %dma_start3A_90] : memref<327680x128xf32, #tpu.memory_space<hbm>> -> memref<128x128xf32, #tpu.memory_space<hbm>>
        tpu.enqueue_dma source(%dma_start3A_91 : memref<128x128xf32, #tpu.memory_space<hbm>>) target(%arg10 : memref<128x128xf32, #tpu.memory_space<vmem>>) target_semaphore(%arg13 : memref<!tpu.dma_semaphore, #tpu.memory_space<semaphore_mem>>)
        %add3A_92 = arith.addi %add3A_38, %mul3A_65 : i32
        %add3A_93 = arith.constant 1 : i32
        %add3A_94 = arith.addi %add3A_92, %add3A_93 : i32
        %mul3A_95 = arith.constant 128 : i32
        %mul3A_96 = arith.muli %add3A_94, %mul3A_95 : i32
        %dma_wait3A_97 = arith.constant 0 : i32
        %dma_wait3A_98 = tpu.memref_slice %arg7[%mul3A_96, %dma_wait3A_97] : memref<327680x128xf32, #tpu.memory_space<hbm>> -> memref<128x128xf32, #tpu.memory_space<hbm>>
        %dma_wait3A_99 = arith.constant 0 : i32
        %dma_wait3A_100 = tpu.memref_slice %arg7[%mul3A_96, %dma_wait3A_99] : memref<327680x128xf32, #tpu.memory_space<hbm>> -> memref<128x128xf32, #tpu.memory_space<hbm>>
        tpu.wait_dma2 semaphore(%arg14 : memref<!tpu.dma_semaphore, #tpu.memory_space<semaphore_mem>>) src(%dma_wait3A_100 : memref<128x128xf32, #tpu.memory_space<hbm>>) dst(%arg11 : memref<128x128xf32, #tpu.memory_space<vmem>>)
        %add3A_101 = arith.constant 1 : i32
        %add3A_102 = arith.addi %mul3A_65, %add3A_101 : i32
        "tpu.region"() ({
          %run_scoped3A = tpu.sem_alloc : memref<!tpu.dma_semaphore, #tpu.memory_space<semaphore_mem>>
          %dma_start3A_103 = arith.constant 0 : i32
          %dma_start3A_104 = tpu.memref_slice %arg9[%add3A_102, %dma_start3A_103] : memref<16x128xi32, #tpu.memory_space<vmem>> -> memref<1x128xi32, #tpu.memory_space<vmem>>
          %dma_start3A_105 = tpu.memref_squeeze %dma_start3A_104 : memref<1x128xi32, #tpu.memory_space<vmem>> -> memref<128xi32, #tpu.memory_space<vmem>>
          %dma_start3A_106 = arith.constant 0 : i32
          %dma_start3A_107 = arith.constant 0 : i32
          %dma_start3A_108 = tpu.memref_slice %arg12[%dma_start3A_106, %dma_start3A_107] : memref<10240x128xf32, #tpu.memory_space<vmem_shared>> -> memref<10240x128xf32, #tpu.memory_space<vmem_shared>>
          tpu.enqueue_indirect_dma source(%arg11 : memref<128x128xf32, #tpu.memory_space<vmem>>) target(%dma_start3A_108 : memref<10240x128xf32, #tpu.memory_space<vmem_shared>>) offsets(%dma_start3A_105 : memref<128xi32, #tpu.memory_space<vmem>>) semaphore(%run_scoped3A : memref<!tpu.dma_semaphore, #tpu.memory_space<semaphore_mem>>) {add = true}
          %dma_wait3A_109 = arith.constant 0 : i32
          %dma_wait3A_110 = tpu.memref_slice %arg9[%add3A_102, %dma_wait3A_109] : memref<16x128xi32, #tpu.memory_space<vmem>> -> memref<1x128xi32, #tpu.memory_space<vmem>>
          %dma_wait3A_111 = tpu.memref_squeeze %dma_wait3A_110 : memref<1x128xi32, #tpu.memory_space<vmem>> -> memref<128xi32, #tpu.memory_space<vmem>>
          %dma_wait3A_112 = arith.constant 0 : i32
          %dma_wait3A_113 = arith.constant 0 : i32
          %dma_wait3A_114 = tpu.memref_slice %arg12[%dma_wait3A_112, %dma_wait3A_113] : memref<10240x128xf32, #tpu.memory_space<vmem_shared>> -> memref<10240x128xf32, #tpu.memory_space<vmem_shared>>
          tpu.wait_indirect_dma semaphore(%run_scoped3A : memref<!tpu.dma_semaphore, #tpu.memory_space<semaphore_mem>>) src(%arg11 : memref<128x128xf32, #tpu.memory_space<vmem>>) dst(%dma_wait3A_114 : memref<10240x128xf32, #tpu.memory_space<vmem_shared>>)
          tpu.yield
        }) : () -> ()
      }
      %scan3A_49 = arith.constant 8 : i32
      %mul3A_50 = arith.constant 80 : i32
      %mul3A_51 = arith.muli %add3A, %mul3A_50 : i32
      %mul3A_52 = arith.constant 16 : i32
      %mul3A_53 = arith.muli %scan3A_33, %mul3A_52 : i32
      %add3A_54 = arith.addi %mul3A_51, %mul3A_53 : i32
      %add3A_55 = arith.constant 16 : i32
      %add3A_56 = arith.addi %add3A_54, %add3A_55 : i32
      %sub3A = arith.constant 1 : i32
      %sub3A_57 = arith.subi %add3A_56, %sub3A : i32
      %mul3A_58 = arith.constant 128 : i32
      %mul3A_59 = arith.muli %sub3A_57, %mul3A_58 : i32
      %dma_wait3A = arith.constant 0 : i32
      %dma_wait3A_60 = tpu.memref_slice %arg7[%mul3A_59, %dma_wait3A] : memref<327680x128xf32, #tpu.memory_space<hbm>> -> memref<128x128xf32, #tpu.memory_space<hbm>>
      %dma_wait3A_61 = arith.constant 0 : i32
      %dma_wait3A_62 = tpu.memref_slice %arg7[%mul3A_59, %dma_wait3A_61] : memref<327680x128xf32, #tpu.memory_space<hbm>> -> memref<128x128xf32, #tpu.memory_space<hbm>>
      tpu.wait_dma2 semaphore(%arg13 : memref<!tpu.dma_semaphore, #tpu.memory_space<semaphore_mem>>) src(%dma_wait3A_62 : memref<128x128xf32, #tpu.memory_space<hbm>>) dst(%arg10 : memref<128x128xf32, #tpu.memory_space<vmem>>)
    }
    %scan3A_25 = arith.constant 5 : i32
    %barrier3A_26 = arith.constant 0 : index
    tpu.barrier barrier_id(%barrier3A_26)
    %scan3A_27 = arith.constant 0 : i32
    %scan3A_28 = arith.constant 0 : i32
    %scan3A_29 = arith.constant 5 : i32
    %scan3A_30 = arith.addi %scan3A_28, %scan3A_29 : i32
    %scan3A_31 = arith.constant 1 : i32
    scf.for %scan3A_33 = %scan3A_28 to %scan3A_30 step %scan3A_31  : i32 {
      %mul3A_34 = arith.constant 640 : i32
      %mul3A_35 = arith.muli %arg1, %mul3A_34 : i32
      %mul3A_36 = arith.constant 128 : i32
      %mul3A_37 = arith.muli %scan3A_33, %mul3A_36 : i32
      %add3A_38 = arith.addi %mul3A_35, %mul3A_37 : i32
      "tpu.region"() ({
        %run_scoped3A = tpu.sem_alloc : memref<!tpu.dma_semaphore, #tpu.memory_space<semaphore_mem>>
        %dma_start3A = arith.constant 0 : i32
        %dma_start3A_39 = tpu.memref_slice %arg6[%arg0, %add3A_38, %dma_start3A] : memref<2x10240x128xf32, #tpu.memory_space<hbm>> -> memref<1x128x128xf32, #tpu.memory_space<hbm>>
        %dma_start3A_40 = tpu.memref_squeeze %dma_start3A_39 : memref<1x128x128xf32, #tpu.memory_space<hbm>> -> memref<128x128xf32, #tpu.memory_space<hbm>>
        %dma_start3A_41 = arith.constant 0 : i32
        %dma_start3A_42 = tpu.memref_slice %arg12[%add3A_38, %dma_start3A_41] : memref<10240x128xf32, #tpu.memory_space<vmem_shared>> -> memref<128x128xf32, #tpu.memory_space<vmem_shared>>
        tpu.enqueue_dma source(%dma_start3A_42 : memref<128x128xf32, #tpu.memory_space<vmem_shared>>) target(%dma_start3A_40 : memref<128x128xf32, #tpu.memory_space<hbm>>) target_semaphore(%run_scoped3A : memref<!tpu.dma_semaphore, #tpu.memory_space<semaphore_mem>>)
        %dma_wait3A = arith.constant 0 : i32
        %dma_wait3A_43 = tpu.memref_slice %arg6[%arg0, %add3A_38, %dma_wait3A] : memref<2x10240x128xf32, #tpu.memory_space<hbm>> -> memref<1x128x128xf32, #tpu.memory_space<hbm>>
        %dma_wait3A_44 = tpu.memref_squeeze %dma_wait3A_43 : memref<1x128x128xf32, #tpu.memory_space<hbm>> -> memref<128x128xf32, #tpu.memory_space<hbm>>
        %dma_wait3A_45 = arith.constant 0 : i32
        %dma_wait3A_46 = tpu.memref_slice %arg12[%add3A_38, %dma_wait3A_45] : memref<10240x128xf32, #tpu.memory_space<vmem_shared>> -> memref<128x128xf32, #tpu.memory_space<vmem_shared>>
        tpu.wait_dma2 semaphore(%run_scoped3A : memref<!tpu.dma_semaphore, #tpu.memory_space<semaphore_mem>>) src(%dma_wait3A_46 : memref<128x128xf32, #tpu.memory_space<vmem_shared>>) dst(%dma_wait3A_44 : memref<128x128xf32, #tpu.memory_space<hbm>>)
        tpu.yield
      }) : () -> ()
    }
    %scan3A_32 = arith.constant 5 : i32
    return
  }
}

#map = affine_map<(d0, d1) -> (0, 0)>
#map1 = affine_map<(d0, d1) -> (0, 0, 0)>
module attributes {stable_mosaic.version = 14 : i64} {
  func.func @_agg_body(%arg0: i32, %arg1: i32, %arg2: memref<10240x128xf32, #tpu.memory_space<hbm>>, %arg3: memref<2560x128xi32, #tpu.memory_space<hbm>>, %arg4: memref<2560x128xi32, #tpu.memory_space<hbm>>, %arg5: memref<128x128xf32, #tpu.memory_space<hbm>>, %arg6: memref<2x10240x128xf32, #tpu.memory_space<hbm>>, %arg7: memref<327680x128xf32, #tpu.memory_space<hbm>>, %arg8: memref<16x128xi32, #tpu.memory_space<vmem>>, %arg9: memref<16x128xi32, #tpu.memory_space<vmem>>, %arg10: memref<128x128xf32, #tpu.memory_space<vmem>>, %arg11: memref<128x128xf32, #tpu.memory_space<vmem>>, %arg12: memref<10240x128xf32, #tpu.memory_space<vmem_shared>>, %arg13: memref<!tpu.dma_semaphore, #tpu.memory_space<semaphore_mem>>, %arg14: memref<!tpu.dma_semaphore, #tpu.memory_space<semaphore_mem>>) attributes {dimension_semantics = [#tpu.dimension_semantics<core_parallel>, #tpu.dimension_semantics<subcore_parallel>], iteration_bounds = array<i64: 2, 16>, scalar_prefetch = 0 : i64, scratch_operands = 7 : i64, tpu.core_type = #tpu.core_type<sc_vector_subcore>, window_params = [{transform_indices = #map}, {transform_indices = #map}, {transform_indices = #map}, {transform_indices = #map}, {transform_indices = #map1}, {transform_indices = #map}]} {
    %mul3A = arith.constant 2 : i32
    %mul3A_0 = arith.muli %arg1, %mul3A : i32
    %add3A = arith.addi %mul3A_0, %arg0 : i32
    %scan3A = arith.constant 0 : i32
    %scan3A_1 = arith.constant 0 : i32
    %scan3A_2 = arith.constant 5 : i32
    %scan3A_3 = arith.addi %scan3A_1, %scan3A_2 : i32
    %scan3A_4 = arith.constant 1 : i32
    scf.for %scan3A_33 = %scan3A_1 to %scan3A_3 step %scan3A_4  : i32 {
      %mul3A_34 = arith.constant 640 : i32
      %mul3A_35 = arith.muli %arg1, %mul3A_34 : i32
      %mul3A_36 = arith.constant 128 : i32
      %mul3A_37 = arith.muli %scan3A_33, %mul3A_36 : i32
      %add3A_38 = arith.addi %mul3A_35, %mul3A_37 : i32
      "tpu.region"() ({
        %run_scoped3A = tpu.sem_alloc : memref<!tpu.dma_semaphore, #tpu.memory_space<semaphore_mem>>
        %dma_start3A = arith.constant 0 : i32
        %dma_start3A_39 = tpu.memref_slice %arg12[%add3A_38, %dma_start3A] : memref<10240x128xf32, #tpu.memory_space<vmem_shared>> -> memref<128x128xf32, #tpu.memory_space<vmem_shared>>
        %dma_start3A_40 = arith.constant 0 : i32
        %dma_start3A_41 = tpu.memref_slice %arg2[%add3A_38, %dma_start3A_40] : memref<10240x128xf32, #tpu.memory_space<hbm>> -> memref<128x128xf32, #tpu.memory_space<hbm>>
        tpu.enqueue_dma source(%dma_start3A_41 : memref<128x128xf32, #tpu.memory_space<hbm>>) target(%dma_start3A_39 : memref<128x128xf32, #tpu.memory_space<vmem_shared>>) target_semaphore(%run_scoped3A : memref<!tpu.dma_semaphore, #tpu.memory_space<semaphore_mem>>)
        %dma_wait3A = arith.constant 0 : i32
        %dma_wait3A_42 = tpu.memref_slice %arg12[%add3A_38, %dma_wait3A] : memref<10240x128xf32, #tpu.memory_space<vmem_shared>> -> memref<128x128xf32, #tpu.memory_space<vmem_shared>>
        %dma_wait3A_43 = arith.constant 0 : i32
        %dma_wait3A_44 = tpu.memref_slice %arg2[%add3A_38, %dma_wait3A_43] : memref<10240x128xf32, #tpu.memory_space<hbm>> -> memref<128x128xf32, #tpu.memory_space<hbm>>
        tpu.wait_dma2 semaphore(%run_scoped3A : memref<!tpu.dma_semaphore, #tpu.memory_space<semaphore_mem>>) src(%dma_wait3A_44 : memref<128x128xf32, #tpu.memory_space<hbm>>) dst(%dma_wait3A_42 : memref<128x128xf32, #tpu.memory_space<vmem_shared>>)
        tpu.yield
      }) : () -> ()
    }
    %scan3A_5 = arith.constant 5 : i32
    %barrier3A = arith.constant 0 : index
    tpu.barrier barrier_id(%barrier3A)
    %scan3A_6 = arith.constant 0 : i32
    %scan3A_7 = arith.constant 0 : i32
    %scan3A_8 = arith.constant 5 : i32
    %scan3A_9 = arith.addi %scan3A_7, %scan3A_8 : i32
    %scan3A_10 = arith.constant 1 : i32
    scf.for %scan3A_33 = %scan3A_7 to %scan3A_9 step %scan3A_10  : i32 {
      %mul3A_34 = arith.constant 80 : i32
      %mul3A_35 = arith.muli %add3A, %mul3A_34 : i32
      %mul3A_36 = arith.constant 16 : i32
      %mul3A_37 = arith.muli %scan3A_33, %mul3A_36 : i32
      %add3A_38 = arith.addi %mul3A_35, %mul3A_37 : i32
      "tpu.region"() ({
        %run_scoped3A = tpu.sem_alloc : memref<!tpu.dma_semaphore, #tpu.memory_space<semaphore_mem>>
        %dma_start3A_57 = arith.constant 0 : i32
        %dma_start3A_58 = tpu.memref_slice %arg3[%add3A_38, %dma_start3A_57] : memref<2560x128xi32, #tpu.memory_space<hbm>> -> memref<16x128xi32, #tpu.memory_space<hbm>>
        %dma_start3A_59 = arith.constant 0 : i32
        %dma_start3A_60 = tpu.memref_slice %arg3[%add3A_38, %dma_start3A_59] : memref<2560x128xi32, #tpu.memory_space<hbm>> -> memref<16x128xi32, #tpu.memory_space<hbm>>
        tpu.enqueue_dma source(%dma_start3A_60 : memref<16x128xi32, #tpu.memory_space<hbm>>) target(%arg8 : memref<16x128xi32, #tpu.memory_space<vmem>>) target_semaphore(%run_scoped3A : memref<!tpu.dma_semaphore, #tpu.memory_space<semaphore_mem>>)
        %dma_wait3A_61 = arith.constant 0 : i32
        %dma_wait3A_62 = tpu.memref_slice %arg3[%add3A_38, %dma_wait3A_61] : memref<2560x128xi32, #tpu.memory_space<hbm>> -> memref<16x128xi32, #tpu.memory_space<hbm>>
        %dma_wait3A_63 = arith.constant 0 : i32
        %dma_wait3A_64 = tpu.memref_slice %arg3[%add3A_38, %dma_wait3A_63] : memref<2560x128xi32, #tpu.memory_space<hbm>> -> memref<16x128xi32, #tpu.memory_space<hbm>>
        tpu.wait_dma2 semaphore(%run_scoped3A : memref<!tpu.dma_semaphore, #tpu.memory_space<semaphore_mem>>) src(%dma_wait3A_64 : memref<16x128xi32, #tpu.memory_space<hbm>>) dst(%arg8 : memref<16x128xi32, #tpu.memory_space<vmem>>)
        tpu.yield
      }) : () -> ()
      %dma_start3A = arith.constant 0 : i32
      %dma_start3A_39 = arith.constant 0 : i32
      %dma_start3A_40 = tpu.memref_slice %arg8[%dma_start3A, %dma_start3A_39] : memref<16x128xi32, #tpu.memory_space<vmem>> -> memref<1x128xi32, #tpu.memory_space<vmem>>
      %dma_start3A_41 = tpu.memref_squeeze %dma_start3A_40 : memref<1x128xi32, #tpu.memory_space<vmem>> -> memref<128xi32, #tpu.memory_space<vmem>>
      %dma_start3A_42 = arith.constant 0 : i32
      %dma_start3A_43 = arith.constant 0 : i32
      %dma_start3A_44 = tpu.memref_slice %arg12[%dma_start3A_42, %dma_start3A_43] : memref<10240x128xf32, #tpu.memory_space<vmem_shared>> -> memref<10240x128xf32, #tpu.memory_space<vmem_shared>>
      tpu.enqueue_indirect_dma source(%dma_start3A_44 : memref<10240x128xf32, #tpu.memory_space<vmem_shared>>) target(%arg10 : memref<128x128xf32, #tpu.memory_space<vmem>>) offsets(%dma_start3A_41 : memref<128xi32, #tpu.memory_space<vmem>>) semaphore(%arg13 : memref<!tpu.dma_semaphore, #tpu.memory_space<semaphore_mem>>)
      %scan3A_45 = arith.constant 0 : i32
      %scan3A_46 = arith.constant 0 : i32
      %scan3A_47 = arith.constant 8 : i32
      %scan3A_48 = arith.addi %scan3A_46, %scan3A_47 : i32
      %scan3A_49 = arith.constant 1 : i32
      scf.for %scan3A_57 = %scan3A_46 to %scan3A_48 step %scan3A_49  : i32 {
        %mul3A_58 = arith.constant 2 : i32
        %mul3A_59 = arith.muli %mul3A_58, %scan3A_57 : i32
        %add3A_60 = arith.constant 1 : i32
        %add3A_61 = arith.addi %mul3A_59, %add3A_60 : i32
        %dma_start3A_62 = arith.constant 0 : i32
        %dma_start3A_63 = tpu.memref_slice %arg8[%add3A_61, %dma_start3A_62] : memref<16x128xi32, #tpu.memory_space<vmem>> -> memref<1x128xi32, #tpu.memory_space<vmem>>
        %dma_start3A_64 = tpu.memref_squeeze %dma_start3A_63 : memref<1x128xi32, #tpu.memory_space<vmem>> -> memref<128xi32, #tpu.memory_space<vmem>>
        %dma_start3A_65 = arith.constant 0 : i32
        %dma_start3A_66 = arith.constant 0 : i32
        %dma_start3A_67 = tpu.memref_slice %arg12[%dma_start3A_65, %dma_start3A_66] : memref<10240x128xf32, #tpu.memory_space<vmem_shared>> -> memref<10240x128xf32, #tpu.memory_space<vmem_shared>>
        tpu.enqueue_indirect_dma source(%dma_start3A_67 : memref<10240x128xf32, #tpu.memory_space<vmem_shared>>) target(%arg11 : memref<128x128xf32, #tpu.memory_space<vmem>>) offsets(%dma_start3A_64 : memref<128xi32, #tpu.memory_space<vmem>>) semaphore(%arg14 : memref<!tpu.dma_semaphore, #tpu.memory_space<semaphore_mem>>)
        %dma_wait3A_68 = arith.constant 0 : i32
        %dma_wait3A_69 = tpu.memref_slice %arg8[%mul3A_59, %dma_wait3A_68] : memref<16x128xi32, #tpu.memory_space<vmem>> -> memref<1x128xi32, #tpu.memory_space<vmem>>
        %dma_wait3A_70 = tpu.memref_squeeze %dma_wait3A_69 : memref<1x128xi32, #tpu.memory_space<vmem>> -> memref<128xi32, #tpu.memory_space<vmem>>
        %dma_wait3A_71 = arith.constant 0 : i32
        %dma_wait3A_72 = arith.constant 0 : i32
        %dma_wait3A_73 = tpu.memref_slice %arg12[%dma_wait3A_71, %dma_wait3A_72] : memref<10240x128xf32, #tpu.memory_space<vmem_shared>> -> memref<10240x128xf32, #tpu.memory_space<vmem_shared>>
        tpu.wait_indirect_dma semaphore(%arg13 : memref<!tpu.dma_semaphore, #tpu.memory_space<semaphore_mem>>) src(%dma_wait3A_73 : memref<10240x128xf32, #tpu.memory_space<vmem_shared>>) dst(%arg10 : memref<128x128xf32, #tpu.memory_space<vmem>>)
        %add3A_74 = arith.addi %add3A_38, %mul3A_59 : i32
        %mul3A_75 = arith.constant 128 : i32
        %mul3A_76 = arith.muli %add3A_74, %mul3A_75 : i32
        "tpu.region"() ({
          %run_scoped3A = tpu.sem_alloc : memref<!tpu.dma_semaphore, #tpu.memory_space<semaphore_mem>>
          %dma_start3A_99 = arith.constant 0 : i32
          %dma_start3A_100 = tpu.memref_slice %arg7[%mul3A_76, %dma_start3A_99] : memref<327680x128xf32, #tpu.memory_space<hbm>> -> memref<128x128xf32, #tpu.memory_space<hbm>>
          %dma_start3A_101 = arith.constant 0 : i32
          %dma_start3A_102 = tpu.memref_slice %arg7[%mul3A_76, %dma_start3A_101] : memref<327680x128xf32, #tpu.memory_space<hbm>> -> memref<128x128xf32, #tpu.memory_space<hbm>>
          tpu.enqueue_dma source(%arg10 : memref<128x128xf32, #tpu.memory_space<vmem>>) target(%dma_start3A_102 : memref<128x128xf32, #tpu.memory_space<hbm>>) target_semaphore(%run_scoped3A : memref<!tpu.dma_semaphore, #tpu.memory_space<semaphore_mem>>)
          %dma_wait3A_103 = arith.constant 0 : i32
          %dma_wait3A_104 = tpu.memref_slice %arg7[%mul3A_76, %dma_wait3A_103] : memref<327680x128xf32, #tpu.memory_space<hbm>> -> memref<128x128xf32, #tpu.memory_space<hbm>>
          %dma_wait3A_105 = arith.constant 0 : i32
          %dma_wait3A_106 = tpu.memref_slice %arg7[%mul3A_76, %dma_wait3A_105] : memref<327680x128xf32, #tpu.memory_space<hbm>> -> memref<128x128xf32, #tpu.memory_space<hbm>>
          tpu.wait_dma2 semaphore(%run_scoped3A : memref<!tpu.dma_semaphore, #tpu.memory_space<semaphore_mem>>) src(%arg10 : memref<128x128xf32, #tpu.memory_space<vmem>>) dst(%dma_wait3A_106 : memref<128x128xf32, #tpu.memory_space<hbm>>)
          tpu.yield
        }) : () -> ()
        %add3A_77 = arith.constant 2 : i32
        %add3A_78 = arith.addi %mul3A_59, %add3A_77 : i32
        %min3A = arith.constant 15 : i32
        %min3A_79 = arith.minsi %add3A_78, %min3A : i32
        %dma_start3A_80 = arith.constant 0 : i32
        %dma_start3A_81 = tpu.memref_slice %arg8[%min3A_79, %dma_start3A_80] : memref<16x128xi32, #tpu.memory_space<vmem>> -> memref<1x128xi32, #tpu.memory_space<vmem>>
        %dma_start3A_82 = tpu.memref_squeeze %dma_start3A_81 : memref<1x128xi32, #tpu.memory_space<vmem>> -> memref<128xi32, #tpu.memory_space<vmem>>
        %dma_start3A_83 = arith.constant 0 : i32
        %dma_start3A_84 = arith.constant 0 : i32
        %dma_start3A_85 = tpu.memref_slice %arg12[%dma_start3A_83, %dma_start3A_84] : memref<10240x128xf32, #tpu.memory_space<vmem_shared>> -> memref<10240x128xf32, #tpu.memory_space<vmem_shared>>
        tpu.enqueue_indirect_dma source(%dma_start3A_85 : memref<10240x128xf32, #tpu.memory_space<vmem_shared>>) target(%arg10 : memref<128x128xf32, #tpu.memory_space<vmem>>) offsets(%dma_start3A_82 : memref<128xi32, #tpu.memory_space<vmem>>) semaphore(%arg13 : memref<!tpu.dma_semaphore, #tpu.memory_space<semaphore_mem>>)
        %add3A_86 = arith.constant 1 : i32
        %add3A_87 = arith.addi %mul3A_59, %add3A_86 : i32
        %dma_wait3A_88 = arith.constant 0 : i32
        %dma_wait3A_89 = tpu.memref_slice %arg8[%add3A_87, %dma_wait3A_88] : memref<16x128xi32, #tpu.memory_space<vmem>> -> memref<1x128xi32, #tpu.memory_space<vmem>>
        %dma_wait3A_90 = tpu.memref_squeeze %dma_wait3A_89 : memref<1x128xi32, #tpu.memory_space<vmem>> -> memref<128xi32, #tpu.memory_space<vmem>>
        %dma_wait3A_91 = arith.constant 0 : i32
        %dma_wait3A_92 = arith.constant 0 : i32
        %dma_wait3A_93 = tpu.memref_slice %arg12[%dma_wait3A_91, %dma_wait3A_92] : memref<10240x128xf32, #tpu.memory_space<vmem_shared>> -> memref<10240x128xf32, #tpu.memory_space<vmem_shared>>
        tpu.wait_indirect_dma semaphore(%arg14 : memref<!tpu.dma_semaphore, #tpu.memory_space<semaphore_mem>>) src(%dma_wait3A_93 : memref<10240x128xf32, #tpu.memory_space<vmem_shared>>) dst(%arg11 : memref<128x128xf32, #tpu.memory_space<vmem>>)
        %add3A_94 = arith.addi %add3A_38, %mul3A_59 : i32
        %add3A_95 = arith.constant 1 : i32
        %add3A_96 = arith.addi %add3A_94, %add3A_95 : i32
        %mul3A_97 = arith.constant 128 : i32
        %mul3A_98 = arith.muli %add3A_96, %mul3A_97 : i32
        "tpu.region"() ({
          %run_scoped3A = tpu.sem_alloc : memref<!tpu.dma_semaphore, #tpu.memory_space<semaphore_mem>>
          %dma_start3A_99 = arith.constant 0 : i32
          %dma_start3A_100 = tpu.memref_slice %arg7[%mul3A_98, %dma_start3A_99] : memref<327680x128xf32, #tpu.memory_space<hbm>> -> memref<128x128xf32, #tpu.memory_space<hbm>>
          %dma_start3A_101 = arith.constant 0 : i32
          %dma_start3A_102 = tpu.memref_slice %arg7[%mul3A_98, %dma_start3A_101] : memref<327680x128xf32, #tpu.memory_space<hbm>> -> memref<128x128xf32, #tpu.memory_space<hbm>>
          tpu.enqueue_dma source(%arg11 : memref<128x128xf32, #tpu.memory_space<vmem>>) target(%dma_start3A_102 : memref<128x128xf32, #tpu.memory_space<hbm>>) target_semaphore(%run_scoped3A : memref<!tpu.dma_semaphore, #tpu.memory_space<semaphore_mem>>)
          %dma_wait3A_103 = arith.constant 0 : i32
          %dma_wait3A_104 = tpu.memref_slice %arg7[%mul3A_98, %dma_wait3A_103] : memref<327680x128xf32, #tpu.memory_space<hbm>> -> memref<128x128xf32, #tpu.memory_space<hbm>>
          %dma_wait3A_105 = arith.constant 0 : i32
          %dma_wait3A_106 = tpu.memref_slice %arg7[%mul3A_98, %dma_wait3A_105] : memref<327680x128xf32, #tpu.memory_space<hbm>> -> memref<128x128xf32, #tpu.memory_space<hbm>>
          tpu.wait_dma2 semaphore(%run_scoped3A : memref<!tpu.dma_semaphore, #tpu.memory_space<semaphore_mem>>) src(%arg11 : memref<128x128xf32, #tpu.memory_space<vmem>>) dst(%dma_wait3A_106 : memref<128x128xf32, #tpu.memory_space<hbm>>)
          tpu.yield
        }) : () -> ()
      }
      %scan3A_50 = arith.constant 8 : i32
      %dma_wait3A = arith.constant 15 : i32
      %dma_wait3A_51 = arith.constant 0 : i32
      %dma_wait3A_52 = tpu.memref_slice %arg8[%dma_wait3A, %dma_wait3A_51] : memref<16x128xi32, #tpu.memory_space<vmem>> -> memref<1x128xi32, #tpu.memory_space<vmem>>
      %dma_wait3A_53 = tpu.memref_squeeze %dma_wait3A_52 : memref<1x128xi32, #tpu.memory_space<vmem>> -> memref<128xi32, #tpu.memory_space<vmem>>
      %dma_wait3A_54 = arith.constant 0 : i32
      %dma_wait3A_55 = arith.constant 0 : i32
      %dma_wait3A_56 = tpu.memref_slice %arg12[%dma_wait3A_54, %dma_wait3A_55] : memref<10240x128xf32, #tpu.memory_space<vmem_shared>> -> memref<10240x128xf32, #tpu.memory_space<vmem_shared>>
      tpu.wait_indirect_dma semaphore(%arg13 : memref<!tpu.dma_semaphore, #tpu.memory_space<semaphore_mem>>) src(%dma_wait3A_56 : memref<10240x128xf32, #tpu.memory_space<vmem_shared>>) dst(%arg10 : memref<128x128xf32, #tpu.memory_space<vmem>>)
    }
    %scan3A_11 = arith.constant 5 : i32
    %barrier3A_12 = arith.constant 0 : index
    tpu.barrier barrier_id(%barrier3A_12)
    "tpu.region"() ({
      %run_scoped3A = tpu.sem_alloc : memref<!tpu.dma_semaphore, #tpu.memory_space<semaphore_mem>>
      tpu.enqueue_dma source(%arg5 : memref<128x128xf32, #tpu.memory_space<hbm>>) target(%arg10 : memref<128x128xf32, #tpu.memory_space<vmem>>) target_semaphore(%run_scoped3A : memref<!tpu.dma_semaphore, #tpu.memory_space<semaphore_mem>>)
      tpu.wait_dma2 semaphore(%run_scoped3A : memref<!tpu.dma_semaphore, #tpu.memory_space<semaphore_mem>>) src(%arg5 : memref<128x128xf32, #tpu.memory_space<hbm>>) dst(%arg10 : memref<128x128xf32, #tpu.memory_space<vmem>>)
      tpu.yield
    }) : () -> ()
    %scan3A_13 = arith.constant 0 : i32
    %scan3A_14 = arith.constant 0 : i32
    %scan3A_15 = arith.constant 5 : i32
    %scan3A_16 = arith.addi %scan3A_14, %scan3A_15 : i32
    %scan3A_17 = arith.constant 1 : i32
    scf.for %scan3A_33 = %scan3A_14 to %scan3A_16 step %scan3A_17  : i32 {
      %mul3A_34 = arith.constant 640 : i32
      %mul3A_35 = arith.muli %arg1, %mul3A_34 : i32
      %mul3A_36 = arith.constant 128 : i32
      %mul3A_37 = arith.muli %scan3A_33, %mul3A_36 : i32
      %add3A_38 = arith.addi %mul3A_35, %mul3A_37 : i32
      "tpu.region"() ({
        %run_scoped3A = tpu.sem_alloc : memref<!tpu.dma_semaphore, #tpu.memory_space<semaphore_mem>>
        %dma_start3A = arith.constant 0 : i32
        %dma_start3A_39 = tpu.memref_slice %arg12[%add3A_38, %dma_start3A] : memref<10240x128xf32, #tpu.memory_space<vmem_shared>> -> memref<128x128xf32, #tpu.memory_space<vmem_shared>>
        %dma_start3A_40 = arith.constant 0 : i32
        %dma_start3A_41 = tpu.memref_slice %arg12[%add3A_38, %dma_start3A_40] : memref<10240x128xf32, #tpu.memory_space<vmem_shared>> -> memref<128x128xf32, #tpu.memory_space<vmem_shared>>
        tpu.enqueue_dma source(%arg10 : memref<128x128xf32, #tpu.memory_space<vmem>>) target(%dma_start3A_41 : memref<128x128xf32, #tpu.memory_space<vmem_shared>>) target_semaphore(%run_scoped3A : memref<!tpu.dma_semaphore, #tpu.memory_space<semaphore_mem>>)
        %dma_wait3A = arith.constant 0 : i32
        %dma_wait3A_42 = tpu.memref_slice %arg12[%add3A_38, %dma_wait3A] : memref<10240x128xf32, #tpu.memory_space<vmem_shared>> -> memref<128x128xf32, #tpu.memory_space<vmem_shared>>
        %dma_wait3A_43 = arith.constant 0 : i32
        %dma_wait3A_44 = tpu.memref_slice %arg12[%add3A_38, %dma_wait3A_43] : memref<10240x128xf32, #tpu.memory_space<vmem_shared>> -> memref<128x128xf32, #tpu.memory_space<vmem_shared>>
        tpu.wait_dma2 semaphore(%run_scoped3A : memref<!tpu.dma_semaphore, #tpu.memory_space<semaphore_mem>>) src(%arg10 : memref<128x128xf32, #tpu.memory_space<vmem>>) dst(%dma_wait3A_44 : memref<128x128xf32, #tpu.memory_space<vmem_shared>>)
        tpu.yield
      }) : () -> ()
    }
    %scan3A_18 = arith.constant 5 : i32
    %barrier3A_19 = arith.constant 0 : index
    tpu.barrier barrier_id(%barrier3A_19)
    %scan3A_20 = arith.constant 0 : i32
    %scan3A_21 = arith.constant 0 : i32
    %scan3A_22 = arith.constant 5 : i32
    %scan3A_23 = arith.addi %scan3A_21, %scan3A_22 : i32
    %scan3A_24 = arith.constant 1 : i32
    scf.for %scan3A_33 = %scan3A_21 to %scan3A_23 step %scan3A_24  : i32 {
      %mul3A_34 = arith.constant 80 : i32
      %mul3A_35 = arith.muli %add3A, %mul3A_34 : i32
      %mul3A_36 = arith.constant 16 : i32
      %mul3A_37 = arith.muli %scan3A_33, %mul3A_36 : i32
      %add3A_38 = arith.addi %mul3A_35, %mul3A_37 : i32
      "tpu.region"() ({
        %run_scoped3A = tpu.sem_alloc : memref<!tpu.dma_semaphore, #tpu.memory_space<semaphore_mem>>
        %dma_start3A_63 = arith.constant 0 : i32
        %dma_start3A_64 = tpu.memref_slice %arg4[%add3A_38, %dma_start3A_63] : memref<2560x128xi32, #tpu.memory_space<hbm>> -> memref<16x128xi32, #tpu.memory_space<hbm>>
        %dma_start3A_65 = arith.constant 0 : i32
        %dma_start3A_66 = tpu.memref_slice %arg4[%add3A_38, %dma_start3A_65] : memref<2560x128xi32, #tpu.memory_space<hbm>> -> memref<16x128xi32, #tpu.memory_space<hbm>>
        tpu.enqueue_dma source(%dma_start3A_66 : memref<16x128xi32, #tpu.memory_space<hbm>>) target(%arg9 : memref<16x128xi32, #tpu.memory_space<vmem>>) target_semaphore(%run_scoped3A : memref<!tpu.dma_semaphore, #tpu.memory_space<semaphore_mem>>)
        %dma_wait3A_67 = arith.constant 0 : i32
        %dma_wait3A_68 = tpu.memref_slice %arg4[%add3A_38, %dma_wait3A_67] : memref<2560x128xi32, #tpu.memory_space<hbm>> -> memref<16x128xi32, #tpu.memory_space<hbm>>
        %dma_wait3A_69 = arith.constant 0 : i32
        %dma_wait3A_70 = tpu.memref_slice %arg4[%add3A_38, %dma_wait3A_69] : memref<2560x128xi32, #tpu.memory_space<hbm>> -> memref<16x128xi32, #tpu.memory_space<hbm>>
        tpu.wait_dma2 semaphore(%run_scoped3A : memref<!tpu.dma_semaphore, #tpu.memory_space<semaphore_mem>>) src(%dma_wait3A_70 : memref<16x128xi32, #tpu.memory_space<hbm>>) dst(%arg9 : memref<16x128xi32, #tpu.memory_space<vmem>>)
        tpu.yield
      }) : () -> ()
      %mul3A_39 = arith.constant 128 : i32
      %mul3A_40 = arith.muli %add3A_38, %mul3A_39 : i32
      %dma_start3A = arith.constant 0 : i32
      %dma_start3A_41 = tpu.memref_slice %arg7[%mul3A_40, %dma_start3A] : memref<327680x128xf32, #tpu.memory_space<hbm>> -> memref<128x128xf32, #tpu.memory_space<hbm>>
      %dma_start3A_42 = arith.constant 0 : i32
      %dma_start3A_43 = tpu.memref_slice %arg7[%mul3A_40, %dma_start3A_42] : memref<327680x128xf32, #tpu.memory_space<hbm>> -> memref<128x128xf32, #tpu.memory_space<hbm>>
      tpu.enqueue_dma source(%dma_start3A_43 : memref<128x128xf32, #tpu.memory_space<hbm>>) target(%arg10 : memref<128x128xf32, #tpu.memory_space<vmem>>) target_semaphore(%arg13 : memref<!tpu.dma_semaphore, #tpu.memory_space<semaphore_mem>>)
      %scan3A_44 = arith.constant 0 : i32
      %scan3A_45 = arith.constant 0 : i32
      %scan3A_46 = arith.constant 8 : i32
      %scan3A_47 = arith.addi %scan3A_45, %scan3A_46 : i32
      %scan3A_48 = arith.constant 1 : i32
      scf.for %scan3A_63 = %scan3A_45 to %scan3A_47 step %scan3A_48  : i32 {
        %mul3A_64 = arith.constant 2 : i32
        %mul3A_65 = arith.muli %mul3A_64, %scan3A_63 : i32
        %add3A_66 = arith.addi %add3A_38, %mul3A_65 : i32
        %add3A_67 = arith.constant 1 : i32
        %add3A_68 = arith.addi %add3A_66, %add3A_67 : i32
        %mul3A_69 = arith.constant 128 : i32
        %mul3A_70 = arith.muli %add3A_68, %mul3A_69 : i32
        %dma_start3A_71 = arith.constant 0 : i32
        %dma_start3A_72 = tpu.memref_slice %arg7[%mul3A_70, %dma_start3A_71] : memref<327680x128xf32, #tpu.memory_space<hbm>> -> memref<128x128xf32, #tpu.memory_space<hbm>>
        %dma_start3A_73 = arith.constant 0 : i32
        %dma_start3A_74 = tpu.memref_slice %arg7[%mul3A_70, %dma_start3A_73] : memref<327680x128xf32, #tpu.memory_space<hbm>> -> memref<128x128xf32, #tpu.memory_space<hbm>>
        tpu.enqueue_dma source(%dma_start3A_74 : memref<128x128xf32, #tpu.memory_space<hbm>>) target(%arg11 : memref<128x128xf32, #tpu.memory_space<vmem>>) target_semaphore(%arg14 : memref<!tpu.dma_semaphore, #tpu.memory_space<semaphore_mem>>)
        %add3A_75 = arith.addi %add3A_38, %mul3A_65 : i32
        %mul3A_76 = arith.constant 128 : i32
        %mul3A_77 = arith.muli %add3A_75, %mul3A_76 : i32
        %dma_wait3A_78 = arith.constant 0 : i32
        %dma_wait3A_79 = tpu.memref_slice %arg7[%mul3A_77, %dma_wait3A_78] : memref<327680x128xf32, #tpu.memory_space<hbm>> -> memref<128x128xf32, #tpu.memory_space<hbm>>
        %dma_wait3A_80 = arith.constant 0 : i32
        %dma_wait3A_81 = tpu.memref_slice %arg7[%mul3A_77, %dma_wait3A_80] : memref<327680x128xf32, #tpu.memory_space<hbm>> -> memref<128x128xf32, #tpu.memory_space<hbm>>
        tpu.wait_dma2 semaphore(%arg13 : memref<!tpu.dma_semaphore, #tpu.memory_space<semaphore_mem>>) src(%dma_wait3A_81 : memref<128x128xf32, #tpu.memory_space<hbm>>) dst(%arg10 : memref<128x128xf32, #tpu.memory_space<vmem>>)
        "tpu.region"() ({
          %run_scoped3A = tpu.sem_alloc : memref<!tpu.dma_semaphore, #tpu.memory_space<semaphore_mem>>
          %dma_start3A_103 = arith.constant 0 : i32
          %dma_start3A_104 = tpu.memref_slice %arg9[%mul3A_65, %dma_start3A_103] : memref<16x128xi32, #tpu.memory_space<vmem>> -> memref<1x128xi32, #tpu.memory_space<vmem>>
          %dma_start3A_105 = tpu.memref_squeeze %dma_start3A_104 : memref<1x128xi32, #tpu.memory_space<vmem>> -> memref<128xi32, #tpu.memory_space<vmem>>
          %dma_start3A_106 = arith.constant 0 : i32
          %dma_start3A_107 = arith.constant 0 : i32
          %dma_start3A_108 = tpu.memref_slice %arg12[%dma_start3A_106, %dma_start3A_107] : memref<10240x128xf32, #tpu.memory_space<vmem_shared>> -> memref<10240x128xf32, #tpu.memory_space<vmem_shared>>
          tpu.enqueue_indirect_dma source(%arg10 : memref<128x128xf32, #tpu.memory_space<vmem>>) target(%dma_start3A_108 : memref<10240x128xf32, #tpu.memory_space<vmem_shared>>) offsets(%dma_start3A_105 : memref<128xi32, #tpu.memory_space<vmem>>) semaphore(%run_scoped3A : memref<!tpu.dma_semaphore, #tpu.memory_space<semaphore_mem>>) {add = true}
          %dma_wait3A_109 = arith.constant 0 : i32
          %dma_wait3A_110 = tpu.memref_slice %arg9[%mul3A_65, %dma_wait3A_109] : memref<16x128xi32, #tpu.memory_space<vmem>> -> memref<1x128xi32, #tpu.memory_space<vmem>>
          %dma_wait3A_111 = tpu.memref_squeeze %dma_wait3A_110 : memref<1x128xi32, #tpu.memory_space<vmem>> -> memref<128xi32, #tpu.memory_space<vmem>>
          %dma_wait3A_112 = arith.constant 0 : i32
          %dma_wait3A_113 = arith.constant 0 : i32
          %dma_wait3A_114 = tpu.memref_slice %arg12[%dma_wait3A_112, %dma_wait3A_113] : memref<10240x128xf32, #tpu.memory_space<vmem_shared>> -> memref<10240x128xf32, #tpu.memory_space<vmem_shared>>
          tpu.wait_indirect_dma semaphore(%run_scoped3A : memref<!tpu.dma_semaphore, #tpu.memory_space<semaphore_mem>>) src(%arg10 : memref<128x128xf32, #tpu.memory_space<vmem>>) dst(%dma_wait3A_114 : memref<10240x128xf32, #tpu.memory_space<vmem_shared>>)
          tpu.yield
        }) : () -> ()
        %add3A_82 = arith.constant 2 : i32
        %add3A_83 = arith.addi %mul3A_65, %add3A_82 : i32
        %min3A = arith.constant 15 : i32
        %min3A_84 = arith.minsi %add3A_83, %min3A : i32
        %add3A_85 = arith.addi %add3A_38, %min3A_84 : i32
        %mul3A_86 = arith.constant 128 : i32
        %mul3A_87 = arith.muli %add3A_85, %mul3A_86 : i32
        %dma_start3A_88 = arith.constant 0 : i32
        %dma_start3A_89 = tpu.memref_slice %arg7[%mul3A_87, %dma_start3A_88] : memref<327680x128xf32, #tpu.memory_space<hbm>> -> memref<128x128xf32, #tpu.memory_space<hbm>>
        %dma_start3A_90 = arith.constant 0 : i32
        %dma_start3A_91 = tpu.memref_slice %arg7[%mul3A_87, %dma_start3A_90] : memref<327680x128xf32, #tpu.memory_space<hbm>> -> memref<128x128xf32, #tpu.memory_space<hbm>>
        tpu.enqueue_dma source(%dma_start3A_91 : memref<128x128xf32, #tpu.memory_space<hbm>>) target(%arg10 : memref<128x128xf32, #tpu.memory_space<vmem>>) target_semaphore(%arg13 : memref<!tpu.dma_semaphore, #tpu.memory_space<semaphore_mem>>)
        %add3A_92 = arith.addi %add3A_38, %mul3A_65 : i32
        %add3A_93 = arith.constant 1 : i32
        %add3A_94 = arith.addi %add3A_92, %add3A_93 : i32
        %mul3A_95 = arith.constant 128 : i32
        %mul3A_96 = arith.muli %add3A_94, %mul3A_95 : i32
        %dma_wait3A_97 = arith.constant 0 : i32
        %dma_wait3A_98 = tpu.memref_slice %arg7[%mul3A_96, %dma_wait3A_97] : memref<327680x128xf32, #tpu.memory_space<hbm>> -> memref<128x128xf32, #tpu.memory_space<hbm>>
        %dma_wait3A_99 = arith.constant 0 : i32
        %dma_wait3A_100 = tpu.memref_slice %arg7[%mul3A_96, %dma_wait3A_99] : memref<327680x128xf32, #tpu.memory_space<hbm>> -> memref<128x128xf32, #tpu.memory_space<hbm>>
        tpu.wait_dma2 semaphore(%arg14 : memref<!tpu.dma_semaphore, #tpu.memory_space<semaphore_mem>>) src(%dma_wait3A_100 : memref<128x128xf32, #tpu.memory_space<hbm>>) dst(%arg11 : memref<128x128xf32, #tpu.memory_space<vmem>>)
        %add3A_101 = arith.constant 1 : i32
        %add3A_102 = arith.addi %mul3A_65, %add3A_101 : i32
        "tpu.region"() ({
          %run_scoped3A = tpu.sem_alloc : memref<!tpu.dma_semaphore, #tpu.memory_space<semaphore_mem>>
          %dma_start3A_103 = arith.constant 0 : i32
          %dma_start3A_104 = tpu.memref_slice %arg9[%add3A_102, %dma_start3A_103] : memref<16x128xi32, #tpu.memory_space<vmem>> -> memref<1x128xi32, #tpu.memory_space<vmem>>
          %dma_start3A_105 = tpu.memref_squeeze %dma_start3A_104 : memref<1x128xi32, #tpu.memory_space<vmem>> -> memref<128xi32, #tpu.memory_space<vmem>>
          %dma_start3A_106 = arith.constant 0 : i32
          %dma_start3A_107 = arith.constant 0 : i32
          %dma_start3A_108 = tpu.memref_slice %arg12[%dma_start3A_106, %dma_start3A_107] : memref<10240x128xf32, #tpu.memory_space<vmem_shared>> -> memref<10240x128xf32, #tpu.memory_space<vmem_shared>>
          tpu.enqueue_indirect_dma source(%arg11 : memref<128x128xf32, #tpu.memory_space<vmem>>) target(%dma_start3A_108 : memref<10240x128xf32, #tpu.memory_space<vmem_shared>>) offsets(%dma_start3A_105 : memref<128xi32, #tpu.memory_space<vmem>>) semaphore(%run_scoped3A : memref<!tpu.dma_semaphore, #tpu.memory_space<semaphore_mem>>) {add = true}
          %dma_wait3A_109 = arith.constant 0 : i32
          %dma_wait3A_110 = tpu.memref_slice %arg9[%add3A_102, %dma_wait3A_109] : memref<16x128xi32, #tpu.memory_space<vmem>> -> memref<1x128xi32, #tpu.memory_space<vmem>>
          %dma_wait3A_111 = tpu.memref_squeeze %dma_wait3A_110 : memref<1x128xi32, #tpu.memory_space<vmem>> -> memref<128xi32, #tpu.memory_space<vmem>>
          %dma_wait3A_112 = arith.constant 0 : i32
          %dma_wait3A_113 = arith.constant 0 : i32
          %dma_wait3A_114 = tpu.memref_slice %arg12[%dma_wait3A_112, %dma_wait3A_113] : memref<10240x128xf32, #tpu.memory_space<vmem_shared>> -> memref<10240x128xf32, #tpu.memory_space<vmem_shared>>
          tpu.wait_indirect_dma semaphore(%run_scoped3A : memref<!tpu.dma_semaphore, #tpu.memory_space<semaphore_mem>>) src(%arg11 : memref<128x128xf32, #tpu.memory_space<vmem>>) dst(%dma_wait3A_114 : memref<10240x128xf32, #tpu.memory_space<vmem_shared>>)
          tpu.yield
        }) : () -> ()
      }
      %scan3A_49 = arith.constant 8 : i32
      %mul3A_50 = arith.constant 80 : i32
      %mul3A_51 = arith.muli %add3A, %mul3A_50 : i32
      %mul3A_52 = arith.constant 16 : i32
      %mul3A_53 = arith.muli %scan3A_33, %mul3A_52 : i32
      %add3A_54 = arith.addi %mul3A_51, %mul3A_53 : i32
      %add3A_55 = arith.constant 16 : i32
      %add3A_56 = arith.addi %add3A_54, %add3A_55 : i32
      %sub3A = arith.constant 1 : i32
      %sub3A_57 = arith.subi %add3A_56, %sub3A : i32
      %mul3A_58 = arith.constant 128 : i32
      %mul3A_59 = arith.muli %sub3A_57, %mul3A_58 : i32
      %dma_wait3A = arith.constant 0 : i32
      %dma_wait3A_60 = tpu.memref_slice %arg7[%mul3A_59, %dma_wait3A] : memref<327680x128xf32, #tpu.memory_space<hbm>> -> memref<128x128xf32, #tpu.memory_space<hbm>>
      %dma_wait3A_61 = arith.constant 0 : i32
      %dma_wait3A_62 = tpu.memref_slice %arg7[%mul3A_59, %dma_wait3A_61] : memref<327680x128xf32, #tpu.memory_space<hbm>> -> memref<128x128xf32, #tpu.memory_space<hbm>>
      tpu.wait_dma2 semaphore(%arg13 : memref<!tpu.dma_semaphore, #tpu.memory_space<semaphore_mem>>) src(%dma_wait3A_62 : memref<128x128xf32, #tpu.memory_space<hbm>>) dst(%arg10 : memref<128x128xf32, #tpu.memory_space<vmem>>)
    }
    %scan3A_25 = arith.constant 5 : i32
    %barrier3A_26 = arith.constant 0 : index
    tpu.barrier barrier_id(%barrier3A_26)
    %scan3A_27 = arith.constant 0 : i32
    %scan3A_28 = arith.constant 0 : i32
    %scan3A_29 = arith.constant 5 : i32
    %scan3A_30 = arith.addi %scan3A_28, %scan3A_29 : i32
    %scan3A_31 = arith.constant 1 : i32
    scf.for %scan3A_33 = %scan3A_28 to %scan3A_30 step %scan3A_31  : i32 {
      %mul3A_34 = arith.constant 640 : i32
      %mul3A_35 = arith.muli %arg1, %mul3A_34 : i32
      %mul3A_36 = arith.constant 128 : i32
      %mul3A_37 = arith.muli %scan3A_33, %mul3A_36 : i32
      %add3A_38 = arith.addi %mul3A_35, %mul3A_37 : i32
      "tpu.region"() ({
        %run_scoped3A = tpu.sem_alloc : memref<!tpu.dma_semaphore, #tpu.memory_space<semaphore_mem>>
        %dma_start3A = arith.constant 0 : i32
        %dma_start3A_39 = tpu.memref_slice %arg6[%arg0, %add3A_38, %dma_start3A] : memref<2x10240x128xf32, #tpu.memory_space<hbm>> -> memref<1x128x128xf32, #tpu.memory_space<hbm>>
        %dma_start3A_40 = tpu.memref_squeeze %dma_start3A_39 : memref<1x128x128xf32, #tpu.memory_space<hbm>> -> memref<128x128xf32, #tpu.memory_space<hbm>>
        %dma_start3A_41 = arith.constant 0 : i32
        %dma_start3A_42 = tpu.memref_slice %arg12[%add3A_38, %dma_start3A_41] : memref<10240x128xf32, #tpu.memory_space<vmem_shared>> -> memref<128x128xf32, #tpu.memory_space<vmem_shared>>
        tpu.enqueue_dma source(%dma_start3A_42 : memref<128x128xf32, #tpu.memory_space<vmem_shared>>) target(%dma_start3A_40 : memref<128x128xf32, #tpu.memory_space<hbm>>) target_semaphore(%run_scoped3A : memref<!tpu.dma_semaphore, #tpu.memory_space<semaphore_mem>>)
        %dma_wait3A = arith.constant 0 : i32
        %dma_wait3A_43 = tpu.memref_slice %arg6[%arg0, %add3A_38, %dma_wait3A] : memref<2x10240x128xf32, #tpu.memory_space<hbm>> -> memref<1x128x128xf32, #tpu.memory_space<hbm>>
        %dma_wait3A_44 = tpu.memref_squeeze %dma_wait3A_43 : memref<1x128x128xf32, #tpu.memory_space<hbm>> -> memref<128x128xf32, #tpu.memory_space<hbm>>
        %dma_wait3A_45 = arith.constant 0 : i32
        %dma_wait3A_46 = tpu.memref_slice %arg12[%add3A_38, %dma_wait3A_45] : memref<10240x128xf32, #tpu.memory_space<vmem_shared>> -> memref<128x128xf32, #tpu.memory_space<vmem_shared>>
        tpu.wait_dma2 semaphore(%run_scoped3A : memref<!tpu.dma_semaphore, #tpu.memory_space<semaphore_mem>>) src(%dma_wait3A_46 : memref<128x128xf32, #tpu.memory_space<vmem_shared>>) dst(%dma_wait3A_44 : memref<128x128xf32, #tpu.memory_space<hbm>>)
        tpu.yield
      }) : () -> ()
    }
    %scan3A_32 = arith.constant 5 : i32
    return
  }
}

module attributes {stable_mosaic.version = 14 : i64} {
  func.func @_rs_body(%arg0: memref<80x128xf32, #tpu.memory_space<vmem>>, %arg1: memref<80x128xf32, #tpu.memory_space<vmem>>, %arg2: memref<80x128xf32, #tpu.memory_space<vmem>>) attributes {dimension_semantics = [], scalar_prefetch = 0 : i64, scratch_operands = 0 : i64, tpu.core_type = #tpu.core_type<tc>} {
    %get3A = arith.constant 0 : index
    %get3A_0 = arith.constant 0 : index
    %get3A_1 = vector.load %arg0[%get3A, %get3A_0] : memref<80x128xf32, #tpu.memory_space<vmem>>, vector<80x128xf32>
    %get3A_2 = arith.constant 0 : index
    %get3A_3 = arith.constant 0 : index
    %get3A_4 = vector.load %arg1[%get3A_2, %get3A_3] : memref<80x128xf32, #tpu.memory_space<vmem>>, vector<80x128xf32>
    %add3A = arith.addf %get3A_1, %get3A_4 : vector<80x128xf32>
    %max3A = arith.constant 1.000000e+00 : f32
    %max3A_5 = vector.broadcast %max3A : f32 to vector<80x128xf32>
    %max3A_6 = arith.maximumf %add3A, %max3A_5 : vector<80x128xf32>
    %rsqrt3A = math.rsqrt %max3A_6 : vector<80x128xf32>
    %swap3A = arith.constant 0 : index
    %swap3A_7 = arith.constant 0 : index
    %swap3A_8 = vector.load %arg2[%swap3A, %swap3A_7] : memref<80x128xf32, #tpu.memory_space<vmem>>, vector<80x128xf32>
    tpu.vector_store %arg2[%swap3A, %swap3A_7], %rsqrt3A {strides = array<i32>} : memref<80x128xf32, #tpu.memory_space<vmem>>, vector<80x128xf32>,
    return
  }
}

module attributes {stable_mosaic.version = 14 : i64} {
  func.func @_embed_body(%arg0: i32, %arg1: memref<1024x128xf32, #tpu.memory_space<vmem>>, %arg2: memref<128x128xf32, #tpu.memory_space<vmem>>, %arg3: memref<1x128xf32, #tpu.memory_space<vmem>>, %arg4: memref<1024x128xf32, #tpu.memory_space<vmem>>, %arg5: memref<1024x128xf32, #tpu.memory_space<vmem>>, %arg6: memref<1024x128xf32, #tpu.memory_space<vmem>>) attributes {dimension_semantics = [#tpu.dimension_semantics<arbitrary>], iteration_bounds = array<i64: 10>, scalar_prefetch = 0 : i64, scratch_operands = 0 : i64, tpu.core_type = #tpu.core_type<tc>, window_params = [{transform_indices = @transform_0, window_bounds = array<i64: 1024, 128>}, {pipeline_mode = #tpu.pipeline_mode<synchronous>, transform_indices = @transform_1, window_bounds = array<i64: 128, 128>}, {pipeline_mode = #tpu.pipeline_mode<synchronous>, transform_indices = @transform_2, window_bounds = array<i64: 1, 128>}, {transform_indices = @transform_3, window_bounds = array<i64: 1024, 128>}, {transform_indices = @transform_4, window_bounds = array<i64: 1024, 128>}, {transform_indices = @transform_5, window_bounds = array<i64: 1024, 128>}]} {
    %get3A = arith.constant 0 : index
    %get3A_0 = arith.constant 0 : index
    %get3A_1 = vector.load %arg1[%get3A, %get3A_0] : memref<1024x128xf32, #tpu.memory_space<vmem>>, vector<1024x128xf32>
    %get3A_2 = arith.constant 0 : index
    %get3A_3 = arith.constant 0 : index
    %get3A_4 = vector.load %arg2[%get3A_2, %get3A_3] : memref<128x128xf32, #tpu.memory_space<vmem>>, vector<128x128xf32>
    %dot_general3A = arith.constant dense<0.000000e+00> : vector<1024x128xf32>
    %dot_general3A_5 = tpu.matmul %get3A_1, %get3A_4, %dot_general3A {dimension_numbers = #tpu.dot_dimension_numbers<[1], [0], [0], [1], [0, 0, 1, 1], [], []>, transpose_lhs_hint = false} : vector<1024x128xf32>, vector<128x128xf32>, vector<1024x128xf32> -> vector<1024x128xf32>
    %get3A_6 = arith.constant 0 : index
    %get3A_7 = arith.constant 0 : index
    %get3A_8 = vector.load %arg3[%get3A_6, %get3A_7] : memref<1x128xf32, #tpu.memory_space<vmem>>, vector<1x128xf32>
    %add3A = vector.broadcast %get3A_8 : vector<1x128xf32> to vector<1024x128xf32>
    %add3A_9 = arith.addf %dot_general3A_5, %add3A : vector<1024x128xf32>
    %swap3A = arith.constant 0 : index
    %swap3A_10 = arith.constant 0 : index
    %swap3A_11 = vector.load %arg5[%swap3A, %swap3A_10] : memref<1024x128xf32, #tpu.memory_space<vmem>>, vector<1024x128xf32>
    tpu.vector_store %arg5[%swap3A, %swap3A_10], %add3A_9 {strides = array<i32>} : memref<1024x128xf32, #tpu.memory_space<vmem>>, vector<1024x128xf32>,
    %get3A_12 = arith.constant 0 : index
    %get3A_13 = arith.constant 0 : index
    %get3A_14 = vector.load %arg4[%get3A_12, %get3A_13] : memref<1024x128xf32, #tpu.memory_space<vmem>>, vector<1024x128xf32>
    %mul3A = arith.mulf %add3A_9, %get3A_14 : vector<1024x128xf32>
    %swap3A_15 = arith.constant 0 : index
    %swap3A_16 = arith.constant 0 : index
    %swap3A_17 = vector.load %arg6[%swap3A_15, %swap3A_16] : memref<1024x128xf32, #tpu.memory_space<vmem>>, vector<1024x128xf32>
    tpu.vector_store %arg6[%swap3A_15, %swap3A_16], %mul3A {strides = array<i32>} : memref<1024x128xf32, #tpu.memory_space<vmem>>, vector<1024x128xf32>,
    return
  }
  func.func @transform_0(%arg0: i32) -> (i32, i32) {
    %c0_i32 = arith.constant 0 : i32
    %c0_i32_0 = arith.constant 0 : i32
    return %arg0, %c0_i32 : i32, i32
  }
  func.func @transform_1(%arg0: i32) -> (i32, i32) {
    %c0_i32 = arith.constant 0 : i32
    %c0_i32_0 = arith.constant 0 : i32
    %c0_i32_1 = arith.constant 0 : i32
    return %c0_i32, %c0_i32_0 : i32, i32
  }
  func.func @transform_2(%arg0: i32) -> (i32, i32) {
    %c0_i32 = arith.constant 0 : i32
    %c0_i32_0 = arith.constant 0 : i32
    %c0_i32_1 = arith.constant 0 : i32
    return %c0_i32, %c0_i32_0 : i32, i32
  }
  func.func @transform_3(%arg0: i32) -> (i32, i32) {
    %c0_i32 = arith.constant 0 : i32
    %c0_i32_0 = arith.constant 0 : i32
    return %arg0, %c0_i32 : i32, i32
  }
  func.func @transform_4(%arg0: i32) -> (i32, i32) {
    %c0_i32 = arith.constant 0 : i32
    %c0_i32_0 = arith.constant 0 : i32
    return %arg0, %c0_i32 : i32, i32
  }
  func.func @transform_5(%arg0: i32) -> (i32, i32) {
    %c0_i32 = arith.constant 0 : i32
    %c0_i32_0 = arith.constant 0 : i32
    return %arg0, %c0_i32 : i32, i32
  }
}

module attributes {stable_mosaic.version = 14 : i64} {
  func.func @_upd_body(%arg0: i32, %arg1: memref<1024x128xf32, #tpu.memory_space<vmem>>, %arg2: memref<1024x128xf32, #tpu.memory_space<vmem>>, %arg3: memref<1024x128xf32, #tpu.memory_space<vmem>>, %arg4: memref<1024x128xf32, #tpu.memory_space<vmem>>, %arg5: memref<128x128xf32, #tpu.memory_space<vmem>>, %arg6: memref<1x128xf32, #tpu.memory_space<vmem>>, %arg7: memref<1x128xf32, #tpu.memory_space<vmem>>, %arg8: memref<1x128xf32, #tpu.memory_space<vmem>>, %arg9: memref<1024x128xf32, #tpu.memory_space<vmem>>, %arg10: memref<1024x128xf32, #tpu.memory_space<vmem>>) attributes {dimension_semantics = [#tpu.dimension_semantics<arbitrary>], iteration_bounds = array<i64: 10>, scalar_prefetch = 0 : i64, scratch_operands = 0 : i64, tpu.core_type = #tpu.core_type<tc>, window_params = [{transform_indices = @transform_0, window_bounds = array<i64: 1024, 128>}, {transform_indices = @transform_1, window_bounds = array<i64: 1024, 128>}, {transform_indices = @transform_2, window_bounds = array<i64: 1024, 128>}, {transform_indices = @transform_3, window_bounds = array<i64: 1024, 128>}, {pipeline_mode = #tpu.pipeline_mode<synchronous>, transform_indices = @transform_4, window_bounds = array<i64: 128, 128>}, {pipeline_mode = #tpu.pipeline_mode<synchronous>, transform_indices = @transform_5, window_bounds = array<i64: 1, 128>}, {pipeline_mode = #tpu.pipeline_mode<synchronous>, transform_indices = @transform_6, window_bounds = array<i64: 1, 128>}, {pipeline_mode = #tpu.pipeline_mode<synchronous>, transform_indices = @transform_7, window_bounds = array<i64: 1, 128>}, {transform_indices = @transform_8, window_bounds = array<i64: 1024, 128>}, {transform_indices = @transform_9, window_bounds = array<i64: 1024, 128>}]} {
    %get3A = arith.constant 0 : index
    %get3A_0 = arith.constant 0 : index
    %get3A_1 = vector.load %arg1[%get3A, %get3A_0] : memref<1024x128xf32, #tpu.memory_space<vmem>>, vector<1024x128xf32>
    %get3A_2 = arith.constant 0 : index
    %get3A_3 = arith.constant 0 : index
    %get3A_4 = vector.load %arg2[%get3A_2, %get3A_3] : memref<1024x128xf32, #tpu.memory_space<vmem>>, vector<1024x128xf32>
    %add3A = arith.addf %get3A_1, %get3A_4 : vector<1024x128xf32>
    %get3A_5 = arith.constant 0 : index
    %get3A_6 = arith.constant 0 : index
    %get3A_7 = vector.load %arg3[%get3A_5, %get3A_6] : memref<1024x128xf32, #tpu.memory_space<vmem>>, vector<1024x128xf32>
    %mul3A = arith.mulf %add3A, %get3A_7 : vector<1024x128xf32>
    %get3A_8 = arith.constant 0 : index
    %get3A_9 = arith.constant 0 : index
    %get3A_10 = vector.load %arg5[%get3A_8, %get3A_9] : memref<128x128xf32, #tpu.memory_space<vmem>>, vector<128x128xf32>
    %dot_general3A = arith.constant dense<0.000000e+00> : vector<1024x128xf32>
    %dot_general3A_11 = tpu.matmul %mul3A, %get3A_10, %dot_general3A {dimension_numbers = #tpu.dot_dimension_numbers<[1], [0], [0], [1], [0, 0, 1, 1], [], []>, transpose_lhs_hint = false} : vector<1024x128xf32>, vector<128x128xf32>, vector<1024x128xf32> -> vector<1024x128xf32>
    %get3A_12 = arith.constant 0 : index
    %get3A_13 = arith.constant 0 : index
    %get3A_14 = vector.load %arg6[%get3A_12, %get3A_13] : memref<1x128xf32, #tpu.memory_space<vmem>>, vector<1x128xf32>
    %add3A_15 = vector.broadcast %get3A_14 : vector<1x128xf32> to vector<1024x128xf32>
    %add3A_16 = arith.addf %dot_general3A_11, %add3A_15 : vector<1024x128xf32>
    %max3A = arith.constant 0.000000e+00 : f32
    %max3A_17 = vector.broadcast %max3A : f32 to vector<1024x128xf32>
    %max3A_18 = arith.maximumf %add3A_16, %max3A_17 : vector<1024x128xf32>
    %get3A_19 = arith.constant 0 : index
    %get3A_20 = arith.constant 0 : index
    %get3A_21 = vector.load %arg4[%get3A_19, %get3A_20] : memref<1024x128xf32, #tpu.memory_space<vmem>>, vector<1024x128xf32>
    %add3A_22 = arith.addf %get3A_21, %max3A_18 : vector<1024x128xf32>
    %reduce_sum3A = arith.constant dense<0.000000e+00> : vector<1024xf32>
    %reduce_sum3A_23 = vector.multi_reduction <add>, %add3A_22, %reduce_sum3A [1] : vector<1024x128xf32> to vector<1024xf32>
    %broadcast_in_dim3A = vector.shape_cast %reduce_sum3A_23 : vector<1024xf32> to vector<1024x1xf32>
    %div3A = arith.constant 1.280000e+02 : f32
    %div3A_24 = vector.broadcast %div3A : f32 to vector<1024x1xf32>
    %div3A_25 = arith.divf %broadcast_in_dim3A, %div3A_24 : vector<1024x1xf32>
    %sub3A = vector.broadcast %div3A_25 : vector<1024x1xf32> to vector<1024x128xf32>
    %sub3A_26 = arith.subf %add3A_22, %sub3A : vector<1024x128xf32>
    %mul3A_27 = arith.mulf %sub3A_26, %sub3A_26 : vector<1024x128xf32>
    %reduce_sum3A_28 = arith.constant dense<0.000000e+00> : vector<1024xf32>
    %reduce_sum3A_29 = vector.multi_reduction <add>, %mul3A_27, %reduce_sum3A_28 [1] : vector<1024x128xf32> to vector<1024xf32>
    %broadcast_in_dim3A_30 = vector.shape_cast %reduce_sum3A_29 : vector<1024xf32> to vector<1024x1xf32>
    %div3A_31 = arith.constant 1.280000e+02 : f32
    %div3A_32 = vector.broadcast %div3A_31 : f32 to vector<1024x1xf32>
    %div3A_33 = arith.divf %broadcast_in_dim3A_30, %div3A_32 : vector<1024x1xf32>
    %add3A_34 = arith.constant 9.99999974E-6 : f32
    %add3A_35 = vector.broadcast %add3A_34 : f32 to vector<1024x1xf32>
    %add3A_36 = arith.addf %div3A_33, %add3A_35 : vector<1024x1xf32>
    %rsqrt3A = math.rsqrt %add3A_36 : vector<1024x1xf32>
    %mul3A_37 = vector.broadcast %rsqrt3A : vector<1024x1xf32> to vector<1024x128xf32>
    %mul3A_38 = arith.mulf %sub3A_26, %mul3A_37 : vector<1024x128xf32>
    %get3A_39 = arith.constant 0 : index
    %get3A_40 = arith.constant 0 : index
    %get3A_41 = vector.load %arg7[%get3A_39, %get3A_40] : memref<1x128xf32, #tpu.memory_space<vmem>>, vector<1x128xf32>
    %mul3A_42 = vector.broadcast %get3A_41 : vector<1x128xf32> to vector<1024x128xf32>
    %mul3A_43 = arith.mulf %mul3A_38, %mul3A_42 : vector<1024x128xf32>
    %get3A_44 = arith.constant 0 : index
    %get3A_45 = arith.constant 0 : index
    %get3A_46 = vector.load %arg8[%get3A_44, %get3A_45] : memref<1x128xf32, #tpu.memory_space<vmem>>, vector<1x128xf32>
    %add3A_47 = vector.broadcast %get3A_46 : vector<1x128xf32> to vector<1024x128xf32>
    %add3A_48 = arith.addf %mul3A_43, %add3A_47 : vector<1024x128xf32>
    %swap3A = arith.constant 0 : index
    %swap3A_49 = arith.constant 0 : index
    %swap3A_50 = vector.load %arg9[%swap3A, %swap3A_49] : memref<1024x128xf32, #tpu.memory_space<vmem>>, vector<1024x128xf32>
    tpu.vector_store %arg9[%swap3A, %swap3A_49], %add3A_48 {strides = array<i32>} : memref<1024x128xf32, #tpu.memory_space<vmem>>, vector<1024x128xf32>,
    %get3A_51 = arith.constant 0 : index
    %get3A_52 = arith.constant 0 : index
    %get3A_53 = vector.load %arg3[%get3A_51, %get3A_52] : memref<1024x128xf32, #tpu.memory_space<vmem>>, vector<1024x128xf32>
    %mul3A_54 = arith.mulf %add3A_48, %get3A_53 : vector<1024x128xf32>
    %swap3A_55 = arith.constant 0 : index
    %swap3A_56 = arith.constant 0 : index
    %swap3A_57 = vector.load %arg10[%swap3A_55, %swap3A_56] : memref<1024x128xf32, #tpu.memory_space<vmem>>, vector<1024x128xf32>
    tpu.vector_store %arg10[%swap3A_55, %swap3A_56], %mul3A_54 {strides = array<i32>} : memref<1024x128xf32, #tpu.memory_space<vmem>>, vector<1024x128xf32>,
    return
  }
  func.func @transform_0(%arg0: i32) -> (i32, i32) {
    %c0_i32 = arith.constant 0 : i32
    %c0_i32_0 = arith.constant 0 : i32
    return %arg0, %c0_i32 : i32, i32
  }
  func.func @transform_1(%arg0: i32) -> (i32, i32) {
    %c0_i32 = arith.constant 0 : i32
    %c0_i32_0 = arith.constant 0 : i32
    return %arg0, %c0_i32 : i32, i32
  }
  func.func @transform_2(%arg0: i32) -> (i32, i32) {
    %c0_i32 = arith.constant 0 : i32
    %c0_i32_0 = arith.constant 0 : i32
    return %arg0, %c0_i32 : i32, i32
  }
  func.func @transform_3(%arg0: i32) -> (i32, i32) {
    %c0_i32 = arith.constant 0 : i32
    %c0_i32_0 = arith.constant 0 : i32
    return %arg0, %c0_i32 : i32, i32
  }
  func.func @transform_4(%arg0: i32) -> (i32, i32) {
    %c0_i32 = arith.constant 0 : i32
    %c0_i32_0 = arith.constant 0 : i32
    %c0_i32_1 = arith.constant 0 : i32
    return %c0_i32, %c0_i32_0 : i32, i32
  }
  func.func @transform_5(%arg0: i32) -> (i32, i32) {
    %c0_i32 = arith.constant 0 : i32
    %c0_i32_0 = arith.constant 0 : i32
    %c0_i32_1 = arith.constant 0 : i32
    return %c0_i32, %c0_i32_0 : i32, i32
  }
  func.func @transform_6(%arg0: i32) -> (i32, i32) {
    %c0_i32 = arith.constant 0 : i32
    %c0_i32_0 = arith.constant 0 : i32
    %c0_i32_1 = arith.constant 0 : i32
    return %c0_i32, %c0_i32_0 : i32, i32
  }
  func.func @transform_7(%arg0: i32) -> (i32, i32) {
    %c0_i32 = arith.constant 0 : i32
    %c0_i32_0 = arith.constant 0 : i32
    %c0_i32_1 = arith.constant 0 : i32
    return %c0_i32, %c0_i32_0 : i32, i32
  }
  func.func @transform_8(%arg0: i32) -> (i32, i32) {
    %c0_i32 = arith.constant 0 : i32
    %c0_i32_0 = arith.constant 0 : i32
    return %arg0, %c0_i32 : i32, i32
  }
  func.func @transform_9(%arg0: i32) -> (i32, i32) {
    %c0_i32 = arith.constant 0 : i32
    %c0_i32_0 = arith.constant 0 : i32
    return %arg0, %c0_i32 : i32, i32
  }
}

module attributes {stable_mosaic.version = 14 : i64} {
  func.func @_fin_body(%arg0: i32, %arg1: memref<1024x128xf32, #tpu.memory_space<vmem>>, %arg2: memref<1024x128xf32, #tpu.memory_space<vmem>>, %arg3: memref<1024x128xf32, #tpu.memory_space<vmem>>, %arg4: memref<1024x128xf32, #tpu.memory_space<vmem>>, %arg5: memref<128x128xf32, #tpu.memory_space<vmem>>, %arg6: memref<1x128xf32, #tpu.memory_space<vmem>>, %arg7: memref<1x128xf32, #tpu.memory_space<vmem>>, %arg8: memref<1x128xf32, #tpu.memory_space<vmem>>, %arg9: memref<128x128xf32, #tpu.memory_space<vmem>>, %arg10: memref<1x128xf32, #tpu.memory_space<vmem>>, %arg11: memref<1024x128xf32, #tpu.memory_space<vmem>>, %arg12: memref<1024x128xf32, #tpu.memory_space<vmem>>) attributes {dimension_semantics = [#tpu.dimension_semantics<arbitrary>], iteration_bounds = array<i64: 10>, scalar_prefetch = 0 : i64, scratch_operands = 0 : i64, tpu.core_type = #tpu.core_type<tc>, window_params = [{transform_indices = @transform_0, window_bounds = array<i64: 1024, 128>}, {transform_indices = @transform_1, window_bounds = array<i64: 1024, 128>}, {transform_indices = @transform_2, window_bounds = array<i64: 1024, 128>}, {transform_indices = @transform_3, window_bounds = array<i64: 1024, 128>}, {pipeline_mode = #tpu.pipeline_mode<synchronous>, transform_indices = @transform_4, window_bounds = array<i64: 128, 128>}, {pipeline_mode = #tpu.pipeline_mode<synchronous>, transform_indices = @transform_5, window_bounds = array<i64: 1, 128>}, {pipeline_mode = #tpu.pipeline_mode<synchronous>, transform_indices = @transform_6, window_bounds = array<i64: 1, 128>}, {pipeline_mode = #tpu.pipeline_mode<synchronous>, transform_indices = @transform_7, window_bounds = array<i64: 1, 128>}, {pipeline_mode = #tpu.pipeline_mode<synchronous>, transform_indices = @transform_8, window_bounds = array<i64: 128, 128>}, {pipeline_mode = #tpu.pipeline_mode<synchronous>, transform_indices = @transform_9, window_bounds = array<i64: 1, 128>}, {transform_indices = @transform_10, window_bounds = array<i64: 1024, 128>}, {transform_indices = @transform_11, window_bounds = array<i64: 1024, 128>}]} {
    %get3A = arith.constant 0 : index
    %get3A_0 = arith.constant 0 : index
    %get3A_1 = vector.load %arg1[%get3A, %get3A_0] : memref<1024x128xf32, #tpu.memory_space<vmem>>, vector<1024x128xf32>
    %get3A_2 = arith.constant 0 : index
    %get3A_3 = arith.constant 0 : index
    %get3A_4 = vector.load %arg2[%get3A_2, %get3A_3] : memref<1024x128xf32, #tpu.memory_space<vmem>>, vector<1024x128xf32>
    %add3A = arith.addf %get3A_1, %get3A_4 : vector<1024x128xf32>
    %get3A_5 = arith.constant 0 : index
    %get3A_6 = arith.constant 0 : index
    %get3A_7 = vector.load %arg3[%get3A_5, %get3A_6] : memref<1024x128xf32, #tpu.memory_space<vmem>>, vector<1024x128xf32>
    %mul3A = arith.mulf %add3A, %get3A_7 : vector<1024x128xf32>
    %get3A_8 = arith.constant 0 : index
    %get3A_9 = arith.constant 0 : index
    %get3A_10 = vector.load %arg5[%get3A_8, %get3A_9] : memref<128x128xf32, #tpu.memory_space<vmem>>, vector<128x128xf32>
    %dot_general3A = arith.constant dense<0.000000e+00> : vector<1024x128xf32>
    %dot_general3A_11 = tpu.matmul %mul3A, %get3A_10, %dot_general3A {dimension_numbers = #tpu.dot_dimension_numbers<[1], [0], [0], [1], [0, 0, 1, 1], [], []>, transpose_lhs_hint = false} : vector<1024x128xf32>, vector<128x128xf32>, vector<1024x128xf32> -> vector<1024x128xf32>
    %get3A_12 = arith.constant 0 : index
    %get3A_13 = arith.constant 0 : index
    %get3A_14 = vector.load %arg6[%get3A_12, %get3A_13] : memref<1x128xf32, #tpu.memory_space<vmem>>, vector<1x128xf32>
    %add3A_15 = vector.broadcast %get3A_14 : vector<1x128xf32> to vector<1024x128xf32>
    %add3A_16 = arith.addf %dot_general3A_11, %add3A_15 : vector<1024x128xf32>
    %max3A = arith.constant 0.000000e+00 : f32
    %max3A_17 = vector.broadcast %max3A : f32 to vector<1024x128xf32>
    %max3A_18 = arith.maximumf %add3A_16, %max3A_17 : vector<1024x128xf32>
    %get3A_19 = arith.constant 0 : index
    %get3A_20 = arith.constant 0 : index
    %get3A_21 = vector.load %arg4[%get3A_19, %get3A_20] : memref<1024x128xf32, #tpu.memory_space<vmem>>, vector<1024x128xf32>
    %add3A_22 = arith.addf %get3A_21, %max3A_18 : vector<1024x128xf32>
    %reduce_sum3A = arith.constant dense<0.000000e+00> : vector<1024xf32>
    %reduce_sum3A_23 = vector.multi_reduction <add>, %add3A_22, %reduce_sum3A [1] : vector<1024x128xf32> to vector<1024xf32>
    %broadcast_in_dim3A = vector.shape_cast %reduce_sum3A_23 : vector<1024xf32> to vector<1024x1xf32>
    %div3A = arith.constant 1.280000e+02 : f32
    %div3A_24 = vector.broadcast %div3A : f32 to vector<1024x1xf32>
    %div3A_25 = arith.divf %broadcast_in_dim3A, %div3A_24 : vector<1024x1xf32>
    %sub3A = vector.broadcast %div3A_25 : vector<1024x1xf32> to vector<1024x128xf32>
    %sub3A_26 = arith.subf %add3A_22, %sub3A : vector<1024x128xf32>
    %mul3A_27 = arith.mulf %sub3A_26, %sub3A_26 : vector<1024x128xf32>
    %reduce_sum3A_28 = arith.constant dense<0.000000e+00> : vector<1024xf32>
    %reduce_sum3A_29 = vector.multi_reduction <add>, %mul3A_27, %reduce_sum3A_28 [1] : vector<1024x128xf32> to vector<1024xf32>
    %broadcast_in_dim3A_30 = vector.shape_cast %reduce_sum3A_29 : vector<1024xf32> to vector<1024x1xf32>
    %div3A_31 = arith.constant 1.280000e+02 : f32
    %div3A_32 = vector.broadcast %div3A_31 : f32 to vector<1024x1xf32>
    %div3A_33 = arith.divf %broadcast_in_dim3A_30, %div3A_32 : vector<1024x1xf32>
    %add3A_34 = arith.constant 9.99999974E-6 : f32
    %add3A_35 = vector.broadcast %add3A_34 : f32 to vector<1024x1xf32>
    %add3A_36 = arith.addf %div3A_33, %add3A_35 : vector<1024x1xf32>
    %rsqrt3A = math.rsqrt %add3A_36 : vector<1024x1xf32>
    %mul3A_37 = vector.broadcast %rsqrt3A : vector<1024x1xf32> to vector<1024x128xf32>
    %mul3A_38 = arith.mulf %sub3A_26, %mul3A_37 : vector<1024x128xf32>
    %get3A_39 = arith.constant 0 : index
    %get3A_40 = arith.constant 0 : index
    %get3A_41 = vector.load %arg7[%get3A_39, %get3A_40] : memref<1x128xf32, #tpu.memory_space<vmem>>, vector<1x128xf32>
    %mul3A_42 = vector.broadcast %get3A_41 : vector<1x128xf32> to vector<1024x128xf32>
    %mul3A_43 = arith.mulf %mul3A_38, %mul3A_42 : vector<1024x128xf32>
    %get3A_44 = arith.constant 0 : index
    %get3A_45 = arith.constant 0 : index
    %get3A_46 = vector.load %arg8[%get3A_44, %get3A_45] : memref<1x128xf32, #tpu.memory_space<vmem>>, vector<1x128xf32>
    %add3A_47 = vector.broadcast %get3A_46 : vector<1x128xf32> to vector<1024x128xf32>
    %add3A_48 = arith.addf %mul3A_43, %add3A_47 : vector<1024x128xf32>
    %get3A_49 = arith.constant 0 : index
    %get3A_50 = arith.constant 0 : index
    %get3A_51 = vector.load %arg9[%get3A_49, %get3A_50] : memref<128x128xf32, #tpu.memory_space<vmem>>, vector<128x128xf32>
    %dot_general3A_52 = arith.constant dense<0.000000e+00> : vector<1024x128xf32>
    %dot_general3A_53 = tpu.matmul %add3A_48, %get3A_51, %dot_general3A_52 {dimension_numbers = #tpu.dot_dimension_numbers<[1], [0], [0], [1], [0, 0, 1, 1], [], []>, transpose_lhs_hint = false} : vector<1024x128xf32>, vector<128x128xf32>, vector<1024x128xf32> -> vector<1024x128xf32>
    %get3A_54 = arith.constant 0 : index
    %get3A_55 = arith.constant 0 : index
    %get3A_56 = vector.load %arg10[%get3A_54, %get3A_55] : memref<1x128xf32, #tpu.memory_space<vmem>>, vector<1x128xf32>
    %add3A_57 = vector.broadcast %get3A_56 : vector<1x128xf32> to vector<1024x128xf32>
    %add3A_58 = arith.addf %dot_general3A_53, %add3A_57 : vector<1024x128xf32>
    %get3A_59 = arith.constant 0 : index
    %get3A_60 = arith.constant 0 : index
    %get3A_61 = vector.load %arg11[%get3A_59, %get3A_60] : memref<1024x128xf32, #tpu.memory_space<vmem>>, vector<1024x128xf32>
    %gt3A = arith.constant 0.000000e+00 : f32
    %gt3A_62 = vector.broadcast %gt3A : f32 to vector<1024x128xf32>
    %gt3A_63 = arith.cmpf ogt, %get3A_61, %gt3A_62 : vector<1024x128xf32>
    %jit3A = arith.constant 0.000000e+00 : f32
    %broadcast_in_dim3A_64 = vector.broadcast %jit3A : f32 to vector<1024x128xf32>
    %select_n3A = arith.select %gt3A_63, %add3A_58, %broadcast_in_dim3A_64 : vector<1024x128xi1>, vector<1024x128xf32>
    %swap3A = arith.constant 0 : index
    %swap3A_65 = arith.constant 0 : index
    %swap3A_66 = vector.load %arg12[%swap3A, %swap3A_65] : memref<1024x128xf32, #tpu.memory_space<vmem>>, vector<1024x128xf32>
    tpu.vector_store %arg12[%swap3A, %swap3A_65], %select_n3A {strides = array<i32>} : memref<1024x128xf32, #tpu.memory_space<vmem>>, vector<1024x128xf32>,
    return
  }
  func.func @transform_0(%arg0: i32) -> (i32, i32) {
    %c0_i32 = arith.constant 0 : i32
    %c0_i32_0 = arith.constant 0 : i32
    return %arg0, %c0_i32 : i32, i32
  }
  func.func @transform_1(%arg0: i32) -> (i32, i32) {
    %c0_i32 = arith.constant 0 : i32
    %c0_i32_0 = arith.constant 0 : i32
    return %arg0, %c0_i32 : i32, i32
  }
  func.func @transform_2(%arg0: i32) -> (i32, i32) {
    %c0_i32 = arith.constant 0 : i32
    %c0_i32_0 = arith.constant 0 : i32
    return %arg0, %c0_i32 : i32, i32
  }
  func.func @transform_3(%arg0: i32) -> (i32, i32) {
    %c0_i32 = arith.constant 0 : i32
    %c0_i32_0 = arith.constant 0 : i32
    return %arg0, %c0_i32 : i32, i32
  }
  func.func @transform_4(%arg0: i32) -> (i32, i32) {
    %c0_i32 = arith.constant 0 : i32
    %c0_i32_0 = arith.constant 0 : i32
    %c0_i32_1 = arith.constant 0 : i32
    return %c0_i32, %c0_i32_0 : i32, i32
  }
  func.func @transform_5(%arg0: i32) -> (i32, i32) {
    %c0_i32 = arith.constant 0 : i32
    %c0_i32_0 = arith.constant 0 : i32
    %c0_i32_1 = arith.constant 0 : i32
    return %c0_i32, %c0_i32_0 : i32, i32
  }
  func.func @transform_6(%arg0: i32) -> (i32, i32) {
    %c0_i32 = arith.constant 0 : i32
    %c0_i32_0 = arith.constant 0 : i32
    %c0_i32_1 = arith.constant 0 : i32
    return %c0_i32, %c0_i32_0 : i32, i32
  }
  func.func @transform_7(%arg0: i32) -> (i32, i32) {
    %c0_i32 = arith.constant 0 : i32
    %c0_i32_0 = arith.constant 0 : i32
    %c0_i32_1 = arith.constant 0 : i32
    return %c0_i32, %c0_i32_0 : i32, i32
  }
  func.func @transform_8(%arg0: i32) -> (i32, i32) {
    %c0_i32 = arith.constant 0 : i32
    %c0_i32_0 = arith.constant 0 : i32
    %c0_i32_1 = arith.constant 0 : i32
    return %c0_i32, %c0_i32_0 : i32, i32
  }
  func.func @transform_9(%arg0: i32) -> (i32, i32) {
    %c0_i32 = arith.constant 0 : i32
    %c0_i32_0 = arith.constant 0 : i32
    %c0_i32_1 = arith.constant 0 : i32
    return %c0_i32, %c0_i32_0 : i32, i32
  }
  func.func @transform_10(%arg0: i32) -> (i32, i32) {
    %c0_i32 = arith.constant 0 : i32
    %c0_i32_0 = arith.constant 0 : i32
    return %arg0, %c0_i32 : i32, i32
  }
  func.func @transform_11(%arg0: i32) -> (i32, i32) {
    %c0_i32 = arith.constant 0 : i32
    %c0_i32_0 = arith.constant 0 : i32
    return %arg0, %c0_i32 : i32, i32
  }
}

</mosaic_0001>

<sc_bundles>
// kernel: kernel.11.cloned.1.call-start
scs
__scs_entry_jumppad:
0x0: {  	(pc) =	sbr.rel $0x88, $3  }
0x1: {  	(tag) =	ssettag $0x0;
	lr =	simm.s32 $0x1  }
0x2: {  	[smem:$0x3F96] =	sst lr;
	_ =	strace $0xD0000000  }
0x3: {  	_ = 	snop  }
0x4: {  	_ = 	snop  }
0x5: {  	_ = 	snop  }
0x6: {  	_ = 	snop  }
0x7: {  	_ = 	snop  }
__scs_overlays_trampoline_lowered:
0x8: {  	[smem:$0x3FA5] =	sst s0  }
0x9: {  	[smem:$0x3FA6] =	sst s1  }
0xa: {  	[smem:$0x3FA7] =	sst s2  }
0xb: {  	[smem:$0x3FA8] =	sst s3  }
0xc: {  	[smem:$0x3FA9] =	sst s4  }
0xd: {  	[smem:$0x3FAA] =	sst s5  }
0xe: {  	[smem:$0x3FAB] =	sst s6  }
0xf: {  	[smem:$0x3FAC] =	sst s7  }
0x10: {  	[smem:$0x3FAD] =	sst s8  }
0x11: {  	[smem:$0x3FAE] =	sst s9;
	s0 =	simm.s32 @!p0 $0x0  }
0x12: {  	s1 =	sld [smem:$0x3F94];
	s0 =	simm.s32 @p0 $0x1  }
0x13: {  	[smem:$0x3FAF] =	sst s0;
	s0 =	simm.s32 @!p1 $0x0  }
0x14: {  	s2 =	sld [smem:$0x3F93];
	s0 =	simm.s32 @p1 $0x1  }
0x15: {  	[smem:$0x3FB0] =	sst s0;
	s0 =	simm.s32 @!p2 $0x0  }
0x16: {  	s3 =	sld [smem:$0x3FDB];
	s0 =	simm.s32 @p2 $0x1  }
0x17: {  	s4 =	simm.s32 $0x1BF5;
	[smem:$0x3FB2] =	sst s0  }
0x18: {  	s0 =	sld [smem:$0x3F95];
	_ =	swait.ge [sflag:s4], $0x0  }
0x19: {  	s7 =	sld [smem:$0x3F96]  }
0x1a: {  	s8 =	sadd.s32 $0xFFFFE003, lr  }
0x1b: {  	s9 =	sadd.s32 $0xFFFFFEF7, lr;
	s5 =	simm.s32 $0xFFFFFFFF;
	p2 =	slt.u32 s8, $0xFFFFF086  }
0x1c: {  	p1 =	slt.u32 s9, $0xF7A;
	s5 =	simm.s32 @!p2 $0x0  }
0x1d: {  	s5 =	simm.s32 @p1 $0x1;
	p0 =	seq.s32 s7, s2  }
0x1e: {  	s7 =	smul.u32 @!p0 $0xF7A, s2;
	p2 =	seq.s32 @!p0 s5, $0x0  }
0x1f: {  	s9 =	smul.u32 $0xF7A, s1;
	s8 =	simm.s32 @!p0 $0x1BF5;
	p2 =	por !p2, p0  }
0x20: {  	[sflag:s8] =	ssyncset.s32 @!p0 $0xFFFFF086;
	s6 =	sadd.s32 @!p0 s3, s7;
	s7 =	simm.s32 @!p0 $0x108  }
0x21: {  	s3 =	sadd.s32 s3, s9;
	s6 =	sadd.s32 @!p0 $0x88, s6;
	s7 =	simm.s32 @p2 $0x1082  }
0x22: {  	[simem:s7], [sflag:s8] =	dma.local @!p0 [hbm:s6], $0xF7A  }
0x23: {  	s9 =	sor.u32 $0xD0000000, s2;
	s6 =	simm.s32 $0x108;
	_ =	swait.ge @!p0 [sflag:s8], $0x0  }
0x24: {  	s3 =	sadd.s32 $0x88, s3;
	s6 =	simm.s32 @!p1 $0x1082;
	[sflag:s4] =	ssyncset.s32 $0xFFFFF086  }
0x25: {  	[simem:s6], [sflag:s4] =	dma.local [hbm:s3], $0xF7A  }
0x26: {  	[smem:$0x3F96] =	sst s1;
	(tag) =	ssettag s2;
	_ =	strace s9  }
0x27: {  	s1 =	sld [smem:$0x3FA6]  }
0x28: {  	s2 =	sld [smem:$0x3FA7]  }
0x29: {  	s4 =	sld [smem:$0x3FA9]  }
0x2a: {  	p0 =	seq.s32 s5, $0x0;
	s5 =	sld [smem:$0x3FAA]  }
0x2b: {  	s6 =	sld [smem:$0x3FAB]  }
0x2c: {  	s7 =	sld [smem:$0x3FAC]  }
0x2d: {  	s3 =	simm.s32 $0x108;
	s8 =	sld [smem:$0x3FAD]  }
0x2e: {  	s3 =	simm.s32 @!p0 $0x1082;
	s9 =	sld [smem:$0x3FAE]  }
0x2f: {  	lr =	sadd.s32 s0, s3;
	s0 =	sld [smem:$0x3FA5]  }
0x30: {  	s3 =	sld [smem:$0x3FA8]  }
0x31: {  	[smem:$0x3FB1] =	sst s10  }
0x32: {  	s10 =	sld [smem:$0x3FAF];
	_ =	sdelay $0x3  }
0x33: {  	p0 =	seq.s32 s10, $0x1;
	s10 =	sld [smem:$0x3FB1];
	_ =	sdelay $0x3  }
0x34: {  	[smem:$0x3FB1] =	sst s10  }
0x35: {  	s10 =	sld [smem:$0x3FB0];
	_ =	sdelay $0x3  }
0x36: {  	p1 =	seq.s32 s10, $0x1;
	s10 =	sld [smem:$0x3FB1];
	_ =	sdelay $0x3  }
0x37: {  	[smem:$0x3FB1] =	sst s10  }
0x38: {  	s10 =	sld [smem:$0x3FB2]  }
0x39: {  	_ = 	snop;
	(pc) =	sbr.ind lr, $3  }
0x3a: {  	_ = 	snop  }
0x3b: {  	_ = 	snop  }
0x3c: {  	p2 =	seq.s32 s10, $0x1;
	s10 =	sld [smem:$0x3FB1]  }
0x3d: {  	_ =	shalt  }
0x3e: {  	_ =	shalt  }
0x3f: {  	_ =	shalt  }
0x40: {  	_ =	shalt  }
0x41: {  	_ =	shalt  }
0x42: {  	_ =	shalt  }
0x43: {  	_ =	shalt  }
0x44: {  	_ =	shalt  }
0x45: {  	_ =	shalt  }
0x46: {  	_ =	shalt  }
0x47: {  	_ =	shalt  }
0x48: {  	_ =	shalt  }
0x49: {  	_ =	shalt  }
0x4a: {  	_ =	shalt  }
0x4b: {  	_ =	shalt  }
0x4c: {  	_ =	shalt  }
0x4d: {  	_ =	shalt  }
0x4e: {  	_ =	shalt  }
0x4f: {  	_ =	shalt  }
0x50: {  	_ =	shalt  }
0x51: {  	_ =	shalt  }
0x52: {  	_ =	shalt  }
0x53: {  	_ =	shalt  }
0x54: {  	_ =	shalt  }
0x55: {  	_ =	shalt  }
0x56: {  	_ =	shalt  }
0x57: {  	_ =	shalt  }
0x58: {  	_ =	shalt  }
0x59: {  	_ =	shalt  }
0x5a: {  	_ =	shalt  }
0x5b: {  	_ =	shalt  }
0x5c: {  	_ =	shalt  }
0x5d: {  	_ =	shalt  }
0x5e: {  	_ =	shalt  }
0x5f: {  	_ =	shalt  }
0x60: {  	_ =	shalt  }
0x61: {  	_ =	shalt  }
0x62: {  	_ =	shalt  }
0x63: {  	_ =	shalt  }
0x64: {  	_ =	shalt  }
0x65: {  	_ =	shalt  }
0x66: {  	_ =	shalt  }
0x67: {  	_ =	shalt  }
0x68: {  	_ =	shalt  }
0x69: {  	_ =	shalt  }
0x6a: {  	_ =	shalt  }
0x6b: {  	_ =	shalt  }
0x6c: {  	_ =	shalt  }
0x6d: {  	_ =	shalt  }
0x6e: {  	_ =	shalt  }
0x6f: {  	_ =	shalt  }
0x70: {  	_ =	shalt  }
0x71: {  	_ =	shalt  }
0x72: {  	_ =	shalt  }
0x73: {  	_ =	shalt  }
0x74: {  	_ =	shalt  }
0x75: {  	_ =	shalt  }
0x76: {  	_ =	shalt  }
0x77: {  	_ =	shalt  }
0x78: {  	_ =	shalt  }
0x79: {  	_ =	shalt  }
0x7a: {  	_ =	shalt  }
0x7b: {  	_ =	shalt  }
0x7c: {  	_ =	shalt  }
0x7d: {  	_ =	shalt  }
0x7e: {  	_ =	shalt  }
0x7f: {  	_ =	shalt  }
0x80: {  	_ =	shalt  }
0x81: {  	_ =	shalt  }
0x82: {  	_ =	shalt  }
0x83: {  	_ =	shalt  }
0x84: {  	_ =	shalt  }
0x85: {  	_ =	shalt  }
0x86: {  	_ =	shalt  }
0x87: {  	_ =	shalt  }
.Lfunc_end0:
.L_simem_size_0:
called_computation_lowered:
.L_overlay_start_0:
0x88: {  	s2 =	sld [smem:$0x3FD9]  }
0x89: {  	s3 =	sld [smem:$0x3FFE];
	_ =	sdelay $0x1  }
0x8a: {  	s1 =	srdreg.scid  }
0x8b: {  	s0 =	sand.u32 $0x1, s1  }
0x8c: {  	s17 =	sshll.u32 s0, $0xA;
	s2 =	sadd.s32 s3, s2  }
0x8d: {  	s2 =	sadd.s32 s2, s17  }
0x8e: {  	[smem:$0x3FBD] =	sst s2  }
0x8f: {  	_ = 	snop  }
0x90: {  	s2 =	sld [smem:$0x3FD0];
	(tm) =	ssettm $0x1  }
0x91: {  	s18 =	sld [smem:$0x3FFB];
	_ =	sdelay $0x3  }
0x92: {  	_ =	strace s18  }
0x93: {  	s3 =	sld [smem:$0x3FFC];
	_ =	sdelay $0x3  }
0x94: {  	_ =	strace s3  }
0x95: {  	s3 =	sld [smem:$0x3FFD];
	_ =	sdelay $0x3  }
0x96: {  	_ =	strace s3  }
0x97: {  	_ =	strace $0x8FFFFFFF  }
0x98: {  	s19 =	sld [smem:$0x3FDB];
	_ =	sdelay $0x1  }
0x99: {  	s4 =	simm.s32 $_scs_section_size  }
0x9a: {  	s5 =	simm.s32 $_size__tile_overlayer_lowered;
	s6 =	simm.s32 $_tile_overlayer_lowered  }
0x9b: {  	s22 =	simm.s32 $0x1BFF;
	s21 =	sshll.u32 s6, $0x1;
	s3 =	sadd.s32 s4, s19  }
0x9c: {  	s7 =	simm.s32 $0x0;
	s20 =	sshll.u32 s5, $0x1;
	s5 =	sadd.s32 s21, s3  }
0x9d: {  	[timem:s7], [sflag:s22] =	dma.local [hbm:s5], s20  }
0x9e: {  	_ =	swait.ge [sflag:s22], s20  }
0x9f: {  	s4 =	ssub.s32 $0x0, s20;
	[sflag:s22] =	ssyncset.done $0x0  }
0xa0: {  	[sflag:s22] =	ssyncadd.s32 s4;
	_ =	sdelay $0x1  }
0xa1: {  	s23 =	simm.s32 $0x1B8B  }
0xa2: {  	_ =	swait.ge [sflag:s23], $0x1  }
0xa3: {  	[sflag:s23] =	ssyncset.done $0x0  }
0xa4: {  	s25 =	simm.s32 $0x1B8E;
	s24 =	sld [smem:$0x3FFE];
	[sflag:s23] =	ssyncadd.s32 $0xFFFFFFFF  }
0xa5: {  	s26 =	simm.s32 $execute0_lowered;
	[smem:$0x3FD2] =	sst s25  }
0xa6: {  	s5 =	sshll.u32 s26, $0x1;
	_ =	strace $0x80000046;
	[dreg:$0x1] =	wrdreg $0xFFFFFFFF  }
0xa7: {  	s28 =	simm.s32 $_size_execute0_lowered;
	s3 =	sadd.s32 s3, s5;
	[dreg:$0x0] =	wrdreg $0x0  }
0xa8: {  	s5 =	sshll.u32 s28, $0x1;
	[dreg:$0x2] =	wrdreg s3  }
0xa9: {  	[dreg:$0x3] =	wrdreg s5  }
0xaa: {  	[dreg:$0x4] =	wrdreg $0xC0  }
0xab: {  	_ =	task [dreg:s7], $0x5FFFF  }
0xac: {  	[dreg:$0x1] =	wrdreg $0xFFFFFFFF  }
0xad: {  	[dreg:$0x0] =	wrdreg $0x60  }
0xae: {  	[dreg:$0x2] =	wrdreg s24  }
0xaf: {  	[dreg:$0x3] =	wrdreg s2  }
0xb0: {  	[dreg:$0x4] =	wrdreg $0x48000  }
0xb1: {  	[dreg:$0x5] =	wrdreg $0x9  }
0xb2: {  	_ =	task.clear_ibuf [dreg:s7], $0x6FFFF;
	_ =	strace $0x90000046  }
0xb3: {  	s29 =	simm.s32 $0x9;
	_ =	strace $0x80000048  }
0xb4: {  	_ =	swait.ge [sflag:s29], $0x1  }
0xb5: {  	[sflag:s29] =	ssyncadd.s32 $0xFFFFFFFF  }
0xb6: {  	_ =	strace $0x90000048  }
0xb7: {  	_ =	sfence  }
0xb8: {  	s30 =	sld [smem:$0x0];
	_ =	sdelay $0x2  }
0xb9: {  	s31 =	sshll.u32 s1, $0xD;
	s1 =	sshrl.u32 s1, $0x2  }
0xba: {  	s3 =	sand.u32 $0x4000, s31;
	s1 =	sadd.s32 s1, s30  }
0xbb: {  	s0 =	sor.u32 s3, s0;
	s1 =	sshll.u32 s1, $0x11  }
0xbc: {  	s0 =	sor.u32 s1, s0  }
0xbd: {  	s0 =	sadd.s32 $0x8F2B, s0  }
0xbe: {  	[sflag:s0] =	ssyncadd.remote.s32 $0x1  }
0xbf: {  	_ =	sfence.sel $0xFFFF  }
0xc0: {  	[dreg:$0x0] =	wrdreg $0xFFFFFFFF;
	(pc) =	sbr.abs _section_cstart, $3  }
0xc1: {  	[dreg:$0x1] =	wrdreg $0xFFFFFFFF  }
0xc2: {  	_ =	task.clear_ibuf [dreg:s7], $0x2FFFF;
	_ =	strace $0x9FFFFFFF  }
0xc3: {  	(tm) =	ssettm $0x7FFFFFFF  }
tec
execute0_lowered:
.L_overlay_start_1:
0x0: {  	(tag) =	ssettag $0x1  }
0x1: {  	s0 =	rddreg [dreg:$0x0]  }
0x2: {  	s1 =	srdreg.scid;
	s6 =	stileid.u32  }
0x3: {  	s3 =	rddreg [dreg:$0x2];
	s4 =	simm.s32 $0x0;
	s2 =	smul.u32 $0x5000, s6  }
0x4: {  	s28 =	simm.s32 $0x200;
	s29 =	simm.s32 $0x280;
	s7 =	smul.u32 $0x14000, s6  }
0x5: {  	s30 =	simm.s32 $0x300;
	s1 =	sand.u32 $0x1, s1;
	s6 =	smul.u32 $0x50000, s6  }
0x6: {  	s31 =	simm.s32 $0x380;
	s11 =	simm.s32 $0x0;
	s5 =	smul.u32 $0x2800, s1  }
0x7: {  	[smem:$0x7FF] =	sst s4;
	s8 =	sadd.s32 $0x18800, s0;
	s14 =	smul.u32 $0x140000, s1  }
0x8: {  	_ =	strace $0x80000047;
	[dreg:$0x4] =	wrdreg s8;
	s1 =	ssub.s32 $0x2, s1  }
0x9: {  	s9 =	sshrl.u32 s1, $0x1;
	s6 =	sshrl.u32 s6, $0x2;
	s17 =	sadd.s32 $0x4000, s7  }
0xa: {  	s22 =	sadd.s32 $0x8000, s7;
	s10 =	sadd.s32 $0xC000, s7;
	s2 =	sadd.s32 s5, s2  }
0xb: {  	s15 =	sadd.s32 s14, s7;
	s1 =	ssub.s32 s1, s9;
	s6 =	sadd.s32 s6, s3  }
0xc: {  	s20 =	sadd.s32 s14, s17;
	s23 =	sadd.s32 s14, s22;
	s7 =	sadd.s32 $0x10000, s7  }
0xd: {  	s24 =	sadd.s32 s14, s10;
	s9 =	sadd.s32 s22, s3;
	s25 =	sadd.s32 s10, s3  }
0xe: {  	s10 =	simm.s32 $0x780;
	s2 =	sshrl.u32 s2, $0x3;
	s1 =	smax.u32 s1, $0x1  }
0xf: {  	s8 =	sshrl.u32 s15, $0x3;
	s16 =	sadd.s32 $0x4000, s6;
	[dreg:$0x6] =	wrdreg s1  }
0x10: {  	s18 =	sadd.s32 $0x8000, s6;
	s19 =	sadd.s32 $0xC000, s6;
	[dreg:$0x7] =	wrdreg s16  }
0x11: {  	s21 =	sadd.s32 $0x10000, s6;
	s5 =	sadd.s32 s14, s7;
	[dreg:$0x8] =	wrdreg s18  }
0x12: {  	s26 =	sadd.s32 s7, s3;
	s7 =	simm.s32 $0x600;
	[dreg:$0x9] =	wrdreg s19  }
0x13: {  	s2 =	sadd.s32 s2, s0;
	s0 =	sadd.s32 $0x19000, s0;
	[dreg:$0xa] =	wrdreg s21  }
0x14: {  	s1 =	sadd.s32 s17, s3;
	s5 =	sshrl.u32 s5, $0x3;
	s18 =	simm.s32 $0x800  }
0x15: {  	s19 =	simm.s32 $0x1;
	s21 =	simm.s32 $0x100;
	s8 =	sadd.s32 s0, s8  }
0x16: {  	s16 =	sadd.s32 s0, s5;
	s17 =	sadd.s32 $0xE800, s2;
	s22 =	sshrl.u32 s1, $0x3  }
0x17: {  	s1 =	simm.s32 $0x400;
	[dreg:$0x5] =	wrdreg s8;
	s8 =	sshrl.u32 s20, $0x3  }
0x18: {  	s2 =	simm.s32 $0x480;
	s5 =	simm.s32 $0x580;
	s8 =	sadd.s32 s0, s8  }
0x19: {  	s20 =	simm.s32 $0x80;
	[dreg:$0xb] =	wrdreg s8;
	s8 =	sshrl.u32 s23, $0x3  }
0x1a: {  	s23 =	sshrl.u32 s9, $0x3;
	s9 =	simm.s32 $0x700;
	s8 =	sadd.s32 s0, s8  }
0x1b: {  	[dreg:$0xc] =	wrdreg s8;
	s8 =	sshrl.u32 s24, $0x3;
	s24 =	sshrl.u32 s25, $0x3  }
0x1c: {  	s25 =	sshrl.u32 s26, $0x3;
	s26 =	simm.s32 $0x180;
	s8 =	sadd.s32 s0, s8  }
0x1d: {  	s0 =	simm.s32 $0x500;
	[dreg:$0xd] =	wrdreg s8;
	s8 =	simm.s32 $0x680  }
.LBB2_1:
0x1e: {  	s12 =	rddreg [dreg:$0x1]  }
0x1f: {  	[tilespmem:s18], [sflag:$0x1] =	stream.linear.gather [hbm4b:s12+s4], $0x4000, $0x38;
	[tilespmem:$0x18800] =	vst v63  }
0x20: {  	_ =	swait.ge [sflag:s19], $0x4000  }
0x21: {  	[sflag:s19] =	ssyncset.done $0x0  }
0x22: {  	[sflag:s19] =	ssyncadd.s32 $0xFFFFC000  }
0x23: {  	[spmem:s6] =	stream.linear.scatter [tilespmem:s18], [sflag:$0x1], $0x4000, $0x38;
	[tilespmem:$0x18800] =	vst v63  }
0x24: {  	_ =	swait.ge [sflag:s19], $0x4000  }
0x25: {  	[sflag:s19] =	ssyncset.done $0x0  }
0x26: {  	s13 =	rddreg [dreg:$0x7];
	[sflag:s19] =	ssyncadd.s32 $0xFFFFC000  }
0x27: {  	[spmem:s13] =	stream.linear.scatter [tilespmem:s18], [sflag:$0x1], $0x4000, $0x38;
	[tilespmem:$0x18800] =	vst v63  }
0x28: {  	_ =	swait.ge [sflag:s19], $0x4000  }
0x29: {  	[sflag:s19] =	ssyncset.done $0x0  }
0x2a: {  	s14 =	rddreg [dreg:$0x8];
	[sflag:s19] =	ssyncadd.s32 $0xFFFFC000  }
0x2b: {  	[spmem:s14] =	stream.linear.scatter [tilespmem:s18], [sflag:$0x1], $0x4000, $0x38;
	[tilespmem:$0x18800] =	vst v63  }
0x2c: {  	_ =	swait.ge [sflag:s19], $0x4000  }
0x2d: {  	[sflag:s19] =	ssyncset.done $0x0  }
0x2e: {  	s15 =	rddreg [dreg:$0x9];
	[sflag:s19] =	ssyncadd.s32 $0xFFFFC000  }
0x2f: {  	[spmem:s15] =	stream.linear.scatter [tilespmem:s18], [sflag:$0x1], $0x4000, $0x38;
	[tilespmem:$0x18800] =	vst v63  }
0x30: {  	_ =	swait.ge [sflag:s19], $0x4000  }
0x31: {  	[sflag:s19] =	ssyncset.done $0x0  }
0x32: {  	s13 =	rddreg [dreg:$0xa];
	[sflag:s19] =	ssyncadd.s32 $0xFFFFC000  }
0x33: {  	[spmem:s13] =	stream.linear.scatter [tilespmem:s18], [sflag:$0x1], $0x4000, $0x38;
	[tilespmem:$0x18800] =	vst v63  }
0x34: {  	_ =	swait.ge [sflag:s19], $0x4000  }
0x35: {  	[sflag:s19] =	ssyncset.done $0x0  }
0x36: {  	s14 =	rddreg [dreg:$0x4];
	[sflag:s19] =	ssyncadd.s32 $0xFFFFC000  }
0x37: {  	[tilespmem:s18], [sflag:$0x1] =	stream.linear.gather [hbm4b:s14+s4], $0x4000, $0x38;
	[tilespmem:$0x18800] =	vst v63  }
0x38: {  	_ =	swait.ge [sflag:s19], $0x4000  }
0x39: {  	[sflag:s19] =	ssyncset.done $0x0  }
0x3a: {  	[sflag:s19] =	ssyncadd.s32 $0xFFFFC000  }
0x3b: {  	s15 =	sadd.s32 $0x0, s17;
	[bflag:$0x0] =	sbarrier.arrive $0xFFFF  }
0x3c: {  	[tilespmem:s4], [sflag:$0x1] =	stream.linear.gather [hbm4b:s15+s4], $0x800, $0x38;
	[tilespmem:$0x18800] =	vst v63  }
0x3d: {  	_ =	swait.ge [sflag:s19], $0x800  }
0x3e: {  	[sflag:s19] =	ssyncset.done $0x0  }
0x3f: {  	[sflag:s19] =	ssyncadd.s32 $0xFFFFF800  }
0x40: {  	[spmem:s3] =	stream.indirect.scatter.add.f32 [tilespmem:s18], [sflag:$0x1], $0x80, s4, s20, $0xb8;
	[tilespmem:$0x18800] =	vst v63  }
0x41: {  	_ =	swait.ge [sflag:s19], $0x4000  }
0x42: {  	[sflag:s19] =	ssyncset.done $0x0  }
0x43: {  	[sflag:s19] =	ssyncadd.s32 $0xFFFFC000  }
0x44: {  	[spmem:s3] =	stream.indirect.scatter.add.f32 [tilespmem:s18], [sflag:$0x1], $0x80, s20, s20, $0xb8;
	[tilespmem:$0x18800] =	vst v63  }
0x45: {  	_ =	swait.ge [sflag:s19], $0x4000  }
0x46: {  	[sflag:s19] =	ssyncset.done $0x0  }
0x47: {  	[sflag:s19] =	ssyncadd.s32 $0xFFFFC000  }
0x48: {  	[spmem:s3] =	stream.indirect.scatter.add.f32 [tilespmem:s18], [sflag:$0x1], $0x80, s21, s20, $0xb8;
	[tilespmem:$0x18800] =	vst v63  }
0x49: {  	_ =	swait.ge [sflag:s19], $0x4000  }
0x4a: {  	[sflag:s19] =	ssyncset.done $0x0  }
0x4b: {  	[sflag:s19] =	ssyncadd.s32 $0xFFFFC000  }
0x4c: {  	[spmem:s3] =	stream.indirect.scatter.add.f32 [tilespmem:s18], [sflag:$0x1], $0x80, s26, s20, $0xb8;
	[tilespmem:$0x18800] =	vst v63  }
0x4d: {  	_ =	swait.ge [sflag:s19], $0x4000  }
0x4e: {  	[sflag:s19] =	ssyncset.done $0x0  }
0x4f: {  	[sflag:s19] =	ssyncadd.s32 $0xFFFFC000  }
0x50: {  	[spmem:s3] =	stream.indirect.scatter.add.f32 [tilespmem:s18], [sflag:$0x1], $0x80, s28, s20, $0xb8;
	[tilespmem:$0x18800] =	vst v63  }
0x51: {  	_ =	swait.ge [sflag:s19], $0x4000  }
0x52: {  	[sflag:s19] =	ssyncset.done $0x0  }
0x53: {  	[sflag:s19] =	ssyncadd.s32 $0xFFFFC000  }
0x54: {  	[spmem:s3] =	stream.indirect.scatter.add.f32 [tilespmem:s18], [sflag:$0x1], $0x80, s29, s20, $0xb8;
	[tilespmem:$0x18800] =	vst v63  }
0x55: {  	_ =	swait.ge [sflag:s19], $0x4000  }
0x56: {  	[sflag:s19] =	ssyncset.done $0x0  }
0x57: {  	[sflag:s19] =	ssyncadd.s32 $0xFFFFC000  }
0x58: {  	[spmem:s3] =	stream.indirect.scatter.add.f32 [tilespmem:s18], [sflag:$0x1], $0x80, s30, s20, $0xb8;
	[tilespmem:$0x18800] =	vst v63  }
0x59: {  	_ =	swait.ge [sflag:s19], $0x4000  }
0x5a: {  	[sflag:s19] =	ssyncset.done $0x0  }
0x5b: {  	[sflag:s19] =	ssyncadd.s32 $0xFFFFC000  }
0x5c: {  	[spmem:s3] =	stream.indirect.scatter.add.f32 [tilespmem:s18], [sflag:$0x1], $0x80, s31, s20, $0xb8;
	[tilespmem:$0x18800] =	vst v63  }
0x5d: {  	_ =	swait.ge [sflag:s19], $0x4000  }
0x5e: {  	[sflag:s19] =	ssyncset.done $0x0  }
0x5f: {  	[sflag:s19] =	ssyncadd.s32 $0xFFFFC000  }
0x60: {  	[spmem:s3] =	stream.indirect.scatter.add.f32 [tilespmem:s18], [sflag:$0x1], $0x80, s1, s20, $0xb8;
	[tilespmem:$0x18800] =	vst v63  }
0x61: {  	_ =	swait.ge [sflag:s19], $0x4000  }
0x62: {  	[sflag:s19] =	ssyncset.done $0x0  }
0x63: {  	[sflag:s19] =	ssyncadd.s32 $0xFFFFC000  }
0x64: {  	[spmem:s3] =	stream.indirect.scatter.add.f32 [tilespmem:s18], [sflag:$0x1], $0x80, s2, s20, $0xb8;
	[tilespmem:$0x18800] =	vst v63  }
0x65: {  	_ =	swait.ge [sflag:s19], $0x4000  }
0x66: {  	[sflag:s19] =	ssyncset.done $0x0  }
0x67: {  	[sflag:s19] =	ssyncadd.s32 $0xFFFFC000  }
0x68: {  	[spmem:s3] =	stream.indirect.scatter.add.f32 [tilespmem:s18], [sflag:$0x1], $0x80, s0, s20, $0xb8;
	[tilespmem:$0x18800] =	vst v63  }
0x69: {  	_ =	swait.ge [sflag:s19], $0x4000  }
0x6a: {  	[sflag:s19] =	ssyncset.done $0x0  }
0x6b: {  	[sflag:s19] =	ssyncadd.s32 $0xFFFFC000  }
0x6c: {  	[spmem:s3] =	stream.indirect.scatter.add.f32 [tilespmem:s18], [sflag:$0x1], $0x80, s5, s20, $0xb8;
	[tilespmem:$0x18800] =	vst v63  }
0x6d: {  	_ =	swait.ge [sflag:s19], $0x4000  }
0x6e: {  	[sflag:s19] =	ssyncset.done $0x0  }
0x6f: {  	[sflag:s19] =	ssyncadd.s32 $0xFFFFC000  }
0x70: {  	[spmem:s3] =	stream.indirect.scatter.add.f32 [tilespmem:s18], [sflag:$0x1], $0x80, s7, s20, $0xb8;
	[tilespmem:$0x18800] =	vst v63  }
0x71: {  	_ =	swait.ge [sflag:s19], $0x4000  }
0x72: {  	[sflag:s19] =	ssyncset.done $0x0  }
0x73: {  	[sflag:s19] =	ssyncadd.s32 $0xFFFFC000  }
0x74: {  	[spmem:s3] =	stream.indirect.scatter.add.f32 [tilespmem:s18], [sflag:$0x1], $0x80, s8, s20, $0xb8;
	[tilespmem:$0x18800] =	vst v63  }
0x75: {  	_ =	swait.ge [sflag:s19], $0x4000  }
0x76: {  	[sflag:s19] =	ssyncset.done $0x0  }
0x77: {  	[sflag:s19] =	ssyncadd.s32 $0xFFFFC000  }
0x78: {  	[spmem:s3] =	stream.indirect.scatter.add.f32 [tilespmem:s18], [sflag:$0x1], $0x80, s9, s20, $0xb8;
	[tilespmem:$0x18800] =	vst v63  }
0x79: {  	_ =	swait.ge [sflag:s19], $0x4000  }
0x7a: {  	[sflag:s19] =	ssyncset.done $0x0  }
0x7b: {  	[sflag:s19] =	ssyncadd.s32 $0xFFFFC000  }
0x7c: {  	[spmem:s3] =	stream.indirect.scatter.add.f32 [tilespmem:s18], [sflag:$0x1], $0x80, s10, s20, $0xb8;
	[tilespmem:$0x18800] =	vst v63  }
0x7d: {  	_ =	swait.ge [sflag:s19], $0x4000  }
0x7e: {  	s12 =	simm.s32 $0x100;
	s13 =	simm.s32 $0x200;
	[sflag:s19] =	ssyncset.done $0x0  }
.LBB2_2:
0x7f: {  	s15 =	sadd.s32 s12, s17  }
0x80: {  	[sflag:s19] =	ssyncadd.s32 $0xFFFFC000;
	s12 =	smov.u32 s13;
	s14 =	sadd.s32 $0x100, s13  }
0x81: {  	[tilespmem:s4], [sflag:$0x1] =	stream.linear.gather [hbm4b:s15+s4], $0x800, $0x38;
	[tilespmem:$0x18800] =	vst v63  }
0x82: {  	p0 =	sne.s32 s13, $0x400;
	_ =	swait.ge [sflag:s19], $0x800  }
0x83: {  	[sflag:s19] =	ssyncset.done $0x0  }
0x84: {  	[sflag:s19] =	ssyncadd.s32 $0xFFFFF800  }
0x85: {  	[spmem:s3] =	stream.indirect.scatter.add.f32 [tilespmem:s18], [sflag:$0x1], $0x80, s4, s20, $0xb8;
	[tilespmem:$0x18800] =	vst v63  }
0x86: {  	_ =	swait.ge [sflag:s19], $0x4000  }
0x87: {  	[sflag:s19] =	ssyncset.done $0x0  }
0x88: {  	[sflag:s19] =	ssyncadd.s32 $0xFFFFC000  }
0x89: {  	[spmem:s3] =	stream.indirect.scatter.add.f32 [tilespmem:s18], [sflag:$0x1], $0x80, s20, s20, $0xb8;
	[tilespmem:$0x18800] =	vst v63  }
0x8a: {  	_ =	swait.ge [sflag:s19], $0x4000  }
0x8b: {  	[sflag:s19] =	ssyncset.done $0x0  }
0x8c: {  	[sflag:s19] =	ssyncadd.s32 $0xFFFFC000  }
0x8d: {  	[spmem:s3] =	stream.indirect.scatter.add.f32 [tilespmem:s18], [sflag:$0x1], $0x80, s21, s20, $0xb8;
	[tilespmem:$0x18800] =	vst v63  }
0x8e: {  	_ =	swait.ge [sflag:s19], $0x4000  }
0x8f: {  	[sflag:s19] =	ssyncset.done $0x0  }
0x90: {  	[sflag:s19] =	ssyncadd.s32 $0xFFFFC000  }
0x91: {  	[spmem:s3] =	stream.indirect.scatter.add.f32 [tilespmem:s18], [sflag:$0x1], $0x80, s26, s20, $0xb8;
	[tilespmem:$0x18800] =	vst v63  }
0x92: {  	_ =	swait.ge [sflag:s19], $0x4000  }
0x93: {  	[sflag:s19] =	ssyncset.done $0x0  }
0x94: {  	[sflag:s19] =	ssyncadd.s32 $0xFFFFC000  }
0x95: {  	[spmem:s3] =	stream.indirect.scatter.add.f32 [tilespmem:s18], [sflag:$0x1], $0x80, s28, s20, $0xb8;
	[tilespmem:$0x18800] =	vst v63  }
0x96: {  	_ =	swait.ge [sflag:s19], $0x4000  }
0x97: {  	[sflag:s19] =	ssyncset.done $0x0  }
0x98: {  	[sflag:s19] =	ssyncadd.s32 $0xFFFFC000  }
0x99: {  	[spmem:s3] =	stream.indirect.scatter.add.f32 [tilespmem:s18], [sflag:$0x1], $0x80, s29, s20, $0xb8;
	[tilespmem:$0x18800] =	vst v63  }
0x9a: {  	_ =	swait.ge [sflag:s19], $0x4000  }
0x9b: {  	[sflag:s19] =	ssyncset.done $0x0  }
0x9c: {  	[sflag:s19] =	ssyncadd.s32 $0xFFFFC000  }
0x9d: {  	[spmem:s3] =	stream.indirect.scatter.add.f32 [tilespmem:s18], [sflag:$0x1], $0x80, s30, s20, $0xb8;
	[tilespmem:$0x18800] =	vst v63  }
0x9e: {  	_ =	swait.ge [sflag:s19], $0x4000  }
0x9f: {  	[sflag:s19] =	ssyncset.done $0x0  }
0xa0: {  	[sflag:s19] =	ssyncadd.s32 $0xFFFFC000  }
0xa1: {  	[spmem:s3] =	stream.indirect.scatter.add.f32 [tilespmem:s18], [sflag:$0x1], $0x80, s31, s20, $0xb8;
	[tilespmem:$0x18800] =	vst v63  }
0xa2: {  	_ =	swait.ge [sflag:s19], $0x4000  }
0xa3: {  	[sflag:s19] =	ssyncset.done $0x0  }
0xa4: {  	[sflag:s19] =	ssyncadd.s32 $0xFFFFC000  }
0xa5: {  	[spmem:s3] =	stream.indirect.scatter.add.f32 [tilespmem:s18], [sflag:$0x1], $0x80, s1, s20, $0xb8;
	[tilespmem:$0x18800] =	vst v63  }
0xa6: {  	_ =	swait.ge [sflag:s19], $0x4000  }
0xa7: {  	[sflag:s19] =	ssyncset.done $0x0  }
0xa8: {  	[sflag:s19] =	ssyncadd.s32 $0xFFFFC000  }
0xa9: {  	[spmem:s3] =	stream.indirect.scatter.add.f32 [tilespmem:s18], [sflag:$0x1], $0x80, s2, s20, $0xb8;
	[tilespmem:$0x18800] =	vst v63  }
0xaa: {  	_ =	swait.ge [sflag:s19], $0x4000  }
0xab: {  	[sflag:s19] =	ssyncset.done $0x0  }
0xac: {  	[sflag:s19] =	ssyncadd.s32 $0xFFFFC000  }
0xad: {  	[spmem:s3] =	stream.indirect.scatter.add.f32 [tilespmem:s18], [sflag:$0x1], $0x80, s0, s20, $0xb8;
	[tilespmem:$0x18800] =	vst v63  }
0xae: {  	_ =	swait.ge [sflag:s19], $0x4000  }
0xaf: {  	[sflag:s19] =	ssyncset.done $0x0  }
0xb0: {  	[sflag:s19] =	ssyncadd.s32 $0xFFFFC000  }
0xb1: {  	[spmem:s3] =	stream.indirect.scatter.add.f32 [tilespmem:s18], [sflag:$0x1], $0x80, s5, s20, $0xb8;
	[tilespmem:$0x18800] =	vst v63  }
0xb2: {  	_ =	swait.ge [sflag:s19], $0x4000  }
0xb3: {  	[sflag:s19] =	ssyncset.done $0x0  }
0xb4: {  	[sflag:s19] =	ssyncadd.s32 $0xFFFFC000  }
0xb5: {  	[spmem:s3] =	stream.indirect.scatter.add.f32 [tilespmem:s18], [sflag:$0x1], $0x80, s7, s20, $0xb8;
	[tilespmem:$0x18800] =	vst v63  }
0xb6: {  	_ =	swait.ge [sflag:s19], $0x4000  }
0xb7: {  	[sflag:s19] =	ssyncset.done $0x0  }
0xb8: {  	[sflag:s19] =	ssyncadd.s32 $0xFFFFC000  }
0xb9: {  	[spmem:s3] =	stream.indirect.scatter.add.f32 [tilespmem:s18], [sflag:$0x1], $0x80, s8, s20, $0xb8;
	[tilespmem:$0x18800] =	vst v63  }
0xba: {  	_ =	swait.ge [sflag:s19], $0x4000  }
0xbb: {  	[sflag:s19] =	ssyncset.done $0x0  }
0xbc: {  	[sflag:s19] =	ssyncadd.s32 $0xFFFFC000  }
0xbd: {  	[spmem:s3] =	stream.indirect.scatter.add.f32 [tilespmem:s18], [sflag:$0x1], $0x80, s9, s20, $0xb8;
	[tilespmem:$0x18800] =	vst v63  }
0xbe: {  	_ =	swait.ge [sflag:s19], $0x4000  }
.Ltmp0:
0xbf: {  	[sflag:s19] =	ssyncset.done $0x0;
	(pc) =	sbr.rel @p0 .LBB2_2-.Ltmp0, $4  }
0xc0: {  	[sflag:s19] =	ssyncadd.s32 $0xFFFFC000  }
0xc1: {  	[spmem:s3] =	stream.indirect.scatter.add.f32 [tilespmem:s18], [sflag:$0x1], $0x80, s10, s20, $0xb8;
	[tilespmem:$0x18800] =	vst v63  }
0xc2: {  	_ =	swait.ge [sflag:s19], $0x4000  }
0xc3: {  	s13 =	smov.u32 s14;
	[sflag:s19] =	ssyncset.done $0x0  }
0xc4: {  	s12 =	sadd.s32 s12, s17;
	[sflag:s19] =	ssyncadd.s32 $0xFFFFC000  }
0xc5: {  	[tilespmem:s4], [sflag:$0x1] =	stream.linear.gather [hbm4b:s12+s4], $0x800, $0x38;
	[tilespmem:$0x18800] =	vst v63  }
0xc6: {  	_ =	swait.ge [sflag:s19], $0x800  }
0xc7: {  	[sflag:s19] =	ssyncset.done $0x0  }
0xc8: {  	[sflag:s19] =	ssyncadd.s32 $0xFFFFF800  }
0xc9: {  	[spmem:s3] =	stream.indirect.scatter.add.f32 [tilespmem:s18], [sflag:$0x1], $0x80, s4, s20, $0xb8;
	[tilespmem:$0x18800] =	vst v63  }
0xca: {  	_ =	swait.ge [sflag:s19], $0x4000  }
0xcb: {  	[sflag:s19] =	ssyncset.done $0x0  }
0xcc: {  	[sflag:s19] =	ssyncadd.s32 $0xFFFFC000  }
0xcd: {  	[spmem:s3] =	stream.indirect.scatter.add.f32 [tilespmem:s18], [sflag:$0x1], $0x80, s20, s20, $0xb8;
	[tilespmem:$0x18800] =	vst v63  }
0xce: {  	_ =	swait.ge [sflag:s19], $0x4000  }
0xcf: {  	[sflag:s19] =	ssyncset.done $0x0  }
0xd0: {  	[sflag:s19] =	ssyncadd.s32 $0xFFFFC000  }
0xd1: {  	[spmem:s3] =	stream.indirect.scatter.add.f32 [tilespmem:s18], [sflag:$0x1], $0x80, s21, s20, $0xb8;
	[tilespmem:$0x18800] =	vst v63  }
0xd2: {  	_ =	swait.ge [sflag:s19], $0x4000  }
0xd3: {  	[sflag:s19] =	ssyncset.done $0x0  }
0xd4: {  	[sflag:s19] =	ssyncadd.s32 $0xFFFFC000  }
0xd5: {  	[spmem:s3] =	stream.indirect.scatter.add.f32 [tilespmem:s18], [sflag:$0x1], $0x80, s26, s20, $0xb8;
	[tilespmem:$0x18800] =	vst v63  }
0xd6: {  	_ =	swait.ge [sflag:s19], $0x4000  }
0xd7: {  	[sflag:s19] =	ssyncset.done $0x0  }
0xd8: {  	[sflag:s19] =	ssyncadd.s32 $0xFFFFC000  }
0xd9: {  	[spmem:s3] =	stream.indirect.scatter.add.f32 [tilespmem:s18], [sflag:$0x1], $0x80, s28, s20, $0xb8;
	[tilespmem:$0x18800] =	vst v63  }
0xda: {  	_ =	swait.ge [sflag:s19], $0x4000  }
0xdb: {  	[sflag:s19] =	ssyncset.done $0x0  }
0xdc: {  	[sflag:s19] =	ssyncadd.s32 $0xFFFFC000  }
0xdd: {  	[spmem:s3] =	stream.indirect.scatter.add.f32 [tilespmem:s18], [sflag:$0x1], $0x80, s29, s20, $0xb8;
	[tilespmem:$0x18800] =	vst v63  }
0xde: {  	_ =	swait.ge [sflag:s19], $0x4000  }
0xdf: {  	[sflag:s19] =	ssyncset.done $0x0  }
0xe0: {  	[sflag:s19] =	ssyncadd.s32 $0xFFFFC000  }
0xe1: {  	[spmem:s3] =	stream.indirect.scatter.add.f32 [tilespmem:s18], [sflag:$0x1], $0x80, s30, s20, $0xb8;
	[tilespmem:$0x18800] =	vst v63  }
0xe2: {  	_ =	swait.ge [sflag:s19], $0x4000  }
0xe3: {  	[sflag:s19] =	ssyncset.done $0x0  }
0xe4: {  	[sflag:s19] =	ssyncadd.s32 $0xFFFFC000  }
0xe5: {  	[spmem:s3] =	stream.indirect.scatter.add.f32 [tilespmem:s18], [sflag:$0x1], $0x80, s31, s20, $0xb8;
	[tilespmem:$0x18800] =	vst v63  }
0xe6: {  	_ =	swait.ge [sflag:s19], $0x4000  }
0xe7: {  	[sflag:s19] =	ssyncset.done $0x0  }
0xe8: {  	[sflag:s19] =	ssyncadd.s32 $0xFFFFC000  }
0xe9: {  	[spmem:s3] =	stream.indirect.scatter.add.f32 [tilespmem:s18], [sflag:$0x1], $0x80, s1, s20, $0xb8;
	[tilespmem:$0x18800] =	vst v63  }
0xea: {  	_ =	swait.ge [sflag:s19], $0x4000  }
0xeb: {  	[sflag:s19] =	ssyncset.done $0x0  }
0xec: {  	[sflag:s19] =	ssyncadd.s32 $0xFFFFC000  }
0xed: {  	[spmem:s3] =	stream.indirect.scatter.add.f32 [tilespmem:s18], [sflag:$0x1], $0x80, s2, s20, $0xb8;
	[tilespmem:$0x18800] =	vst v63  }
0xee: {  	_ =	swait.ge [sflag:s19], $0x4000  }
0xef: {  	[sflag:s19] =	ssyncset.done $0x0  }
0xf0: {  	[sflag:s19] =	ssyncadd.s32 $0xFFFFC000  }
0xf1: {  	[spmem:s3] =	stream.indirect.scatter.add.f32 [tilespmem:s18], [sflag:$0x1], $0x80, s0, s20, $0xb8;
	[tilespmem:$0x18800] =	vst v63  }
0xf2: {  	_ =	swait.ge [sflag:s19], $0x4000  }
0xf3: {  	[sflag:s19] =	ssyncset.done $0x0  }
0xf4: {  	[sflag:s19] =	ssyncadd.s32 $0xFFFFC000  }
0xf5: {  	[spmem:s3] =	stream.indirect.scatter.add.f32 [tilespmem:s18], [sflag:$0x1], $0x80, s5, s20, $0xb8;
	[tilespmem:$0x18800] =	vst v63  }
0xf6: {  	_ =	swait.ge [sflag:s19], $0x4000  }
0xf7: {  	[sflag:s19] =	ssyncset.done $0x0  }
0xf8: {  	[sflag:s19] =	ssyncadd.s32 $0xFFFFC000  }
0xf9: {  	[spmem:s3] =	stream.indirect.scatter.add.f32 [tilespmem:s18], [sflag:$0x1], $0x80, s7, s20, $0xb8;
	[tilespmem:$0x18800] =	vst v63  }
0xfa: {  	_ =	swait.ge [sflag:s19], $0x4000  }
0xfb: {  	[sflag:s19] =	ssyncset.done $0x0  }
0xfc: {  	[sflag:s19] =	ssyncadd.s32 $0xFFFFC000  }
0xfd: {  	[spmem:s3] =	stream.indirect.scatter.add.f32 [tilespmem:s18], [sflag:$0x1], $0x80, s8, s20, $0xb8;
	[tilespmem:$0x18800] =	vst v63  }
0xfe: {  	_ =	swait.ge [sflag:s19], $0x4000  }
0xff: {  	[sflag:s19] =	ssyncset.done $0x0  }
0x100: {  	[sflag:s19] =	ssyncadd.s32 $0xFFFFC000  }
0x101: {  	[spmem:s3] =	stream.indirect.scatter.add.f32 [tilespmem:s18], [sflag:$0x1], $0x80, s9, s20, $0xb8;
	[tilespmem:$0x18800] =	vst v63  }
0x102: {  	_ =	swait.ge [sflag:s19], $0x4000  }
0x103: {  	[sflag:s19] =	ssyncset.done $0x0  }
0x104: {  	[sflag:s19] =	ssyncadd.s32 $0xFFFFC000  }
0x105: {  	[spmem:s3] =	stream.indirect.scatter.add.f32 [tilespmem:s18], [sflag:$0x1], $0x80, s10, s20, $0xb8;
	[tilespmem:$0x18800] =	vst v63  }
0x106: {  	_ =	swait.ge [sflag:s19], $0x4000  }
0x107: {  	[sflag:s19] =	ssyncset.done $0x0  }
0x108: {  	s13 =	stileid.u32;
	[sflag:s19] =	ssyncadd.s32 $0xFFFFC000  }
0x109: {  	s12 =	sshll.u32 s13, $0x6;
	[bflag:$0x0] =	sbarrier.arrive $0xFFFF  }
0x10a: {  	s13 =	sshrl.u32 s6, $0x3;
	s12 =	sor.u32 $0x1C01, s12;
	s14 =	rddreg [dreg:$0x5]  }
0x10b: {  	[hbm:s14], [sflag:s12] =	dma.local [spmem:s13], $0x800  }
0x10c: {  	_ =	swait.ge [sflag:s19], $0x800  }
0x10d: {  	[sflag:s19] =	ssyncset.done $0x0  }
0x10e: {  	s14 =	rddreg [dreg:$0xb];
	[sflag:s19] =	ssyncadd.s32 $0xFFFFF800  }
0x10f: {  	[hbm:s14], [sflag:s12] =	dma.local [spmem:s22], $0x800  }
0x110: {  	_ =	swait.ge [sflag:s19], $0x800  }
0x111: {  	[sflag:s19] =	ssyncset.done $0x0  }
0x112: {  	s15 =	rddreg [dreg:$0xc];
	[sflag:s19] =	ssyncadd.s32 $0xFFFFF800  }
0x113: {  	[hbm:s15], [sflag:s12] =	dma.local [spmem:s23], $0x800  }
0x114: {  	_ =	swait.ge [sflag:s19], $0x800  }
0x115: {  	[sflag:s19] =	ssyncset.done $0x0  }
0x116: {  	s14 =	rddreg [dreg:$0xd];
	[sflag:s19] =	ssyncadd.s32 $0xFFFFF800  }
0x117: {  	[hbm:s14], [sflag:s12] =	dma.local [spmem:s24], $0x800  }
0x118: {  	_ =	swait.ge [sflag:s19], $0x800  }
0x119: {  	[sflag:s19] =	ssyncset.done $0x0  }
0x11a: {  	[sflag:s19] =	ssyncadd.s32 $0xFFFFF800  }
0x11b: {  	[hbm:s16], [sflag:s12] =	dma.local [spmem:s25], $0x800  }
0x11c: {  	_ =	swait.ge [sflag:s19], $0x800  }
0x11d: {  	s11 =	sadd.s32 $0x1, s11;
	s15 =	rddreg [dreg:$0x6]  }
0x11e: {  	p0 =	sne.s32 s11, s15  }
.Ltmp1:
0x11f: {  	_ = 	snop;
	(pc) =	sbr.rel @p0 .LBB2_1-.Ltmp1, $3  }
0x120: {  	_ =	sdelay $0x1  }
0x121: {  	[sflag:s19] =	ssyncset.done $0x0  }
0x122: {  	[sflag:s19] =	ssyncadd.s32 $0xFFFFF800  }
0x123: {  	_ =	sfence.sel $0x180000  }
0x124: {  	[bflag:$0x0] =	sbarrier.arrive $0xFFFF  }
0x125: {  	_ =	strace $0x90000047  }
0x126: {  	s0 =	stileid.u32;
	[bflag:$0x2] =	sbarrier.arrive $0xFFFF  }
0x127: {  	p0 =	sne.s32 s0, $0x0;
	s0 =	rddreg [dreg:$0x3]  }
0x128: {  	s0 =	sadd.s32 @!p0 $0x100000, s0  }
0x129: {  	[sflag:s0] =	ssyncadd.tile.s32 @!p0 $0x1;
	_ =	shalt  }
.Lfunc_end2:
_tile_overlayer_lowered:
.L_overlay_start_2:
0x12a: {  	(tag) =	ssettag $0x2  }
0x12b: {  	s0 =	rddreg [dreg:$0x0];
	s2 =	stileid.u32  }
0x12c: {  	s1 =	rddreg [dreg:$0x1];
	p0 =	sne.s32 s2, $0x0  }
0x12d: {  	s3 =	rddreg [dreg:$0x2];
	[bflag:$0x3] =	sbarrier.arrive $0xFFFF;
	s2 =	simm.s32 @!p0 $0x1C01  }
0x12e: {  	[timem:s3], [sflag:s2] =	dma.local @!p0 [hbm:s0], s1  }
0x12f: {  	s0 =	simm.s32 @!p0 $0x1  }
0x130: {  	_ =	swait.ge @!p0 [sflag:s0], s1  }
0x131: {  	s1 =	ssub.s32 @!p0 $0x0, s1;
	[sflag:s0] =	ssyncset.done @!p0 $0x0  }
0x132: {  	[sflag:s0] =	ssyncadd.s32 @!p0 s1  }
0x133: {  	[bflag:$0x3] =	sbarrier.arrive $0xFFFF  }
0x134: {  	_ =	shalt  }

// kernel: kernel.14.cloned.1.call-start
scs
__scs_entry_jumppad:
0x0: {  	(pc) =	sbr.rel $0x88, $3  }
0x1: {  	(tag) =	ssettag $0x0;
	lr =	simm.s32 $0x1  }
0x2: {  	[smem:$0x3F96] =	sst lr;
	_ =	strace $0xD0000000  }
0x3: {  	_ = 	snop  }
0x4: {  	_ = 	snop  }
0x5: {  	_ = 	snop  }
0x6: {  	_ = 	snop  }
0x7: {  	_ = 	snop  }
__scs_overlays_trampoline_lowered:
0x8: {  	[smem:$0x3FA5] =	sst s0  }
0x9: {  	[smem:$0x3FA6] =	sst s1  }
0xa: {  	[smem:$0x3FA7] =	sst s2  }
0xb: {  	[smem:$0x3FA8] =	sst s3  }
0xc: {  	[smem:$0x3FA9] =	sst s4  }
0xd: {  	[smem:$0x3FAA] =	sst s5  }
0xe: {  	[smem:$0x3FAB] =	sst s6  }
0xf: {  	[smem:$0x3FAC] =	sst s7  }
0x10: {  	[smem:$0x3FAD] =	sst s8  }
0x11: {  	[smem:$0x3FAE] =	sst s9;
	s0 =	simm.s32 @!p0 $0x0  }
0x12: {  	s1 =	sld [smem:$0x3F94];
	s0 =	simm.s32 @p0 $0x1  }
0x13: {  	[smem:$0x3FAF] =	sst s0;
	s0 =	simm.s32 @!p1 $0x0  }
0x14: {  	s2 =	sld [smem:$0x3F93];
	s0 =	simm.s32 @p1 $0x1  }
0x15: {  	[smem:$0x3FB0] =	sst s0;
	s0 =	simm.s32 @!p2 $0x0  }
0x16: {  	s3 =	sld [smem:$0x3FDB];
	s0 =	simm.s32 @p2 $0x1  }
0x17: {  	s4 =	simm.s32 $0x1BF5;
	[smem:$0x3FB2] =	sst s0  }
0x18: {  	s0 =	sld [smem:$0x3F95];
	_ =	swait.ge [sflag:s4], $0x0  }
0x19: {  	s7 =	sld [smem:$0x3F96]  }
0x1a: {  	s8 =	sadd.s32 $0xFFFFE003, lr  }
0x1b: {  	s9 =	sadd.s32 $0xFFFFFEF7, lr;
	s5 =	simm.s32 $0xFFFFFFFF;
	p2 =	slt.u32 s8, $0xFFFFF086  }
0x1c: {  	p1 =	slt.u32 s9, $0xF7A;
	s5 =	simm.s32 @!p2 $0x0  }
0x1d: {  	s5 =	simm.s32 @p1 $0x1;
	p0 =	seq.s32 s7, s2  }
0x1e: {  	s7 =	smul.u32 @!p0 $0xF7A, s2;
	p2 =	seq.s32 @!p0 s5, $0x0  }
0x1f: {  	s9 =	smul.u32 $0xF7A, s1;
	s8 =	simm.s32 @!p0 $0x1BF5;
	p2 =	por !p2, p0  }
0x20: {  	[sflag:s8] =	ssyncset.s32 @!p0 $0xFFFFF086;
	s6 =	sadd.s32 @!p0 s3, s7;
	s7 =	simm.s32 @!p0 $0x108  }
0x21: {  	s3 =	sadd.s32 s3, s9;
	s6 =	sadd.s32 @!p0 $0x88, s6;
	s7 =	simm.s32 @p2 $0x1082  }
0x22: {  	[simem:s7], [sflag:s8] =	dma.local @!p0 [hbm:s6], $0xF7A  }
0x23: {  	s9 =	sor.u32 $0xD0000000, s2;
	s6 =	simm.s32 $0x108;
	_ =	swait.ge @!p0 [sflag:s8], $0x0  }
0x24: {  	s3 =	sadd.s32 $0x88, s3;
	s6 =	simm.s32 @!p1 $0x1082;
	[sflag:s4] =	ssyncset.s32 $0xFFFFF086  }
0x25: {  	[simem:s6], [sflag:s4] =	dma.local [hbm:s3], $0xF7A  }
0x26: {  	[smem:$0x3F96] =	sst s1;
	(tag) =	ssettag s2;
	_ =	strace s9  }
0x27: {  	s1 =	sld [smem:$0x3FA6]  }
0x28: {  	s2 =	sld [smem:$0x3FA7]  }
0x29: {  	s4 =	sld [smem:$0x3FA9]  }
0x2a: {  	p0 =	seq.s32 s5, $0x0;
	s5 =	sld [smem:$0x3FAA]  }
0x2b: {  	s6 =	sld [smem:$0x3FAB]  }
0x2c: {  	s7 =	sld [smem:$0x3FAC]  }
0x2d: {  	s3 =	simm.s32 $0x108;
	s8 =	sld [smem:$0x3FAD]  }
0x2e: {  	s3 =	simm.s32 @!p0 $0x1082;
	s9 =	sld [smem:$0x3FAE]  }
0x2f: {  	lr =	sadd.s32 s0, s3;
	s0 =	sld [smem:$0x3FA5]  }
0x30: {  	s3 =	sld [smem:$0x3FA8]  }
0x31: {  	[smem:$0x3FB1] =	sst s10  }
0x32: {  	s10 =	sld [smem:$0x3FAF];
	_ =	sdelay $0x3  }
0x33: {  	p0 =	seq.s32 s10, $0x1;
	s10 =	sld [smem:$0x3FB1];
	_ =	sdelay $0x3  }
0x34: {  	[smem:$0x3FB1] =	sst s10  }
0x35: {  	s10 =	sld [smem:$0x3FB0];
	_ =	sdelay $0x3  }
0x36: {  	p1 =	seq.s32 s10, $0x1;
	s10 =	sld [smem:$0x3FB1];
	_ =	sdelay $0x3  }
0x37: {  	[smem:$0x3FB1] =	sst s10  }
0x38: {  	s10 =	sld [smem:$0x3FB2]  }
0x39: {  	_ = 	snop;
	(pc) =	sbr.ind lr, $3  }
0x3a: {  	_ = 	snop  }
0x3b: {  	_ = 	snop  }
0x3c: {  	p2 =	seq.s32 s10, $0x1;
	s10 =	sld [smem:$0x3FB1]  }
0x3d: {  	_ =	shalt  }
0x3e: {  	_ =	shalt  }
0x3f: {  	_ =	shalt  }
0x40: {  	_ =	shalt  }
0x41: {  	_ =	shalt  }
0x42: {  	_ =	shalt  }
0x43: {  	_ =	shalt  }
0x44: {  	_ =	shalt  }
0x45: {  	_ =	shalt  }
0x46: {  	_ =	shalt  }
0x47: {  	_ =	shalt  }
0x48: {  	_ =	shalt  }
0x49: {  	_ =	shalt  }
0x4a: {  	_ =	shalt  }
0x4b: {  	_ =	shalt  }
0x4c: {  	_ =	shalt  }
0x4d: {  	_ =	shalt  }
0x4e: {  	_ =	shalt  }
0x4f: {  	_ =	shalt  }
0x50: {  	_ =	shalt  }
0x51: {  	_ =	shalt  }
0x52: {  	_ =	shalt  }
0x53: {  	_ =	shalt  }
0x54: {  	_ =	shalt  }
0x55: {  	_ =	shalt  }
0x56: {  	_ =	shalt  }
0x57: {  	_ =	shalt  }
0x58: {  	_ =	shalt  }
0x59: {  	_ =	shalt  }
0x5a: {  	_ =	shalt  }
0x5b: {  	_ =	shalt  }
0x5c: {  	_ =	shalt  }
0x5d: {  	_ =	shalt  }
0x5e: {  	_ =	shalt  }
0x5f: {  	_ =	shalt  }
0x60: {  	_ =	shalt  }
0x61: {  	_ =	shalt  }
0x62: {  	_ =	shalt  }
0x63: {  	_ =	shalt  }
0x64: {  	_ =	shalt  }
0x65: {  	_ =	shalt  }
0x66: {  	_ =	shalt  }
0x67: {  	_ =	shalt  }
0x68: {  	_ =	shalt  }
0x69: {  	_ =	shalt  }
0x6a: {  	_ =	shalt  }
0x6b: {  	_ =	shalt  }
0x6c: {  	_ =	shalt  }
0x6d: {  	_ =	shalt  }
0x6e: {  	_ =	shalt  }
0x6f: {  	_ =	shalt  }
0x70: {  	_ =	shalt  }
0x71: {  	_ =	shalt  }
0x72: {  	_ =	shalt  }
0x73: {  	_ =	shalt  }
0x74: {  	_ =	shalt  }
0x75: {  	_ =	shalt  }
0x76: {  	_ =	shalt  }
0x77: {  	_ =	shalt  }
0x78: {  	_ =	shalt  }
0x79: {  	_ =	shalt  }
0x7a: {  	_ =	shalt  }
0x7b: {  	_ =	shalt  }
0x7c: {  	_ =	shalt  }
0x7d: {  	_ =	shalt  }
0x7e: {  	_ =	shalt  }
0x7f: {  	_ =	shalt  }
0x80: {  	_ =	shalt  }
0x81: {  	_ =	shalt  }
0x82: {  	_ =	shalt  }
0x83: {  	_ =	shalt  }
0x84: {  	_ =	shalt  }
0x85: {  	_ =	shalt  }
0x86: {  	_ =	shalt  }
0x87: {  	_ =	shalt  }
.Lfunc_end0:
.L_simem_size_0:
called_computation.1_lowered:
.L_overlay_start_0:
0x88: {  	s2 =	sld [smem:$0x3FD9]  }
0x89: {  	s3 =	sld [smem:$0x3FFE];
	_ =	sdelay $0x1  }
0x8a: {  	s1 =	srdreg.scid  }
0x8b: {  	s0 =	sand.u32 $0x1, s1  }
0x8c: {  	s17 =	sshll.u32 s0, $0xA;
	s2 =	sadd.s32 s3, s2  }
0x8d: {  	s2 =	sadd.s32 s2, s17  }
0x8e: {  	[smem:$0x3FBD] =	sst s2  }
0x8f: {  	_ = 	snop  }
0x90: {  	s2 =	sld [smem:$0x3FD0];
	(tm) =	ssettm $0x1  }
0x91: {  	s18 =	sld [smem:$0x3FFB];
	_ =	sdelay $0x3  }
0x92: {  	_ =	strace s18  }
0x93: {  	s3 =	sld [smem:$0x3FFC];
	_ =	sdelay $0x3  }
0x94: {  	_ =	strace s3  }
0x95: {  	s3 =	sld [smem:$0x3FFD];
	_ =	sdelay $0x3  }
0x96: {  	_ =	strace s3  }
0x97: {  	_ =	strace $0x8FFFFFFF  }
0x98: {  	s19 =	sld [smem:$0x3FDB];
	_ =	sdelay $0x1  }
0x99: {  	s4 =	simm.s32 $_scs_section_size  }
0x9a: {  	s5 =	simm.s32 $_size__tile_overlayer_lowered;
	s6 =	simm.s32 $_tile_overlayer_lowered  }
0x9b: {  	s22 =	simm.s32 $0x1BFF;
	s21 =	sshll.u32 s6, $0x1;
	s3 =	sadd.s32 s4, s19  }
0x9c: {  	s7 =	simm.s32 $0x0;
	s20 =	sshll.u32 s5, $0x1;
	s5 =	sadd.s32 s21, s3  }
0x9d: {  	[timem:s7], [sflag:s22] =	dma.local [hbm:s5], s20  }
0x9e: {  	_ =	swait.ge [sflag:s22], s20  }
0x9f: {  	s4 =	ssub.s32 $0x0, s20;
	[sflag:s22] =	ssyncset.done $0x0  }
0xa0: {  	[sflag:s22] =	ssyncadd.s32 s4;
	_ =	sdelay $0x1  }
0xa1: {  	s23 =	simm.s32 $0x1B8B  }
0xa2: {  	_ =	swait.ge [sflag:s23], $0x1  }
0xa3: {  	[sflag:s23] =	ssyncset.done $0x0  }
0xa4: {  	s25 =	simm.s32 $0x1B8E;
	s24 =	sld [smem:$0x3FFE];
	[sflag:s23] =	ssyncadd.s32 $0xFFFFFFFF  }
0xa5: {  	s26 =	simm.s32 $execute0_lowered;
	[smem:$0x3FD2] =	sst s25  }
0xa6: {  	s5 =	sshll.u32 s26, $0x1;
	_ =	strace $0x80000049;
	[dreg:$0x1] =	wrdreg $0xFFFFFFFF  }
0xa7: {  	s28 =	simm.s32 $_size_execute0_lowered;
	s3 =	sadd.s32 s3, s5;
	[dreg:$0x0] =	wrdreg $0x0  }
0xa8: {  	s5 =	sshll.u32 s28, $0x1;
	[dreg:$0x2] =	wrdreg s3  }
0xa9: {  	[dreg:$0x3] =	wrdreg s5  }
0xaa: {  	[dreg:$0x4] =	wrdreg $0xC0  }
0xab: {  	_ =	task [dreg:s7], $0x5FFFF  }
0xac: {  	[dreg:$0x1] =	wrdreg $0xFFFFFFFF  }
0xad: {  	[dreg:$0x0] =	wrdreg $0x60  }
0xae: {  	[dreg:$0x2] =	wrdreg s24  }
0xaf: {  	[dreg:$0x3] =	wrdreg s2  }
0xb0: {  	[dreg:$0x4] =	wrdreg $0x90000  }
0xb1: {  	[dreg:$0x5] =	wrdreg $0x9  }
0xb2: {  	_ =	task.clear_ibuf [dreg:s7], $0x6FFFF;
	_ =	strace $0x90000049  }
0xb3: {  	s29 =	simm.s32 $0x9;
	_ =	strace $0x8000004B  }
0xb4: {  	_ =	swait.ge [sflag:s29], $0x1  }
0xb5: {  	[sflag:s29] =	ssyncadd.s32 $0xFFFFFFFF  }
0xb6: {  	_ =	strace $0x9000004B  }
0xb7: {  	_ =	sfence  }
0xb8: {  	s30 =	sld [smem:$0x0];
	_ =	sdelay $0x2  }
0xb9: {  	s31 =	sshll.u32 s1, $0xD;
	s1 =	sshrl.u32 s1, $0x2  }
0xba: {  	s3 =	sand.u32 $0x4000, s31;
	s1 =	sadd.s32 s1, s30  }
0xbb: {  	s0 =	sor.u32 s3, s0;
	s1 =	sshll.u32 s1, $0x11  }
0xbc: {  	s0 =	sor.u32 s1, s0  }
0xbd: {  	s0 =	sadd.s32 $0x8F2B, s0  }
0xbe: {  	[sflag:s0] =	ssyncadd.remote.s32 $0x1  }
0xbf: {  	_ =	sfence.sel $0xFFFF  }
0xc0: {  	[dreg:$0x0] =	wrdreg $0xFFFFFFFF;
	(pc) =	sbr.abs _section_cstart, $3  }
0xc1: {  	[dreg:$0x1] =	wrdreg $0xFFFFFFFF  }
0xc2: {  	_ =	task.clear_ibuf [dreg:s7], $0x2FFFF;
	_ =	strace $0x9FFFFFFF  }
0xc3: {  	(tm) =	ssettm $0x7FFFFFFF  }
tec
execute0_lowered:
.L_overlay_start_1:
0x0: {  	(tag) =	ssettag $0x1  }
0x1: {  	s0 =	rddreg [dreg:$0x0]  }
0x2: {  	s2 =	rddreg [dreg:$0x2]  }
0x3: {  	s3 =	simm.s32 $0x0;
	s1 =	srdreg.scid;
	s20 =	stileid.u32  }
0x4: {  	s16 =	simm.s32 $0x180;
	s18 =	simm.s32 $0x200;
	s19 =	smul.u32 $0x14000, s20  }
0x5: {  	[smem:$0x7FF] =	sst s3;
	s7 =	sand.u32 $0x1, s1;
	s11 =	smul.u32 $0x280, s20  }
0x6: {  	s9 =	sadd.s32 $0x40800, s0;
	s10 =	sadd.s32 $0x590800, s0;
	s13 =	smul.u32 $0x2800, s20  }
0x7: {  	s5 =	sadd.s32 $0x90800, s0;
	_ =	strace $0x8000004A;
	s8 =	smul.u32 $0x140000, s7  }
0x8: {  	s4 =	ssub.s32 $0x2, s7;
	s17 =	smul.u32 $0x28000, s7;
	[dreg:$0x5] =	wrdreg s16  }
0x9: {  	[dreg:$0x6] =	wrdreg s18;
	s18 =	sadd.s32 $0xE800, s0;
	s6 =	sshrl.u32 s4, $0x1  }
0xa: {  	s22 =	sadd.s32 s9, s13;
	s23 =	sadd.s32 $0x80, s11;
	s24 =	sadd.s32 $0x100, s11  }
0xb: {  	s14 =	sadd.s32 $0x180, s11;
	s11 =	sadd.s32 $0x200, s11;
	s12 =	sadd.s32 s8, s19  }
0xc: {  	s1 =	ssub.s32 s4, s6;
	s6 =	smul.u32 $0x50000, s20;
	[dreg:$0xe] =	wrdreg s22  }
0xd: {  	s25 =	sshll.u32 s24, $0x4;
	s13 =	sshll.u32 s24, $0x7;
	s26 =	sshll.u32 s14, $0x4  }
0xe: {  	s14 =	sshll.u32 s14, $0x7;
	s22 =	simm.s32 $0x300;
	s24 =	smul.u32 $0x500, s7  }
0xf: {  	s21 =	sshrl.u32 s12, $0x3;
	s12 =	sshll.u32 s23, $0x4;
	s29 =	sadd.s32 s8, s13  }
0x10: {  	s31 =	sadd.s32 s8, s14;
	[dreg:$0x8] =	wrdreg s22;
	s1 =	smax.u32 s1, $0x1  }
0x11: {  	s4 =	sadd.s32 s10, s21;
	s12 =	sadd.s32 s9, s12;
	s30 =	sshrl.u32 s29, $0x3  }
0x12: {  	s19 =	sadd.s32 s6, s5;
	s21 =	simm.s32 $0x280;
	[dreg:$0x18] =	wrdreg s1  }
0x13: {  	s29 =	smul.u32 $0xA0, s20;
	s6 =	sshrl.u32 s6, $0x2;
	[dreg:$0xd] =	wrdreg s4  }
0x14: {  	s4 =	sshll.u32 s23, $0x7;
	[dreg:$0xf] =	wrdreg s12;
	s12 =	sadd.s32 s9, s25  }
0x15: {  	s16 =	sadd.s32 s17, s19;
	[dreg:$0x7] =	wrdreg s21;
	s23 =	sshll.u32 s20, $0x1  }
0x16: {  	s25 =	simm.s32 $0x380;
	s19 =	sadd.s32 $0x91000, s0;
	[dreg:$0x10] =	wrdreg s12  }
0x17: {  	s22 =	sadd.s32 s6, s2;
	s21 =	sadd.s32 s14, s2;
	[dreg:$0x9] =	wrdreg s25  }
0x18: {  	s6 =	simm.s32 $0x3;
	s14 =	simm.s32 $0x680;
	[dreg:$0x1c] =	wrdreg s21  }
0x19: {  	s12 =	sadd.s32 s9, s26;
	s15 =	sadd.s32 s8, s4;
	[dreg:$0x17] =	wrdreg s22  }
0x1a: {  	s26 =	smul.u32 $0xA00, s20;
	[dreg:$0x11] =	wrdreg s12;
	s12 =	sshll.u32 s11, $0x7  }
0x1b: {  	s11 =	sshll.u32 s11, $0x4;
	s28 =	sshrl.u32 s15, $0x3;
	s15 =	simm.s32 $0x100  }
0x1c: {  	s21 =	simm.s32 $0x780;
	s9 =	sadd.s32 s9, s11;
	[dreg:$0x4] =	wrdreg s15  }
0x1d: {  	s11 =	sshrl.u32 s31, $0x3;
	s31 =	simm.s32 $0x500;
	[dreg:$0x12] =	wrdreg s9  }
0x1e: {  	s8 =	sadd.s32 s8, s12;
	s15 =	sadd.s32 s4, s2;
	[dreg:$0xc] =	wrdreg s31  }
0x1f: {  	s4 =	simm.s32 $0x0;
	s9 =	sadd.s32 s10, s28;
	[dreg:$0x1a] =	wrdreg s15  }
0x20: {  	s8 =	sshrl.u32 s8, $0x3;
	s28 =	simm.s32 $0x400;
	[dreg:$0x13] =	wrdreg s9  }
0x21: {  	s31 =	sadd.s32 $0x800, s16;
	s15 =	simm.s32 $0x700;
	[dreg:$0xa] =	wrdreg s28  }
0x22: {  	s9 =	sadd.s32 s10, s30;
	s8 =	sadd.s32 s10, s8;
	[smem:$0x7FD] =	sst s31  }
0x23: {  	s30 =	simm.s32 $0x480;
	s28 =	sadd.s32 $0x8000, s22;
	[dreg:$0x14] =	wrdreg s9  }
0x24: {  	s9 =	sadd.s32 s10, s11;
	[dreg:$0x16] =	wrdreg s8;
	s8 =	sor.u32 s7, s23  }
0x25: {  	s7 =	smul.u32 $0x50, s7;
	[dreg:$0xb] =	wrdreg s30;
	s10 =	sadd.s32 s26, s0  }
0x26: {  	s11 =	sshll.u32 s20, $0x6;
	s20 =	sadd.s32 s13, s2;
	[smem:$0x7FA] =	sst s28  }
0x27: {  	s26 =	sadd.s32 $0x4000, s22;
	s30 =	sadd.s32 $0x10000, s22;
	[dreg:$0x15] =	wrdreg s9  }
0x28: {  	s13 =	simm.s32 $0x600;
	s9 =	sadd.s32 s24, s10;
	[dreg:$0x1b] =	wrdreg s20  }
0x29: {  	s17 =	smul.u32 $0x50, s8;
	s1 =	sor.u32 $0x1C03, s11;
	[smem:$0x7F9] =	sst s26  }
0x2a: {  	s24 =	sadd.s32 s12, s2;
	[smem:$0x7FC] =	sst s30;
	s8 =	simm.s32 $0x1000  }
0x2b: {  	s10 =	simm.s32 $0x1;
	s11 =	simm.s32 $0x2;
	s12 =	simm.s32 $0x580  }
0x2c: {  	s7 =	sadd.s32 s7, s29;
	[dreg:$0x1d] =	wrdreg s24;
	s25 =	sadd.s32 $0x4800, s9  }
0x2d: {  	s29 =	sadd.s32 $0xC000, s22;
	[dreg:$0x19] =	wrdreg s1;
	s23 =	sshll.u32 s7, $0xB  }
0x2e: {  	s9 =	simm.s32 $0x5000;
	[dreg:$0x1e] =	wrdreg s25;
	s0 =	sadd.s32 s23, s5  }
0x2f: {  	s24 =	simm.s32 $0xF00;
	[smem:$0x7FB] =	sst s29;
	s0 =	sadd.s32 $0x1000, s0  }
0x30: {  	s7 =	simm.s32 $0x80;
	s25 =	simm.s32 $0xF80;
	[dreg:$0x1f] =	wrdreg s0  }
.LBB2_1:
0x31: {  	[smem:$0x7F3] =	sst s4  }
0x32: {  	s26 =	sshrl.u32 s22, $0x3;
	s0 =	rddreg [dreg:$0xe]  }
0x33: {  	[smem:$0x7F4] =	sst s26  }
0x34: {  	[spmem:s26], [sflag:s1] =	dma.local [hbm:s0], $0x800  }
0x35: {  	_ =	swait.ge [sflag:s6], $0x800  }
0x36: {  	s29 =	rddreg [dreg:$0x1a]  }
0x37: {  	[sflag:s6] =	ssyncset.done $0x0;
	s31 =	rddreg [dreg:$0xf];
	s30 =	sshrl.u32 s29, $0x3  }
0x38: {  	[sflag:s6] =	ssyncadd.s32 $0xFFFFF800;
	[smem:$0x7F5] =	sst s30  }
0x39: {  	[spmem:s30], [sflag:s1] =	dma.local [hbm:s31], $0x800  }
0x3a: {  	_ =	swait.ge [sflag:s6], $0x800  }
0x3b: {  	s20 =	rddreg [dreg:$0x1b]  }
0x3c: {  	[sflag:s6] =	ssyncset.done $0x0;
	s26 =	rddreg [dreg:$0x10];
	s23 =	sshrl.u32 s20, $0x3  }
0x3d: {  	[sflag:s6] =	ssyncadd.s32 $0xFFFFF800;
	[smem:$0x7F6] =	sst s23  }
0x3e: {  	[spmem:s23], [sflag:s1] =	dma.local [hbm:s26], $0x800  }
0x3f: {  	_ =	swait.ge [sflag:s6], $0x800  }
0x40: {  	s29 =	rddreg [dreg:$0x1c]  }
0x41: {  	[sflag:s6] =	ssyncset.done $0x0;
	s31 =	rddreg [dreg:$0x11];
	s30 =	sshrl.u32 s29, $0x3  }
0x42: {  	[sflag:s6] =	ssyncadd.s32 $0xFFFFF800;
	[smem:$0x7F7] =	sst s30  }
0x43: {  	[spmem:s30], [sflag:s1] =	dma.local [hbm:s31], $0x800  }
0x44: {  	_ =	swait.ge [sflag:s6], $0x800  }
0x45: {  	s20 =	rddreg [dreg:$0x1d]  }
0x46: {  	[sflag:s6] =	ssyncset.done $0x0;
	s26 =	rddreg [dreg:$0x12];
	s23 =	sshrl.u32 s20, $0x3  }
0x47: {  	[sflag:s6] =	ssyncadd.s32 $0xFFFFF800;
	[smem:$0x7F8] =	sst s23  }
0x48: {  	[spmem:s23], [sflag:s1] =	dma.local [hbm:s26], $0x800  }
0x49: {  	_ =	swait.ge [sflag:s6], $0x800  }
0x4a: {  	[sflag:s6] =	ssyncset.done $0x0  }
0x4b: {  	[sflag:s6] =	ssyncadd.s32 $0xFFFFF800  }
0x4c: {  	[bflag:$0x0] =	sbarrier.arrive $0xFFFF  }
0x4d: {  	s28 =	rddreg [dreg:$0x1e]  }
0x4e: {  	[tilespmem:s3], [sflag:$0x3] =	stream.linear.gather [hbm4b:s28+s3], $0x800, $0x38;
	[tilespmem:$0x1D000] =	vst v63  }
0x4f: {  	_ =	swait.ge [sflag:s6], $0x800  }
0x50: {  	[sflag:s6] =	ssyncset.done $0x0  }
0x51: {  	[sflag:s6] =	ssyncadd.s32 $0xFFFFF800  }
0x52: {  	[tilespmem:s8], [sflag:$0x1] =	stream.indirect.gather [spmem:s2], $0x80, s3, s7, $0xb8;
	[tilespmem:$0x1D000] =	vst v63  }
0x53: {  	_ = 	snop  }
0x54: {  	[tilespmem:s9], [sflag:$0x2] =	stream.indirect.gather [spmem:s2], $0x80, s7, s7, $0xb8;
	[tilespmem:$0x1D000] =	vst v63  }
0x55: {  	_ =	swait.ge [sflag:s10], $0x4000  }
0x56: {  	[sflag:s10] =	ssyncset.done $0x0  }
0x57: {  	s1 =	sadd.s32 $0x0, s16;
	[sflag:s10] =	ssyncadd.s32 $0xFFFFC000  }
0x58: {  	[hbm4b:s1+s3] =	stream.linear.scatter [tilespmem:s8], [sflag:$0x3], $0x4000, $0x38;
	[tilespmem:$0x1D000] =	vst v63  }
0x59: {  	_ =	swait.ge [sflag:s6], $0x4000  }
0x5a: {  	[sflag:s6] =	ssyncset.done $0x0  }
0x5b: {  	s29 =	rddreg [dreg:$0x4];
	[sflag:s6] =	ssyncadd.s32 $0xFFFFC000  }
0x5c: {  	[tilespmem:s8], [sflag:$0x1] =	stream.indirect.gather [spmem:s2], $0x80, s29, s7, $0xb8;
	[tilespmem:$0x1D000] =	vst v63  }
0x5d: {  	_ =	swait.ge [sflag:s11], $0x4000  }
0x5e: {  	[sflag:s11] =	ssyncset.done $0x0  }
0x5f: {  	s30 =	sadd.s32 $0x800, s1;
	[sflag:s11] =	ssyncadd.s32 $0xFFFFC000  }
0x60: {  	[hbm4b:s30+s3] =	stream.linear.scatter [tilespmem:s9], [sflag:$0x3], $0x4000, $0x38;
	[tilespmem:$0x1D000] =	vst v63  }
0x61: {  	_ =	swait.ge [sflag:s6], $0x4000  }
0x62: {  	[sflag:s6] =	ssyncset.done $0x0  }
0x63: {  	s31 =	rddreg [dreg:$0x5];
	[sflag:s6] =	ssyncadd.s32 $0xFFFFC000  }
0x64: {  	[tilespmem:s9], [sflag:$0x2] =	stream.indirect.gather [spmem:s2], $0x80, s31, s7, $0xb8;
	[tilespmem:$0x1D000] =	vst v63  }
0x65: {  	_ =	swait.ge [sflag:s10], $0x4000  }
0x66: {  	[sflag:s10] =	ssyncset.done $0x0  }
0x67: {  	s4 =	sadd.s32 $0x1000, s1;
	[sflag:s10] =	ssyncadd.s32 $0xFFFFC000  }
0x68: {  	[hbm4b:s4+s3] =	stream.linear.scatter [tilespmem:s8], [sflag:$0x3], $0x4000, $0x38;
	[tilespmem:$0x1D000] =	vst v63  }
0x69: {  	_ =	swait.ge [sflag:s6], $0x4000  }
0x6a: {  	[sflag:s6] =	ssyncset.done $0x0  }
0x6b: {  	s20 =	rddreg [dreg:$0x6];
	[sflag:s6] =	ssyncadd.s32 $0xFFFFC000  }
0x6c: {  	[tilespmem:s8], [sflag:$0x1] =	stream.indirect.gather [spmem:s2], $0x80, s20, s7, $0xb8;
	[tilespmem:$0x1D000] =	vst v63  }
0x6d: {  	_ =	swait.ge [sflag:s11], $0x4000  }
0x6e: {  	[sflag:s11] =	ssyncset.done $0x0  }
0x6f: {  	s23 =	sadd.s32 $0x1800, s1;
	[sflag:s11] =	ssyncadd.s32 $0xFFFFC000  }
0x70: {  	[hbm4b:s23+s3] =	stream.linear.scatter [tilespmem:s9], [sflag:$0x3], $0x4000, $0x38;
	[tilespmem:$0x1D000] =	vst v63  }
0x71: {  	_ =	swait.ge [sflag:s6], $0x4000  }
0x72: {  	[sflag:s6] =	ssyncset.done $0x0  }
0x73: {  	s26 =	rddreg [dreg:$0x7];
	[sflag:s6] =	ssyncadd.s32 $0xFFFFC000  }
0x74: {  	[tilespmem:s9], [sflag:$0x2] =	stream.indirect.gather [spmem:s2], $0x80, s26, s7, $0xb8;
	[tilespmem:$0x1D000] =	vst v63  }
0x75: {  	_ =	swait.ge [sflag:s10], $0x4000  }
0x76: {  	[sflag:s10] =	ssyncset.done $0x0  }
0x77: {  	s29 =	sadd.s32 $0x2000, s1;
	[sflag:s10] =	ssyncadd.s32 $0xFFFFC000  }
0x78: {  	[hbm4b:s29+s3] =	stream.linear.scatter [tilespmem:s8], [sflag:$0x3], $0x4000, $0x38;
	[tilespmem:$0x1D000] =	vst v63  }
0x79: {  	_ =	swait.ge [sflag:s6], $0x4000  }
0x7a: {  	[sflag:s6] =	ssyncset.done $0x0  }
0x7b: {  	s30 =	rddreg [dreg:$0x8];
	[sflag:s6] =	ssyncadd.s32 $0xFFFFC000  }
0x7c: {  	[tilespmem:s8], [sflag:$0x1] =	stream.indirect.gather [spmem:s2], $0x80, s30, s7, $0xb8;
	[tilespmem:$0x1D000] =	vst v63  }
0x7d: {  	_ =	swait.ge [sflag:s11], $0x4000  }
0x7e: {  	[sflag:s11] =	ssyncset.done $0x0  }
0x7f: {  	s31 =	sadd.s32 $0x2800, s1;
	[sflag:s11] =	ssyncadd.s32 $0xFFFFC000  }
0x80: {  	[hbm4b:s31+s3] =	stream.linear.scatter [tilespmem:s9], [sflag:$0x3], $0x4000, $0x38;
	[tilespmem:$0x1D000] =	vst v63  }
0x81: {  	_ =	swait.ge [sflag:s6], $0x4000  }
0x82: {  	[sflag:s6] =	ssyncset.done $0x0  }
0x83: {  	s4 =	rddreg [dreg:$0x9];
	[sflag:s6] =	ssyncadd.s32 $0xFFFFC000  }
0x84: {  	[tilespmem:s9], [sflag:$0x2] =	stream.indirect.gather [spmem:s2], $0x80, s4, s7, $0xb8;
	[tilespmem:$0x1D000] =	vst v63  }
0x85: {  	_ =	swait.ge [sflag:s10], $0x4000  }
0x86: {  	[sflag:s10] =	ssyncset.done $0x0  }
0x87: {  	s20 =	sadd.s32 $0x3000, s1;
	[sflag:s10] =	ssyncadd.s32 $0xFFFFC000  }
0x88: {  	[hbm4b:s20+s3] =	stream.linear.scatter [tilespmem:s8], [sflag:$0x3], $0x4000, $0x38;
	[tilespmem:$0x1D000] =	vst v63  }
0x89: {  	_ =	swait.ge [sflag:s6], $0x4000  }
0x8a: {  	[sflag:s6] =	ssyncset.done $0x0  }
0x8b: {  	s23 =	rddreg [dreg:$0xa];
	[sflag:s6] =	ssyncadd.s32 $0xFFFFC000  }
0x8c: {  	[tilespmem:s8], [sflag:$0x1] =	stream.indirect.gather [spmem:s2], $0x80, s23, s7, $0xb8;
	[tilespmem:$0x1D000] =	vst v63  }
0x8d: {  	_ =	swait.ge [sflag:s11], $0x4000  }
0x8e: {  	[sflag:s11] =	ssyncset.done $0x0  }
0x8f: {  	s26 =	sadd.s32 $0x3800, s1;
	[sflag:s11] =	ssyncadd.s32 $0xFFFFC000  }
0x90: {  	[hbm4b:s26+s3] =	stream.linear.scatter [tilespmem:s9], [sflag:$0x3], $0x4000, $0x38;
	[tilespmem:$0x1D000] =	vst v63  }
0x91: {  	_ =	swait.ge [sflag:s6], $0x4000  }
0x92: {  	[sflag:s6] =	ssyncset.done $0x0  }
0x93: {  	s29 =	rddreg [dreg:$0xb];
	[sflag:s6] =	ssyncadd.s32 $0xFFFFC000  }
0x94: {  	[tilespmem:s9], [sflag:$0x2] =	stream.indirect.gather [spmem:s2], $0x80, s29, s7, $0xb8;
	[tilespmem:$0x1D000] =	vst v63  }
0x95: {  	_ =	swait.ge [sflag:s10], $0x4000  }
0x96: {  	[sflag:s10] =	ssyncset.done $0x0  }
0x97: {  	s30 =	sadd.s32 $0x4000, s1;
	[sflag:s10] =	ssyncadd.s32 $0xFFFFC000  }
0x98: {  	[hbm4b:s30+s3] =	stream.linear.scatter [tilespmem:s8], [sflag:$0x3], $0x4000, $0x38;
	[tilespmem:$0x1D000] =	vst v63  }
0x99: {  	_ =	swait.ge [sflag:s6], $0x4000  }
0x9a: {  	[sflag:s6] =	ssyncset.done $0x0  }
0x9b: {  	s31 =	rddreg [dreg:$0xc];
	[sflag:s6] =	ssyncadd.s32 $0xFFFFC000  }
0x9c: {  	[tilespmem:s8], [sflag:$0x1] =	stream.indirect.gather [spmem:s2], $0x80, s31, s7, $0xb8;
	[tilespmem:$0x1D000] =	vst v63  }
0x9d: {  	_ =	swait.ge [sflag:s11], $0x4000  }
0x9e: {  	[sflag:s11] =	ssyncset.done $0x0  }
0x9f: {  	s4 =	sadd.s32 $0x4800, s1;
	[sflag:s11] =	ssyncadd.s32 $0xFFFFC000  }
0xa0: {  	[hbm4b:s4+s3] =	stream.linear.scatter [tilespmem:s9], [sflag:$0x3], $0x4000, $0x38;
	[tilespmem:$0x1D000] =	vst v63  }
0xa1: {  	_ =	swait.ge [sflag:s6], $0x4000  }
0xa2: {  	[sflag:s6] =	ssyncset.done $0x0  }
0xa3: {  	[sflag:s6] =	ssyncadd.s32 $0xFFFFC000  }
0xa4: {  	[tilespmem:s9], [sflag:$0x2] =	stream.indirect.gather [spmem:s2], $0x80, s12, s7, $0xb8;
	[tilespmem:$0x1D000] =	vst v63  }
0xa5: {  	_ =	swait.ge [sflag:s10], $0x4000  }
0xa6: {  	[sflag:s10] =	ssyncset.done $0x0  }
0xa7: {  	s20 =	sadd.s32 $0x5000, s1;
	[sflag:s10] =	ssyncadd.s32 $0xFFFFC000  }
0xa8: {  	[hbm4b:s20+s3] =	stream.linear.scatter [tilespmem:s8], [sflag:$0x3], $0x4000, $0x38;
	[tilespmem:$0x1D000] =	vst v63  }
0xa9: {  	_ =	swait.ge [sflag:s6], $0x4000  }
0xaa: {  	[sflag:s6] =	ssyncset.done $0x0  }
0xab: {  	[sflag:s6] =	ssyncadd.s32 $0xFFFFC000  }
0xac: {  	[tilespmem:s8], [sflag:$0x1] =	stream.indirect.gather [spmem:s2], $0x80, s13, s7, $0xb8;
	[tilespmem:$0x1D000] =	vst v63  }
0xad: {  	_ =	swait.ge [sflag:s11], $0x4000  }
0xae: {  	[sflag:s11] =	ssyncset.done $0x0  }
0xaf: {  	s23 =	sadd.s32 $0x5800, s1;
	[sflag:s11] =	ssyncadd.s32 $0xFFFFC000  }
0xb0: {  	[hbm4b:s23+s3] =	stream.linear.scatter [tilespmem:s9], [sflag:$0x3], $0x4000, $0x38;
	[tilespmem:$0x1D000] =	vst v63  }
0xb1: {  	_ =	swait.ge [sflag:s6], $0x4000  }
0xb2: {  	[sflag:s6] =	ssyncset.done $0x0  }
0xb3: {  	[sflag:s6] =	ssyncadd.s32 $0xFFFFC000  }
0xb4: {  	[tilespmem:s9], [sflag:$0x2] =	stream.indirect.gather [spmem:s2], $0x80, s14, s7, $0xb8;
	[tilespmem:$0x1D000] =	vst v63  }
0xb5: {  	_ =	swait.ge [sflag:s10], $0x4000  }
0xb6: {  	[sflag:s10] =	ssyncset.done $0x0  }
0xb7: {  	s26 =	sadd.s32 $0x6000, s1;
	[sflag:s10] =	ssyncadd.s32 $0xFFFFC000  }
0xb8: {  	[hbm4b:s26+s3] =	stream.linear.scatter [tilespmem:s8], [sflag:$0x3], $0x4000, $0x38;
	[tilespmem:$0x1D000] =	vst v63  }
0xb9: {  	_ =	swait.ge [sflag:s6], $0x4000  }
0xba: {  	[sflag:s6] =	ssyncset.done $0x0  }
0xbb: {  	[sflag:s6] =	ssyncadd.s32 $0xFFFFC000  }
0xbc: {  	[tilespmem:s8], [sflag:$0x1] =	stream.indirect.gather [spmem:s2], $0x80, s15, s7, $0xb8;
	[tilespmem:$0x1D000] =	vst v63  }
0xbd: {  	_ =	swait.ge [sflag:s11], $0x4000  }
0xbe: {  	[sflag:s11] =	ssyncset.done $0x0  }
0xbf: {  	s29 =	sadd.s32 $0x6800, s1;
	[sflag:s11] =	ssyncadd.s32 $0xFFFFC000  }
0xc0: {  	[hbm4b:s29+s3] =	stream.linear.scatter [tilespmem:s9], [sflag:$0x3], $0x4000, $0x38;
	[tilespmem:$0x1D000] =	vst v63  }
0xc1: {  	_ =	swait.ge [sflag:s6], $0x4000  }
0xc2: {  	[sflag:s6] =	ssyncset.done $0x0  }
0xc3: {  	[sflag:s6] =	ssyncadd.s32 $0xFFFFC000  }
0xc4: {  	[tilespmem:s9], [sflag:$0x2] =	stream.indirect.gather [spmem:s2], $0x80, s21, s7, $0xb8;
	[tilespmem:$0x1D000] =	vst v63  }
0xc5: {  	_ =	swait.ge [sflag:s10], $0x4000  }
0xc6: {  	[sflag:s10] =	ssyncset.done $0x0  }
0xc7: {  	s30 =	sadd.s32 $0x7000, s1;
	[sflag:s10] =	ssyncadd.s32 $0xFFFFC000  }
0xc8: {  	[hbm4b:s30+s3] =	stream.linear.scatter [tilespmem:s8], [sflag:$0x3], $0x4000, $0x38;
	[tilespmem:$0x1D000] =	vst v63  }
0xc9: {  	_ =	swait.ge [sflag:s6], $0x4000  }
0xca: {  	[sflag:s6] =	ssyncset.done $0x0  }
0xcb: {  	[sflag:s6] =	ssyncadd.s32 $0xFFFFC000  }
0xcc: {  	[tilespmem:s8], [sflag:$0x1] =	stream.indirect.gather [spmem:s2], $0x80, s21, s7, $0xb8;
	[tilespmem:$0x1D000] =	vst v63  }
0xcd: {  	_ =	swait.ge [sflag:s11], $0x4000  }
0xce: {  	[sflag:s11] =	ssyncset.done $0x0  }
0xcf: {  	s31 =	sadd.s32 $0x7800, s1;
	[sflag:s11] =	ssyncadd.s32 $0xFFFFC000  }
0xd0: {  	[hbm4b:s31+s3] =	stream.linear.scatter [tilespmem:s9], [sflag:$0x3], $0x4000, $0x38;
	[tilespmem:$0x1D000] =	vst v63  }
0xd1: {  	_ =	swait.ge [sflag:s6], $0x4000  }
0xd2: {  	[sflag:s6] =	ssyncset.done $0x0  }
0xd3: {  	[sflag:s6] =	ssyncadd.s32 $0xFFFFC000  }
0xd4: {  	_ =	swait.ge [sflag:s10], $0x4000  }
0xd5: {  	s1 =	simm.s32 $0x8000;
	[sflag:s10] =	ssyncset.done $0x0  }
.LBB2_2:
0xd6: {  	[sflag:s10] =	ssyncadd.s32 $0xFFFFC000;
	s28 =	sadd.s32 $0x100, s28  }
0xd7: {  	[tilespmem:s3], [sflag:$0x3] =	stream.linear.gather [hbm4b:s28+s3], $0x800, $0x38;
	[tilespmem:$0x1D000] =	vst v63  }
0xd8: {  	_ =	swait.ge [sflag:s6], $0x800  }
0xd9: {  	[sflag:s6] =	ssyncset.done $0x0  }
0xda: {  	[sflag:s6] =	ssyncadd.s32 $0xFFFFF800  }
0xdb: {  	[tilespmem:s8], [sflag:$0x1] =	stream.indirect.gather [spmem:s2], $0x80, s3, s7, $0xb8;
	[tilespmem:$0x1D000] =	vst v63  }
0xdc: {  	_ = 	snop  }
0xdd: {  	[tilespmem:s9], [sflag:$0x2] =	stream.indirect.gather [spmem:s2], $0x80, s7, s7, $0xb8;
	[tilespmem:$0x1D000] =	vst v63  }
0xde: {  	_ =	swait.ge [sflag:s10], $0x4000  }
0xdf: {  	s0 =	smov.u32 s1;
	[sflag:s10] =	ssyncset.done $0x0  }
0xe0: {  	s20 =	sadd.s32 s0, s16;
	[sflag:s10] =	ssyncadd.s32 $0xFFFFC000  }
0xe1: {  	[hbm4b:s20+s3] =	stream.linear.scatter [tilespmem:s8], [sflag:$0x3], $0x4000, $0x38;
	[tilespmem:$0x1D000] =	vst v63  }
0xe2: {  	_ =	swait.ge [sflag:s6], $0x4000  }
0xe3: {  	[sflag:s6] =	ssyncset.done $0x0  }
0xe4: {  	s4 =	rddreg [dreg:$0x4];
	[sflag:s6] =	ssyncadd.s32 $0xFFFFC000  }
0xe5: {  	[tilespmem:s8], [sflag:$0x1] =	stream.indirect.gather [spmem:s2], $0x80, s4, s7, $0xb8;
	[tilespmem:$0x1D000] =	vst v63  }
0xe6: {  	_ =	swait.ge [sflag:s11], $0x4000  }
0xe7: {  	[sflag:s11] =	ssyncset.done $0x0  }
0xe8: {  	s23 =	sadd.s32 $0x800, s20;
	[sflag:s11] =	ssyncadd.s32 $0xFFFFC000  }
0xe9: {  	[hbm4b:s23+s3] =	stream.linear.scatter [tilespmem:s9], [sflag:$0x3], $0x4000, $0x38;
	[tilespmem:$0x1D000] =	vst v63  }
0xea: {  	_ =	swait.ge [sflag:s6], $0x4000  }
0xeb: {  	[sflag:s6] =	ssyncset.done $0x0  }
0xec: {  	s26 =	rddreg [dreg:$0x5];
	[sflag:s6] =	ssyncadd.s32 $0xFFFFC000  }
0xed: {  	[tilespmem:s9], [sflag:$0x2] =	stream.indirect.gather [spmem:s2], $0x80, s26, s7, $0xb8;
	[tilespmem:$0x1D000] =	vst v63  }
0xee: {  	_ =	swait.ge [sflag:s10], $0x4000  }
0xef: {  	[sflag:s10] =	ssyncset.done $0x0  }
0xf0: {  	s29 =	sadd.s32 $0x1000, s20;
	[sflag:s10] =	ssyncadd.s32 $0xFFFFC000  }
0xf1: {  	[hbm4b:s29+s3] =	stream.linear.scatter [tilespmem:s8], [sflag:$0x3], $0x4000, $0x38;
	[tilespmem:$0x1D000] =	vst v63  }
0xf2: {  	_ =	swait.ge [sflag:s6], $0x4000  }
0xf3: {  	[sflag:s6] =	ssyncset.done $0x0  }
0xf4: {  	s30 =	rddreg [dreg:$0x6];
	[sflag:s6] =	ssyncadd.s32 $0xFFFFC000  }
0xf5: {  	[tilespmem:s8], [sflag:$0x1] =	stream.indirect.gather [spmem:s2], $0x80, s30, s7, $0xb8;
	[tilespmem:$0x1D000] =	vst v63  }
0xf6: {  	_ =	swait.ge [sflag:s11], $0x4000  }
0xf7: {  	[sflag:s11] =	ssyncset.done $0x0  }
0xf8: {  	s31 =	sadd.s32 $0x1800, s20;
	[sflag:s11] =	ssyncadd.s32 $0xFFFFC000  }
0xf9: {  	[hbm4b:s31+s3] =	stream.linear.scatter [tilespmem:s9], [sflag:$0x3], $0x4000, $0x38;
	[tilespmem:$0x1D000] =	vst v63  }
0xfa: {  	_ =	swait.ge [sflag:s6], $0x4000  }
0xfb: {  	[sflag:s6] =	ssyncset.done $0x0  }
0xfc: {  	s4 =	rddreg [dreg:$0x7];
	[sflag:s6] =	ssyncadd.s32 $0xFFFFC000  }
0xfd: {  	[tilespmem:s9], [sflag:$0x2] =	stream.indirect.gather [spmem:s2], $0x80, s4, s7, $0xb8;
	[tilespmem:$0x1D000] =	vst v63  }
0xfe: {  	_ =	swait.ge [sflag:s10], $0x4000  }
0xff: {  	[sflag:s10] =	ssyncset.done $0x0  }
0x100: {  	s23 =	sadd.s32 $0x2000, s20;
	[sflag:s10] =	ssyncadd.s32 $0xFFFFC000  }
0x101: {  	[hbm4b:s23+s3] =	stream.linear.scatter [tilespmem:s8], [sflag:$0x3], $0x4000, $0x38;
	[tilespmem:$0x1D000] =	vst v63  }
0x102: {  	_ =	swait.ge [sflag:s6], $0x4000  }
0x103: {  	[sflag:s6] =	ssyncset.done $0x0  }
0x104: {  	s26 =	rddreg [dreg:$0x8];
	[sflag:s6] =	ssyncadd.s32 $0xFFFFC000  }
0x105: {  	[tilespmem:s8], [sflag:$0x1] =	stream.indirect.gather [spmem:s2], $0x80, s26, s7, $0xb8;
	[tilespmem:$0x1D000] =	vst v63  }
0x106: {  	_ =	swait.ge [sflag:s11], $0x4000  }
0x107: {  	[sflag:s11] =	ssyncset.done $0x0  }
0x108: {  	s29 =	sadd.s32 $0x2800, s20;
	[sflag:s11] =	ssyncadd.s32 $0xFFFFC000  }
0x109: {  	[hbm4b:s29+s3] =	stream.linear.scatter [tilespmem:s9], [sflag:$0x3], $0x4000, $0x38;
	[tilespmem:$0x1D000] =	vst v63  }
0x10a: {  	_ =	swait.ge [sflag:s6], $0x4000  }
0x10b: {  	[sflag:s6] =	ssyncset.done $0x0  }
0x10c: {  	s30 =	rddreg [dreg:$0x9];
	[sflag:s6] =	ssyncadd.s32 $0xFFFFC000  }
0x10d: {  	[tilespmem:s9], [sflag:$0x2] =	stream.indirect.gather [spmem:s2], $0x80, s30, s7, $0xb8;
	[tilespmem:$0x1D000] =	vst v63  }
0x10e: {  	_ =	swait.ge [sflag:s10], $0x4000  }
0x10f: {  	[sflag:s10] =	ssyncset.done $0x0  }
0x110: {  	s31 =	sadd.s32 $0x3000, s20;
	[sflag:s10] =	ssyncadd.s32 $0xFFFFC000  }
0x111: {  	[hbm4b:s31+s3] =	stream.linear.scatter [tilespmem:s8], [sflag:$0x3], $0x4000, $0x38;
	[tilespmem:$0x1D000] =	vst v63  }
0x112: {  	_ =	swait.ge [sflag:s6], $0x4000  }
0x113: {  	[sflag:s6] =	ssyncset.done $0x0  }
0x114: {  	s4 =	rddreg [dreg:$0xa];
	[sflag:s6] =	ssyncadd.s32 $0xFFFFC000  }
0x115: {  	[tilespmem:s8], [sflag:$0x1] =	stream.indirect.gather [spmem:s2], $0x80, s4, s7, $0xb8;
	[tilespmem:$0x1D000] =	vst v63  }
0x116: {  	_ =	swait.ge [sflag:s11], $0x4000  }
0x117: {  	[sflag:s11] =	ssyncset.done $0x0  }
0x118: {  	s23 =	sadd.s32 $0x3800, s20;
	[sflag:s11] =	ssyncadd.s32 $0xFFFFC000  }
0x119: {  	[hbm4b:s23+s3] =	stream.linear.scatter [tilespmem:s9], [sflag:$0x3], $0x4000, $0x38;
	[tilespmem:$0x1D000] =	vst v63  }
0x11a: {  	_ =	swait.ge [sflag:s6], $0x4000  }
0x11b: {  	[sflag:s6] =	ssyncset.done $0x0  }
0x11c: {  	s26 =	rddreg [dreg:$0xb];
	[sflag:s6] =	ssyncadd.s32 $0xFFFFC000  }
0x11d: {  	[tilespmem:s9], [sflag:$0x2] =	stream.indirect.gather [spmem:s2], $0x80, s26, s7, $0xb8;
	[tilespmem:$0x1D000] =	vst v63  }
0x11e: {  	_ =	swait.ge [sflag:s10], $0x4000  }
0x11f: {  	[sflag:s10] =	ssyncset.done $0x0  }
0x120: {  	s29 =	sadd.s32 $0x4000, s20;
	[sflag:s10] =	ssyncadd.s32 $0xFFFFC000  }
0x121: {  	[hbm4b:s29+s3] =	stream.linear.scatter [tilespmem:s8], [sflag:$0x3], $0x4000, $0x38;
	[tilespmem:$0x1D000] =	vst v63  }
0x122: {  	_ =	swait.ge [sflag:s6], $0x4000  }
0x123: {  	[sflag:s6] =	ssyncset.done $0x0  }
0x124: {  	s30 =	rddreg [dreg:$0xc];
	[sflag:s6] =	ssyncadd.s32 $0xFFFFC000  }
0x125: {  	[tilespmem:s8], [sflag:$0x1] =	stream.indirect.gather [spmem:s2], $0x80, s30, s7, $0xb8;
	[tilespmem:$0x1D000] =	vst v63  }
0x126: {  	_ =	swait.ge [sflag:s11], $0x4000  }
0x127: {  	[sflag:s11] =	ssyncset.done $0x0  }
0x128: {  	s31 =	sadd.s32 $0x4800, s20;
	[sflag:s11] =	ssyncadd.s32 $0xFFFFC000  }
0x129: {  	[hbm4b:s31+s3] =	stream.linear.scatter [tilespmem:s9], [sflag:$0x3], $0x4000, $0x38;
	[tilespmem:$0x1D000] =	vst v63  }
0x12a: {  	_ =	swait.ge [sflag:s6], $0x4000  }
0x12b: {  	[sflag:s6] =	ssyncset.done $0x0  }
0x12c: {  	[sflag:s6] =	ssyncadd.s32 $0xFFFFC000  }
0x12d: {  	[tilespmem:s9], [sflag:$0x2] =	stream.indirect.gather [spmem:s2], $0x80, s12, s7, $0xb8;
	[tilespmem:$0x1D000] =	vst v63  }
0x12e: {  	_ =	swait.ge [sflag:s10], $0x4000  }
0x12f: {  	[sflag:s10] =	ssyncset.done $0x0  }
0x130: {  	s4 =	sadd.s32 $0x5000, s20;
	[sflag:s10] =	ssyncadd.s32 $0xFFFFC000  }
0x131: {  	[hbm4b:s4+s3] =	stream.linear.scatter [tilespmem:s8], [sflag:$0x3], $0x4000, $0x38;
	[tilespmem:$0x1D000] =	vst v63  }
0x132: {  	_ =	swait.ge [sflag:s6], $0x4000  }
0x133: {  	[sflag:s6] =	ssyncset.done $0x0  }
0x134: {  	[sflag:s6] =	ssyncadd.s32 $0xFFFFC000  }
0x135: {  	[tilespmem:s8], [sflag:$0x1] =	stream.indirect.gather [spmem:s2], $0x80, s13, s7, $0xb8;
	[tilespmem:$0x1D000] =	vst v63  }
0x136: {  	_ =	swait.ge [sflag:s11], $0x4000  }
0x137: {  	[sflag:s11] =	ssyncset.done $0x0  }
0x138: {  	s23 =	sadd.s32 $0x5800, s20;
	[sflag:s11] =	ssyncadd.s32 $0xFFFFC000  }
0x139: {  	[hbm4b:s23+s3] =	stream.linear.scatter [tilespmem:s9], [sflag:$0x3], $0x4000, $0x38;
	[tilespmem:$0x1D000] =	vst v63  }
0x13a: {  	_ =	swait.ge [sflag:s6], $0x4000  }
0x13b: {  	[sflag:s6] =	ssyncset.done $0x0  }
0x13c: {  	[sflag:s6] =	ssyncadd.s32 $0xFFFFC000  }
0x13d: {  	[tilespmem:s9], [sflag:$0x2] =	stream.indirect.gather [spmem:s2], $0x80, s14, s7, $0xb8;
	[tilespmem:$0x1D000] =	vst v63  }
0x13e: {  	_ =	swait.ge [sflag:s10], $0x4000  }
0x13f: {  	[sflag:s10] =	ssyncset.done $0x0  }
0x140: {  	s26 =	sadd.s32 $0x6000, s20;
	[sflag:s10] =	ssyncadd.s32 $0xFFFFC000  }
0x141: {  	[hbm4b:s26+s3] =	stream.linear.scatter [tilespmem:s8], [sflag:$0x3], $0x4000, $0x38;
	[tilespmem:$0x1D000] =	vst v63  }
0x142: {  	_ =	swait.ge [sflag:s6], $0x4000  }
0x143: {  	[sflag:s6] =	ssyncset.done $0x0  }
0x144: {  	[sflag:s6] =	ssyncadd.s32 $0xFFFFC000  }
0x145: {  	[tilespmem:s8], [sflag:$0x1] =	stream.indirect.gather [spmem:s2], $0x80, s15, s7, $0xb8;
	[tilespmem:$0x1D000] =	vst v63  }
0x146: {  	_ =	swait.ge [sflag:s11], $0x4000  }
0x147: {  	[sflag:s11] =	ssyncset.done $0x0  }
0x148: {  	s29 =	sadd.s32 $0x6800, s20;
	[sflag:s11] =	ssyncadd.s32 $0xFFFFC000  }
0x149: {  	[hbm4b:s29+s3] =	stream.linear.scatter [tilespmem:s9], [sflag:$0x3], $0x4000, $0x38;
	[tilespmem:$0x1D000] =	vst v63  }
0x14a: {  	_ =	swait.ge [sflag:s6], $0x4000  }
0x14b: {  	[sflag:s6] =	ssyncset.done $0x0  }
0x14c: {  	[sflag:s6] =	ssyncadd.s32 $0xFFFFC000  }
0x14d: {  	[tilespmem:s9], [sflag:$0x2] =	stream.indirect.gather [spmem:s2], $0x80, s21, s7, $0xb8;
	[tilespmem:$0x1D000] =	vst v63  }
0x14e: {  	_ =	swait.ge [sflag:s10], $0x4000  }
0x14f: {  	[sflag:s10] =	ssyncset.done $0x0  }
0x150: {  	s30 =	sadd.s32 $0x7000, s20;
	[sflag:s10] =	ssyncadd.s32 $0xFFFFC000  }
0x151: {  	[hbm4b:s30+s3] =	stream.linear.scatter [tilespmem:s8], [sflag:$0x3], $0x4000, $0x38;
	[tilespmem:$0x1D000] =	vst v63  }
0x152: {  	_ =	swait.ge [sflag:s6], $0x4000  }
0x153: {  	[sflag:s6] =	ssyncset.done $0x0  }
0x154: {  	[sflag:s6] =	ssyncadd.s32 $0xFFFFC000  }
0x155: {  	[tilespmem:s8], [sflag:$0x1] =	stream.indirect.gather [spmem:s2], $0x80, s21, s7, $0xb8;
	[tilespmem:$0x1D000] =	vst v63  }
0x156: {  	_ =	swait.ge [sflag:s11], $0x4000  }
0x157: {  	[sflag:s11] =	ssyncset.done $0x0  }
0x158: {  	p0 =	sne.s32 s1, $0x20000;
	s31 =	sadd.s32 $0x7800, s20;
	[sflag:s11] =	ssyncadd.s32 $0xFFFFC000  }
0x159: {  	[hbm4b:s31+s3] =	stream.linear.scatter [tilespmem:s9], [sflag:$0x3], $0x4000, $0x38;
	[tilespmem:$0x1D000] =	vst v63  }
.Ltmp0:
0x15a: {  	_ =	swait.ge [sflag:s6], $0x4000;
	(pc) =	sbr.rel @p0 .LBB2_2-.Ltmp0, $4  }
0x15b: {  	[sflag:s6] =	ssyncset.done $0x0  }
0x15c: {  	[sflag:s6] =	ssyncadd.s32 $0xFFFFC000  }
0x15d: {  	_ =	swait.ge [sflag:s10], $0x4000  }
0x15e: {  	s1 =	sadd.s32 $0x8000, s1;
	[sflag:s10] =	ssyncset.done $0x0  }
0x15f: {  	[sflag:s10] =	ssyncadd.s32 $0xFFFFC000  }
0x160: {  	[bflag:$0x0] =	sbarrier.arrive $0xFFFF  }
0x161: {  	s1 =	simm.s32 $0x0;
	s0 =	rddreg [dreg:$0x1]  }
0x162: {  	[tilespmem:s8], [sflag:$0x3] =	stream.linear.gather [hbm4b:s0+s1], $0x4000, $0x38;
	[tilespmem:$0x1D000] =	vst v63  }
0x163: {  	_ =	swait.ge [sflag:s6], $0x4000  }
0x164: {  	[sflag:s6] =	ssyncset.done $0x0  }
0x165: {  	[sflag:s6] =	ssyncadd.s32 $0xFFFFC000  }
0x166: {  	[spmem:s22] =	stream.linear.scatter [tilespmem:s8], [sflag:$0x3], $0x4000, $0x38;
	[tilespmem:$0x1D000] =	vst v63  }
0x167: {  	_ =	swait.ge [sflag:s6], $0x4000  }
0x168: {  	s23 =	sld [smem:$0x7F9]  }
0x169: {  	[sflag:s6] =	ssyncset.done $0x0  }
0x16a: {  	[sflag:s6] =	ssyncadd.s32 $0xFFFFC000  }
0x16b: {  	[spmem:s23] =	stream.linear.scatter [tilespmem:s8], [sflag:$0x3], $0x4000, $0x38;
	[tilespmem:$0x1D000] =	vst v63  }
0x16c: {  	_ =	swait.ge [sflag:s6], $0x4000  }
0x16d: {  	s26 =	sld [smem:$0x7FA]  }
0x16e: {  	[sflag:s6] =	ssyncset.done $0x0  }
0x16f: {  	[sflag:s6] =	ssyncadd.s32 $0xFFFFC000  }
0x170: {  	[spmem:s26] =	stream.linear.scatter [tilespmem:s8], [sflag:$0x3], $0x4000, $0x38;
	[tilespmem:$0x1D000] =	vst v63  }
0x171: {  	_ =	swait.ge [sflag:s6], $0x4000  }
0x172: {  	s29 =	sld [smem:$0x7FB]  }
0x173: {  	[sflag:s6] =	ssyncset.done $0x0  }
0x174: {  	[sflag:s6] =	ssyncadd.s32 $0xFFFFC000  }
0x175: {  	[spmem:s29] =	stream.linear.scatter [tilespmem:s8], [sflag:$0x3], $0x4000, $0x38;
	[tilespmem:$0x1D000] =	vst v63  }
0x176: {  	_ =	swait.ge [sflag:s6], $0x4000  }
0x177: {  	s31 =	sld [smem:$0x7FC]  }
0x178: {  	[sflag:s6] =	ssyncset.done $0x0  }
0x179: {  	[sflag:s6] =	ssyncadd.s32 $0xFFFFC000  }
0x17a: {  	[spmem:s31] =	stream.linear.scatter [tilespmem:s8], [sflag:$0x3], $0x4000, $0x38;
	[tilespmem:$0x1D000] =	vst v63  }
0x17b: {  	_ =	swait.ge [sflag:s6], $0x4000  }
0x17c: {  	[sflag:s6] =	ssyncset.done $0x0  }
0x17d: {  	[sflag:s6] =	ssyncadd.s32 $0xFFFFC000  }
0x17e: {  	[bflag:$0x0] =	sbarrier.arrive $0xFFFF  }
0x17f: {  	s28 =	sld [smem:$0x7FD];
	_ =	sdelay $0x1  }
0x180: {  	s30 =	simm.s32 $0x0;
	s20 =	rddreg [dreg:$0x1f]  }
.LBB2_4:
0x181: {  	s0 =	sshll.u32 s30, $0x4  }
0x182: {  	s0 =	sadd.s32 s17, s0  }
0x183: {  	s4 =	sshll.u32 s0, $0x4  }
0x184: {  	s22 =	simm.s32 $0x800;
	s4 =	sadd.s32 s18, s4  }
0x185: {  	[tilespmem:s22], [sflag:$0x3] =	stream.linear.gather [hbm4b:s4+s1], $0x800, $0x38;
	[tilespmem:$0x1D000] =	vst v63  }
0x186: {  	_ =	swait.ge [sflag:s6], $0x800  }
0x187: {  	s31 =	sshll.u32 s0, $0xB;
	[sflag:s6] =	ssyncset.done $0x0  }
0x188: {  	s0 =	sadd.s32 s5, s31;
	[sflag:s6] =	ssyncadd.s32 $0xFFFFF800  }
0x189: {  	[tilespmem:s8], [sflag:$0x1] =	stream.linear.gather [hbm4b:s0+s1], $0x4000, $0x38;
	[tilespmem:$0x1D000] =	vst v63  }
0x18a: {  	s4 =	sadd.s32 $0x0, s28  }
0x18b: {  	[tilespmem:s9], [sflag:$0x2] =	stream.linear.gather [hbm4b:s4+s3], $0x4000, $0x38;
	[tilespmem:$0x1D000] =	vst v63  }
0x18c: {  	_ =	swait.ge [sflag:s10], $0x4000  }
0x18d: {  	[sflag:s10] =	ssyncset.done $0x0  }
0x18e: {  	s22 =	simm.s32 $0x800;
	[sflag:s10] =	ssyncadd.s32 $0xFFFFC000  }
0x18f: {  	[spmem:s2] =	stream.indirect.scatter.add.f32 [tilespmem:s8], [sflag:$0x3], $0x80, s22, s7, $0xb8;
	[tilespmem:$0x1D000] =	vst v63  }
0x190: {  	_ =	swait.ge [sflag:s6], $0x4000  }
0x191: {  	[sflag:s6] =	ssyncset.done $0x0  }
0x192: {  	s23 =	sadd.s32 $0x0, s20;
	[sflag:s6] =	ssyncadd.s32 $0xFFFFC000  }
0x193: {  	[tilespmem:s8], [sflag:$0x1] =	stream.linear.gather [hbm4b:s23+s3], $0x4000, $0x38;
	[tilespmem:$0x1D000] =	vst v63  }
0x194: {  	_ =	swait.ge [sflag:s11], $0x4000  }
0x195: {  	[sflag:s11] =	ssyncset.done $0x0  }
0x196: {  	s26 =	simm.s32 $0x880;
	[sflag:s11] =	ssyncadd.s32 $0xFFFFC000  }
0x197: {  	[spmem:s2] =	stream.indirect.scatter.add.f32 [tilespmem:s9], [sflag:$0x3], $0x80, s26, s7, $0xb8;
	[tilespmem:$0x1D000] =	vst v63  }
0x198: {  	s29 =	simm.s32 $0x2000;
	_ =	swait.ge [sflag:s6], $0x4000  }
0x199: {  	s0 =	simm.s32 $0x980;
	s4 =	simm.s32 $0x1000;
	[sflag:s6] =	ssyncset.done $0x0  }
.LBB2_5:
0x19a: {  	s26 =	sadd.s32 s4, s28  }
0x19b: {  	[sflag:s6] =	ssyncadd.s32 $0xFFFFC000;
	s22 =	smov.u32 s29;
	s23 =	sadd.s32 $0x1000, s29  }
0x19c: {  	[tilespmem:s9], [sflag:$0x2] =	stream.linear.gather [hbm4b:s26+s3], $0x4000, $0x38;
	[tilespmem:$0x1D000] =	vst v63  }
0x19d: {  	p0 =	sne.s32 s29, $0x6000;
	_ =	swait.ge [sflag:s10], $0x4000  }
0x19e: {  	[sflag:s10] =	ssyncset.done $0x0  }
0x19f: {  	s26 =	sadd.s32 $0xFFFFFF80, s0;
	[sflag:s10] =	ssyncadd.s32 $0xFFFFC000  }
0x1a0: {  	[spmem:s2] =	stream.indirect.scatter.add.f32 [tilespmem:s8], [sflag:$0x3], $0x80, s26, s7, $0xb8;
	[tilespmem:$0x1D000] =	vst v63  }
0x1a1: {  	_ =	swait.ge [sflag:s6], $0x4000  }
0x1a2: {  	[sflag:s6] =	ssyncset.done $0x0  }
0x1a3: {  	s26 =	sadd.s32 s4, s20;
	s4 =	smov.u32 s22;
	[sflag:s6] =	ssyncadd.s32 $0xFFFFC000  }
0x1a4: {  	[tilespmem:s8], [sflag:$0x1] =	stream.linear.gather [hbm4b:s26+s3], $0x4000, $0x38;
	[tilespmem:$0x1D000] =	vst v63  }
0x1a5: {  	_ =	swait.ge [sflag:s11], $0x4000  }
.Ltmp1:
0x1a6: {  	[sflag:s11] =	ssyncset.done $0x0;
	(pc) =	sbr.rel @p0 .LBB2_5-.Ltmp1, $4  }
0x1a7: {  	[sflag:s11] =	ssyncadd.s32 $0xFFFFC000  }
0x1a8: {  	[spmem:s2] =	stream.indirect.scatter.add.f32 [tilespmem:s9], [sflag:$0x3], $0x80, s0, s7, $0xb8;
	[tilespmem:$0x1D000] =	vst v63  }
0x1a9: {  	_ =	swait.ge [sflag:s6], $0x4000  }
0x1aa: {  	s29 =	smov.u32 s23;
	s0 =	sadd.s32 $0x100, s0;
	[sflag:s6] =	ssyncset.done $0x0  }
0x1ab: {  	s22 =	sadd.s32 s4, s28;
	[sflag:s6] =	ssyncadd.s32 $0xFFFFC000  }
0x1ac: {  	[tilespmem:s9], [sflag:$0x2] =	stream.linear.gather [hbm4b:s22+s3], $0x4000, $0x38;
	[tilespmem:$0x1D000] =	vst v63  }
0x1ad: {  	_ =	swait.ge [sflag:s10], $0x4000  }
0x1ae: {  	[sflag:s10] =	ssyncset.done $0x0  }
0x1af: {  	s23 =	sadd.s32 $0xFFFFFF80, s0;
	[sflag:s10] =	ssyncadd.s32 $0xFFFFC000  }
0x1b0: {  	[spmem:s2] =	stream.indirect.scatter.add.f32 [tilespmem:s8], [sflag:$0x3], $0x80, s23, s7, $0xb8;
	[tilespmem:$0x1D000] =	vst v63  }
0x1b1: {  	_ =	swait.ge [sflag:s6], $0x4000  }
0x1b2: {  	[sflag:s6] =	ssyncset.done $0x0  }
0x1b3: {  	s26 =	sadd.s32 s4, s20;
	[sflag:s6] =	ssyncadd.s32 $0xFFFFC000  }
0x1b4: {  	[tilespmem:s8], [sflag:$0x1] =	stream.linear.gather [hbm4b:s26+s3], $0x4000, $0x38;
	[tilespmem:$0x1D000] =	vst v63  }
0x1b5: {  	_ =	swait.ge [sflag:s11], $0x4000  }
0x1b6: {  	[sflag:s11] =	ssyncset.done $0x0  }
0x1b7: {  	[sflag:s11] =	ssyncadd.s32 $0xFFFFC000  }
0x1b8: {  	[spmem:s2] =	stream.indirect.scatter.add.f32 [tilespmem:s9], [sflag:$0x3], $0x80, s0, s7, $0xb8;
	[tilespmem:$0x1D000] =	vst v63  }
0x1b9: {  	_ =	swait.ge [sflag:s6], $0x4000  }
0x1ba: {  	s29 =	sadd.s32 s31, s19;
	[sflag:s6] =	ssyncset.done $0x0  }
0x1bb: {  	s0 =	sadd.s32 $0x7000, s29;
	[sflag:s6] =	ssyncadd.s32 $0xFFFFC000  }
0x1bc: {  	[tilespmem:s9], [sflag:$0x2] =	stream.linear.gather [hbm4b:s0+s3], $0x4000, $0x38;
	[tilespmem:$0x1D000] =	vst v63  }
0x1bd: {  	_ =	swait.ge [sflag:s10], $0x4000  }
0x1be: {  	[sflag:s10] =	ssyncset.done $0x0  }
0x1bf: {  	[sflag:s10] =	ssyncadd.s32 $0xFFFFC000  }
0x1c0: {  	[spmem:s2] =	stream.indirect.scatter.add.f32 [tilespmem:s8], [sflag:$0x3], $0x80, s24, s7, $0xb8;
	[tilespmem:$0x1D000] =	vst v63  }
0x1c1: {  	s31 =	sand.u32 $0x1FFF8000, s31;
	_ =	swait.ge [sflag:s6], $0x4000  }
0x1c2: {  	s0 =	sadd.s32 s31, s5;
	[sflag:s6] =	ssyncset.done $0x0  }
0x1c3: {  	s0 =	sadd.s32 $0x7800, s0;
	[sflag:s6] =	ssyncadd.s32 $0xFFFFC000  }
0x1c4: {  	[tilespmem:s8], [sflag:$0x1] =	stream.linear.gather [hbm4b:s0+s3], $0x4000, $0x38;
	[tilespmem:$0x1D000] =	vst v63  }
0x1c5: {  	_ =	swait.ge [sflag:s11], $0x4000  }
0x1c6: {  	[sflag:s11] =	ssyncset.done $0x0  }
0x1c7: {  	s30 =	sadd.s32 $0x1, s30;
	[sflag:s11] =	ssyncadd.s32 $0xFFFFC000  }
0x1c8: {  	[spmem:s2] =	stream.indirect.scatter.add.f32 [tilespmem:s9], [sflag:$0x3], $0x80, s25, s7, $0xb8;
	[tilespmem:$0x1D000] =	vst v63  }
0x1c9: {  	p0 =	sne.s32 s30, $0x5;
	_ =	swait.ge [sflag:s6], $0x4000  }
.Ltmp2:
0x1ca: {  	[sflag:s6] =	ssyncset.done $0x0;
	(pc) =	sbr.rel @p0 .LBB2_4-.Ltmp2, $4  }
0x1cb: {  	[sflag:s6] =	ssyncadd.s32 $0xFFFFC000  }
0x1cc: {  	_ =	swait.ge [sflag:s10], $0x4000  }
0x1cd: {  	[sflag:s10] =	ssyncset.done $0x0  }
0x1ce: {  	s28 =	sadd.s32 $0x8000, s28;
	s20 =	sadd.s32 $0x8000, s20;
	[sflag:s10] =	ssyncadd.s32 $0xFFFFC000  }
0x1cf: {  	[bflag:$0x0] =	sbarrier.arrive $0xFFFF  }
0x1d0: {  	s4 =	sld [smem:$0x7F4]  }
0x1d1: {  	s0 =	rddreg [dreg:$0xd]  }
0x1d2: {  	s1 =	rddreg [dreg:$0x19]  }
0x1d3: {  	[hbm:s0], [sflag:s1] =	dma.local [spmem:s4], $0x800  }
0x1d4: {  	_ =	swait.ge [sflag:s6], $0x800  }
0x1d5: {  	s31 =	sld [smem:$0x7F5]  }
0x1d6: {  	[sflag:s6] =	ssyncset.done $0x0  }
0x1d7: {  	s30 =	rddreg [dreg:$0x13];
	[sflag:s6] =	ssyncadd.s32 $0xFFFFF800  }
0x1d8: {  	[hbm:s30], [sflag:s1] =	dma.local [spmem:s31], $0x800  }
0x1d9: {  	_ =	swait.ge [sflag:s6], $0x800  }
0x1da: {  	s22 =	sld [smem:$0x7F6]  }
0x1db: {  	[sflag:s6] =	ssyncset.done $0x0  }
0x1dc: {  	s20 =	rddreg [dreg:$0x14];
	[sflag:s6] =	ssyncadd.s32 $0xFFFFF800  }
0x1dd: {  	[hbm:s20], [sflag:s1] =	dma.local [spmem:s22], $0x800  }
0x1de: {  	_ =	swait.ge [sflag:s6], $0x800  }
0x1df: {  	s26 =	sld [smem:$0x7F7]  }
0x1e0: {  	[sflag:s6] =	ssyncset.done $0x0  }
0x1e1: {  	s23 =	rddreg [dreg:$0x15];
	[sflag:s6] =	ssyncadd.s32 $0xFFFFF800  }
0x1e2: {  	[hbm:s23], [sflag:s1] =	dma.local [spmem:s26], $0x800  }
0x1e3: {  	_ =	swait.ge [sflag:s6], $0x800  }
0x1e4: {  	s29 =	sld [smem:$0x7F8]  }
0x1e5: {  	[sflag:s6] =	ssyncset.done $0x0  }
0x1e6: {  	s28 =	rddreg [dreg:$0x16];
	[sflag:s6] =	ssyncadd.s32 $0xFFFFF800  }
0x1e7: {  	[hbm:s28], [sflag:s1] =	dma.local [spmem:s29], $0x800  }
0x1e8: {  	_ =	swait.ge [sflag:s6], $0x800  }
0x1e9: {  	s30 =	sld [smem:$0x7F3];
	_ =	sdelay $0x2  }
0x1ea: {  	s31 =	rddreg [dreg:$0x18];
	s4 =	sadd.s32 $0x1, s30  }
0x1eb: {  	p0 =	sne.s32 s4, s31  }
.Ltmp3:
0x1ec: {  	_ = 	snop;
	(pc) =	sbr.rel @p0 .LBB2_1-.Ltmp3, $3  }
0x1ed: {  	_ =	sdelay $0x1  }
0x1ee: {  	[sflag:s6] =	ssyncset.done $0x0  }
0x1ef: {  	s22 =	rddreg [dreg:$0x17];
	[sflag:s6] =	ssyncadd.s32 $0xFFFFF800  }
0x1f0: {  	_ =	sfence.sel $0x180000  }
0x1f1: {  	[bflag:$0x0] =	sbarrier.arrive $0xFFFF  }
0x1f2: {  	_ =	strace $0x9000004A  }
0x1f3: {  	s0 =	stileid.u32;
	[bflag:$0x2] =	sbarrier.arrive $0xFFFF  }
0x1f4: {  	p0 =	sne.s32 s0, $0x0;
	s0 =	rddreg [dreg:$0x3]  }
0x1f5: {  	s0 =	sadd.s32 @!p0 $0x100000, s0  }
0x1f6: {  	[sflag:s0] =	ssyncadd.tile.s32 @!p0 $0x1;
	_ =	shalt  }
.Lfunc_end2:
_tile_overlayer_lowered:
.L_overlay_start_2:
0x1f7: {  	(tag) =	ssettag $0x2  }
0x1f8: {  	s0 =	rddreg [dreg:$0x0];
	s2 =	stileid.u32  }
0x1f9: {  	s1 =	rddreg [dreg:$0x1];
	p0 =	sne.s32 s2, $0x0  }
0x1fa: {  	s3 =	rddreg [dreg:$0x2];
	[bflag:$0x3] =	sbarrier.arrive $0xFFFF;
	s2 =	simm.s32 @!p0 $0x1C03  }
0x1fb: {  	[timem:s3], [sflag:s2] =	dma.local @!p0 [hbm:s0], s1  }
0x1fc: {  	s0 =	simm.s32 @!p0 $0x3  }
0x1fd: {  	_ =	swait.ge @!p0 [sflag:s0], s1  }
0x1fe: {  	s1 =	ssub.s32 @!p0 $0x0, s1;
	[sflag:s0] =	ssyncset.done @!p0 $0x0  }
0x1ff: {  	[sflag:s0] =	ssyncadd.s32 @!p0 s1  }
0x200: {  	[bflag:$0x3] =	sbarrier.arrive $0xFFFF  }
0x201: {  	_ =	shalt  }

// kernel: kernel.17.cloned.1.call-start
scs
__scs_entry_jumppad:
0x0: {  	(pc) =	sbr.rel $0x88, $3  }
0x1: {  	(tag) =	ssettag $0x0;
	lr =	simm.s32 $0x1  }
0x2: {  	[smem:$0x3F96] =	sst lr;
	_ =	strace $0xD0000000  }
0x3: {  	_ = 	snop  }
0x4: {  	_ = 	snop  }
0x5: {  	_ = 	snop  }
0x6: {  	_ = 	snop  }
0x7: {  	_ = 	snop  }
__scs_overlays_trampoline_lowered:
0x8: {  	[smem:$0x3FA5] =	sst s0  }
0x9: {  	[smem:$0x3FA6] =	sst s1  }
0xa: {  	[smem:$0x3FA7] =	sst s2  }
0xb: {  	[smem:$0x3FA8] =	sst s3  }
0xc: {  	[smem:$0x3FA9] =	sst s4  }
0xd: {  	[smem:$0x3FAA] =	sst s5  }
0xe: {  	[smem:$0x3FAB] =	sst s6  }
0xf: {  	[smem:$0x3FAC] =	sst s7  }
0x10: {  	[smem:$0x3FAD] =	sst s8  }
0x11: {  	[smem:$0x3FAE] =	sst s9;
	s0 =	simm.s32 @!p0 $0x0  }
0x12: {  	s1 =	sld [smem:$0x3F94];
	s0 =	simm.s32 @p0 $0x1  }
0x13: {  	[smem:$0x3FAF] =	sst s0;
	s0 =	simm.s32 @!p1 $0x0  }
0x14: {  	s2 =	sld [smem:$0x3F93];
	s0 =	simm.s32 @p1 $0x1  }
0x15: {  	[smem:$0x3FB0] =	sst s0;
	s0 =	simm.s32 @!p2 $0x0  }
0x16: {  	s3 =	sld [smem:$0x3FDB];
	s0 =	simm.s32 @p2 $0x1  }
0x17: {  	s4 =	simm.s32 $0x1BF5;
	[smem:$0x3FB2] =	sst s0  }
0x18: {  	s0 =	sld [smem:$0x3F95];
	_ =	swait.ge [sflag:s4], $0x0  }
0x19: {  	s7 =	sld [smem:$0x3F96]  }
0x1a: {  	s8 =	sadd.s32 $0xFFFFE003, lr  }
0x1b: {  	s9 =	sadd.s32 $0xFFFFFEF7, lr;
	s5 =	simm.s32 $0xFFFFFFFF;
	p2 =	slt.u32 s8, $0xFFFFF086  }
0x1c: {  	p1 =	slt.u32 s9, $0xF7A;
	s5 =	simm.s32 @!p2 $0x0  }
0x1d: {  	s5 =	simm.s32 @p1 $0x1;
	p0 =	seq.s32 s7, s2  }
0x1e: {  	s7 =	smul.u32 @!p0 $0xF7A, s2;
	p2 =	seq.s32 @!p0 s5, $0x0  }
0x1f: {  	s9 =	smul.u32 $0xF7A, s1;
	s8 =	simm.s32 @!p0 $0x1BF5;
	p2 =	por !p2, p0  }
0x20: {  	[sflag:s8] =	ssyncset.s32 @!p0 $0xFFFFF086;
	s6 =	sadd.s32 @!p0 s3, s7;
	s7 =	simm.s32 @!p0 $0x108  }
0x21: {  	s3 =	sadd.s32 s3, s9;
	s6 =	sadd.s32 @!p0 $0x88, s6;
	s7 =	simm.s32 @p2 $0x1082  }
0x22: {  	[simem:s7], [sflag:s8] =	dma.local @!p0 [hbm:s6], $0xF7A  }
0x23: {  	s9 =	sor.u32 $0xD0000000, s2;
	s6 =	simm.s32 $0x108;
	_ =	swait.ge @!p0 [sflag:s8], $0x0  }
0x24: {  	s3 =	sadd.s32 $0x88, s3;
	s6 =	simm.s32 @!p1 $0x1082;
	[sflag:s4] =	ssyncset.s32 $0xFFFFF086  }
0x25: {  	[simem:s6], [sflag:s4] =	dma.local [hbm:s3], $0xF7A  }
0x26: {  	[smem:$0x3F96] =	sst s1;
	(tag) =	ssettag s2;
	_ =	strace s9  }
0x27: {  	s1 =	sld [smem:$0x3FA6]  }
0x28: {  	s2 =	sld [smem:$0x3FA7]  }
0x29: {  	s4 =	sld [smem:$0x3FA9]  }
0x2a: {  	p0 =	seq.s32 s5, $0x0;
	s5 =	sld [smem:$0x3FAA]  }
0x2b: {  	s6 =	sld [smem:$0x3FAB]  }
0x2c: {  	s7 =	sld [smem:$0x3FAC]  }
0x2d: {  	s3 =	simm.s32 $0x108;
	s8 =	sld [smem:$0x3FAD]  }
0x2e: {  	s3 =	simm.s32 @!p0 $0x1082;
	s9 =	sld [smem:$0x3FAE]  }
0x2f: {  	lr =	sadd.s32 s0, s3;
	s0 =	sld [smem:$0x3FA5]  }
0x30: {  	s3 =	sld [smem:$0x3FA8]  }
0x31: {  	[smem:$0x3FB1] =	sst s10  }
0x32: {  	s10 =	sld [smem:$0x3FAF];
	_ =	sdelay $0x3  }
0x33: {  	p0 =	seq.s32 s10, $0x1;
	s10 =	sld [smem:$0x3FB1];
	_ =	sdelay $0x3  }
0x34: {  	[smem:$0x3FB1] =	sst s10  }
0x35: {  	s10 =	sld [smem:$0x3FB0];
	_ =	sdelay $0x3  }
0x36: {  	p1 =	seq.s32 s10, $0x1;
	s10 =	sld [smem:$0x3FB1];
	_ =	sdelay $0x3  }
0x37: {  	[smem:$0x3FB1] =	sst s10  }
0x38: {  	s10 =	sld [smem:$0x3FB2]  }
0x39: {  	_ = 	snop;
	(pc) =	sbr.ind lr, $3  }
0x3a: {  	_ = 	snop  }
0x3b: {  	_ = 	snop  }
0x3c: {  	p2 =	seq.s32 s10, $0x1;
	s10 =	sld [smem:$0x3FB1]  }
0x3d: {  	_ =	shalt  }
0x3e: {  	_ =	shalt  }
0x3f: {  	_ =	shalt  }
0x40: {  	_ =	shalt  }
0x41: {  	_ =	shalt  }
0x42: {  	_ =	shalt  }
0x43: {  	_ =	shalt  }
0x44: {  	_ =	shalt  }
0x45: {  	_ =	shalt  }
0x46: {  	_ =	shalt  }
0x47: {  	_ =	shalt  }
0x48: {  	_ =	shalt  }
0x49: {  	_ =	shalt  }
0x4a: {  	_ =	shalt  }
0x4b: {  	_ =	shalt  }
0x4c: {  	_ =	shalt  }
0x4d: {  	_ =	shalt  }
0x4e: {  	_ =	shalt  }
0x4f: {  	_ =	shalt  }
0x50: {  	_ =	shalt  }
0x51: {  	_ =	shalt  }
0x52: {  	_ =	shalt  }
0x53: {  	_ =	shalt  }
0x54: {  	_ =	shalt  }
0x55: {  	_ =	shalt  }
0x56: {  	_ =	shalt  }
0x57: {  	_ =	shalt  }
0x58: {  	_ =	shalt  }
0x59: {  	_ =	shalt  }
0x5a: {  	_ =	shalt  }
0x5b: {  	_ =	shalt  }
0x5c: {  	_ =	shalt  }
0x5d: {  	_ =	shalt  }
0x5e: {  	_ =	shalt  }
0x5f: {  	_ =	shalt  }
0x60: {  	_ =	shalt  }
0x61: {  	_ =	shalt  }
0x62: {  	_ =	shalt  }
0x63: {  	_ =	shalt  }
0x64: {  	_ =	shalt  }
0x65: {  	_ =	shalt  }
0x66: {  	_ =	shalt  }
0x67: {  	_ =	shalt  }
0x68: {  	_ =	shalt  }
0x69: {  	_ =	shalt  }
0x6a: {  	_ =	shalt  }
0x6b: {  	_ =	shalt  }
0x6c: {  	_ =	shalt  }
0x6d: {  	_ =	shalt  }
0x6e: {  	_ =	shalt  }
0x6f: {  	_ =	shalt  }
0x70: {  	_ =	shalt  }
0x71: {  	_ =	shalt  }
0x72: {  	_ =	shalt  }
0x73: {  	_ =	shalt  }
0x74: {  	_ =	shalt  }
0x75: {  	_ =	shalt  }
0x76: {  	_ =	shalt  }
0x77: {  	_ =	shalt  }
0x78: {  	_ =	shalt  }
0x79: {  	_ =	shalt  }
0x7a: {  	_ =	shalt  }
0x7b: {  	_ =	shalt  }
0x7c: {  	_ =	shalt  }
0x7d: {  	_ =	shalt  }
0x7e: {  	_ =	shalt  }
0x7f: {  	_ =	shalt  }
0x80: {  	_ =	shalt  }
0x81: {  	_ =	shalt  }
0x82: {  	_ =	shalt  }
0x83: {  	_ =	shalt  }
0x84: {  	_ =	shalt  }
0x85: {  	_ =	shalt  }
0x86: {  	_ =	shalt  }
0x87: {  	_ =	shalt  }
.Lfunc_end0:
.L_simem_size_0:
called_computation.2_lowered:
.L_overlay_start_0:
0x88: {  	s2 =	sld [smem:$0x3FD9]  }
0x89: {  	s3 =	sld [smem:$0x3FFE];
	_ =	sdelay $0x1  }
0x8a: {  	s1 =	srdreg.scid  }
0x8b: {  	s0 =	sand.u32 $0x1, s1  }
0x8c: {  	s17 =	sshll.u32 s0, $0xA;
	s2 =	sadd.s32 s3, s2  }
0x8d: {  	s2 =	sadd.s32 s2, s17  }
0x8e: {  	[smem:$0x3FBD] =	sst s2  }
0x8f: {  	_ = 	snop  }
0x90: {  	s2 =	sld [smem:$0x3FD0];
	(tm) =	ssettm $0x1  }
0x91: {  	s18 =	sld [smem:$0x3FFB];
	_ =	sdelay $0x3  }
0x92: {  	_ =	strace s18  }
0x93: {  	s3 =	sld [smem:$0x3FFC];
	_ =	sdelay $0x3  }
0x94: {  	_ =	strace s3  }
0x95: {  	s3 =	sld [smem:$0x3FFD];
	_ =	sdelay $0x3  }
0x96: {  	_ =	strace s3  }
0x97: {  	_ =	strace $0x8FFFFFFF  }
0x98: {  	s19 =	sld [smem:$0x3FDB];
	_ =	sdelay $0x1  }
0x99: {  	s4 =	simm.s32 $_scs_section_size  }
0x9a: {  	s5 =	simm.s32 $_size__tile_overlayer_lowered;
	s6 =	simm.s32 $_tile_overlayer_lowered  }
0x9b: {  	s22 =	simm.s32 $0x1BFF;
	s21 =	sshll.u32 s6, $0x1;
	s3 =	sadd.s32 s4, s19  }
0x9c: {  	s7 =	simm.s32 $0x0;
	s20 =	sshll.u32 s5, $0x1;
	s5 =	sadd.s32 s21, s3  }
0x9d: {  	[timem:s7], [sflag:s22] =	dma.local [hbm:s5], s20  }
0x9e: {  	_ =	swait.ge [sflag:s22], s20  }
0x9f: {  	s4 =	ssub.s32 $0x0, s20;
	[sflag:s22] =	ssyncset.done $0x0  }
0xa0: {  	[sflag:s22] =	ssyncadd.s32 s4;
	_ =	sdelay $0x1  }
0xa1: {  	s23 =	simm.s32 $0x1B8B  }
0xa2: {  	_ =	swait.ge [sflag:s23], $0x1  }
0xa3: {  	[sflag:s23] =	ssyncset.done $0x0  }
0xa4: {  	s25 =	simm.s32 $0x1B8E;
	s24 =	sld [smem:$0x3FFE];
	[sflag:s23] =	ssyncadd.s32 $0xFFFFFFFF  }
0xa5: {  	s26 =	simm.s32 $execute0_lowered;
	[smem:$0x3FD2] =	sst s25  }
0xa6: {  	s5 =	sshll.u32 s26, $0x1;
	_ =	strace $0x8000004C;
	[dreg:$0x1] =	wrdreg $0xFFFFFFFF  }
0xa7: {  	s28 =	simm.s32 $_size_execute0_lowered;
	s3 =	sadd.s32 s3, s5;
	[dreg:$0x0] =	wrdreg $0x0  }
0xa8: {  	s5 =	sshll.u32 s28, $0x1;
	[dreg:$0x2] =	wrdreg s3  }
0xa9: {  	[dreg:$0x3] =	wrdreg s5  }
0xaa: {  	[dreg:$0x4] =	wrdreg $0xC0  }
0xab: {  	_ =	task [dreg:s7], $0x5FFFF  }
0xac: {  	[dreg:$0x1] =	wrdreg $0xFFFFFFFF  }
0xad: {  	[dreg:$0x0] =	wrdreg $0x60  }
0xae: {  	[dreg:$0x2] =	wrdreg s24  }
0xaf: {  	[dreg:$0x3] =	wrdreg s2  }
0xb0: {  	[dreg:$0x4] =	wrdreg $0x90000  }
0xb1: {  	[dreg:$0x5] =	wrdreg $0x9  }
0xb2: {  	_ =	task.clear_ibuf [dreg:s7], $0x6FFFF;
	_ =	strace $0x9000004C  }
0xb3: {  	s29 =	simm.s32 $0x9;
	_ =	strace $0x8000004E  }
0xb4: {  	_ =	swait.ge [sflag:s29], $0x1  }
0xb5: {  	[sflag:s29] =	ssyncadd.s32 $0xFFFFFFFF  }
0xb6: {  	_ =	strace $0x9000004E  }
0xb7: {  	_ =	sfence  }
0xb8: {  	s30 =	sld [smem:$0x0];
	_ =	sdelay $0x2  }
0xb9: {  	s31 =	sshll.u32 s1, $0xD;
	s1 =	sshrl.u32 s1, $0x2  }
0xba: {  	s3 =	sand.u32 $0x4000, s31;
	s1 =	sadd.s32 s1, s30  }
0xbb: {  	s0 =	sor.u32 s3, s0;
	s1 =	sshll.u32 s1, $0x11  }
0xbc: {  	s0 =	sor.u32 s1, s0  }
0xbd: {  	s0 =	sadd.s32 $0x8F2B, s0  }
0xbe: {  	[sflag:s0] =	ssyncadd.remote.s32 $0x1  }
0xbf: {  	_ =	sfence.sel $0xFFFF  }
0xc0: {  	[dreg:$0x0] =	wrdreg $0xFFFFFFFF;
	(pc) =	sbr.abs _section_cstart, $3  }
0xc1: {  	[dreg:$0x1] =	wrdreg $0xFFFFFFFF  }
0xc2: {  	_ =	task.clear_ibuf [dreg:s7], $0x2FFFF;
	_ =	strace $0x9FFFFFFF  }
0xc3: {  	(tm) =	ssettm $0x7FFFFFFF  }
tec
execute0_lowered:
.L_overlay_start_1:
0x0: {  	(tag) =	ssettag $0x1  }
0x1: {  	s0 =	rddreg [dreg:$0x0]  }
0x2: {  	s2 =	rddreg [dreg:$0x2]  }
0x3: {  	s3 =	simm.s32 $0x0;
	s1 =	srdreg.scid;
	s20 =	stileid.u32  }
0x4: {  	s16 =	simm.s32 $0x180;
	s18 =	simm.s32 $0x200;
	s19 =	smul.u32 $0x14000, s20  }
0x5: {  	[smem:$0x7FF] =	sst s3;
	s7 =	sand.u32 $0x1, s1;
	s11 =	smul.u32 $0x280, s20  }
0x6: {  	s9 =	sadd.s32 $0x40800, s0;
	s10 =	sadd.s32 $0x590800, s0;
	s13 =	smul.u32 $0x2800, s20  }
0x7: {  	s5 =	sadd.s32 $0x90800, s0;
	_ =	strace $0x8000004D;
	s8 =	smul.u32 $0x140000, s7  }
0x8: {  	s4 =	ssub.s32 $0x2, s7;
	s17 =	smul.u32 $0x28000, s7;
	[dreg:$0x5] =	wrdreg s16  }
0x9: {  	[dreg:$0x6] =	wrdreg s18;
	s18 =	sadd.s32 $0xE800, s0;
	s6 =	sshrl.u32 s4, $0x1  }
0xa: {  	s22 =	sadd.s32 s9, s13;
	s23 =	sadd.s32 $0x80, s11;
	s24 =	sadd.s32 $0x100, s11  }
0xb: {  	s14 =	sadd.s32 $0x180, s11;
	s11 =	sadd.s32 $0x200, s11;
	s12 =	sadd.s32 s8, s19  }
0xc: {  	s1 =	ssub.s32 s4, s6;
	s6 =	smul.u32 $0x50000, s20;
	[dreg:$0xe] =	wrdreg s22  }
0xd: {  	s25 =	sshll.u32 s24, $0x4;
	s13 =	sshll.u32 s24, $0x7;
	s26 =	sshll.u32 s14, $0x4  }
0xe: {  	s14 =	sshll.u32 s14, $0x7;
	s22 =	simm.s32 $0x300;
	s24 =	smul.u32 $0x500, s7  }
0xf: {  	s21 =	sshrl.u32 s12, $0x3;
	s12 =	sshll.u32 s23, $0x4;
	s29 =	sadd.s32 s8, s13  }
0x10: {  	s31 =	sadd.s32 s8, s14;
	[dreg:$0x8] =	wrdreg s22;
	s1 =	smax.u32 s1, $0x1  }
0x11: {  	s4 =	sadd.s32 s10, s21;
	s12 =	sadd.s32 s9, s12;
	s30 =	sshrl.u32 s29, $0x3  }
0x12: {  	s19 =	sadd.s32 s6, s5;
	s21 =	simm.s32 $0x280;
	[dreg:$0x18] =	wrdreg s1  }
0x13: {  	s29 =	smul.u32 $0xA0, s20;
	s6 =	sshrl.u32 s6, $0x2;
	[dreg:$0xd] =	wrdreg s4  }
0x14: {  	s4 =	sshll.u32 s23, $0x7;
	[dreg:$0xf] =	wrdreg s12;
	s12 =	sadd.s32 s9, s25  }
0x15: {  	s16 =	sadd.s32 s17, s19;
	[dreg:$0x7] =	wrdreg s21;
	s23 =	sshll.u32 s20, $0x1  }
0x16: {  	s25 =	simm.s32 $0x380;
	s19 =	sadd.s32 $0x91000, s0;
	[dreg:$0x10] =	wrdreg s12  }
0x17: {  	s22 =	sadd.s32 s6, s2;
	s21 =	sadd.s32 s14, s2;
	[dreg:$0x9] =	wrdreg s25  }
0x18: {  	s6 =	simm.s32 $0x3;
	s14 =	simm.s32 $0x680;
	[dreg:$0x1c] =	wrdreg s21  }
0x19: {  	s12 =	sadd.s32 s9, s26;
	s15 =	sadd.s32 s8, s4;
	[dreg:$0x17] =	wrdreg s22  }
0x1a: {  	s26 =	smul.u32 $0xA00, s20;
	[dreg:$0x11] =	wrdreg s12;
	s12 =	sshll.u32 s11, $0x7  }
0x1b: {  	s11 =	sshll.u32 s11, $0x4;
	s28 =	sshrl.u32 s15, $0x3;
	s15 =	simm.s32 $0x100  }
0x1c: {  	s21 =	simm.s32 $0x780;
	s9 =	sadd.s32 s9, s11;
	[dreg:$0x4] =	wrdreg s15  }
0x1d: {  	s11 =	sshrl.u32 s31, $0x3;
	s31 =	simm.s32 $0x500;
	[dreg:$0x12] =	wrdreg s9  }
0x1e: {  	s8 =	sadd.s32 s8, s12;
	s15 =	sadd.s32 s4, s2;
	[dreg:$0xc] =	wrdreg s31  }
0x1f: {  	s4 =	simm.s32 $0x0;
	s9 =	sadd.s32 s10, s28;
	[dreg:$0x1a] =	wrdreg s15  }
0x20: {  	s8 =	sshrl.u32 s8, $0x3;
	s28 =	simm.s32 $0x400;
	[dreg:$0x13] =	wrdreg s9  }
0x21: {  	s31 =	sadd.s32 $0x800, s16;
	s15 =	simm.s32 $0x700;
	[dreg:$0xa] =	wrdreg s28  }
0x22: {  	s9 =	sadd.s32 s10, s30;
	s8 =	sadd.s32 s10, s8;
	[smem:$0x7FD] =	sst s31  }
0x23: {  	s30 =	simm.s32 $0x480;
	s28 =	sadd.s32 $0x8000, s22;
	[dreg:$0x14] =	wrdreg s9  }
0x24: {  	s9 =	sadd.s32 s10, s11;
	[dreg:$0x16] =	wrdreg s8;
	s8 =	sor.u32 s7, s23  }
0x25: {  	s7 =	smul.u32 $0x50, s7;
	[dreg:$0xb] =	wrdreg s30;
	s10 =	sadd.s32 s26, s0  }
0x26: {  	s11 =	sshll.u32 s20, $0x6;
	s20 =	sadd.s32 s13, s2;
	[smem:$0x7FA] =	sst s28  }
0x27: {  	s26 =	sadd.s32 $0x4000, s22;
	s30 =	sadd.s32 $0x10000, s22;
	[dreg:$0x15] =	wrdreg s9  }
0x28: {  	s13 =	simm.s32 $0x600;
	s9 =	sadd.s32 s24, s10;
	[dreg:$0x1b] =	wrdreg s20  }
0x29: {  	s17 =	smul.u32 $0x50, s8;
	s1 =	sor.u32 $0x1C03, s11;
	[smem:$0x7F9] =	sst s26  }
0x2a: {  	s24 =	sadd.s32 s12, s2;
	[smem:$0x7FC] =	sst s30;
	s8 =	simm.s32 $0x1000  }
0x2b: {  	s10 =	simm.s32 $0x1;
	s11 =	simm.s32 $0x2;
	s12 =	simm.s32 $0x580  }
0x2c: {  	s7 =	sadd.s32 s7, s29;
	[dreg:$0x1d] =	wrdreg s24;
	s25 =	sadd.s32 $0x4800, s9  }
0x2d: {  	s29 =	sadd.s32 $0xC000, s22;
	[dreg:$0x19] =	wrdreg s1;
	s23 =	sshll.u32 s7, $0xB  }
0x2e: {  	s9 =	simm.s32 $0x5000;
	[dreg:$0x1e] =	wrdreg s25;
	s0 =	sadd.s32 s23, s5  }
0x2f: {  	s24 =	simm.s32 $0xF00;
	[smem:$0x7FB] =	sst s29;
	s0 =	sadd.s32 $0x1000, s0  }
0x30: {  	s7 =	simm.s32 $0x80;
	s25 =	simm.s32 $0xF80;
	[dreg:$0x1f] =	wrdreg s0  }
.LBB2_1:
0x31: {  	[smem:$0x7F3] =	sst s4  }
0x32: {  	s26 =	sshrl.u32 s22, $0x3;
	s0 =	rddreg [dreg:$0xe]  }
0x33: {  	[smem:$0x7F4] =	sst s26  }
0x34: {  	[spmem:s26], [sflag:s1] =	dma.local [hbm:s0], $0x800  }
0x35: {  	_ =	swait.ge [sflag:s6], $0x800  }
0x36: {  	s29 =	rddreg [dreg:$0x1a]  }
0x37: {  	[sflag:s6] =	ssyncset.done $0x0;
	s31 =	rddreg [dreg:$0xf];
	s30 =	sshrl.u32 s29, $0x3  }
0x38: {  	[sflag:s6] =	ssyncadd.s32 $0xFFFFF800;
	[smem:$0x7F5] =	sst s30  }
0x39: {  	[spmem:s30], [sflag:s1] =	dma.local [hbm:s31], $0x800  }
0x3a: {  	_ =	swait.ge [sflag:s6], $0x800  }
0x3b: {  	s20 =	rddreg [dreg:$0x1b]  }
0x3c: {  	[sflag:s6] =	ssyncset.done $0x0;
	s26 =	rddreg [dreg:$0x10];
	s23 =	sshrl.u32 s20, $0x3  }
0x3d: {  	[sflag:s6] =	ssyncadd.s32 $0xFFFFF800;
	[smem:$0x7F6] =	sst s23  }
0x3e: {  	[spmem:s23], [sflag:s1] =	dma.local [hbm:s26], $0x800  }
0x3f: {  	_ =	swait.ge [sflag:s6], $0x800  }
0x40: {  	s29 =	rddreg [dreg:$0x1c]  }
0x41: {  	[sflag:s6] =	ssyncset.done $0x0;
	s31 =	rddreg [dreg:$0x11];
	s30 =	sshrl.u32 s29, $0x3  }
0x42: {  	[sflag:s6] =	ssyncadd.s32 $0xFFFFF800;
	[smem:$0x7F7] =	sst s30  }
0x43: {  	[spmem:s30], [sflag:s1] =	dma.local [hbm:s31], $0x800  }
0x44: {  	_ =	swait.ge [sflag:s6], $0x800  }
0x45: {  	s20 =	rddreg [dreg:$0x1d]  }
0x46: {  	[sflag:s6] =	ssyncset.done $0x0;
	s26 =	rddreg [dreg:$0x12];
	s23 =	sshrl.u32 s20, $0x3  }
0x47: {  	[sflag:s6] =	ssyncadd.s32 $0xFFFFF800;
	[smem:$0x7F8] =	sst s23  }
0x48: {  	[spmem:s23], [sflag:s1] =	dma.local [hbm:s26], $0x800  }
0x49: {  	_ =	swait.ge [sflag:s6], $0x800  }
0x4a: {  	[sflag:s6] =	ssyncset.done $0x0  }
0x4b: {  	[sflag:s6] =	ssyncadd.s32 $0xFFFFF800  }
0x4c: {  	[bflag:$0x0] =	sbarrier.arrive $0xFFFF  }
0x4d: {  	s28 =	rddreg [dreg:$0x1e]  }
0x4e: {  	[tilespmem:s3], [sflag:$0x3] =	stream.linear.gather [hbm4b:s28+s3], $0x800, $0x38;
	[tilespmem:$0x1D000] =	vst v63  }
0x4f: {  	_ =	swait.ge [sflag:s6], $0x800  }
0x50: {  	[sflag:s6] =	ssyncset.done $0x0  }
0x51: {  	[sflag:s6] =	ssyncadd.s32 $0xFFFFF800  }
0x52: {  	[tilespmem:s8], [sflag:$0x1] =	stream.indirect.gather [spmem:s2], $0x80, s3, s7, $0xb8;
	[tilespmem:$0x1D000] =	vst v63  }
0x53: {  	_ = 	snop  }
0x54: {  	[tilespmem:s9], [sflag:$0x2] =	stream.indirect.gather [spmem:s2], $0x80, s7, s7, $0xb8;
	[tilespmem:$0x1D000] =	vst v63  }
0x55: {  	_ =	swait.ge [sflag:s10], $0x4000  }
0x56: {  	[sflag:s10] =	ssyncset.done $0x0  }
0x57: {  	s1 =	sadd.s32 $0x0, s16;
	[sflag:s10] =	ssyncadd.s32 $0xFFFFC000  }
0x58: {  	[hbm4b:s1+s3] =	stream.linear.scatter [tilespmem:s8], [sflag:$0x3], $0x4000, $0x38;
	[tilespmem:$0x1D000] =	vst v63  }
0x59: {  	_ =	swait.ge [sflag:s6], $0x4000  }
0x5a: {  	[sflag:s6] =	ssyncset.done $0x0  }
0x5b: {  	s29 =	rddreg [dreg:$0x4];
	[sflag:s6] =	ssyncadd.s32 $0xFFFFC000  }
0x5c: {  	[tilespmem:s8], [sflag:$0x1] =	stream.indirect.gather [spmem:s2], $0x80, s29, s7, $0xb8;
	[tilespmem:$0x1D000] =	vst v63  }
0x5d: {  	_ =	swait.ge [sflag:s11], $0x4000  }
0x5e: {  	[sflag:s11] =	ssyncset.done $0x0  }
0x5f: {  	s30 =	sadd.s32 $0x800, s1;
	[sflag:s11] =	ssyncadd.s32 $0xFFFFC000  }
0x60: {  	[hbm4b:s30+s3] =	stream.linear.scatter [tilespmem:s9], [sflag:$0x3], $0x4000, $0x38;
	[tilespmem:$0x1D000] =	vst v63  }
0x61: {  	_ =	swait.ge [sflag:s6], $0x4000  }
0x62: {  	[sflag:s6] =	ssyncset.done $0x0  }
0x63: {  	s31 =	rddreg [dreg:$0x5];
	[sflag:s6] =	ssyncadd.s32 $0xFFFFC000  }
0x64: {  	[tilespmem:s9], [sflag:$0x2] =	stream.indirect.gather [spmem:s2], $0x80, s31, s7, $0xb8;
	[tilespmem:$0x1D000] =	vst v63  }
0x65: {  	_ =	swait.ge [sflag:s10], $0x4000  }
0x66: {  	[sflag:s10] =	ssyncset.done $0x0  }
0x67: {  	s4 =	sadd.s32 $0x1000, s1;
	[sflag:s10] =	ssyncadd.s32 $0xFFFFC000  }
0x68: {  	[hbm4b:s4+s3] =	stream.linear.scatter [tilespmem:s8], [sflag:$0x3], $0x4000, $0x38;
	[tilespmem:$0x1D000] =	vst v63  }
0x69: {  	_ =	swait.ge [sflag:s6], $0x4000  }
0x6a: {  	[sflag:s6] =	ssyncset.done $0x0  }
0x6b: {  	s20 =	rddreg [dreg:$0x6];
	[sflag:s6] =	ssyncadd.s32 $0xFFFFC000  }
0x6c: {  	[tilespmem:s8], [sflag:$0x1] =	stream.indirect.gather [spmem:s2], $0x80, s20, s7, $0xb8;
	[tilespmem:$0x1D000] =	vst v63  }
0x6d: {  	_ =	swait.ge [sflag:s11], $0x4000  }
0x6e: {  	[sflag:s11] =	ssyncset.done $0x0  }
0x6f: {  	s23 =	sadd.s32 $0x1800, s1;
	[sflag:s11] =	ssyncadd.s32 $0xFFFFC000  }
0x70: {  	[hbm4b:s23+s3] =	stream.linear.scatter [tilespmem:s9], [sflag:$0x3], $0x4000, $0x38;
	[tilespmem:$0x1D000] =	vst v63  }
0x71: {  	_ =	swait.ge [sflag:s6], $0x4000  }
0x72: {  	[sflag:s6] =	ssyncset.done $0x0  }
0x73: {  	s26 =	rddreg [dreg:$0x7];
	[sflag:s6] =	ssyncadd.s32 $0xFFFFC000  }
0x74: {  	[tilespmem:s9], [sflag:$0x2] =	stream.indirect.gather [spmem:s2], $0x80, s26, s7, $0xb8;
	[tilespmem:$0x1D000] =	vst v63  }
0x75: {  	_ =	swait.ge [sflag:s10], $0x4000  }
0x76: {  	[sflag:s10] =	ssyncset.done $0x0  }
0x77: {  	s29 =	sadd.s32 $0x2000, s1;
	[sflag:s10] =	ssyncadd.s32 $0xFFFFC000  }
0x78: {  	[hbm4b:s29+s3] =	stream.linear.scatter [tilespmem:s8], [sflag:$0x3], $0x4000, $0x38;
	[tilespmem:$0x1D000] =	vst v63  }
0x79: {  	_ =	swait.ge [sflag:s6], $0x4000  }
0x7a: {  	[sflag:s6] =	ssyncset.done $0x0  }
0x7b: {  	s30 =	rddreg [dreg:$0x8];
	[sflag:s6] =	ssyncadd.s32 $0xFFFFC000  }
0x7c: {  	[tilespmem:s8], [sflag:$0x1] =	stream.indirect.gather [spmem:s2], $0x80, s30, s7, $0xb8;
	[tilespmem:$0x1D000] =	vst v63  }
0x7d: {  	_ =	swait.ge [sflag:s11], $0x4000  }
0x7e: {  	[sflag:s11] =	ssyncset.done $0x0  }
0x7f: {  	s31 =	sadd.s32 $0x2800, s1;
	[sflag:s11] =	ssyncadd.s32 $0xFFFFC000  }
0x80: {  	[hbm4b:s31+s3] =	stream.linear.scatter [tilespmem:s9], [sflag:$0x3], $0x4000, $0x38;
	[tilespmem:$0x1D000] =	vst v63  }
0x81: {  	_ =	swait.ge [sflag:s6], $0x4000  }
0x82: {  	[sflag:s6] =	ssyncset.done $0x0  }
0x83: {  	s4 =	rddreg [dreg:$0x9];
	[sflag:s6] =	ssyncadd.s32 $0xFFFFC000  }
0x84: {  	[tilespmem:s9], [sflag:$0x2] =	stream.indirect.gather [spmem:s2], $0x80, s4, s7, $0xb8;
	[tilespmem:$0x1D000] =	vst v63  }
0x85: {  	_ =	swait.ge [sflag:s10], $0x4000  }
0x86: {  	[sflag:s10] =	ssyncset.done $0x0  }
0x87: {  	s20 =	sadd.s32 $0x3000, s1;
	[sflag:s10] =	ssyncadd.s32 $0xFFFFC000  }
0x88: {  	[hbm4b:s20+s3] =	stream.linear.scatter [tilespmem:s8], [sflag:$0x3], $0x4000, $0x38;
	[tilespmem:$0x1D000] =	vst v63  }
0x89: {  	_ =	swait.ge [sflag:s6], $0x4000  }
0x8a: {  	[sflag:s6] =	ssyncset.done $0x0  }
0x8b: {  	s23 =	rddreg [dreg:$0xa];
	[sflag:s6] =	ssyncadd.s32 $0xFFFFC000  }
0x8c: {  	[tilespmem:s8], [sflag:$0x1] =	stream.indirect.gather [spmem:s2], $0x80, s23, s7, $0xb8;
	[tilespmem:$0x1D000] =	vst v63  }
0x8d: {  	_ =	swait.ge [sflag:s11], $0x4000  }
0x8e: {  	[sflag:s11] =	ssyncset.done $0x0  }
0x8f: {  	s26 =	sadd.s32 $0x3800, s1;
	[sflag:s11] =	ssyncadd.s32 $0xFFFFC000  }
0x90: {  	[hbm4b:s26+s3] =	stream.linear.scatter [tilespmem:s9], [sflag:$0x3], $0x4000, $0x38;
	[tilespmem:$0x1D000] =	vst v63  }
0x91: {  	_ =	swait.ge [sflag:s6], $0x4000  }
0x92: {  	[sflag:s6] =	ssyncset.done $0x0  }
0x93: {  	s29 =	rddreg [dreg:$0xb];
	[sflag:s6] =	ssyncadd.s32 $0xFFFFC000  }
0x94: {  	[tilespmem:s9], [sflag:$0x2] =	stream.indirect.gather [spmem:s2], $0x80, s29, s7, $0xb8;
	[tilespmem:$0x1D000] =	vst v63  }
0x95: {  	_ =	swait.ge [sflag:s10], $0x4000  }
0x96: {  	[sflag:s10] =	ssyncset.done $0x0  }
0x97: {  	s30 =	sadd.s32 $0x4000, s1;
	[sflag:s10] =	ssyncadd.s32 $0xFFFFC000  }
0x98: {  	[hbm4b:s30+s3] =	stream.linear.scatter [tilespmem:s8], [sflag:$0x3], $0x4000, $0x38;
	[tilespmem:$0x1D000] =	vst v63  }
0x99: {  	_ =	swait.ge [sflag:s6], $0x4000  }
0x9a: {  	[sflag:s6] =	ssyncset.done $0x0  }
0x9b: {  	s31 =	rddreg [dreg:$0xc];
	[sflag:s6] =	ssyncadd.s32 $0xFFFFC000  }
0x9c: {  	[tilespmem:s8], [sflag:$0x1] =	stream.indirect.gather [spmem:s2], $0x80, s31, s7, $0xb8;
	[tilespmem:$0x1D000] =	vst v63  }
0x9d: {  	_ =	swait.ge [sflag:s11], $0x4000  }
0x9e: {  	[sflag:s11] =	ssyncset.done $0x0  }
0x9f: {  	s4 =	sadd.s32 $0x4800, s1;
	[sflag:s11] =	ssyncadd.s32 $0xFFFFC000  }
0xa0: {  	[hbm4b:s4+s3] =	stream.linear.scatter [tilespmem:s9], [sflag:$0x3], $0x4000, $0x38;
	[tilespmem:$0x1D000] =	vst v63  }
0xa1: {  	_ =	swait.ge [sflag:s6], $0x4000  }
0xa2: {  	[sflag:s6] =	ssyncset.done $0x0  }
0xa3: {  	[sflag:s6] =	ssyncadd.s32 $0xFFFFC000  }
0xa4: {  	[tilespmem:s9], [sflag:$0x2] =	stream.indirect.gather [spmem:s2], $0x80, s12, s7, $0xb8;
	[tilespmem:$0x1D000] =	vst v63  }
0xa5: {  	_ =	swait.ge [sflag:s10], $0x4000  }
0xa6: {  	[sflag:s10] =	ssyncset.done $0x0  }
0xa7: {  	s20 =	sadd.s32 $0x5000, s1;
	[sflag:s10] =	ssyncadd.s32 $0xFFFFC000  }
0xa8: {  	[hbm4b:s20+s3] =	stream.linear.scatter [tilespmem:s8], [sflag:$0x3], $0x4000, $0x38;
	[tilespmem:$0x1D000] =	vst v63  }
0xa9: {  	_ =	swait.ge [sflag:s6], $0x4000  }
0xaa: {  	[sflag:s6] =	ssyncset.done $0x0  }
0xab: {  	[sflag:s6] =	ssyncadd.s32 $0xFFFFC000  }
0xac: {  	[tilespmem:s8], [sflag:$0x1] =	stream.indirect.gather [spmem:s2], $0x80, s13, s7, $0xb8;
	[tilespmem:$0x1D000] =	vst v63  }
0xad: {  	_ =	swait.ge [sflag:s11], $0x4000  }
0xae: {  	[sflag:s11] =	ssyncset.done $0x0  }
0xaf: {  	s23 =	sadd.s32 $0x5800, s1;
	[sflag:s11] =	ssyncadd.s32 $0xFFFFC000  }
0xb0: {  	[hbm4b:s23+s3] =	stream.linear.scatter [tilespmem:s9], [sflag:$0x3], $0x4000, $0x38;
	[tilespmem:$0x1D000] =	vst v63  }
0xb1: {  	_ =	swait.ge [sflag:s6], $0x4000  }
0xb2: {  	[sflag:s6] =	ssyncset.done $0x0  }
0xb3: {  	[sflag:s6] =	ssyncadd.s32 $0xFFFFC000  }
0xb4: {  	[tilespmem:s9], [sflag:$0x2] =	stream.indirect.gather [spmem:s2], $0x80, s14, s7, $0xb8;
	[tilespmem:$0x1D000] =	vst v63  }
0xb5: {  	_ =	swait.ge [sflag:s10], $0x4000  }
0xb6: {  	[sflag:s10] =	ssyncset.done $0x0  }
0xb7: {  	s26 =	sadd.s32 $0x6000, s1;
	[sflag:s10] =	ssyncadd.s32 $0xFFFFC000  }
0xb8: {  	[hbm4b:s26+s3] =	stream.linear.scatter [tilespmem:s8], [sflag:$0x3], $0x4000, $0x38;
	[tilespmem:$0x1D000] =	vst v63  }
0xb9: {  	_ =	swait.ge [sflag:s6], $0x4000  }
0xba: {  	[sflag:s6] =	ssyncset.done $0x0  }
0xbb: {  	[sflag:s6] =	ssyncadd.s32 $0xFFFFC000  }
0xbc: {  	[tilespmem:s8], [sflag:$0x1] =	stream.indirect.gather [spmem:s2], $0x80, s15, s7, $0xb8;
	[tilespmem:$0x1D000] =	vst v63  }
0xbd: {  	_ =	swait.ge [sflag:s11], $0x4000  }
0xbe: {  	[sflag:s11] =	ssyncset.done $0x0  }
0xbf: {  	s29 =	sadd.s32 $0x6800, s1;
	[sflag:s11] =	ssyncadd.s32 $0xFFFFC000  }
0xc0: {  	[hbm4b:s29+s3] =	stream.linear.scatter [tilespmem:s9], [sflag:$0x3], $0x4000, $0x38;
	[tilespmem:$0x1D000] =	vst v63  }
0xc1: {  	_ =	swait.ge [sflag:s6], $0x4000  }
0xc2: {  	[sflag:s6] =	ssyncset.done $0x0  }
0xc3: {  	[sflag:s6] =	ssyncadd.s32 $0xFFFFC000  }
0xc4: {  	[tilespmem:s9], [sflag:$0x2] =	stream.indirect.gather [spmem:s2], $0x80, s21, s7, $0xb8;
	[tilespmem:$0x1D000] =	vst v63  }
0xc5: {  	_ =	swait.ge [sflag:s10], $0x4000  }
0xc6: {  	[sflag:s10] =	ssyncset.done $0x0  }
0xc7: {  	s30 =	sadd.s32 $0x7000, s1;
	[sflag:s10] =	ssyncadd.s32 $0xFFFFC000  }
0xc8: {  	[hbm4b:s30+s3] =	stream.linear.scatter [tilespmem:s8], [sflag:$0x3], $0x4000, $0x38;
	[tilespmem:$0x1D000] =	vst v63  }
0xc9: {  	_ =	swait.ge [sflag:s6], $0x4000  }
0xca: {  	[sflag:s6] =	ssyncset.done $0x0  }
0xcb: {  	[sflag:s6] =	ssyncadd.s32 $0xFFFFC000  }
0xcc: {  	[tilespmem:s8], [sflag:$0x1] =	stream.indirect.gather [spmem:s2], $0x80, s21, s7, $0xb8;
	[tilespmem:$0x1D000] =	vst v63  }
0xcd: {  	_ =	swait.ge [sflag:s11], $0x4000  }
0xce: {  	[sflag:s11] =	ssyncset.done $0x0  }
0xcf: {  	s31 =	sadd.s32 $0x7800, s1;
	[sflag:s11] =	ssyncadd.s32 $0xFFFFC000  }
0xd0: {  	[hbm4b:s31+s3] =	stream.linear.scatter [tilespmem:s9], [sflag:$0x3], $0x4000, $0x38;
	[tilespmem:$0x1D000] =	vst v63  }
0xd1: {  	_ =	swait.ge [sflag:s6], $0x4000  }
0xd2: {  	[sflag:s6] =	ssyncset.done $0x0  }
0xd3: {  	[sflag:s6] =	ssyncadd.s32 $0xFFFFC000  }
0xd4: {  	_ =	swait.ge [sflag:s10], $0x4000  }
0xd5: {  	s1 =	simm.s32 $0x8000;
	[sflag:s10] =	ssyncset.done $0x0  }
.LBB2_2:
0xd6: {  	[sflag:s10] =	ssyncadd.s32 $0xFFFFC000;
	s28 =	sadd.s32 $0x100, s28  }
0xd7: {  	[tilespmem:s3], [sflag:$0x3] =	stream.linear.gather [hbm4b:s28+s3], $0x800, $0x38;
	[tilespmem:$0x1D000] =	vst v63  }
0xd8: {  	_ =	swait.ge [sflag:s6], $0x800  }
0xd9: {  	[sflag:s6] =	ssyncset.done $0x0  }
0xda: {  	[sflag:s6] =	ssyncadd.s32 $0xFFFFF800  }
0xdb: {  	[tilespmem:s8], [sflag:$0x1] =	stream.indirect.gather [spmem:s2], $0x80, s3, s7, $0xb8;
	[tilespmem:$0x1D000] =	vst v63  }
0xdc: {  	_ = 	snop  }
0xdd: {  	[tilespmem:s9], [sflag:$0x2] =	stream.indirect.gather [spmem:s2], $0x80, s7, s7, $0xb8;
	[tilespmem:$0x1D000] =	vst v63  }
0xde: {  	_ =	swait.ge [sflag:s10], $0x4000  }
0xdf: {  	s0 =	smov.u32 s1;
	[sflag:s10] =	ssyncset.done $0x0  }
0xe0: {  	s20 =	sadd.s32 s0, s16;
	[sflag:s10] =	ssyncadd.s32 $0xFFFFC000  }
0xe1: {  	[hbm4b:s20+s3] =	stream.linear.scatter [tilespmem:s8], [sflag:$0x3], $0x4000, $0x38;
	[tilespmem:$0x1D000] =	vst v63  }
0xe2: {  	_ =	swait.ge [sflag:s6], $0x4000  }
0xe3: {  	[sflag:s6] =	ssyncset.done $0x0  }
0xe4: {  	s4 =	rddreg [dreg:$0x4];
	[sflag:s6] =	ssyncadd.s32 $0xFFFFC000  }
0xe5: {  	[tilespmem:s8], [sflag:$0x1] =	stream.indirect.gather [spmem:s2], $0x80, s4, s7, $0xb8;
	[tilespmem:$0x1D000] =	vst v63  }
0xe6: {  	_ =	swait.ge [sflag:s11], $0x4000  }
0xe7: {  	[sflag:s11] =	ssyncset.done $0x0  }
0xe8: {  	s23 =	sadd.s32 $0x800, s20;
	[sflag:s11] =	ssyncadd.s32 $0xFFFFC000  }
0xe9: {  	[hbm4b:s23+s3] =	stream.linear.scatter [tilespmem:s9], [sflag:$0x3], $0x4000, $0x38;
	[tilespmem:$0x1D000] =	vst v63  }
0xea: {  	_ =	swait.ge [sflag:s6], $0x4000  }
0xeb: {  	[sflag:s6] =	ssyncset.done $0x0  }
0xec: {  	s26 =	rddreg [dreg:$0x5];
	[sflag:s6] =	ssyncadd.s32 $0xFFFFC000  }
0xed: {  	[tilespmem:s9], [sflag:$0x2] =	stream.indirect.gather [spmem:s2], $0x80, s26, s7, $0xb8;
	[tilespmem:$0x1D000] =	vst v63  }
0xee: {  	_ =	swait.ge [sflag:s10], $0x4000  }
0xef: {  	[sflag:s10] =	ssyncset.done $0x0  }
0xf0: {  	s29 =	sadd.s32 $0x1000, s20;
	[sflag:s10] =	ssyncadd.s32 $0xFFFFC000  }
0xf1: {  	[hbm4b:s29+s3] =	stream.linear.scatter [tilespmem:s8], [sflag:$0x3], $0x4000, $0x38;
	[tilespmem:$0x1D000] =	vst v63  }
0xf2: {  	_ =	swait.ge [sflag:s6], $0x4000  }
0xf3: {  	[sflag:s6] =	ssyncset.done $0x0  }
0xf4: {  	s30 =	rddreg [dreg:$0x6];
	[sflag:s6] =	ssyncadd.s32 $0xFFFFC000  }
0xf5: {  	[tilespmem:s8], [sflag:$0x1] =	stream.indirect.gather [spmem:s2], $0x80, s30, s7, $0xb8;
	[tilespmem:$0x1D000] =	vst v63  }
0xf6: {  	_ =	swait.ge [sflag:s11], $0x4000  }
0xf7: {  	[sflag:s11] =	ssyncset.done $0x0  }
0xf8: {  	s31 =	sadd.s32 $0x1800, s20;
	[sflag:s11] =	ssyncadd.s32 $0xFFFFC000  }
0xf9: {  	[hbm4b:s31+s3] =	stream.linear.scatter [tilespmem:s9], [sflag:$0x3], $0x4000, $0x38;
	[tilespmem:$0x1D000] =	vst v63  }
0xfa: {  	_ =	swait.ge [sflag:s6], $0x4000  }
0xfb: {  	[sflag:s6] =	ssyncset.done $0x0  }
0xfc: {  	s4 =	rddreg [dreg:$0x7];
	[sflag:s6] =	ssyncadd.s32 $0xFFFFC000  }
0xfd: {  	[tilespmem:s9], [sflag:$0x2] =	stream.indirect.gather [spmem:s2], $0x80, s4, s7, $0xb8;
	[tilespmem:$0x1D000] =	vst v63  }
0xfe: {  	_ =	swait.ge [sflag:s10], $0x4000  }
0xff: {  	[sflag:s10] =	ssyncset.done $0x0  }
0x100: {  	s23 =	sadd.s32 $0x2000, s20;
	[sflag:s10] =	ssyncadd.s32 $0xFFFFC000  }
0x101: {  	[hbm4b:s23+s3] =	stream.linear.scatter [tilespmem:s8], [sflag:$0x3], $0x4000, $0x38;
	[tilespmem:$0x1D000] =	vst v63  }
0x102: {  	_ =	swait.ge [sflag:s6], $0x4000  }
0x103: {  	[sflag:s6] =	ssyncset.done $0x0  }
0x104: {  	s26 =	rddreg [dreg:$0x8];
	[sflag:s6] =	ssyncadd.s32 $0xFFFFC000  }
0x105: {  	[tilespmem:s8], [sflag:$0x1] =	stream.indirect.gather [spmem:s2], $0x80, s26, s7, $0xb8;
	[tilespmem:$0x1D000] =	vst v63  }
0x106: {  	_ =	swait.ge [sflag:s11], $0x4000  }
0x107: {  	[sflag:s11] =	ssyncset.done $0x0  }
0x108: {  	s29 =	sadd.s32 $0x2800, s20;
	[sflag:s11] =	ssyncadd.s32 $0xFFFFC000  }
0x109: {  	[hbm4b:s29+s3] =	stream.linear.scatter [tilespmem:s9], [sflag:$0x3], $0x4000, $0x38;
	[tilespmem:$0x1D000] =	vst v63  }
0x10a: {  	_ =	swait.ge [sflag:s6], $0x4000  }
0x10b: {  	[sflag:s6] =	ssyncset.done $0x0  }
0x10c: {  	s30 =	rddreg [dreg:$0x9];
	[sflag:s6] =	ssyncadd.s32 $0xFFFFC000  }
0x10d: {  	[tilespmem:s9], [sflag:$0x2] =	stream.indirect.gather [spmem:s2], $0x80, s30, s7, $0xb8;
	[tilespmem:$0x1D000] =	vst v63  }
0x10e: {  	_ =	swait.ge [sflag:s10], $0x4000  }
0x10f: {  	[sflag:s10] =	ssyncset.done $0x0  }
0x110: {  	s31 =	sadd.s32 $0x3000, s20;
	[sflag:s10] =	ssyncadd.s32 $0xFFFFC000  }
0x111: {  	[hbm4b:s31+s3] =	stream.linear.scatter [tilespmem:s8], [sflag:$0x3], $0x4000, $0x38;
	[tilespmem:$0x1D000] =	vst v63  }
0x112: {  	_ =	swait.ge [sflag:s6], $0x4000  }
0x113: {  	[sflag:s6] =	ssyncset.done $0x0  }
0x114: {  	s4 =	rddreg [dreg:$0xa];
	[sflag:s6] =	ssyncadd.s32 $0xFFFFC000  }
0x115: {  	[tilespmem:s8], [sflag:$0x1] =	stream.indirect.gather [spmem:s2], $0x80, s4, s7, $0xb8;
	[tilespmem:$0x1D000] =	vst v63  }
0x116: {  	_ =	swait.ge [sflag:s11], $0x4000  }
0x117: {  	[sflag:s11] =	ssyncset.done $0x0  }
0x118: {  	s23 =	sadd.s32 $0x3800, s20;
	[sflag:s11] =	ssyncadd.s32 $0xFFFFC000  }
0x119: {  	[hbm4b:s23+s3] =	stream.linear.scatter [tilespmem:s9], [sflag:$0x3], $0x4000, $0x38;
	[tilespmem:$0x1D000] =	vst v63  }
0x11a: {  	_ =	swait.ge [sflag:s6], $0x4000  }
0x11b: {  	[sflag:s6] =	ssyncset.done $0x0  }
0x11c: {  	s26 =	rddreg [dreg:$0xb];
	[sflag:s6] =	ssyncadd.s32 $0xFFFFC000  }
0x11d: {  	[tilespmem:s9], [sflag:$0x2] =	stream.indirect.gather [spmem:s2], $0x80, s26, s7, $0xb8;
	[tilespmem:$0x1D000] =	vst v63  }
0x11e: {  	_ =	swait.ge [sflag:s10], $0x4000  }
0x11f: {  	[sflag:s10] =	ssyncset.done $0x0  }
0x120: {  	s29 =	sadd.s32 $0x4000, s20;
	[sflag:s10] =	ssyncadd.s32 $0xFFFFC000  }
0x121: {  	[hbm4b:s29+s3] =	stream.linear.scatter [tilespmem:s8], [sflag:$0x3], $0x4000, $0x38;
	[tilespmem:$0x1D000] =	vst v63  }
0x122: {  	_ =	swait.ge [sflag:s6], $0x4000  }
0x123: {  	[sflag:s6] =	ssyncset.done $0x0  }
0x124: {  	s30 =	rddreg [dreg:$0xc];
	[sflag:s6] =	ssyncadd.s32 $0xFFFFC000  }
0x125: {  	[tilespmem:s8], [sflag:$0x1] =	stream.indirect.gather [spmem:s2], $0x80, s30, s7, $0xb8;
	[tilespmem:$0x1D000] =	vst v63  }
0x126: {  	_ =	swait.ge [sflag:s11], $0x4000  }
0x127: {  	[sflag:s11] =	ssyncset.done $0x0  }
0x128: {  	s31 =	sadd.s32 $0x4800, s20;
	[sflag:s11] =	ssyncadd.s32 $0xFFFFC000  }
0x129: {  	[hbm4b:s31+s3] =	stream.linear.scatter [tilespmem:s9], [sflag:$0x3], $0x4000, $0x38;
	[tilespmem:$0x1D000] =	vst v63  }
0x12a: {  	_ =	swait.ge [sflag:s6], $0x4000  }
0x12b: {  	[sflag:s6] =	ssyncset.done $0x0  }
0x12c: {  	[sflag:s6] =	ssyncadd.s32 $0xFFFFC000  }
0x12d: {  	[tilespmem:s9], [sflag:$0x2] =	stream.indirect.gather [spmem:s2], $0x80, s12, s7, $0xb8;
	[tilespmem:$0x1D000] =	vst v63  }
0x12e: {  	_ =	swait.ge [sflag:s10], $0x4000  }
0x12f: {  	[sflag:s10] =	ssyncset.done $0x0  }
0x130: {  	s4 =	sadd.s32 $0x5000, s20;
	[sflag:s10] =	ssyncadd.s32 $0xFFFFC000  }
0x131: {  	[hbm4b:s4+s3] =	stream.linear.scatter [tilespmem:s8], [sflag:$0x3], $0x4000, $0x38;
	[tilespmem:$0x1D000] =	vst v63  }
0x132: {  	_ =	swait.ge [sflag:s6], $0x4000  }
0x133: {  	[sflag:s6] =	ssyncset.done $0x0  }
0x134: {  	[sflag:s6] =	ssyncadd.s32 $0xFFFFC000  }
0x135: {  	[tilespmem:s8], [sflag:$0x1] =	stream.indirect.gather [spmem:s2], $0x80, s13, s7, $0xb8;
	[tilespmem:$0x1D000] =	vst v63  }
0x136: {  	_ =	swait.ge [sflag:s11], $0x4000  }
0x137: {  	[sflag:s11] =	ssyncset.done $0x0  }
0x138: {  	s23 =	sadd.s32 $0x5800, s20;
	[sflag:s11] =	ssyncadd.s32 $0xFFFFC000  }
0x139: {  	[hbm4b:s23+s3] =	stream.linear.scatter [tilespmem:s9], [sflag:$0x3], $0x4000, $0x38;
	[tilespmem:$0x1D000] =	vst v63  }
0x13a: {  	_ =	swait.ge [sflag:s6], $0x4000  }
0x13b: {  	[sflag:s6] =	ssyncset.done $0x0  }
0x13c: {  	[sflag:s6] =	ssyncadd.s32 $0xFFFFC000  }
0x13d: {  	[tilespmem:s9], [sflag:$0x2] =	stream.indirect.gather [spmem:s2], $0x80, s14, s7, $0xb8;
	[tilespmem:$0x1D000] =	vst v63  }
0x13e: {  	_ =	swait.ge [sflag:s10], $0x4000  }
0x13f: {  	[sflag:s10] =	ssyncset.done $0x0  }
0x140: {  	s26 =	sadd.s32 $0x6000, s20;
	[sflag:s10] =	ssyncadd.s32 $0xFFFFC000  }
0x141: {  	[hbm4b:s26+s3] =	stream.linear.scatter [tilespmem:s8], [sflag:$0x3], $0x4000, $0x38;
	[tilespmem:$0x1D000] =	vst v63  }
0x142: {  	_ =	swait.ge [sflag:s6], $0x4000  }
0x143: {  	[sflag:s6] =	ssyncset.done $0x0  }
0x144: {  	[sflag:s6] =	ssyncadd.s32 $0xFFFFC000  }
0x145: {  	[tilespmem:s8], [sflag:$0x1] =	stream.indirect.gather [spmem:s2], $0x80, s15, s7, $0xb8;
	[tilespmem:$0x1D000] =	vst v63  }
0x146: {  	_ =	swait.ge [sflag:s11], $0x4000  }
0x147: {  	[sflag:s11] =	ssyncset.done $0x0  }
0x148: {  	s29 =	sadd.s32 $0x6800, s20;
	[sflag:s11] =	ssyncadd.s32 $0xFFFFC000  }
0x149: {  	[hbm4b:s29+s3] =	stream.linear.scatter [tilespmem:s9], [sflag:$0x3], $0x4000, $0x38;
	[tilespmem:$0x1D000] =	vst v63  }
0x14a: {  	_ =	swait.ge [sflag:s6], $0x4000  }
0x14b: {  	[sflag:s6] =	ssyncset.done $0x0  }
0x14c: {  	[sflag:s6] =	ssyncadd.s32 $0xFFFFC000  }
0x14d: {  	[tilespmem:s9], [sflag:$0x2] =	stream.indirect.gather [spmem:s2], $0x80, s21, s7, $0xb8;
	[tilespmem:$0x1D000] =	vst v63  }
0x14e: {  	_ =	swait.ge [sflag:s10], $0x4000  }
0x14f: {  	[sflag:s10] =	ssyncset.done $0x0  }
0x150: {  	s30 =	sadd.s32 $0x7000, s20;
	[sflag:s10] =	ssyncadd.s32 $0xFFFFC000  }
0x151: {  	[hbm4b:s30+s3] =	stream.linear.scatter [tilespmem:s8], [sflag:$0x3], $0x4000, $0x38;
	[tilespmem:$0x1D000] =	vst v63  }
0x152: {  	_ =	swait.ge [sflag:s6], $0x4000  }
0x153: {  	[sflag:s6] =	ssyncset.done $0x0  }
0x154: {  	[sflag:s6] =	ssyncadd.s32 $0xFFFFC000  }
0x155: {  	[tilespmem:s8], [sflag:$0x1] =	stream.indirect.gather [spmem:s2], $0x80, s21, s7, $0xb8;
	[tilespmem:$0x1D000] =	vst v63  }
0x156: {  	_ =	swait.ge [sflag:s11], $0x4000  }
0x157: {  	[sflag:s11] =	ssyncset.done $0x0  }
0x158: {  	p0 =	sne.s32 s1, $0x20000;
	s31 =	sadd.s32 $0x7800, s20;
	[sflag:s11] =	ssyncadd.s32 $0xFFFFC000  }
0x159: {  	[hbm4b:s31+s3] =	stream.linear.scatter [tilespmem:s9], [sflag:$0x3], $0x4000, $0x38;
	[tilespmem:$0x1D000] =	vst v63  }
.Ltmp0:
0x15a: {  	_ =	swait.ge [sflag:s6], $0x4000;
	(pc) =	sbr.rel @p0 .LBB2_2-.Ltmp0, $4  }
0x15b: {  	[sflag:s6] =	ssyncset.done $0x0  }
0x15c: {  	[sflag:s6] =	ssyncadd.s32 $0xFFFFC000  }
0x15d: {  	_ =	swait.ge [sflag:s10], $0x4000  }
0x15e: {  	s1 =	sadd.s32 $0x8000, s1;
	[sflag:s10] =	ssyncset.done $0x0  }
0x15f: {  	[sflag:s10] =	ssyncadd.s32 $0xFFFFC000  }
0x160: {  	[bflag:$0x0] =	sbarrier.arrive $0xFFFF  }
0x161: {  	s1 =	simm.s32 $0x0;
	s0 =	rddreg [dreg:$0x1]  }
0x162: {  	[tilespmem:s8], [sflag:$0x3] =	stream.linear.gather [hbm4b:s0+s1], $0x4000, $0x38;
	[tilespmem:$0x1D000] =	vst v63  }
0x163: {  	_ =	swait.ge [sflag:s6], $0x4000  }
0x164: {  	[sflag:s6] =	ssyncset.done $0x0  }
0x165: {  	[sflag:s6] =	ssyncadd.s32 $0xFFFFC000  }
0x166: {  	[spmem:s22] =	stream.linear.scatter [tilespmem:s8], [sflag:$0x3], $0x4000, $0x38;
	[tilespmem:$0x1D000] =	vst v63  }
0x167: {  	_ =	swait.ge [sflag:s6], $0x4000  }
0x168: {  	s23 =	sld [smem:$0x7F9]  }
0x169: {  	[sflag:s6] =	ssyncset.done $0x0  }
0x16a: {  	[sflag:s6] =	ssyncadd.s32 $0xFFFFC000  }
0x16b: {  	[spmem:s23] =	stream.linear.scatter [tilespmem:s8], [sflag:$0x3], $0x4000, $0x38;
	[tilespmem:$0x1D000] =	vst v63  }
0x16c: {  	_ =	swait.ge [sflag:s6], $0x4000  }
0x16d: {  	s26 =	sld [smem:$0x7FA]  }
0x16e: {  	[sflag:s6] =	ssyncset.done $0x0  }
0x16f: {  	[sflag:s6] =	ssyncadd.s32 $0xFFFFC000  }
0x170: {  	[spmem:s26] =	stream.linear.scatter [tilespmem:s8], [sflag:$0x3], $0x4000, $0x38;
	[tilespmem:$0x1D000] =	vst v63  }
0x171: {  	_ =	swait.ge [sflag:s6], $0x4000  }
0x172: {  	s29 =	sld [smem:$0x7FB]  }
0x173: {  	[sflag:s6] =	ssyncset.done $0x0  }
0x174: {  	[sflag:s6] =	ssyncadd.s32 $0xFFFFC000  }
0x175: {  	[spmem:s29] =	stream.linear.scatter [tilespmem:s8], [sflag:$0x3], $0x4000, $0x38;
	[tilespmem:$0x1D000] =	vst v63  }
0x176: {  	_ =	swait.ge [sflag:s6], $0x4000  }
0x177: {  	s31 =	sld [smem:$0x7FC]  }
0x178: {  	[sflag:s6] =	ssyncset.done $0x0  }
0x179: {  	[sflag:s6] =	ssyncadd.s32 $0xFFFFC000  }
0x17a: {  	[spmem:s31] =	stream.linear.scatter [tilespmem:s8], [sflag:$0x3], $0x4000, $0x38;
	[tilespmem:$0x1D000] =	vst v63  }
0x17b: {  	_ =	swait.ge [sflag:s6], $0x4000  }
0x17c: {  	[sflag:s6] =	ssyncset.done $0x0  }
0x17d: {  	[sflag:s6] =	ssyncadd.s32 $0xFFFFC000  }
0x17e: {  	[bflag:$0x0] =	sbarrier.arrive $0xFFFF  }
0x17f: {  	s28 =	sld [smem:$0x7FD];
	_ =	sdelay $0x1  }
0x180: {  	s30 =	simm.s32 $0x0;
	s20 =	rddreg [dreg:$0x1f]  }
.LBB2_4:
0x181: {  	s0 =	sshll.u32 s30, $0x4  }
0x182: {  	s0 =	sadd.s32 s17, s0  }
0x183: {  	s4 =	sshll.u32 s0, $0x4  }
0x184: {  	s22 =	simm.s32 $0x800;
	s4 =	sadd.s32 s18, s4  }
0x185: {  	[tilespmem:s22], [sflag:$0x3] =	stream.linear.gather [hbm4b:s4+s1], $0x800, $0x38;
	[tilespmem:$0x1D000] =	vst v63  }
0x186: {  	_ =	swait.ge [sflag:s6], $0x800  }
0x187: {  	s31 =	sshll.u32 s0, $0xB;
	[sflag:s6] =	ssyncset.done $0x0  }
0x188: {  	s0 =	sadd.s32 s5, s31;
	[sflag:s6] =	ssyncadd.s32 $0xFFFFF800  }
0x189: {  	[tilespmem:s8], [sflag:$0x1] =	stream.linear.gather [hbm4b:s0+s1], $0x4000, $0x38;
	[tilespmem:$0x1D000] =	vst v63  }
0x18a: {  	s4 =	sadd.s32 $0x0, s28  }
0x18b: {  	[tilespmem:s9], [sflag:$0x2] =	stream.linear.gather [hbm4b:s4+s3], $0x4000, $0x38;
	[tilespmem:$0x1D000] =	vst v63  }
0x18c: {  	_ =	swait.ge [sflag:s10], $0x4000  }
0x18d: {  	[sflag:s10] =	ssyncset.done $0x0  }
0x18e: {  	s22 =	simm.s32 $0x800;
	[sflag:s10] =	ssyncadd.s32 $0xFFFFC000  }
0x18f: {  	[spmem:s2] =	stream.indirect.scatter.add.f32 [tilespmem:s8], [sflag:$0x3], $0x80, s22, s7, $0xb8;
	[tilespmem:$0x1D000] =	vst v63  }
0x190: {  	_ =	swait.ge [sflag:s6], $0x4000  }
0x191: {  	[sflag:s6] =	ssyncset.done $0x0  }
0x192: {  	s23 =	sadd.s32 $0x0, s20;
	[sflag:s6] =	ssyncadd.s32 $0xFFFFC000  }
0x193: {  	[tilespmem:s8], [sflag:$0x1] =	stream.linear.gather [hbm4b:s23+s3], $0x4000, $0x38;
	[tilespmem:$0x1D000] =	vst v63  }
0x194: {  	_ =	swait.ge [sflag:s11], $0x4000  }
0x195: {  	[sflag:s11] =	ssyncset.done $0x0  }
0x196: {  	s26 =	simm.s32 $0x880;
	[sflag:s11] =	ssyncadd.s32 $0xFFFFC000  }
0x197: {  	[spmem:s2] =	stream.indirect.scatter.add.f32 [tilespmem:s9], [sflag:$0x3], $0x80, s26, s7, $0xb8;
	[tilespmem:$0x1D000] =	vst v63  }
0x198: {  	s29 =	simm.s32 $0x2000;
	_ =	swait.ge [sflag:s6], $0x4000  }
0x199: {  	s0 =	simm.s32 $0x980;
	s4 =	simm.s32 $0x1000;
	[sflag:s6] =	ssyncset.done $0x0  }
.LBB2_5:
0x19a: {  	s26 =	sadd.s32 s4, s28  }
0x19b: {  	[sflag:s6] =	ssyncadd.s32 $0xFFFFC000;
	s22 =	smov.u32 s29;
	s23 =	sadd.s32 $0x1000, s29  }
0x19c: {  	[tilespmem:s9], [sflag:$0x2] =	stream.linear.gather [hbm4b:s26+s3], $0x4000, $0x38;
	[tilespmem:$0x1D000] =	vst v63  }
0x19d: {  	p0 =	sne.s32 s29, $0x6000;
	_ =	swait.ge [sflag:s10], $0x4000  }
0x19e: {  	[sflag:s10] =	ssyncset.done $0x0  }
0x19f: {  	s26 =	sadd.s32 $0xFFFFFF80, s0;
	[sflag:s10] =	ssyncadd.s32 $0xFFFFC000  }
0x1a0: {  	[spmem:s2] =	stream.indirect.scatter.add.f32 [tilespmem:s8], [sflag:$0x3], $0x80, s26, s7, $0xb8;
	[tilespmem:$0x1D000] =	vst v63  }
0x1a1: {  	_ =	swait.ge [sflag:s6], $0x4000  }
0x1a2: {  	[sflag:s6] =	ssyncset.done $0x0  }
0x1a3: {  	s26 =	sadd.s32 s4, s20;
	s4 =	smov.u32 s22;
	[sflag:s6] =	ssyncadd.s32 $0xFFFFC000  }
0x1a4: {  	[tilespmem:s8], [sflag:$0x1] =	stream.linear.gather [hbm4b:s26+s3], $0x4000, $0x38;
	[tilespmem:$0x1D000] =	vst v63  }
0x1a5: {  	_ =	swait.ge [sflag:s11], $0x4000  }
.Ltmp1:
0x1a6: {  	[sflag:s11] =	ssyncset.done $0x0;
	(pc) =	sbr.rel @p0 .LBB2_5-.Ltmp1, $4  }
0x1a7: {  	[sflag:s11] =	ssyncadd.s32 $0xFFFFC000  }
0x1a8: {  	[spmem:s2] =	stream.indirect.scatter.add.f32 [tilespmem:s9], [sflag:$0x3], $0x80, s0, s7, $0xb8;
	[tilespmem:$0x1D000] =	vst v63  }
0x1a9: {  	_ =	swait.ge [sflag:s6], $0x4000  }
0x1aa: {  	s29 =	smov.u32 s23;
	s0 =	sadd.s32 $0x100, s0;
	[sflag:s6] =	ssyncset.done $0x0  }
0x1ab: {  	s22 =	sadd.s32 s4, s28;
	[sflag:s6] =	ssyncadd.s32 $0xFFFFC000  }
0x1ac: {  	[tilespmem:s9], [sflag:$0x2] =	stream.linear.gather [hbm4b:s22+s3], $0x4000, $0x38;
	[tilespmem:$0x1D000] =	vst v63  }
0x1ad: {  	_ =	swait.ge [sflag:s10], $0x4000  }
0x1ae: {  	[sflag:s10] =	ssyncset.done $0x0  }
0x1af: {  	s23 =	sadd.s32 $0xFFFFFF80, s0;
	[sflag:s10] =	ssyncadd.s32 $0xFFFFC000  }
0x1b0: {  	[spmem:s2] =	stream.indirect.scatter.add.f32 [tilespmem:s8], [sflag:$0x3], $0x80, s23, s7, $0xb8;
	[tilespmem:$0x1D000] =	vst v63  }
0x1b1: {  	_ =	swait.ge [sflag:s6], $0x4000  }
0x1b2: {  	[sflag:s6] =	ssyncset.done $0x0  }
0x1b3: {  	s26 =	sadd.s32 s4, s20;
	[sflag:s6] =	ssyncadd.s32 $0xFFFFC000  }
0x1b4: {  	[tilespmem:s8], [sflag:$0x1] =	stream.linear.gather [hbm4b:s26+s3], $0x4000, $0x38;
	[tilespmem:$0x1D000] =	vst v63  }
0x1b5: {  	_ =	swait.ge [sflag:s11], $0x4000  }
0x1b6: {  	[sflag:s11] =	ssyncset.done $0x0  }
0x1b7: {  	[sflag:s11] =	ssyncadd.s32 $0xFFFFC000  }
0x1b8: {  	[spmem:s2] =	stream.indirect.scatter.add.f32 [tilespmem:s9], [sflag:$0x3], $0x80, s0, s7, $0xb8;
	[tilespmem:$0x1D000] =	vst v63  }
0x1b9: {  	_ =	swait.ge [sflag:s6], $0x4000  }
0x1ba: {  	s29 =	sadd.s32 s31, s19;
	[sflag:s6] =	ssyncset.done $0x0  }
0x1bb: {  	s0 =	sadd.s32 $0x7000, s29;
	[sflag:s6] =	ssyncadd.s32 $0xFFFFC000  }
0x1bc: {  	[tilespmem:s9], [sflag:$0x2] =	stream.linear.gather [hbm4b:s0+s3], $0x4000, $0x38;
	[tilespmem:$0x1D000] =	vst v63  }
0x1bd: {  	_ =	swait.ge [sflag:s10], $0x4000  }
0x1be: {  	[sflag:s10] =	ssyncset.done $0x0  }
0x1bf: {  	[sflag:s10] =	ssyncadd.s32 $0xFFFFC000  }
0x1c0: {  	[spmem:s2] =	stream.indirect.scatter.add.f32 [tilespmem:s8], [sflag:$0x3], $0x80, s24, s7, $0xb8;
	[tilespmem:$0x1D000] =	vst v63  }
0x1c1: {  	s31 =	sand.u32 $0x1FFF8000, s31;
	_ =	swait.ge [sflag:s6], $0x4000  }
0x1c2: {  	s0 =	sadd.s32 s31, s5;
	[sflag:s6] =	ssyncset.done $0x0  }
0x1c3: {  	s0 =	sadd.s32 $0x7800, s0;
	[sflag:s6] =	ssyncadd.s32 $0xFFFFC000  }
0x1c4: {  	[tilespmem:s8], [sflag:$0x1] =	stream.linear.gather [hbm4b:s0+s3], $0x4000, $0x38;
	[tilespmem:$0x1D000] =	vst v63  }
0x1c5: {  	_ =	swait.ge [sflag:s11], $0x4000  }
0x1c6: {  	[sflag:s11] =	ssyncset.done $0x0  }
0x1c7: {  	s30 =	sadd.s32 $0x1, s30;
	[sflag:s11] =	ssyncadd.s32 $0xFFFFC000  }
0x1c8: {  	[spmem:s2] =	stream.indirect.scatter.add.f32 [tilespmem:s9], [sflag:$0x3], $0x80, s25, s7, $0xb8;
	[tilespmem:$0x1D000] =	vst v63  }
0x1c9: {  	p0 =	sne.s32 s30, $0x5;
	_ =	swait.ge [sflag:s6], $0x4000  }
.Ltmp2:
0x1ca: {  	[sflag:s6] =	ssyncset.done $0x0;
	(pc) =	sbr.rel @p0 .LBB2_4-.Ltmp2, $4  }
0x1cb: {  	[sflag:s6] =	ssyncadd.s32 $0xFFFFC000  }
0x1cc: {  	_ =	swait.ge [sflag:s10], $0x4000  }
0x1cd: {  	[sflag:s10] =	ssyncset.done $0x0  }
0x1ce: {  	s28 =	sadd.s32 $0x8000, s28;
	s20 =	sadd.s32 $0x8000, s20;
	[sflag:s10] =	ssyncadd.s32 $0xFFFFC000  }
0x1cf: {  	[bflag:$0x0] =	sbarrier.arrive $0xFFFF  }
0x1d0: {  	s4 =	sld [smem:$0x7F4]  }
0x1d1: {  	s0 =	rddreg [dreg:$0xd]  }
0x1d2: {  	s1 =	rddreg [dreg:$0x19]  }
0x1d3: {  	[hbm:s0], [sflag:s1] =	dma.local [spmem:s4], $0x800  }
0x1d4: {  	_ =	swait.ge [sflag:s6], $0x800  }
0x1d5: {  	s31 =	sld [smem:$0x7F5]  }
0x1d6: {  	[sflag:s6] =	ssyncset.done $0x0  }
0x1d7: {  	s30 =	rddreg [dreg:$0x13];
	[sflag:s6] =	ssyncadd.s32 $0xFFFFF800  }
0x1d8: {  	[hbm:s30], [sflag:s1] =	dma.local [spmem:s31], $0x800  }
0x1d9: {  	_ =	swait.ge [sflag:s6], $0x800  }
0x1da: {  	s22 =	sld [smem:$0x7F6]  }
0x1db: {  	[sflag:s6] =	ssyncset.done $0x0  }
0x1dc: {  	s20 =	rddreg [dreg:$0x14];
	[sflag:s6] =	ssyncadd.s32 $0xFFFFF800  }
0x1dd: {  	[hbm:s20], [sflag:s1] =	dma.local [spmem:s22], $0x800  }
0x1de: {  	_ =	swait.ge [sflag:s6], $0x800  }
0x1df: {  	s26 =	sld [smem:$0x7F7]  }
0x1e0: {  	[sflag:s6] =	ssyncset.done $0x0  }
0x1e1: {  	s23 =	rddreg [dreg:$0x15];
	[sflag:s6] =	ssyncadd.s32 $0xFFFFF800  }
0x1e2: {  	[hbm:s23], [sflag:s1] =	dma.local [spmem:s26], $0x800  }
0x1e3: {  	_ =	swait.ge [sflag:s6], $0x800  }
0x1e4: {  	s29 =	sld [smem:$0x7F8]  }
0x1e5: {  	[sflag:s6] =	ssyncset.done $0x0  }
0x1e6: {  	s28 =	rddreg [dreg:$0x16];
	[sflag:s6] =	ssyncadd.s32 $0xFFFFF800  }
0x1e7: {  	[hbm:s28], [sflag:s1] =	dma.local [spmem:s29], $0x800  }
0x1e8: {  	_ =	swait.ge [sflag:s6], $0x800  }
0x1e9: {  	s30 =	sld [smem:$0x7F3];
	_ =	sdelay $0x2  }
0x1ea: {  	s31 =	rddreg [dreg:$0x18];
	s4 =	sadd.s32 $0x1, s30  }
0x1eb: {  	p0 =	sne.s32 s4, s31  }
.Ltmp3:
0x1ec: {  	_ = 	snop;
	(pc) =	sbr.rel @p0 .LBB2_1-.Ltmp3, $3  }
0x1ed: {  	_ =	sdelay $0x1  }
0x1ee: {  	[sflag:s6] =	ssyncset.done $0x0  }
0x1ef: {  	s22 =	rddreg [dreg:$0x17];
	[sflag:s6] =	ssyncadd.s32 $0xFFFFF800  }
0x1f0: {  	_ =	sfence.sel $0x180000  }
0x1f1: {  	[bflag:$0x0] =	sbarrier.arrive $0xFFFF  }
0x1f2: {  	_ =	strace $0x9000004D  }
0x1f3: {  	s0 =	stileid.u32;
	[bflag:$0x2] =	sbarrier.arrive $0xFFFF  }
0x1f4: {  	p0 =	sne.s32 s0, $0x0;
	s0 =	rddreg [dreg:$0x3]  }
0x1f5: {  	s0 =	sadd.s32 @!p0 $0x100000, s0  }
0x1f6: {  	[sflag:s0] =	ssyncadd.tile.s32 @!p0 $0x1;
	_ =	shalt  }
.Lfunc_end2:
_tile_overlayer_lowered:
.L_overlay_start_2:
0x1f7: {  	(tag) =	ssettag $0x2  }
0x1f8: {  	s0 =	rddreg [dreg:$0x0];
	s2 =	stileid.u32  }
0x1f9: {  	s1 =	rddreg [dreg:$0x1];
	p0 =	sne.s32 s2, $0x0  }
0x1fa: {  	s3 =	rddreg [dreg:$0x2];
	[bflag:$0x3] =	sbarrier.arrive $0xFFFF;
	s2 =	simm.s32 @!p0 $0x1C03  }
0x1fb: {  	[timem:s3], [sflag:s2] =	dma.local @!p0 [hbm:s0], s1  }
0x1fc: {  	s0 =	simm.s32 @!p0 $0x3  }
0x1fd: {  	_ =	swait.ge @!p0 [sflag:s0], s1  }
0x1fe: {  	s1 =	ssub.s32 @!p0 $0x0, s1;
	[sflag:s0] =	ssyncset.done @!p0 $0x0  }
0x1ff: {  	[sflag:s0] =	ssyncadd.s32 @!p0 s1  }
0x200: {  	[bflag:$0x3] =	sbarrier.arrive $0xFFFF  }
0x201: {  	_ =	shalt  }

// kernel: kernel.20.cloned.1.call-start
scs
__scs_entry_jumppad:
0x0: {  	(pc) =	sbr.rel $0x88, $3  }
0x1: {  	(tag) =	ssettag $0x0;
	lr =	simm.s32 $0x1  }
0x2: {  	[smem:$0x3F96] =	sst lr;
	_ =	strace $0xD0000000  }
0x3: {  	_ = 	snop  }
0x4: {  	_ = 	snop  }
0x5: {  	_ = 	snop  }
0x6: {  	_ = 	snop  }
0x7: {  	_ = 	snop  }
__scs_overlays_trampoline_lowered:
0x8: {  	[smem:$0x3FA5] =	sst s0  }
0x9: {  	[smem:$0x3FA6] =	sst s1  }
0xa: {  	[smem:$0x3FA7] =	sst s2  }
0xb: {  	[smem:$0x3FA8] =	sst s3  }
0xc: {  	[smem:$0x3FA9] =	sst s4  }
0xd: {  	[smem:$0x3FAA] =	sst s5  }
0xe: {  	[smem:$0x3FAB] =	sst s6  }
0xf: {  	[smem:$0x3FAC] =	sst s7  }
0x10: {  	[smem:$0x3FAD] =	sst s8  }
0x11: {  	[smem:$0x3FAE] =	sst s9;
	s0 =	simm.s32 @!p0 $0x0  }
0x12: {  	s1 =	sld [smem:$0x3F94];
	s0 =	simm.s32 @p0 $0x1  }
0x13: {  	[smem:$0x3FAF] =	sst s0;
	s0 =	simm.s32 @!p1 $0x0  }
0x14: {  	s2 =	sld [smem:$0x3F93];
	s0 =	simm.s32 @p1 $0x1  }
0x15: {  	[smem:$0x3FB0] =	sst s0;
	s0 =	simm.s32 @!p2 $0x0  }
0x16: {  	s3 =	sld [smem:$0x3FDB];
	s0 =	simm.s32 @p2 $0x1  }
0x17: {  	s4 =	simm.s32 $0x1BF5;
	[smem:$0x3FB2] =	sst s0  }
0x18: {  	s0 =	sld [smem:$0x3F95];
	_ =	swait.ge [sflag:s4], $0x0  }
0x19: {  	s7 =	sld [smem:$0x3F96]  }
0x1a: {  	s8 =	sadd.s32 $0xFFFFE003, lr  }
0x1b: {  	s9 =	sadd.s32 $0xFFFFFEF7, lr;
	s5 =	simm.s32 $0xFFFFFFFF;
	p2 =	slt.u32 s8, $0xFFFFF086  }
0x1c: {  	p1 =	slt.u32 s9, $0xF7A;
	s5 =	simm.s32 @!p2 $0x0  }
0x1d: {  	s5 =	simm.s32 @p1 $0x1;
	p0 =	seq.s32 s7, s2  }
0x1e: {  	s7 =	smul.u32 @!p0 $0xF7A, s2;
	p2 =	seq.s32 @!p0 s5, $0x0  }
0x1f: {  	s9 =	smul.u32 $0xF7A, s1;
	s8 =	simm.s32 @!p0 $0x1BF5;
	p2 =	por !p2, p0  }
0x20: {  	[sflag:s8] =	ssyncset.s32 @!p0 $0xFFFFF086;
	s6 =	sadd.s32 @!p0 s3, s7;
	s7 =	simm.s32 @!p0 $0x108  }
0x21: {  	s3 =	sadd.s32 s3, s9;
	s6 =	sadd.s32 @!p0 $0x88, s6;
	s7 =	simm.s32 @p2 $0x1082  }
0x22: {  	[simem:s7], [sflag:s8] =	dma.local @!p0 [hbm:s6], $0xF7A  }
0x23: {  	s9 =	sor.u32 $0xD0000000, s2;
	s6 =	simm.s32 $0x108;
	_ =	swait.ge @!p0 [sflag:s8], $0x0  }
0x24: {  	s3 =	sadd.s32 $0x88, s3;
	s6 =	simm.s32 @!p1 $0x1082;
	[sflag:s4] =	ssyncset.s32 $0xFFFFF086  }
0x25: {  	[simem:s6], [sflag:s4] =	dma.local [hbm:s3], $0xF7A  }
0x26: {  	[smem:$0x3F96] =	sst s1;
	(tag) =	ssettag s2;
	_ =	strace s9  }
0x27: {  	s1 =	sld [smem:$0x3FA6]  }
0x28: {  	s2 =	sld [smem:$0x3FA7]  }
0x29: {  	s4 =	sld [smem:$0x3FA9]  }
0x2a: {  	p0 =	seq.s32 s5, $0x0;
	s5 =	sld [smem:$0x3FAA]  }
0x2b: {  	s6 =	sld [smem:$0x3FAB]  }
0x2c: {  	s7 =	sld [smem:$0x3FAC]  }
0x2d: {  	s3 =	simm.s32 $0x108;
	s8 =	sld [smem:$0x3FAD]  }
0x2e: {  	s3 =	simm.s32 @!p0 $0x1082;
	s9 =	sld [smem:$0x3FAE]  }
0x2f: {  	lr =	sadd.s32 s0, s3;
	s0 =	sld [smem:$0x3FA5]  }
0x30: {  	s3 =	sld [smem:$0x3FA8]  }
0x31: {  	[smem:$0x3FB1] =	sst s10  }
0x32: {  	s10 =	sld [smem:$0x3FAF];
	_ =	sdelay $0x3  }
0x33: {  	p0 =	seq.s32 s10, $0x1;
	s10 =	sld [smem:$0x3FB1];
	_ =	sdelay $0x3  }
0x34: {  	[smem:$0x3FB1] =	sst s10  }
0x35: {  	s10 =	sld [smem:$0x3FB0];
	_ =	sdelay $0x3  }
0x36: {  	p1 =	seq.s32 s10, $0x1;
	s10 =	sld [smem:$0x3FB1];
	_ =	sdelay $0x3  }
0x37: {  	[smem:$0x3FB1] =	sst s10  }
0x38: {  	s10 =	sld [smem:$0x3FB2]  }
0x39: {  	_ = 	snop;
	(pc) =	sbr.ind lr, $3  }
0x3a: {  	_ = 	snop  }
0x3b: {  	_ = 	snop  }
0x3c: {  	p2 =	seq.s32 s10, $0x1;
	s10 =	sld [smem:$0x3FB1]  }
0x3d: {  	_ =	shalt  }
0x3e: {  	_ =	shalt  }
0x3f: {  	_ =	shalt  }
0x40: {  	_ =	shalt  }
0x41: {  	_ =	shalt  }
0x42: {  	_ =	shalt  }
0x43: {  	_ =	shalt  }
0x44: {  	_ =	shalt  }
0x45: {  	_ =	shalt  }
0x46: {  	_ =	shalt  }
0x47: {  	_ =	shalt  }
0x48: {  	_ =	shalt  }
0x49: {  	_ =	shalt  }
0x4a: {  	_ =	shalt  }
0x4b: {  	_ =	shalt  }
0x4c: {  	_ =	shalt  }
0x4d: {  	_ =	shalt  }
0x4e: {  	_ =	shalt  }
0x4f: {  	_ =	shalt  }
0x50: {  	_ =	shalt  }
0x51: {  	_ =	shalt  }
0x52: {  	_ =	shalt  }
0x53: {  	_ =	shalt  }
0x54: {  	_ =	shalt  }
0x55: {  	_ =	shalt  }
0x56: {  	_ =	shalt  }
0x57: {  	_ =	shalt  }
0x58: {  	_ =	shalt  }
0x59: {  	_ =	shalt  }
0x5a: {  	_ =	shalt  }
0x5b: {  	_ =	shalt  }
0x5c: {  	_ =	shalt  }
0x5d: {  	_ =	shalt  }
0x5e: {  	_ =	shalt  }
0x5f: {  	_ =	shalt  }
0x60: {  	_ =	shalt  }
0x61: {  	_ =	shalt  }
0x62: {  	_ =	shalt  }
0x63: {  	_ =	shalt  }
0x64: {  	_ =	shalt  }
0x65: {  	_ =	shalt  }
0x66: {  	_ =	shalt  }
0x67: {  	_ =	shalt  }
0x68: {  	_ =	shalt  }
0x69: {  	_ =	shalt  }
0x6a: {  	_ =	shalt  }
0x6b: {  	_ =	shalt  }
0x6c: {  	_ =	shalt  }
0x6d: {  	_ =	shalt  }
0x6e: {  	_ =	shalt  }
0x6f: {  	_ =	shalt  }
0x70: {  	_ =	shalt  }
0x71: {  	_ =	shalt  }
0x72: {  	_ =	shalt  }
0x73: {  	_ =	shalt  }
0x74: {  	_ =	shalt  }
0x75: {  	_ =	shalt  }
0x76: {  	_ =	shalt  }
0x77: {  	_ =	shalt  }
0x78: {  	_ =	shalt  }
0x79: {  	_ =	shalt  }
0x7a: {  	_ =	shalt  }
0x7b: {  	_ =	shalt  }
0x7c: {  	_ =	shalt  }
0x7d: {  	_ =	shalt  }
0x7e: {  	_ =	shalt  }
0x7f: {  	_ =	shalt  }
0x80: {  	_ =	shalt  }
0x81: {  	_ =	shalt  }
0x82: {  	_ =	shalt  }
0x83: {  	_ =	shalt  }
0x84: {  	_ =	shalt  }
0x85: {  	_ =	shalt  }
0x86: {  	_ =	shalt  }
0x87: {  	_ =	shalt  }
.Lfunc_end0:
.L_simem_size_0:
called_computation.3_lowered:
.L_overlay_start_0:
0x88: {  	s2 =	sld [smem:$0x3FD9]  }
0x89: {  	s3 =	sld [smem:$0x3FFE];
	_ =	sdelay $0x1  }
0x8a: {  	s1 =	srdreg.scid  }
0x8b: {  	s0 =	sand.u32 $0x1, s1  }
0x8c: {  	s17 =	sshll.u32 s0, $0xA;
	s2 =	sadd.s32 s3, s2  }
0x8d: {  	s2 =	sadd.s32 s2, s17  }
0x8e: {  	[smem:$0x3FBD] =	sst s2  }
0x8f: {  	_ = 	snop  }
0x90: {  	s2 =	sld [smem:$0x3FD0];
	(tm) =	ssettm $0x1  }
0x91: {  	s18 =	sld [smem:$0x3FFB];
	_ =	sdelay $0x3  }
0x92: {  	_ =	strace s18  }
0x93: {  	s3 =	sld [smem:$0x3FFC];
	_ =	sdelay $0x3  }
0x94: {  	_ =	strace s3  }
0x95: {  	s3 =	sld [smem:$0x3FFD];
	_ =	sdelay $0x3  }
0x96: {  	_ =	strace s3  }
0x97: {  	_ =	strace $0x8FFFFFFF  }
0x98: {  	s19 =	sld [smem:$0x3FDB];
	_ =	sdelay $0x1  }
0x99: {  	s4 =	simm.s32 $_scs_section_size  }
0x9a: {  	s5 =	simm.s32 $_size__tile_overlayer_lowered;
	s6 =	simm.s32 $_tile_overlayer_lowered  }
0x9b: {  	s22 =	simm.s32 $0x1BFF;
	s21 =	sshll.u32 s6, $0x1;
	s3 =	sadd.s32 s4, s19  }
0x9c: {  	s7 =	simm.s32 $0x0;
	s20 =	sshll.u32 s5, $0x1;
	s5 =	sadd.s32 s21, s3  }
0x9d: {  	[timem:s7], [sflag:s22] =	dma.local [hbm:s5], s20  }
0x9e: {  	_ =	swait.ge [sflag:s22], s20  }
0x9f: {  	s4 =	ssub.s32 $0x0, s20;
	[sflag:s22] =	ssyncset.done $0x0  }
0xa0: {  	[sflag:s22] =	ssyncadd.s32 s4;
	_ =	sdelay $0x1  }
0xa1: {  	s23 =	simm.s32 $0x1B8B  }
0xa2: {  	_ =	swait.ge [sflag:s23], $0x1  }
0xa3: {  	[sflag:s23] =	ssyncset.done $0x0  }
0xa4: {  	s25 =	simm.s32 $0x1B8E;
	s24 =	sld [smem:$0x3FFE];
	[sflag:s23] =	ssyncadd.s32 $0xFFFFFFFF  }
0xa5: {  	s26 =	simm.s32 $execute0_lowered;
	[smem:$0x3FD2] =	sst s25  }
0xa6: {  	s5 =	sshll.u32 s26, $0x1;
	_ =	strace $0x8000004F;
	[dreg:$0x1] =	wrdreg $0xFFFFFFFF  }
0xa7: {  	s28 =	simm.s32 $_size_execute0_lowered;
	s3 =	sadd.s32 s3, s5;
	[dreg:$0x0] =	wrdreg $0x0  }
0xa8: {  	s5 =	sshll.u32 s28, $0x1;
	[dreg:$0x2] =	wrdreg s3  }
0xa9: {  	[dreg:$0x3] =	wrdreg s5  }
0xaa: {  	[dreg:$0x4] =	wrdreg $0xC0  }
0xab: {  	_ =	task [dreg:s7], $0x5FFFF  }
0xac: {  	[dreg:$0x1] =	wrdreg $0xFFFFFFFF  }
0xad: {  	[dreg:$0x0] =	wrdreg $0x60  }
0xae: {  	[dreg:$0x2] =	wrdreg s24  }
0xaf: {  	[dreg:$0x3] =	wrdreg s2  }
0xb0: {  	[dreg:$0x4] =	wrdreg $0x90000  }
0xb1: {  	[dreg:$0x5] =	wrdreg $0x9  }
0xb2: {  	_ =	task.clear_ibuf [dreg:s7], $0x6FFFF;
	_ =	strace $0x9000004F  }
0xb3: {  	s29 =	simm.s32 $0x9;
	_ =	strace $0x80000051  }
0xb4: {  	_ =	swait.ge [sflag:s29], $0x1  }
0xb5: {  	[sflag:s29] =	ssyncadd.s32 $0xFFFFFFFF  }
0xb6: {  	_ =	strace $0x90000051  }
0xb7: {  	_ =	sfence  }
0xb8: {  	s30 =	sld [smem:$0x0];
	_ =	sdelay $0x2  }
0xb9: {  	s31 =	sshll.u32 s1, $0xD;
	s1 =	sshrl.u32 s1, $0x2  }
0xba: {  	s3 =	sand.u32 $0x4000, s31;
	s1 =	sadd.s32 s1, s30  }
0xbb: {  	s0 =	sor.u32 s3, s0;
	s1 =	sshll.u32 s1, $0x11  }
0xbc: {  	s0 =	sor.u32 s1, s0  }
0xbd: {  	s0 =	sadd.s32 $0x8F2B, s0  }
0xbe: {  	[sflag:s0] =	ssyncadd.remote.s32 $0x1  }
0xbf: {  	_ =	sfence.sel $0xFFFF  }
0xc0: {  	[dreg:$0x0] =	wrdreg $0xFFFFFFFF;
	(pc) =	sbr.abs _section_cstart, $3  }
0xc1: {  	[dreg:$0x1] =	wrdreg $0xFFFFFFFF  }
0xc2: {  	_ =	task.clear_ibuf [dreg:s7], $0x2FFFF;
	_ =	strace $0x9FFFFFFF  }
0xc3: {  	(tm) =	ssettm $0x7FFFFFFF  }
tec
execute0_lowered:
.L_overlay_start_1:
0x0: {  	(tag) =	ssettag $0x1  }
0x1: {  	s0 =	rddreg [dreg:$0x0]  }
0x2: {  	s2 =	rddreg [dreg:$0x2]  }
0x3: {  	s3 =	simm.s32 $0x0;
	s1 =	srdreg.scid;
	s20 =	stileid.u32  }
0x4: {  	s16 =	simm.s32 $0x180;
	s18 =	simm.s32 $0x200;
	s19 =	smul.u32 $0x14000, s20  }
0x5: {  	[smem:$0x7FF] =	sst s3;
	s7 =	sand.u32 $0x1, s1;
	s11 =	smul.u32 $0x280, s20  }
0x6: {  	s9 =	sadd.s32 $0x40800, s0;
	s10 =	sadd.s32 $0x590800, s0;
	s13 =	smul.u32 $0x2800, s20  }
0x7: {  	s5 =	sadd.s32 $0x90800, s0;
	_ =	strace $0x80000050;
	s8 =	smul.u32 $0x140000, s7  }
0x8: {  	s4 =	ssub.s32 $0x2, s7;
	s17 =	smul.u32 $0x28000, s7;
	[dreg:$0x5] =	wrdreg s16  }
0x9: {  	[dreg:$0x6] =	wrdreg s18;
	s18 =	sadd.s32 $0xE800, s0;
	s6 =	sshrl.u32 s4, $0x1  }
0xa: {  	s22 =	sadd.s32 s9, s13;
	s23 =	sadd.s32 $0x80, s11;
	s24 =	sadd.s32 $0x100, s11  }
0xb: {  	s14 =	sadd.s32 $0x180, s11;
	s11 =	sadd.s32 $0x200, s11;
	s12 =	sadd.s32 s8, s19  }
0xc: {  	s1 =	ssub.s32 s4, s6;
	s6 =	smul.u32 $0x50000, s20;
	[dreg:$0xe] =	wrdreg s22  }
0xd: {  	s25 =	sshll.u32 s24, $0x4;
	s13 =	sshll.u32 s24, $0x7;
	s26 =	sshll.u32 s14, $0x4  }
0xe: {  	s14 =	sshll.u32 s14, $0x7;
	s22 =	simm.s32 $0x300;
	s24 =	smul.u32 $0x500, s7  }
0xf: {  	s21 =	sshrl.u32 s12, $0x3;
	s12 =	sshll.u32 s23, $0x4;
	s29 =	sadd.s32 s8, s13  }
0x10: {  	s31 =	sadd.s32 s8, s14;
	[dreg:$0x8] =	wrdreg s22;
	s1 =	smax.u32 s1, $0x1  }
0x11: {  	s4 =	sadd.s32 s10, s21;
	s12 =	sadd.s32 s9, s12;
	s30 =	sshrl.u32 s29, $0x3  }
0x12: {  	s19 =	sadd.s32 s6, s5;
	s21 =	simm.s32 $0x280;
	[dreg:$0x18] =	wrdreg s1  }
0x13: {  	s29 =	smul.u32 $0xA0, s20;
	s6 =	sshrl.u32 s6, $0x2;
	[dreg:$0xd] =	wrdreg s4  }
0x14: {  	s4 =	sshll.u32 s23, $0x7;
	[dreg:$0xf] =	wrdreg s12;
	s12 =	sadd.s32 s9, s25  }
0x15: {  	s16 =	sadd.s32 s17, s19;
	[dreg:$0x7] =	wrdreg s21;
	s23 =	sshll.u32 s20, $0x1  }
0x16: {  	s25 =	simm.s32 $0x380;
	s19 =	sadd.s32 $0x91000, s0;
	[dreg:$0x10] =	wrdreg s12  }
0x17: {  	s22 =	sadd.s32 s6, s2;
	s21 =	sadd.s32 s14, s2;
	[dreg:$0x9] =	wrdreg s25  }
0x18: {  	s6 =	simm.s32 $0x3;
	s14 =	simm.s32 $0x680;
	[dreg:$0x1c] =	wrdreg s21  }
0x19: {  	s12 =	sadd.s32 s9, s26;
	s15 =	sadd.s32 s8, s4;
	[dreg:$0x17] =	wrdreg s22  }
0x1a: {  	s26 =	smul.u32 $0xA00, s20;
	[dreg:$0x11] =	wrdreg s12;
	s12 =	sshll.u32 s11, $0x7  }
0x1b: {  	s11 =	sshll.u32 s11, $0x4;
	s28 =	sshrl.u32 s15, $0x3;
	s15 =	simm.s32 $0x100  }
0x1c: {  	s21 =	simm.s32 $0x780;
	s9 =	sadd.s32 s9, s11;
	[dreg:$0x4] =	wrdreg s15  }
0x1d: {  	s11 =	sshrl.u32 s31, $0x3;
	s31 =	simm.s32 $0x500;
	[dreg:$0x12] =	wrdreg s9  }
0x1e: {  	s8 =	sadd.s32 s8, s12;
	s15 =	sadd.s32 s4, s2;
	[dreg:$0xc] =	wrdreg s31  }
0x1f: {  	s4 =	simm.s32 $0x0;
	s9 =	sadd.s32 s10, s28;
	[dreg:$0x1a] =	wrdreg s15  }
0x20: {  	s8 =	sshrl.u32 s8, $0x3;
	s28 =	simm.s32 $0x400;
	[dreg:$0x13] =	wrdreg s9  }
0x21: {  	s31 =	sadd.s32 $0x800, s16;
	s15 =	simm.s32 $0x700;
	[dreg:$0xa] =	wrdreg s28  }
0x22: {  	s9 =	sadd.s32 s10, s30;
	s8 =	sadd.s32 s10, s8;
	[smem:$0x7FD] =	sst s31  }
0x23: {  	s30 =	simm.s32 $0x480;
	s28 =	sadd.s32 $0x8000, s22;
	[dreg:$0x14] =	wrdreg s9  }
0x24: {  	s9 =	sadd.s32 s10, s11;
	[dreg:$0x16] =	wrdreg s8;
	s8 =	sor.u32 s7, s23  }
0x25: {  	s7 =	smul.u32 $0x50, s7;
	[dreg:$0xb] =	wrdreg s30;
	s10 =	sadd.s32 s26, s0  }
0x26: {  	s11 =	sshll.u32 s20, $0x6;
	s20 =	sadd.s32 s13, s2;
	[smem:$0x7FA] =	sst s28  }
0x27: {  	s26 =	sadd.s32 $0x4000, s22;
	s30 =	sadd.s32 $0x10000, s22;
	[dreg:$0x15] =	wrdreg s9  }
0x28: {  	s13 =	simm.s32 $0x600;
	s9 =	sadd.s32 s24, s10;
	[dreg:$0x1b] =	wrdreg s20  }
0x29: {  	s17 =	smul.u32 $0x50, s8;
	s1 =	sor.u32 $0x1C03, s11;
	[smem:$0x7F9] =	sst s26  }
0x2a: {  	s24 =	sadd.s32 s12, s2;
	[smem:$0x7FC] =	sst s30;
	s8 =	simm.s32 $0x1000  }
0x2b: {  	s10 =	simm.s32 $0x1;
	s11 =	simm.s32 $0x2;
	s12 =	simm.s32 $0x580  }
0x2c: {  	s7 =	sadd.s32 s7, s29;
	[dreg:$0x1d] =	wrdreg s24;
	s25 =	sadd.s32 $0x4800, s9  }
0x2d: {  	s29 =	sadd.s32 $0xC000, s22;
	[dreg:$0x19] =	wrdreg s1;
	s23 =	sshll.u32 s7, $0xB  }
0x2e: {  	s9 =	simm.s32 $0x5000;
	[dreg:$0x1e] =	wrdreg s25;
	s0 =	sadd.s32 s23, s5  }
0x2f: {  	s24 =	simm.s32 $0xF00;
	[smem:$0x7FB] =	sst s29;
	s0 =	sadd.s32 $0x1000, s0  }
0x30: {  	s7 =	simm.s32 $0x80;
	s25 =	simm.s32 $0xF80;
	[dreg:$0x1f] =	wrdreg s0  }
.LBB2_1:
0x31: {  	[smem:$0x7F3] =	sst s4  }
0x32: {  	s26 =	sshrl.u32 s22, $0x3;
	s0 =	rddreg [dreg:$0xe]  }
0x33: {  	[smem:$0x7F4] =	sst s26  }
0x34: {  	[spmem:s26], [sflag:s1] =	dma.local [hbm:s0], $0x800  }
0x35: {  	_ =	swait.ge [sflag:s6], $0x800  }
0x36: {  	s29 =	rddreg [dreg:$0x1a]  }
0x37: {  	[sflag:s6] =	ssyncset.done $0x0;
	s31 =	rddreg [dreg:$0xf];
	s30 =	sshrl.u32 s29, $0x3  }
0x38: {  	[sflag:s6] =	ssyncadd.s32 $0xFFFFF800;
	[smem:$0x7F5] =	sst s30  }
0x39: {  	[spmem:s30], [sflag:s1] =	dma.local [hbm:s31], $0x800  }
0x3a: {  	_ =	swait.ge [sflag:s6], $0x800  }
0x3b: {  	s20 =	rddreg [dreg:$0x1b]  }
0x3c: {  	[sflag:s6] =	ssyncset.done $0x0;
	s26 =	rddreg [dreg:$0x10];
	s23 =	sshrl.u32 s20, $0x3  }
0x3d: {  	[sflag:s6] =	ssyncadd.s32 $0xFFFFF800;
	[smem:$0x7F6] =	sst s23  }
0x3e: {  	[spmem:s23], [sflag:s1] =	dma.local [hbm:s26], $0x800  }
0x3f: {  	_ =	swait.ge [sflag:s6], $0x800  }
0x40: {  	s29 =	rddreg [dreg:$0x1c]  }
0x41: {  	[sflag:s6] =	ssyncset.done $0x0;
	s31 =	rddreg [dreg:$0x11];
	s30 =	sshrl.u32 s29, $0x3  }
0x42: {  	[sflag:s6] =	ssyncadd.s32 $0xFFFFF800;
	[smem:$0x7F7] =	sst s30  }
0x43: {  	[spmem:s30], [sflag:s1] =	dma.local [hbm:s31], $0x800  }
0x44: {  	_ =	swait.ge [sflag:s6], $0x800  }
0x45: {  	s20 =	rddreg [dreg:$0x1d]  }
0x46: {  	[sflag:s6] =	ssyncset.done $0x0;
	s26 =	rddreg [dreg:$0x12];
	s23 =	sshrl.u32 s20, $0x3  }
0x47: {  	[sflag:s6] =	ssyncadd.s32 $0xFFFFF800;
	[smem:$0x7F8] =	sst s23  }
0x48: {  	[spmem:s23], [sflag:s1] =	dma.local [hbm:s26], $0x800  }
0x49: {  	_ =	swait.ge [sflag:s6], $0x800  }
0x4a: {  	[sflag:s6] =	ssyncset.done $0x0  }
0x4b: {  	[sflag:s6] =	ssyncadd.s32 $0xFFFFF800  }
0x4c: {  	[bflag:$0x0] =	sbarrier.arrive $0xFFFF  }
0x4d: {  	s28 =	rddreg [dreg:$0x1e]  }
0x4e: {  	[tilespmem:s3], [sflag:$0x3] =	stream.linear.gather [hbm4b:s28+s3], $0x800, $0x38;
	[tilespmem:$0x1D000] =	vst v63  }
0x4f: {  	_ =	swait.ge [sflag:s6], $0x800  }
0x50: {  	[sflag:s6] =	ssyncset.done $0x0  }
0x51: {  	[sflag:s6] =	ssyncadd.s32 $0xFFFFF800  }
0x52: {  	[tilespmem:s8], [sflag:$0x1] =	stream.indirect.gather [spmem:s2], $0x80, s3, s7, $0xb8;
	[tilespmem:$0x1D000] =	vst v63  }
0x53: {  	_ = 	snop  }
0x54: {  	[tilespmem:s9], [sflag:$0x2] =	stream.indirect.gather [spmem:s2], $0x80, s7, s7, $0xb8;
	[tilespmem:$0x1D000] =	vst v63  }
0x55: {  	_ =	swait.ge [sflag:s10], $0x4000  }
0x56: {  	[sflag:s10] =	ssyncset.done $0x0  }
0x57: {  	s1 =	sadd.s32 $0x0, s16;
	[sflag:s10] =	ssyncadd.s32 $0xFFFFC000  }
0x58: {  	[hbm4b:s1+s3] =	stream.linear.scatter [tilespmem:s8], [sflag:$0x3], $0x4000, $0x38;
	[tilespmem:$0x1D000] =	vst v63  }
0x59: {  	_ =	swait.ge [sflag:s6], $0x4000  }
0x5a: {  	[sflag:s6] =	ssyncset.done $0x0  }
0x5b: {  	s29 =	rddreg [dreg:$0x4];
	[sflag:s6] =	ssyncadd.s32 $0xFFFFC000  }
0x5c: {  	[tilespmem:s8], [sflag:$0x1] =	stream.indirect.gather [spmem:s2], $0x80, s29, s7, $0xb8;
	[tilespmem:$0x1D000] =	vst v63  }
0x5d: {  	_ =	swait.ge [sflag:s11], $0x4000  }
0x5e: {  	[sflag:s11] =	ssyncset.done $0x0  }
0x5f: {  	s30 =	sadd.s32 $0x800, s1;
	[sflag:s11] =	ssyncadd.s32 $0xFFFFC000  }
0x60: {  	[hbm4b:s30+s3] =	stream.linear.scatter [tilespmem:s9], [sflag:$0x3], $0x4000, $0x38;
	[tilespmem:$0x1D000] =	vst v63  }
0x61: {  	_ =	swait.ge [sflag:s6], $0x4000  }
0x62: {  	[sflag:s6] =	ssyncset.done $0x0  }
0x63: {  	s31 =	rddreg [dreg:$0x5];
	[sflag:s6] =	ssyncadd.s32 $0xFFFFC000  }
0x64: {  	[tilespmem:s9], [sflag:$0x2] =	stream.indirect.gather [spmem:s2], $0x80, s31, s7, $0xb8;
	[tilespmem:$0x1D000] =	vst v63  }
0x65: {  	_ =	swait.ge [sflag:s10], $0x4000  }
0x66: {  	[sflag:s10] =	ssyncset.done $0x0  }
0x67: {  	s4 =	sadd.s32 $0x1000, s1;
	[sflag:s10] =	ssyncadd.s32 $0xFFFFC000  }
0x68: {  	[hbm4b:s4+s3] =	stream.linear.scatter [tilespmem:s8], [sflag:$0x3], $0x4000, $0x38;
	[tilespmem:$0x1D000] =	vst v63  }
0x69: {  	_ =	swait.ge [sflag:s6], $0x4000  }
0x6a: {  	[sflag:s6] =	ssyncset.done $0x0  }
0x6b: {  	s20 =	rddreg [dreg:$0x6];
	[sflag:s6] =	ssyncadd.s32 $0xFFFFC000  }
0x6c: {  	[tilespmem:s8], [sflag:$0x1] =	stream.indirect.gather [spmem:s2], $0x80, s20, s7, $0xb8;
	[tilespmem:$0x1D000] =	vst v63  }
0x6d: {  	_ =	swait.ge [sflag:s11], $0x4000  }
0x6e: {  	[sflag:s11] =	ssyncset.done $0x0  }
0x6f: {  	s23 =	sadd.s32 $0x1800, s1;
	[sflag:s11] =	ssyncadd.s32 $0xFFFFC000  }
0x70: {  	[hbm4b:s23+s3] =	stream.linear.scatter [tilespmem:s9], [sflag:$0x3], $0x4000, $0x38;
	[tilespmem:$0x1D000] =	vst v63  }
0x71: {  	_ =	swait.ge [sflag:s6], $0x4000  }
0x72: {  	[sflag:s6] =	ssyncset.done $0x0  }
0x73: {  	s26 =	rddreg [dreg:$0x7];
	[sflag:s6] =	ssyncadd.s32 $0xFFFFC000  }
0x74: {  	[tilespmem:s9], [sflag:$0x2] =	stream.indirect.gather [spmem:s2], $0x80, s26, s7, $0xb8;
	[tilespmem:$0x1D000] =	vst v63  }
0x75: {  	_ =	swait.ge [sflag:s10], $0x4000  }
0x76: {  	[sflag:s10] =	ssyncset.done $0x0  }
0x77: {  	s29 =	sadd.s32 $0x2000, s1;
	[sflag:s10] =	ssyncadd.s32 $0xFFFFC000  }
0x78: {  	[hbm4b:s29+s3] =	stream.linear.scatter [tilespmem:s8], [sflag:$0x3], $0x4000, $0x38;
	[tilespmem:$0x1D000] =	vst v63  }
0x79: {  	_ =	swait.ge [sflag:s6], $0x4000  }
0x7a: {  	[sflag:s6] =	ssyncset.done $0x0  }
0x7b: {  	s30 =	rddreg [dreg:$0x8];
	[sflag:s6] =	ssyncadd.s32 $0xFFFFC000  }
0x7c: {  	[tilespmem:s8], [sflag:$0x1] =	stream.indirect.gather [spmem:s2], $0x80, s30, s7, $0xb8;
	[tilespmem:$0x1D000] =	vst v63  }
0x7d: {  	_ =	swait.ge [sflag:s11], $0x4000  }
0x7e: {  	[sflag:s11] =	ssyncset.done $0x0  }
0x7f: {  	s31 =	sadd.s32 $0x2800, s1;
	[sflag:s11] =	ssyncadd.s32 $0xFFFFC000  }
0x80: {  	[hbm4b:s31+s3] =	stream.linear.scatter [tilespmem:s9], [sflag:$0x3], $0x4000, $0x38;
	[tilespmem:$0x1D000] =	vst v63  }
0x81: {  	_ =	swait.ge [sflag:s6], $0x4000  }
0x82: {  	[sflag:s6] =	ssyncset.done $0x0  }
0x83: {  	s4 =	rddreg [dreg:$0x9];
	[sflag:s6] =	ssyncadd.s32 $0xFFFFC000  }
0x84: {  	[tilespmem:s9], [sflag:$0x2] =	stream.indirect.gather [spmem:s2], $0x80, s4, s7, $0xb8;
	[tilespmem:$0x1D000] =	vst v63  }
0x85: {  	_ =	swait.ge [sflag:s10], $0x4000  }
0x86: {  	[sflag:s10] =	ssyncset.done $0x0  }
0x87: {  	s20 =	sadd.s32 $0x3000, s1;
	[sflag:s10] =	ssyncadd.s32 $0xFFFFC000  }
0x88: {  	[hbm4b:s20+s3] =	stream.linear.scatter [tilespmem:s8], [sflag:$0x3], $0x4000, $0x38;
	[tilespmem:$0x1D000] =	vst v63  }
0x89: {  	_ =	swait.ge [sflag:s6], $0x4000  }
0x8a: {  	[sflag:s6] =	ssyncset.done $0x0  }
0x8b: {  	s23 =	rddreg [dreg:$0xa];
	[sflag:s6] =	ssyncadd.s32 $0xFFFFC000  }
0x8c: {  	[tilespmem:s8], [sflag:$0x1] =	stream.indirect.gather [spmem:s2], $0x80, s23, s7, $0xb8;
	[tilespmem:$0x1D000] =	vst v63  }
0x8d: {  	_ =	swait.ge [sflag:s11], $0x4000  }
0x8e: {  	[sflag:s11] =	ssyncset.done $0x0  }
0x8f: {  	s26 =	sadd.s32 $0x3800, s1;
	[sflag:s11] =	ssyncadd.s32 $0xFFFFC000  }
0x90: {  	[hbm4b:s26+s3] =	stream.linear.scatter [tilespmem:s9], [sflag:$0x3], $0x4000, $0x38;
	[tilespmem:$0x1D000] =	vst v63  }
0x91: {  	_ =	swait.ge [sflag:s6], $0x4000  }
0x92: {  	[sflag:s6] =	ssyncset.done $0x0  }
0x93: {  	s29 =	rddreg [dreg:$0xb];
	[sflag:s6] =	ssyncadd.s32 $0xFFFFC000  }
0x94: {  	[tilespmem:s9], [sflag:$0x2] =	stream.indirect.gather [spmem:s2], $0x80, s29, s7, $0xb8;
	[tilespmem:$0x1D000] =	vst v63  }
0x95: {  	_ =	swait.ge [sflag:s10], $0x4000  }
0x96: {  	[sflag:s10] =	ssyncset.done $0x0  }
0x97: {  	s30 =	sadd.s32 $0x4000, s1;
	[sflag:s10] =	ssyncadd.s32 $0xFFFFC000  }
0x98: {  	[hbm4b:s30+s3] =	stream.linear.scatter [tilespmem:s8], [sflag:$0x3], $0x4000, $0x38;
	[tilespmem:$0x1D000] =	vst v63  }
0x99: {  	_ =	swait.ge [sflag:s6], $0x4000  }
0x9a: {  	[sflag:s6] =	ssyncset.done $0x0  }
0x9b: {  	s31 =	rddreg [dreg:$0xc];
	[sflag:s6] =	ssyncadd.s32 $0xFFFFC000  }
0x9c: {  	[tilespmem:s8], [sflag:$0x1] =	stream.indirect.gather [spmem:s2], $0x80, s31, s7, $0xb8;
	[tilespmem:$0x1D000] =	vst v63  }
0x9d: {  	_ =	swait.ge [sflag:s11], $0x4000  }
0x9e: {  	[sflag:s11] =	ssyncset.done $0x0  }
0x9f: {  	s4 =	sadd.s32 $0x4800, s1;
	[sflag:s11] =	ssyncadd.s32 $0xFFFFC000  }
0xa0: {  	[hbm4b:s4+s3] =	stream.linear.scatter [tilespmem:s9], [sflag:$0x3], $0x4000, $0x38;
	[tilespmem:$0x1D000] =	vst v63  }
0xa1: {  	_ =	swait.ge [sflag:s6], $0x4000  }
0xa2: {  	[sflag:s6] =	ssyncset.done $0x0  }
0xa3: {  	[sflag:s6] =	ssyncadd.s32 $0xFFFFC000  }
0xa4: {  	[tilespmem:s9], [sflag:$0x2] =	stream.indirect.gather [spmem:s2], $0x80, s12, s7, $0xb8;
	[tilespmem:$0x1D000] =	vst v63  }
0xa5: {  	_ =	swait.ge [sflag:s10], $0x4000  }
0xa6: {  	[sflag:s10] =	ssyncset.done $0x0  }
0xa7: {  	s20 =	sadd.s32 $0x5000, s1;
	[sflag:s10] =	ssyncadd.s32 $0xFFFFC000  }
0xa8: {  	[hbm4b:s20+s3] =	stream.linear.scatter [tilespmem:s8], [sflag:$0x3], $0x4000, $0x38;
	[tilespmem:$0x1D000] =	vst v63  }
0xa9: {  	_ =	swait.ge [sflag:s6], $0x4000  }
0xaa: {  	[sflag:s6] =	ssyncset.done $0x0  }
0xab: {  	[sflag:s6] =	ssyncadd.s32 $0xFFFFC000  }
0xac: {  	[tilespmem:s8], [sflag:$0x1] =	stream.indirect.gather [spmem:s2], $0x80, s13, s7, $0xb8;
	[tilespmem:$0x1D000] =	vst v63  }
0xad: {  	_ =	swait.ge [sflag:s11], $0x4000  }
0xae: {  	[sflag:s11] =	ssyncset.done $0x0  }
0xaf: {  	s23 =	sadd.s32 $0x5800, s1;
	[sflag:s11] =	ssyncadd.s32 $0xFFFFC000  }
0xb0: {  	[hbm4b:s23+s3] =	stream.linear.scatter [tilespmem:s9], [sflag:$0x3], $0x4000, $0x38;
	[tilespmem:$0x1D000] =	vst v63  }
0xb1: {  	_ =	swait.ge [sflag:s6], $0x4000  }
0xb2: {  	[sflag:s6] =	ssyncset.done $0x0  }
0xb3: {  	[sflag:s6] =	ssyncadd.s32 $0xFFFFC000  }
0xb4: {  	[tilespmem:s9], [sflag:$0x2] =	stream.indirect.gather [spmem:s2], $0x80, s14, s7, $0xb8;
	[tilespmem:$0x1D000] =	vst v63  }
0xb5: {  	_ =	swait.ge [sflag:s10], $0x4000  }
0xb6: {  	[sflag:s10] =	ssyncset.done $0x0  }
0xb7: {  	s26 =	sadd.s32 $0x6000, s1;
	[sflag:s10] =	ssyncadd.s32 $0xFFFFC000  }
0xb8: {  	[hbm4b:s26+s3] =	stream.linear.scatter [tilespmem:s8], [sflag:$0x3], $0x4000, $0x38;
	[tilespmem:$0x1D000] =	vst v63  }
0xb9: {  	_ =	swait.ge [sflag:s6], $0x4000  }
0xba: {  	[sflag:s6] =	ssyncset.done $0x0  }
0xbb: {  	[sflag:s6] =	ssyncadd.s32 $0xFFFFC000  }
0xbc: {  	[tilespmem:s8], [sflag:$0x1] =	stream.indirect.gather [spmem:s2], $0x80, s15, s7, $0xb8;
	[tilespmem:$0x1D000] =	vst v63  }
0xbd: {  	_ =	swait.ge [sflag:s11], $0x4000  }
0xbe: {  	[sflag:s11] =	ssyncset.done $0x0  }
0xbf: {  	s29 =	sadd.s32 $0x6800, s1;
	[sflag:s11] =	ssyncadd.s32 $0xFFFFC000  }
0xc0: {  	[hbm4b:s29+s3] =	stream.linear.scatter [tilespmem:s9], [sflag:$0x3], $0x4000, $0x38;
	[tilespmem:$0x1D000] =	vst v63  }
0xc1: {  	_ =	swait.ge [sflag:s6], $0x4000  }
0xc2: {  	[sflag:s6] =	ssyncset.done $0x0  }
0xc3: {  	[sflag:s6] =	ssyncadd.s32 $0xFFFFC000  }
0xc4: {  	[tilespmem:s9], [sflag:$0x2] =	stream.indirect.gather [spmem:s2], $0x80, s21, s7, $0xb8;
	[tilespmem:$0x1D000] =	vst v63  }
0xc5: {  	_ =	swait.ge [sflag:s10], $0x4000  }
0xc6: {  	[sflag:s10] =	ssyncset.done $0x0  }
0xc7: {  	s30 =	sadd.s32 $0x7000, s1;
	[sflag:s10] =	ssyncadd.s32 $0xFFFFC000  }
0xc8: {  	[hbm4b:s30+s3] =	stream.linear.scatter [tilespmem:s8], [sflag:$0x3], $0x4000, $0x38;
	[tilespmem:$0x1D000] =	vst v63  }
0xc9: {  	_ =	swait.ge [sflag:s6], $0x4000  }
0xca: {  	[sflag:s6] =	ssyncset.done $0x0  }
0xcb: {  	[sflag:s6] =	ssyncadd.s32 $0xFFFFC000  }
0xcc: {  	[tilespmem:s8], [sflag:$0x1] =	stream.indirect.gather [spmem:s2], $0x80, s21, s7, $0xb8;
	[tilespmem:$0x1D000] =	vst v63  }
0xcd: {  	_ =	swait.ge [sflag:s11], $0x4000  }
0xce: {  	[sflag:s11] =	ssyncset.done $0x0  }
0xcf: {  	s31 =	sadd.s32 $0x7800, s1;
	[sflag:s11] =	ssyncadd.s32 $0xFFFFC000  }
0xd0: {  	[hbm4b:s31+s3] =	stream.linear.scatter [tilespmem:s9], [sflag:$0x3], $0x4000, $0x38;
	[tilespmem:$0x1D000] =	vst v63  }
0xd1: {  	_ =	swait.ge [sflag:s6], $0x4000  }
0xd2: {  	[sflag:s6] =	ssyncset.done $0x0  }
0xd3: {  	[sflag:s6] =	ssyncadd.s32 $0xFFFFC000  }
0xd4: {  	_ =	swait.ge [sflag:s10], $0x4000  }
0xd5: {  	s1 =	simm.s32 $0x8000;
	[sflag:s10] =	ssyncset.done $0x0  }
.LBB2_2:
0xd6: {  	[sflag:s10] =	ssyncadd.s32 $0xFFFFC000;
	s28 =	sadd.s32 $0x100, s28  }
0xd7: {  	[tilespmem:s3], [sflag:$0x3] =	stream.linear.gather [hbm4b:s28+s3], $0x800, $0x38;
	[tilespmem:$0x1D000] =	vst v63  }
0xd8: {  	_ =	swait.ge [sflag:s6], $0x800  }
0xd9: {  	[sflag:s6] =	ssyncset.done $0x0  }
0xda: {  	[sflag:s6] =	ssyncadd.s32 $0xFFFFF800  }
0xdb: {  	[tilespmem:s8], [sflag:$0x1] =	stream.indirect.gather [spmem:s2], $0x80, s3, s7, $0xb8;
	[tilespmem:$0x1D000] =	vst v63  }
0xdc: {  	_ = 	snop  }
0xdd: {  	[tilespmem:s9], [sflag:$0x2] =	stream.indirect.gather [spmem:s2], $0x80, s7, s7, $0xb8;
	[tilespmem:$0x1D000] =	vst v63  }
0xde: {  	_ =	swait.ge [sflag:s10], $0x4000  }
0xdf: {  	s0 =	smov.u32 s1;
	[sflag:s10] =	ssyncset.done $0x0  }
0xe0: {  	s20 =	sadd.s32 s0, s16;
	[sflag:s10] =	ssyncadd.s32 $0xFFFFC000  }
0xe1: {  	[hbm4b:s20+s3] =	stream.linear.scatter [tilespmem:s8], [sflag:$0x3], $0x4000, $0x38;
	[tilespmem:$0x1D000] =	vst v63  }
0xe2: {  	_ =	swait.ge [sflag:s6], $0x4000  }
0xe3: {  	[sflag:s6] =	ssyncset.done $0x0  }
0xe4: {  	s4 =	rddreg [dreg:$0x4];
	[sflag:s6] =	ssyncadd.s32 $0xFFFFC000  }
0xe5: {  	[tilespmem:s8], [sflag:$0x1] =	stream.indirect.gather [spmem:s2], $0x80, s4, s7, $0xb8;
	[tilespmem:$0x1D000] =	vst v63  }
0xe6: {  	_ =	swait.ge [sflag:s11], $0x4000  }
0xe7: {  	[sflag:s11] =	ssyncset.done $0x0  }
0xe8: {  	s23 =	sadd.s32 $0x800, s20;
	[sflag:s11] =	ssyncadd.s32 $0xFFFFC000  }
0xe9: {  	[hbm4b:s23+s3] =	stream.linear.scatter [tilespmem:s9], [sflag:$0x3], $0x4000, $0x38;
	[tilespmem:$0x1D000] =	vst v63  }
0xea: {  	_ =	swait.ge [sflag:s6], $0x4000  }
0xeb: {  	[sflag:s6] =	ssyncset.done $0x0  }
0xec: {  	s26 =	rddreg [dreg:$0x5];
	[sflag:s6] =	ssyncadd.s32 $0xFFFFC000  }
0xed: {  	[tilespmem:s9], [sflag:$0x2] =	stream.indirect.gather [spmem:s2], $0x80, s26, s7, $0xb8;
	[tilespmem:$0x1D000] =	vst v63  }
0xee: {  	_ =	swait.ge [sflag:s10], $0x4000  }
0xef: {  	[sflag:s10] =	ssyncset.done $0x0  }
0xf0: {  	s29 =	sadd.s32 $0x1000, s20;
	[sflag:s10] =	ssyncadd.s32 $0xFFFFC000  }
0xf1: {  	[hbm4b:s29+s3] =	stream.linear.scatter [tilespmem:s8], [sflag:$0x3], $0x4000, $0x38;
	[tilespmem:$0x1D000] =	vst v63  }
0xf2: {  	_ =	swait.ge [sflag:s6], $0x4000  }
0xf3: {  	[sflag:s6] =	ssyncset.done $0x0  }
0xf4: {  	s30 =	rddreg [dreg:$0x6];
	[sflag:s6] =	ssyncadd.s32 $0xFFFFC000  }
0xf5: {  	[tilespmem:s8], [sflag:$0x1] =	stream.indirect.gather [spmem:s2], $0x80, s30, s7, $0xb8;
	[tilespmem:$0x1D000] =	vst v63  }
0xf6: {  	_ =	swait.ge [sflag:s11], $0x4000  }
0xf7: {  	[sflag:s11] =	ssyncset.done $0x0  }
0xf8: {  	s31 =	sadd.s32 $0x1800, s20;
	[sflag:s11] =	ssyncadd.s32 $0xFFFFC000  }
0xf9: {  	[hbm4b:s31+s3] =	stream.linear.scatter [tilespmem:s9], [sflag:$0x3], $0x4000, $0x38;
	[tilespmem:$0x1D000] =	vst v63  }
0xfa: {  	_ =	swait.ge [sflag:s6], $0x4000  }
0xfb: {  	[sflag:s6] =	ssyncset.done $0x0  }
0xfc: {  	s4 =	rddreg [dreg:$0x7];
	[sflag:s6] =	ssyncadd.s32 $0xFFFFC000  }
0xfd: {  	[tilespmem:s9], [sflag:$0x2] =	stream.indirect.gather [spmem:s2], $0x80, s4, s7, $0xb8;
	[tilespmem:$0x1D000] =	vst v63  }
0xfe: {  	_ =	swait.ge [sflag:s10], $0x4000  }
0xff: {  	[sflag:s10] =	ssyncset.done $0x0  }
0x100: {  	s23 =	sadd.s32 $0x2000, s20;
	[sflag:s10] =	ssyncadd.s32 $0xFFFFC000  }
0x101: {  	[hbm4b:s23+s3] =	stream.linear.scatter [tilespmem:s8], [sflag:$0x3], $0x4000, $0x38;
	[tilespmem:$0x1D000] =	vst v63  }
0x102: {  	_ =	swait.ge [sflag:s6], $0x4000  }
0x103: {  	[sflag:s6] =	ssyncset.done $0x0  }
0x104: {  	s26 =	rddreg [dreg:$0x8];
	[sflag:s6] =	ssyncadd.s32 $0xFFFFC000  }
0x105: {  	[tilespmem:s8], [sflag:$0x1] =	stream.indirect.gather [spmem:s2], $0x80, s26, s7, $0xb8;
	[tilespmem:$0x1D000] =	vst v63  }
0x106: {  	_ =	swait.ge [sflag:s11], $0x4000  }
0x107: {  	[sflag:s11] =	ssyncset.done $0x0  }
0x108: {  	s29 =	sadd.s32 $0x2800, s20;
	[sflag:s11] =	ssyncadd.s32 $0xFFFFC000  }
0x109: {  	[hbm4b:s29+s3] =	stream.linear.scatter [tilespmem:s9], [sflag:$0x3], $0x4000, $0x38;
	[tilespmem:$0x1D000] =	vst v63  }
0x10a: {  	_ =	swait.ge [sflag:s6], $0x4000  }
0x10b: {  	[sflag:s6] =	ssyncset.done $0x0  }
0x10c: {  	s30 =	rddreg [dreg:$0x9];
	[sflag:s6] =	ssyncadd.s32 $0xFFFFC000  }
0x10d: {  	[tilespmem:s9], [sflag:$0x2] =	stream.indirect.gather [spmem:s2], $0x80, s30, s7, $0xb8;
	[tilespmem:$0x1D000] =	vst v63  }
0x10e: {  	_ =	swait.ge [sflag:s10], $0x4000  }
0x10f: {  	[sflag:s10] =	ssyncset.done $0x0  }
0x110: {  	s31 =	sadd.s32 $0x3000, s20;
	[sflag:s10] =	ssyncadd.s32 $0xFFFFC000  }
0x111: {  	[hbm4b:s31+s3] =	stream.linear.scatter [tilespmem:s8], [sflag:$0x3], $0x4000, $0x38;
	[tilespmem:$0x1D000] =	vst v63  }
0x112: {  	_ =	swait.ge [sflag:s6], $0x4000  }
0x113: {  	[sflag:s6] =	ssyncset.done $0x0  }
0x114: {  	s4 =	rddreg [dreg:$0xa];
	[sflag:s6] =	ssyncadd.s32 $0xFFFFC000  }
0x115: {  	[tilespmem:s8], [sflag:$0x1] =	stream.indirect.gather [spmem:s2], $0x80, s4, s7, $0xb8;
	[tilespmem:$0x1D000] =	vst v63  }
0x116: {  	_ =	swait.ge [sflag:s11], $0x4000  }
0x117: {  	[sflag:s11] =	ssyncset.done $0x0  }
0x118: {  	s23 =	sadd.s32 $0x3800, s20;
	[sflag:s11] =	ssyncadd.s32 $0xFFFFC000  }
0x119: {  	[hbm4b:s23+s3] =	stream.linear.scatter [tilespmem:s9], [sflag:$0x3], $0x4000, $0x38;
	[tilespmem:$0x1D000] =	vst v63  }
0x11a: {  	_ =	swait.ge [sflag:s6], $0x4000  }
0x11b: {  	[sflag:s6] =	ssyncset.done $0x0  }
0x11c: {  	s26 =	rddreg [dreg:$0xb];
	[sflag:s6] =	ssyncadd.s32 $0xFFFFC000  }
0x11d: {  	[tilespmem:s9], [sflag:$0x2] =	stream.indirect.gather [spmem:s2], $0x80, s26, s7, $0xb8;
	[tilespmem:$0x1D000] =	vst v63  }
0x11e: {  	_ =	swait.ge [sflag:s10], $0x4000  }
0x11f: {  	[sflag:s10] =	ssyncset.done $0x0  }
0x120: {  	s29 =	sadd.s32 $0x4000, s20;
	[sflag:s10] =	ssyncadd.s32 $0xFFFFC000  }
0x121: {  	[hbm4b:s29+s3] =	stream.linear.scatter [tilespmem:s8], [sflag:$0x3], $0x4000, $0x38;
	[tilespmem:$0x1D000] =	vst v63  }
0x122: {  	_ =	swait.ge [sflag:s6], $0x4000  }
0x123: {  	[sflag:s6] =	ssyncset.done $0x0  }
0x124: {  	s30 =	rddreg [dreg:$0xc];
	[sflag:s6] =	ssyncadd.s32 $0xFFFFC000  }
0x125: {  	[tilespmem:s8], [sflag:$0x1] =	stream.indirect.gather [spmem:s2], $0x80, s30, s7, $0xb8;
	[tilespmem:$0x1D000] =	vst v63  }
0x126: {  	_ =	swait.ge [sflag:s11], $0x4000  }
0x127: {  	[sflag:s11] =	ssyncset.done $0x0  }
0x128: {  	s31 =	sadd.s32 $0x4800, s20;
	[sflag:s11] =	ssyncadd.s32 $0xFFFFC000  }
0x129: {  	[hbm4b:s31+s3] =	stream.linear.scatter [tilespmem:s9], [sflag:$0x3], $0x4000, $0x38;
	[tilespmem:$0x1D000] =	vst v63  }
0x12a: {  	_ =	swait.ge [sflag:s6], $0x4000  }
0x12b: {  	[sflag:s6] =	ssyncset.done $0x0  }
0x12c: {  	[sflag:s6] =	ssyncadd.s32 $0xFFFFC000  }
0x12d: {  	[tilespmem:s9], [sflag:$0x2] =	stream.indirect.gather [spmem:s2], $0x80, s12, s7, $0xb8;
	[tilespmem:$0x1D000] =	vst v63  }
0x12e: {  	_ =	swait.ge [sflag:s10], $0x4000  }
0x12f: {  	[sflag:s10] =	ssyncset.done $0x0  }
0x130: {  	s4 =	sadd.s32 $0x5000, s20;
	[sflag:s10] =	ssyncadd.s32 $0xFFFFC000  }
0x131: {  	[hbm4b:s4+s3] =	stream.linear.scatter [tilespmem:s8], [sflag:$0x3], $0x4000, $0x38;
	[tilespmem:$0x1D000] =	vst v63  }
0x132: {  	_ =	swait.ge [sflag:s6], $0x4000  }
0x133: {  	[sflag:s6] =	ssyncset.done $0x0  }
0x134: {  	[sflag:s6] =	ssyncadd.s32 $0xFFFFC000  }
0x135: {  	[tilespmem:s8], [sflag:$0x1] =	stream.indirect.gather [spmem:s2], $0x80, s13, s7, $0xb8;
	[tilespmem:$0x1D000] =	vst v63  }
0x136: {  	_ =	swait.ge [sflag:s11], $0x4000  }
0x137: {  	[sflag:s11] =	ssyncset.done $0x0  }
0x138: {  	s23 =	sadd.s32 $0x5800, s20;
	[sflag:s11] =	ssyncadd.s32 $0xFFFFC000  }
0x139: {  	[hbm4b:s23+s3] =	stream.linear.scatter [tilespmem:s9], [sflag:$0x3], $0x4000, $0x38;
	[tilespmem:$0x1D000] =	vst v63  }
0x13a: {  	_ =	swait.ge [sflag:s6], $0x4000  }
0x13b: {  	[sflag:s6] =	ssyncset.done $0x0  }
0x13c: {  	[sflag:s6] =	ssyncadd.s32 $0xFFFFC000  }
0x13d: {  	[tilespmem:s9], [sflag:$0x2] =	stream.indirect.gather [spmem:s2], $0x80, s14, s7, $0xb8;
	[tilespmem:$0x1D000] =	vst v63  }
0x13e: {  	_ =	swait.ge [sflag:s10], $0x4000  }
0x13f: {  	[sflag:s10] =	ssyncset.done $0x0  }
0x140: {  	s26 =	sadd.s32 $0x6000, s20;
	[sflag:s10] =	ssyncadd.s32 $0xFFFFC000  }
0x141: {  	[hbm4b:s26+s3] =	stream.linear.scatter [tilespmem:s8], [sflag:$0x3], $0x4000, $0x38;
	[tilespmem:$0x1D000] =	vst v63  }
0x142: {  	_ =	swait.ge [sflag:s6], $0x4000  }
0x143: {  	[sflag:s6] =	ssyncset.done $0x0  }
0x144: {  	[sflag:s6] =	ssyncadd.s32 $0xFFFFC000  }
0x145: {  	[tilespmem:s8], [sflag:$0x1] =	stream.indirect.gather [spmem:s2], $0x80, s15, s7, $0xb8;
	[tilespmem:$0x1D000] =	vst v63  }
0x146: {  	_ =	swait.ge [sflag:s11], $0x4000  }
0x147: {  	[sflag:s11] =	ssyncset.done $0x0  }
0x148: {  	s29 =	sadd.s32 $0x6800, s20;
	[sflag:s11] =	ssyncadd.s32 $0xFFFFC000  }
0x149: {  	[hbm4b:s29+s3] =	stream.linear.scatter [tilespmem:s9], [sflag:$0x3], $0x4000, $0x38;
	[tilespmem:$0x1D000] =	vst v63  }
0x14a: {  	_ =	swait.ge [sflag:s6], $0x4000  }
0x14b: {  	[sflag:s6] =	ssyncset.done $0x0  }
0x14c: {  	[sflag:s6] =	ssyncadd.s32 $0xFFFFC000  }
0x14d: {  	[tilespmem:s9], [sflag:$0x2] =	stream.indirect.gather [spmem:s2], $0x80, s21, s7, $0xb8;
	[tilespmem:$0x1D000] =	vst v63  }
0x14e: {  	_ =	swait.ge [sflag:s10], $0x4000  }
0x14f: {  	[sflag:s10] =	ssyncset.done $0x0  }
0x150: {  	s30 =	sadd.s32 $0x7000, s20;
	[sflag:s10] =	ssyncadd.s32 $0xFFFFC000  }
0x151: {  	[hbm4b:s30+s3] =	stream.linear.scatter [tilespmem:s8], [sflag:$0x3], $0x4000, $0x38;
	[tilespmem:$0x1D000] =	vst v63  }
0x152: {  	_ =	swait.ge [sflag:s6], $0x4000  }
0x153: {  	[sflag:s6] =	ssyncset.done $0x0  }
0x154: {  	[sflag:s6] =	ssyncadd.s32 $0xFFFFC000  }
0x155: {  	[tilespmem:s8], [sflag:$0x1] =	stream.indirect.gather [spmem:s2], $0x80, s21, s7, $0xb8;
	[tilespmem:$0x1D000] =	vst v63  }
0x156: {  	_ =	swait.ge [sflag:s11], $0x4000  }
0x157: {  	[sflag:s11] =	ssyncset.done $0x0  }
0x158: {  	p0 =	sne.s32 s1, $0x20000;
	s31 =	sadd.s32 $0x7800, s20;
	[sflag:s11] =	ssyncadd.s32 $0xFFFFC000  }
0x159: {  	[hbm4b:s31+s3] =	stream.linear.scatter [tilespmem:s9], [sflag:$0x3], $0x4000, $0x38;
	[tilespmem:$0x1D000] =	vst v63  }
.Ltmp0:
0x15a: {  	_ =	swait.ge [sflag:s6], $0x4000;
	(pc) =	sbr.rel @p0 .LBB2_2-.Ltmp0, $4  }
0x15b: {  	[sflag:s6] =	ssyncset.done $0x0  }
0x15c: {  	[sflag:s6] =	ssyncadd.s32 $0xFFFFC000  }
0x15d: {  	_ =	swait.ge [sflag:s10], $0x4000  }
0x15e: {  	s1 =	sadd.s32 $0x8000, s1;
	[sflag:s10] =	ssyncset.done $0x0  }
0x15f: {  	[sflag:s10] =	ssyncadd.s32 $0xFFFFC000  }
0x160: {  	[bflag:$0x0] =	sbarrier.arrive $0xFFFF  }
0x161: {  	s1 =	simm.s32 $0x0;
	s0 =	rddreg [dreg:$0x1]  }
0x162: {  	[tilespmem:s8], [sflag:$0x3] =	stream.linear.gather [hbm4b:s0+s1], $0x4000, $0x38;
	[tilespmem:$0x1D000] =	vst v63  }
0x163: {  	_ =	swait.ge [sflag:s6], $0x4000  }
0x164: {  	[sflag:s6] =	ssyncset.done $0x0  }
0x165: {  	[sflag:s6] =	ssyncadd.s32 $0xFFFFC000  }
0x166: {  	[spmem:s22] =	stream.linear.scatter [tilespmem:s8], [sflag:$0x3], $0x4000, $0x38;
	[tilespmem:$0x1D000] =	vst v63  }
0x167: {  	_ =	swait.ge [sflag:s6], $0x4000  }
0x168: {  	s23 =	sld [smem:$0x7F9]  }
0x169: {  	[sflag:s6] =	ssyncset.done $0x0  }
0x16a: {  	[sflag:s6] =	ssyncadd.s32 $0xFFFFC000  }
0x16b: {  	[spmem:s23] =	stream.linear.scatter [tilespmem:s8], [sflag:$0x3], $0x4000, $0x38;
	[tilespmem:$0x1D000] =	vst v63  }
0x16c: {  	_ =	swait.ge [sflag:s6], $0x4000  }
0x16d: {  	s26 =	sld [smem:$0x7FA]  }
0x16e: {  	[sflag:s6] =	ssyncset.done $0x0  }
0x16f: {  	[sflag:s6] =	ssyncadd.s32 $0xFFFFC000  }
0x170: {  	[spmem:s26] =	stream.linear.scatter [tilespmem:s8], [sflag:$0x3], $0x4000, $0x38;
	[tilespmem:$0x1D000] =	vst v63  }
0x171: {  	_ =	swait.ge [sflag:s6], $0x4000  }
0x172: {  	s29 =	sld [smem:$0x7FB]  }
0x173: {  	[sflag:s6] =	ssyncset.done $0x0  }
0x174: {  	[sflag:s6] =	ssyncadd.s32 $0xFFFFC000  }
0x175: {  	[spmem:s29] =	stream.linear.scatter [tilespmem:s8], [sflag:$0x3], $0x4000, $0x38;
	[tilespmem:$0x1D000] =	vst v63  }
0x176: {  	_ =	swait.ge [sflag:s6], $0x4000  }
0x177: {  	s31 =	sld [smem:$0x7FC]  }
0x178: {  	[sflag:s6] =	ssyncset.done $0x0  }
0x179: {  	[sflag:s6] =	ssyncadd.s32 $0xFFFFC000  }
0x17a: {  	[spmem:s31] =	stream.linear.scatter [tilespmem:s8], [sflag:$0x3], $0x4000, $0x38;
	[tilespmem:$0x1D000] =	vst v63  }
0x17b: {  	_ =	swait.ge [sflag:s6], $0x4000  }
0x17c: {  	[sflag:s6] =	ssyncset.done $0x0  }
0x17d: {  	[sflag:s6] =	ssyncadd.s32 $0xFFFFC000  }
0x17e: {  	[bflag:$0x0] =	sbarrier.arrive $0xFFFF  }
0x17f: {  	s28 =	sld [smem:$0x7FD];
	_ =	sdelay $0x1  }
0x180: {  	s30 =	simm.s32 $0x0;
	s20 =	rddreg [dreg:$0x1f]  }
.LBB2_4:
0x181: {  	s0 =	sshll.u32 s30, $0x4  }
0x182: {  	s0 =	sadd.s32 s17, s0  }
0x183: {  	s4 =	sshll.u32 s0, $0x4  }
0x184: {  	s22 =	simm.s32 $0x800;
	s4 =	sadd.s32 s18, s4  }
0x185: {  	[tilespmem:s22], [sflag:$0x3] =	stream.linear.gather [hbm4b:s4+s1], $0x800, $0x38;
	[tilespmem:$0x1D000] =	vst v63  }
0x186: {  	_ =	swait.ge [sflag:s6], $0x800  }
0x187: {  	s31 =	sshll.u32 s0, $0xB;
	[sflag:s6] =	ssyncset.done $0x0  }
0x188: {  	s0 =	sadd.s32 s5, s31;
	[sflag:s6] =	ssyncadd.s32 $0xFFFFF800  }
0x189: {  	[tilespmem:s8], [sflag:$0x1] =	stream.linear.gather [hbm4b:s0+s1], $0x4000, $0x38;
	[tilespmem:$0x1D000] =	vst v63  }
0x18a: {  	s4 =	sadd.s32 $0x0, s28  }
0x18b: {  	[tilespmem:s9], [sflag:$0x2] =	stream.linear.gather [hbm4b:s4+s3], $0x4000, $0x38;
	[tilespmem:$0x1D000] =	vst v63  }
0x18c: {  	_ =	swait.ge [sflag:s10], $0x4000  }
0x18d: {  	[sflag:s10] =	ssyncset.done $0x0  }
0x18e: {  	s22 =	simm.s32 $0x800;
	[sflag:s10] =	ssyncadd.s32 $0xFFFFC000  }
0x18f: {  	[spmem:s2] =	stream.indirect.scatter.add.f32 [tilespmem:s8], [sflag:$0x3], $0x80, s22, s7, $0xb8;
	[tilespmem:$0x1D000] =	vst v63  }
0x190: {  	_ =	swait.ge [sflag:s6], $0x4000  }
0x191: {  	[sflag:s6] =	ssyncset.done $0x0  }
0x192: {  	s23 =	sadd.s32 $0x0, s20;
	[sflag:s6] =	ssyncadd.s32 $0xFFFFC000  }
0x193: {  	[tilespmem:s8], [sflag:$0x1] =	stream.linear.gather [hbm4b:s23+s3], $0x4000, $0x38;
	[tilespmem:$0x1D000] =	vst v63  }
0x194: {  	_ =	swait.ge [sflag:s11], $0x4000  }
0x195: {  	[sflag:s11] =	ssyncset.done $0x0  }
0x196: {  	s26 =	simm.s32 $0x880;
	[sflag:s11] =	ssyncadd.s32 $0xFFFFC000  }
0x197: {  	[spmem:s2] =	stream.indirect.scatter.add.f32 [tilespmem:s9], [sflag:$0x3], $0x80, s26, s7, $0xb8;
	[tilespmem:$0x1D000] =	vst v63  }
0x198: {  	s29 =	simm.s32 $0x2000;
	_ =	swait.ge [sflag:s6], $0x4000  }
0x199: {  	s0 =	simm.s32 $0x980;
	s4 =	simm.s32 $0x1000;
	[sflag:s6] =	ssyncset.done $0x0  }
.LBB2_5:
0x19a: {  	s26 =	sadd.s32 s4, s28  }
0x19b: {  	[sflag:s6] =	ssyncadd.s32 $0xFFFFC000;
	s22 =	smov.u32 s29;
	s23 =	sadd.s32 $0x1000, s29  }
0x19c: {  	[tilespmem:s9], [sflag:$0x2] =	stream.linear.gather [hbm4b:s26+s3], $0x4000, $0x38;
	[tilespmem:$0x1D000] =	vst v63  }
0x19d: {  	p0 =	sne.s32 s29, $0x6000;
	_ =	swait.ge [sflag:s10], $0x4000  }
0x19e: {  	[sflag:s10] =	ssyncset.done $0x0  }
0x19f: {  	s26 =	sadd.s32 $0xFFFFFF80, s0;
	[sflag:s10] =	ssyncadd.s32 $0xFFFFC000  }
0x1a0: {  	[spmem:s2] =	stream.indirect.scatter.add.f32 [tilespmem:s8], [sflag:$0x3], $0x80, s26, s7, $0xb8;
	[tilespmem:$0x1D000] =	vst v63  }
0x1a1: {  	_ =	swait.ge [sflag:s6], $0x4000  }
0x1a2: {  	[sflag:s6] =	ssyncset.done $0x0  }
0x1a3: {  	s26 =	sadd.s32 s4, s20;
	s4 =	smov.u32 s22;
	[sflag:s6] =	ssyncadd.s32 $0xFFFFC000  }
0x1a4: {  	[tilespmem:s8], [sflag:$0x1] =	stream.linear.gather [hbm4b:s26+s3], $0x4000, $0x38;
	[tilespmem:$0x1D000] =	vst v63  }
0x1a5: {  	_ =	swait.ge [sflag:s11], $0x4000  }
.Ltmp1:
0x1a6: {  	[sflag:s11] =	ssyncset.done $0x0;
	(pc) =	sbr.rel @p0 .LBB2_5-.Ltmp1, $4  }
0x1a7: {  	[sflag:s11] =	ssyncadd.s32 $0xFFFFC000  }
0x1a8: {  	[spmem:s2] =	stream.indirect.scatter.add.f32 [tilespmem:s9], [sflag:$0x3], $0x80, s0, s7, $0xb8;
	[tilespmem:$0x1D000] =	vst v63  }
0x1a9: {  	_ =	swait.ge [sflag:s6], $0x4000  }
0x1aa: {  	s29 =	smov.u32 s23;
	s0 =	sadd.s32 $0x100, s0;
	[sflag:s6] =	ssyncset.done $0x0  }
0x1ab: {  	s22 =	sadd.s32 s4, s28;
	[sflag:s6] =	ssyncadd.s32 $0xFFFFC000  }
0x1ac: {  	[tilespmem:s9], [sflag:$0x2] =	stream.linear.gather [hbm4b:s22+s3], $0x4000, $0x38;
	[tilespmem:$0x1D000] =	vst v63  }
0x1ad: {  	_ =	swait.ge [sflag:s10], $0x4000  }
0x1ae: {  	[sflag:s10] =	ssyncset.done $0x0  }
0x1af: {  	s23 =	sadd.s32 $0xFFFFFF80, s0;
	[sflag:s10] =	ssyncadd.s32 $0xFFFFC000  }
0x1b0: {  	[spmem:s2] =	stream.indirect.scatter.add.f32 [tilespmem:s8], [sflag:$0x3], $0x80, s23, s7, $0xb8;
	[tilespmem:$0x1D000] =	vst v63  }
0x1b1: {  	_ =	swait.ge [sflag:s6], $0x4000  }
0x1b2: {  	[sflag:s6] =	ssyncset.done $0x0  }
0x1b3: {  	s26 =	sadd.s32 s4, s20;
	[sflag:s6] =	ssyncadd.s32 $0xFFFFC000  }
0x1b4: {  	[tilespmem:s8], [sflag:$0x1] =	stream.linear.gather [hbm4b:s26+s3], $0x4000, $0x38;
	[tilespmem:$0x1D000] =	vst v63  }
0x1b5: {  	_ =	swait.ge [sflag:s11], $0x4000  }
0x1b6: {  	[sflag:s11] =	ssyncset.done $0x0  }
0x1b7: {  	[sflag:s11] =	ssyncadd.s32 $0xFFFFC000  }
0x1b8: {  	[spmem:s2] =	stream.indirect.scatter.add.f32 [tilespmem:s9], [sflag:$0x3], $0x80, s0, s7, $0xb8;
	[tilespmem:$0x1D000] =	vst v63  }
0x1b9: {  	_ =	swait.ge [sflag:s6], $0x4000  }
0x1ba: {  	s29 =	sadd.s32 s31, s19;
	[sflag:s6] =	ssyncset.done $0x0  }
0x1bb: {  	s0 =	sadd.s32 $0x7000, s29;
	[sflag:s6] =	ssyncadd.s32 $0xFFFFC000  }
0x1bc: {  	[tilespmem:s9], [sflag:$0x2] =	stream.linear.gather [hbm4b:s0+s3], $0x4000, $0x38;
	[tilespmem:$0x1D000] =	vst v63  }
0x1bd: {  	_ =	swait.ge [sflag:s10], $0x4000  }
0x1be: {  	[sflag:s10] =	ssyncset.done $0x0  }
0x1bf: {  	[sflag:s10] =	ssyncadd.s32 $0xFFFFC000  }
0x1c0: {  	[spmem:s2] =	stream.indirect.scatter.add.f32 [tilespmem:s8], [sflag:$0x3], $0x80, s24, s7, $0xb8;
	[tilespmem:$0x1D000] =	vst v63  }
0x1c1: {  	s31 =	sand.u32 $0x1FFF8000, s31;
	_ =	swait.ge [sflag:s6], $0x4000  }
0x1c2: {  	s0 =	sadd.s32 s31, s5;
	[sflag:s6] =	ssyncset.done $0x0  }
0x1c3: {  	s0 =	sadd.s32 $0x7800, s0;
	[sflag:s6] =	ssyncadd.s32 $0xFFFFC000  }
0x1c4: {  	[tilespmem:s8], [sflag:$0x1] =	stream.linear.gather [hbm4b:s0+s3], $0x4000, $0x38;
	[tilespmem:$0x1D000] =	vst v63  }
0x1c5: {  	_ =	swait.ge [sflag:s11], $0x4000  }
0x1c6: {  	[sflag:s11] =	ssyncset.done $0x0  }
0x1c7: {  	s30 =	sadd.s32 $0x1, s30;
	[sflag:s11] =	ssyncadd.s32 $0xFFFFC000  }
0x1c8: {  	[spmem:s2] =	stream.indirect.scatter.add.f32 [tilespmem:s9], [sflag:$0x3], $0x80, s25, s7, $0xb8;
	[tilespmem:$0x1D000] =	vst v63  }
0x1c9: {  	p0 =	sne.s32 s30, $0x5;
	_ =	swait.ge [sflag:s6], $0x4000  }
.Ltmp2:
0x1ca: {  	[sflag:s6] =	ssyncset.done $0x0;
	(pc) =	sbr.rel @p0 .LBB2_4-.Ltmp2, $4  }
0x1cb: {  	[sflag:s6] =	ssyncadd.s32 $0xFFFFC000  }
0x1cc: {  	_ =	swait.ge [sflag:s10], $0x4000  }
0x1cd: {  	[sflag:s10] =	ssyncset.done $0x0  }
0x1ce: {  	s28 =	sadd.s32 $0x8000, s28;
	s20 =	sadd.s32 $0x8000, s20;
	[sflag:s10] =	ssyncadd.s32 $0xFFFFC000  }
0x1cf: {  	[bflag:$0x0] =	sbarrier.arrive $0xFFFF  }
0x1d0: {  	s4 =	sld [smem:$0x7F4]  }
0x1d1: {  	s0 =	rddreg [dreg:$0xd]  }
0x1d2: {  	s1 =	rddreg [dreg:$0x19]  }
0x1d3: {  	[hbm:s0], [sflag:s1] =	dma.local [spmem:s4], $0x800  }
0x1d4: {  	_ =	swait.ge [sflag:s6], $0x800  }
0x1d5: {  	s31 =	sld [smem:$0x7F5]  }
0x1d6: {  	[sflag:s6] =	ssyncset.done $0x0  }
0x1d7: {  	s30 =	rddreg [dreg:$0x13];
	[sflag:s6] =	ssyncadd.s32 $0xFFFFF800  }
0x1d8: {  	[hbm:s30], [sflag:s1] =	dma.local [spmem:s31], $0x800  }
0x1d9: {  	_ =	swait.ge [sflag:s6], $0x800  }
0x1da: {  	s22 =	sld [smem:$0x7F6]  }
0x1db: {  	[sflag:s6] =	ssyncset.done $0x0  }
0x1dc: {  	s20 =	rddreg [dreg:$0x14];
	[sflag:s6] =	ssyncadd.s32 $0xFFFFF800  }
0x1dd: {  	[hbm:s20], [sflag:s1] =	dma.local [spmem:s22], $0x800  }
0x1de: {  	_ =	swait.ge [sflag:s6], $0x800  }
0x1df: {  	s26 =	sld [smem:$0x7F7]  }
0x1e0: {  	[sflag:s6] =	ssyncset.done $0x0  }
0x1e1: {  	s23 =	rddreg [dreg:$0x15];
	[sflag:s6] =	ssyncadd.s32 $0xFFFFF800  }
0x1e2: {  	[hbm:s23], [sflag:s1] =	dma.local [spmem:s26], $0x800  }
0x1e3: {  	_ =	swait.ge [sflag:s6], $0x800  }
0x1e4: {  	s29 =	sld [smem:$0x7F8]  }
0x1e5: {  	[sflag:s6] =	ssyncset.done $0x0  }
0x1e6: {  	s28 =	rddreg [dreg:$0x16];
	[sflag:s6] =	ssyncadd.s32 $0xFFFFF800  }
0x1e7: {  	[hbm:s28], [sflag:s1] =	dma.local [spmem:s29], $0x800  }
0x1e8: {  	_ =	swait.ge [sflag:s6], $0x800  }
0x1e9: {  	s30 =	sld [smem:$0x7F3];
	_ =	sdelay $0x2  }
0x1ea: {  	s31 =	rddreg [dreg:$0x18];
	s4 =	sadd.s32 $0x1, s30  }
0x1eb: {  	p0 =	sne.s32 s4, s31  }
.Ltmp3:
0x1ec: {  	_ = 	snop;
	(pc) =	sbr.rel @p0 .LBB2_1-.Ltmp3, $3  }
0x1ed: {  	_ =	sdelay $0x1  }
0x1ee: {  	[sflag:s6] =	ssyncset.done $0x0  }
0x1ef: {  	s22 =	rddreg [dreg:$0x17];
	[sflag:s6] =	ssyncadd.s32 $0xFFFFF800  }
0x1f0: {  	_ =	sfence.sel $0x180000  }
0x1f1: {  	[bflag:$0x0] =	sbarrier.arrive $0xFFFF  }
0x1f2: {  	_ =	strace $0x90000050  }
0x1f3: {  	s0 =	stileid.u32;
	[bflag:$0x2] =	sbarrier.arrive $0xFFFF  }
0x1f4: {  	p0 =	sne.s32 s0, $0x0;
	s0 =	rddreg [dreg:$0x3]  }
0x1f5: {  	s0 =	sadd.s32 @!p0 $0x100000, s0  }
0x1f6: {  	[sflag:s0] =	ssyncadd.tile.s32 @!p0 $0x1;
	_ =	shalt  }
.Lfunc_end2:
_tile_overlayer_lowered:
.L_overlay_start_2:
0x1f7: {  	(tag) =	ssettag $0x2  }
0x1f8: {  	s0 =	rddreg [dreg:$0x0];
	s2 =	stileid.u32  }
0x1f9: {  	s1 =	rddreg [dreg:$0x1];
	p0 =	sne.s32 s2, $0x0  }
0x1fa: {  	s3 =	rddreg [dreg:$0x2];
	[bflag:$0x3] =	sbarrier.arrive $0xFFFF;
	s2 =	simm.s32 @!p0 $0x1C03  }
0x1fb: {  	[timem:s3], [sflag:s2] =	dma.local @!p0 [hbm:s0], s1  }
0x1fc: {  	s0 =	simm.s32 @!p0 $0x3  }
0x1fd: {  	_ =	swait.ge @!p0 [sflag:s0], s1  }
0x1fe: {  	s1 =	ssub.s32 @!p0 $0x0, s1;
	[sflag:s0] =	ssyncset.done @!p0 $0x0  }
0x1ff: {  	[sflag:s0] =	ssyncadd.s32 @!p0 s1  }
0x200: {  	[bflag:$0x3] =	sbarrier.arrive $0xFFFF  }
0x201: {  	_ =	shalt  }

</sc_bundles>
